<compile_context>
chip_gen: v7x
topology: tpu7x:2x2x1
jax: 0.10.2.dev20260603
libtpu: 0.0.44.dev20260713+nightly
codegen_flags: <defaults>
</compile_context>

<pallas_src>
import functools

import jax
import jax.numpy as jnp
from jax import lax
from jax.experimental import pallas as pl
from jax.experimental.pallas import tpu as pltpu
from jax.experimental.pallas import tpu_sc as plsc

N = 1_000_000
N_DAYS = 2000
N_BUCKETS = 500
N_BASES = 6
Z_BAR = 0.5
BEND_KNOTS = (0.4, 0.5, 0.6, 0.7)

C = 2048
G = C // 16
R = C // 128
NUM_CHUNKS = -(-N // C)
NC = 2
NS = 16
NW = NC * NS

_mesh = plsc.VectorSubcoreMesh(core_axis_name="c", subcore_axis_name="s")


@functools.partial(
    pl.kernel,
    mesh=_mesh,
    compiler_params=pltpu.CompilerParams(
        use_tc_tiling_on_sc=False, needs_layout_passes=False),
    out_type=(
        jax.ShapeDtypeStruct((N,), jnp.float32),
        jax.ShapeDtypeStruct((NC * N, 8), jnp.float32),
    ),
    scratch_types=[
        pltpu.VMEM((2, C), jnp.int32),
        pltpu.VMEM((2, C), jnp.int32),
        pltpu.VMEM((2, C), jnp.float32),
        pltpu.VMEM((2, C), jnp.int32),
        pltpu.VMEM((2, N_BASES, C), jnp.float32),
        pltpu.VMEM((C, 8), jnp.float32),
        pltpu.VMEM((C, 8), jnp.float32),
        pltpu.VMEM((2, C), jnp.float32),
        pltpu.SemaphoreType.DMA,
        pltpu.SemaphoreType.DMA,
        pltpu.SemaphoreType.DMA,
        pltpu.SemaphoreType.DMA,
    ],
)
def _sc_basis_delta(mvoc_hbm, day_hbm, bucket_hbm,
                    w0_hbm, w1_hbm, w2_hbm, w3_hbm, w4_hbm, w5_hbm,
                    out_hbm, tbl_hbm,
                    day_v, bucket_v, mvoc_v, idx_v, pb_v, rows0_v, rows1_v,
                    out_v, sem_in, sem_g0, sem_g1, sem_out):
    w_hbms = (w0_hbm, w1_hbm, w2_hbm, w3_hbm, w4_hbm, w5_hbm)
    rows_refs = (rows0_v, rows1_v)
    cid = lax.axis_index("c")
    sid = lax.axis_index("s")
    wid = sid * NC + cid
    iota = lax.iota(jnp.int32, 16)
    row0 = cid * N

    my_nb = (NUM_CHUNKS - sid + NS - 1) // NS

    def bchunk_base(t):
        return pl.multiple_of(lax.min((sid + t * NS) * C, N - C), 64)

    def bin_copies(t, p):
        b = bchunk_base(t)
        return tuple(
            pltpu.make_async_copy(w_hbms[j].at[pl.ds(b, C)],
                                  pb_v.at[p, j], sem_in)
            for j in range(N_BASES)
        )

    def interleave(p, rows_ref):
        def grp(g, _):
            rid = iota + g * 16
            o = g * 16
            for j in range(N_BASES):
                plsc.store_scatter(rows_ref, [rid, jnp.full((16,), j, jnp.int32)],
                                   pb_v[p, j, pl.ds(o, 16)])
            return 0
        lax.fori_loop(0, G, grp, 0, unroll=4)

    for cp in bin_copies(0, 0):
        cp.start()

    def build_pair(h, _):
        t0 = h * 2

        def one(t, p):
            for cp in bin_copies(t, p):
                cp.wait()

            @pl.when(t + 1 < my_nb)
            def _():
                for cp in bin_copies(t + 1, 1 - p):
                    cp.start()

            @pl.when(t >= 2)
            def _():
                pltpu.make_async_copy(
                    rows_refs[p],
                    tbl_hbm.at[pl.ds(row0 + bchunk_base(t - 2), C)],
                    sem_out,
                ).wait()

            interleave(p, rows_refs[p])
            pltpu.make_async_copy(
                rows_refs[p],
                tbl_hbm.at[pl.ds(row0 + bchunk_base(t), C)],
                sem_out,
            ).start()

        @pl.when(t0 < my_nb)
        def _():
            one(t0, 0)

        @pl.when(t0 + 1 < my_nb)
        def _():
            one(t0 + 1, 1)

        return 0

    lax.fori_loop(0, (my_nb + 1) // 2, build_pair, 0, unroll=False)

    def wait_tbl_write(t):
        par = lax.rem(t, 2)
        for sp in (0, 1):
            @pl.when(par == sp)
            def _():
                pltpu.make_async_copy(
                    rows_refs[sp],
                    tbl_hbm.at[pl.ds(row0 + bchunk_base(t), C)], sem_out,
                ).wait()

    wait_tbl_write(my_nb - 2)
    wait_tbl_write(my_nb - 1)

    plsc.subcore_barrier()

    my_n = (NUM_CHUNKS - wid + NW - 1) // NW

    def chunk_base(t):
        return pl.multiple_of(lax.min((wid + t * NW) * C, N - C), 64)

    def input_copies(t, p):
        b = chunk_base(t)
        return (
            pltpu.make_async_copy(day_hbm.at[pl.ds(b, C)], day_v.at[p], sem_in),
            pltpu.make_async_copy(bucket_hbm.at[pl.ds(b, C)], bucket_v.at[p], sem_in),
            pltpu.make_async_copy(mvoc_hbm.at[pl.ds(b, C)], mvoc_v.at[p], sem_in),
        )

    def build_idx(p):
        def idx_row(r, _):
            for cc in range(8):
                o = (r * 8 + cc) * 16
                d = day_v[p, pl.ds(o, 16)]
                b = bucket_v[p, pl.ds(o, 16)]
                idx_v[p, pl.ds(o, 16)] = d * N_BUCKETS + b + row0
            return 0
        lax.fori_loop(0, R, idx_row, 0, unroll=False)

    def gather_copy(p, sem):
        return pltpu.make_async_copy(
            tbl_hbm.at[idx_v.at[p]], rows_refs[p], sem)

    def compute(t, p):
        rows_ref = rows_refs[p]

        def grp(g, _):
            o = g * 16
            rid = iota + o
            z = jnp.minimum(jnp.maximum(mvoc_v[p, pl.ds(o, 16)], 0.0), 1.0)
            w = [plsc.load_gather(rows_ref, [rid, jnp.full((16,), j, jnp.int32)])
                 for j in range(N_BASES)]
            acc = w[0] + w[1] * (Z_BAR - z)
            for u, bk in enumerate(BEND_KNOTS):
                acc = acc + w[2 + u] * jnp.maximum(bk - z, 0.0)
            out_v[p, pl.ds(o, 16)] = acc
            return 0
        lax.fori_loop(0, G, grp, 0, unroll=2)

    for cp in input_copies(0, 0):
        cp.start()
    for cp in input_copies(0, 0):
        cp.wait()
    build_idx(0)
    gather_copy(0, sem_g0).start()

    @pl.when(my_n > 1)
    def _():
        for cp in input_copies(1, 1):
            cp.start()

    def pair_body(h, _):
        t0 = h * 2

        def one(t, p, sem_cur, sem_nxt):
            q = 1 - p

            @pl.when(t + 1 < my_n)
            def _():
                for cp in input_copies(t + 1, q):
                    cp.wait()
                build_idx(q)
                gather_copy(q, sem_nxt).start()

            gather_copy(p, sem_cur).wait()

            @pl.when(t >= 2)
            def _():
                pltpu.make_async_copy(
                    out_v.at[p], out_hbm.at[pl.ds(chunk_base(t - 2), C)],
                    sem_out,
                ).wait()

            compute(t, p)
            pltpu.make_async_copy(
                out_v.at[p], out_hbm.at[pl.ds(chunk_base(t), C)], sem_out
            ).start()

            @pl.when(t + 2 < my_n)
            def _():
                for cp in input_copies(t + 2, p):
                    cp.start()

        @pl.when(t0 < my_n)
        def _():
            one(t0, 0, sem_g0, sem_g1)

        @pl.when(t0 + 1 < my_n)
        def _():
            one(t0 + 1, 1, sem_g1, sem_g0)

        return 0

    lax.fori_loop(0, (my_n + 1) // 2, pair_body, 0, unroll=False)

    @pl.when(my_n >= 2)
    def _():
        pltpu.make_async_copy(
            out_v.at[lax.rem(my_n - 2, 2)],
            out_hbm.at[pl.ds(chunk_base(my_n - 2), C)], sem_out,
        ).wait()

    pltpu.make_async_copy(
        out_v.at[lax.rem(my_n - 1, 2)],
        out_hbm.at[pl.ds(chunk_base(my_n - 1), C)], sem_out,
    ).wait()


def kernel(mvoc, day_idx, bucket_idx, weights):
    wt = weights.transpose(2, 0, 1)
    planes = [wt[j].reshape(-1) for j in range(N_BASES)]
    out, _ = _sc_basis_delta(mvoc, day_idx.astype(jnp.int32),
                             bucket_idx.astype(jnp.int32), *planes)
    return out.reshape(N, 1)

# --- scband reference (transcript-rebuilt; emitter-appended) ---
"""Pipeline reference for scband-basis-delta-16363825397788 (READ-ONLY COPY).

The authoritative reference and input builder live on the scoring server;
editing this copy changes nothing except your own understanding.
"""

import jax, jax.numpy as jnp
import numpy as np

N = 1000000
N_DAYS = 2000
N_BUCKETS = 500
N_BASES = 6
MVOC_LO = 0.0
MVOC_HI = 1.0
MVOC_MEAN = 0.5
BEND_KNOTS = np.array([0.4, 0.5, 0.6, 0.7], dtype=np.float64)


def setup_inputs(seed: int = 0) -> dict:
    key = jax.random.key(seed)
    k1, k2, k3, k4 = jax.random.split(key, 4)
    mvoc = jax.random.uniform(k1, (N,), dtype=jnp.float32)
    day_idx = jax.random.randint(k2, (N,), 0, N_DAYS)
    bucket_idx = jax.random.randint(k3, (N,), 0, N_BUCKETS)
    weights = jax.random.normal(k4, (N_DAYS, N_BUCKETS, N_BASES), dtype=jnp.float32) * 0.02
    return {"mvoc": mvoc, "day_idx": day_idx, "bucket_idx": bucket_idx, "weights": weights}


def reference(mvoc, day_idx, bucket_idx, weights):
    span = max(MVOC_HI - MVOC_LO, 1e-12)
    z_bar = jnp.float32((MVOC_MEAN - MVOC_LO) / span)
    bend_z = jnp.asarray((BEND_KNOTS - MVOC_LO) / span, dtype=jnp.float32)
    mvoc_col = mvoc.reshape(-1, 1)
    z = jnp.clip((mvoc_col - MVOC_LO) / span, 0.0, 1.0)
    ones = jnp.ones_like(z)
    tilt = z_bar - z
    bends = jnp.maximum(bend_z[None, :] - z, 0.0)
    bases = jnp.concatenate([ones, tilt, bends], axis=1)  # (N, n_bases)
    w = weights[day_idx.reshape(-1), bucket_idx.reshape(-1)]  # gather (N, n_bases)
    return (bases * w).sum(axis=1, keepdims=True)

if __name__ == "__main__":
    import jax
    _d = setup_inputs()
    print(jax.jit(kernel)(*tuple(_d.values())))

</pallas_src>

<mosaic_0001>
#map = affine_map<(d0, d1) -> (0)>
#map1 = affine_map<(d0, d1) -> (0, 0)>
module attributes {stable_mosaic.version = 14 : i64} {
  func.func @_sc_basis_delta(%arg0: i32, %arg1: i32, %arg2: memref<1000000xf32, #tpu.memory_space<hbm>>, %arg3: memref<1000000xi32, #tpu.memory_space<hbm>>, %arg4: memref<1000000xi32, #tpu.memory_space<hbm>>, %arg5: memref<1000000xf32, #tpu.memory_space<hbm>>, %arg6: memref<1000000xf32, #tpu.memory_space<hbm>>, %arg7: memref<1000000xf32, #tpu.memory_space<hbm>>, %arg8: memref<1000000xf32, #tpu.memory_space<hbm>>, %arg9: memref<1000000xf32, #tpu.memory_space<hbm>>, %arg10: memref<1000000xf32, #tpu.memory_space<hbm>>, %arg11: memref<1000000xf32, #tpu.memory_space<hbm>>, %arg12: memref<2000000x8xf32, #tpu.memory_space<hbm>>, %arg13: memref<2x2048xi32, #tpu.memory_space<vmem>>, %arg14: memref<2x2048xi32, #tpu.memory_space<vmem>>, %arg15: memref<2x2048xf32, #tpu.memory_space<vmem>>, %arg16: memref<2x2048xi32, #tpu.memory_space<vmem>>, %arg17: memref<2x6x2048xf32, #tpu.memory_space<vmem>>, %arg18: memref<2048x8xf32, #tpu.memory_space<vmem>>, %arg19: memref<2048x8xf32, #tpu.memory_space<vmem>>, %arg20: memref<2x2048xf32, #tpu.memory_space<vmem>>, %arg21: memref<!tpu.dma_semaphore, #tpu.memory_space<semaphore_mem>>, %arg22: memref<!tpu.dma_semaphore, #tpu.memory_space<semaphore_mem>>, %arg23: memref<!tpu.dma_semaphore, #tpu.memory_space<semaphore_mem>>, %arg24: memref<!tpu.dma_semaphore, #tpu.memory_space<semaphore_mem>>) attributes {dimension_semantics = [#tpu.dimension_semantics<core_parallel>, #tpu.dimension_semantics<subcore_parallel>], iteration_bounds = array<i64: 2, 16>, scalar_prefetch = 0 : i64, scratch_operands = 12 : i64, tpu.core_type = #tpu.core_type<sc_vector_subcore>, window_params = [{transform_indices = #map}, {transform_indices = #map}, {transform_indices = #map}, {transform_indices = #map}, {transform_indices = #map}, {transform_indices = #map}, {transform_indices = #map}, {transform_indices = #map}, {transform_indices = #map}, {transform_indices = #map}, {transform_indices = #map1}]} {
    %mul3A = arith.constant 2 : i32
    %mul3A_0 = arith.muli %arg1, %mul3A : i32
    %add3A = arith.addi %mul3A_0, %arg0 : i32
    %iota3A = tpu.iota {dimensions = array<i32: 0>} : vector<16xi32>
    %mul3A_1 = arith.constant 1000000 : i32
    %mul3A_2 = arith.muli %arg0, %mul3A_1 : i32
    %sub3A = arith.constant 489 : i32
    %sub3A_3 = arith.subi %sub3A, %arg1 : i32
    %add3A_4 = arith.constant 16 : i32
    %add3A_5 = arith.addi %sub3A_3, %add3A_4 : i32
    %sub3A_6 = arith.constant 1 : i32
    %sub3A_7 = arith.subi %add3A_5, %sub3A_6 : i32
    %jit3A = arith.constant 16 : i32
    %div3A = arith.divsi %sub3A_7, %jit3A : i32
    %sign3A = arith.constant 0 : i32
    %sign3A_8 = arith.cmpi sgt, %sub3A_7, %sign3A : i32
    %sign3A_9 = arith.extui %sign3A_8 : i1 to i32
    %sign3A_10 = arith.constant 0 : i32
    %sign3A_11 = arith.cmpi slt, %sub3A_7, %sign3A_10 : i32
    %sign3A_12 = arith.extui %sign3A_11 : i1 to i32
    %sign3A_13 = arith.subi %sign3A_9, %sign3A_12 : i32
    %sign3A_14 = arith.constant 0 : i32
    %sign3A_15 = arith.cmpi sgt, %jit3A, %sign3A_14 : i32
    %sign3A_16 = arith.extui %sign3A_15 : i1 to i32
    %sign3A_17 = arith.constant 0 : i32
    %sign3A_18 = arith.cmpi slt, %jit3A, %sign3A_17 : i32
    %sign3A_19 = arith.extui %sign3A_18 : i1 to i32
    %sign3A_20 = arith.subi %sign3A_16, %sign3A_19 : i32
    %ne3A = arith.cmpi ne, %sign3A_13, %sign3A_20 : i32
    %rem3A = arith.remsi %sub3A_7, %jit3A : i32
    %ne3A_21 = arith.constant 0 : i32
    %ne3A_22 = arith.cmpi ne, %rem3A, %ne3A_21 : i32
    %and3A = arith.andi %ne3A, %ne3A_22 : i1
    %sub3A_23 = arith.constant 1 : i32
    %sub3A_24 = arith.subi %div3A, %sub3A_23 : i32
    %select_n3A = arith.select %and3A, %sub3A_24, %div3A : i32
    %add3A_25 = arith.constant 0 : i32
    %add3A_26 = arith.addi %arg1, %add3A_25 : i32
    %mul3A_27 = arith.constant 2048 : i32
    %mul3A_28 = arith.muli %add3A_26, %mul3A_27 : i32
    %min3A = arith.constant 997952 : i32
    %min3A_29 = arith.minsi %mul3A_28, %min3A : i32
    %multiple_of3A = tpu.assume_multiple %min3A_29, 64 : i32
    %dma_start3A = arith.constant 0 : i32
    %dma_start3A_30 = arith.constant 0 : i32
    %dma_start3A_31 = arith.constant 0 : i32
    %dma_start3A_32 = tpu.memref_slice %arg17[%dma_start3A, %dma_start3A_30, %dma_start3A_31] : memref<2x6x2048xf32, #tpu.memory_space<vmem>> -> memref<1x1x2048xf32, #tpu.memory_space<vmem>>
    %dma_start3A_33 = tpu.memref_squeeze %dma_start3A_32 : memref<1x1x2048xf32, #tpu.memory_space<vmem>> -> memref<2048xf32, #tpu.memory_space<vmem>>
    %dma_start3A_34 = tpu.memref_slice %arg5[%multiple_of3A] : memref<1000000xf32, #tpu.memory_space<hbm>> -> memref<2048xf32, #tpu.memory_space<hbm>>
    %dma_start3A_35 = arith.constant 0 : i32
    %dma_start3A_36 = tpu.memref_slice %arg17[%dma_start3A, %dma_start3A_30, %dma_start3A_35] : memref<2x6x2048xf32, #tpu.memory_space<vmem>> -> memref<1x1x2048xf32, #tpu.memory_space<vmem>>
    %dma_start3A_37 = tpu.memref_squeeze %dma_start3A_36 : memref<1x1x2048xf32, #tpu.memory_space<vmem>> -> memref<2048xf32, #tpu.memory_space<vmem>>
    %dma_start3A_38 = tpu.memref_slice %arg5[%multiple_of3A] : memref<1000000xf32, #tpu.memory_space<hbm>> -> memref<2048xf32, #tpu.memory_space<hbm>>
    tpu.enqueue_dma source(%dma_start3A_38 : memref<2048xf32, #tpu.memory_space<hbm>>) target(%dma_start3A_37 : memref<2048xf32, #tpu.memory_space<vmem>>) target_semaphore(%arg21 : memref<!tpu.dma_semaphore, #tpu.memory_space<semaphore_mem>>)
    %dma_start3A_39 = arith.constant 0 : i32
    %dma_start3A_40 = arith.constant 1 : i32
    %dma_start3A_41 = arith.constant 0 : i32
    %dma_start3A_42 = tpu.memref_slice %arg17[%dma_start3A_39, %dma_start3A_40, %dma_start3A_41] : memref<2x6x2048xf32, #tpu.memory_space<vmem>> -> memref<1x1x2048xf32, #tpu.memory_space<vmem>>
    %dma_start3A_43 = tpu.memref_squeeze %dma_start3A_42 : memref<1x1x2048xf32, #tpu.memory_space<vmem>> -> memref<2048xf32, #tpu.memory_space<vmem>>
    %dma_start3A_44 = tpu.memref_slice %arg6[%multiple_of3A] : memref<1000000xf32, #tpu.memory_space<hbm>> -> memref<2048xf32, #tpu.memory_space<hbm>>
    %dma_start3A_45 = arith.constant 0 : i32
    %dma_start3A_46 = tpu.memref_slice %arg17[%dma_start3A_39, %dma_start3A_40, %dma_start3A_45] : memref<2x6x2048xf32, #tpu.memory_space<vmem>> -> memref<1x1x2048xf32, #tpu.memory_space<vmem>>
    %dma_start3A_47 = tpu.memref_squeeze %dma_start3A_46 : memref<1x1x2048xf32, #tpu.memory_space<vmem>> -> memref<2048xf32, #tpu.memory_space<vmem>>
    %dma_start3A_48 = tpu.memref_slice %arg6[%multiple_of3A] : memref<1000000xf32, #tpu.memory_space<hbm>> -> memref<2048xf32, #tpu.memory_space<hbm>>
    tpu.enqueue_dma source(%dma_start3A_48 : memref<2048xf32, #tpu.memory_space<hbm>>) target(%dma_start3A_47 : memref<2048xf32, #tpu.memory_space<vmem>>) target_semaphore(%arg21 : memref<!tpu.dma_semaphore, #tpu.memory_space<semaphore_mem>>)
    %dma_start3A_49 = arith.constant 0 : i32
    %dma_start3A_50 = arith.constant 2 : i32
    %dma_start3A_51 = arith.constant 0 : i32
    %dma_start3A_52 = tpu.memref_slice %arg17[%dma_start3A_49, %dma_start3A_50, %dma_start3A_51] : memref<2x6x2048xf32, #tpu.memory_space<vmem>> -> memref<1x1x2048xf32, #tpu.memory_space<vmem>>
    %dma_start3A_53 = tpu.memref_squeeze %dma_start3A_52 : memref<1x1x2048xf32, #tpu.memory_space<vmem>> -> memref<2048xf32, #tpu.memory_space<vmem>>
    %dma_start3A_54 = tpu.memref_slice %arg7[%multiple_of3A] : memref<1000000xf32, #tpu.memory_space<hbm>> -> memref<2048xf32, #tpu.memory_space<hbm>>
    %dma_start3A_55 = arith.constant 0 : i32
    %dma_start3A_56 = tpu.memref_slice %arg17[%dma_start3A_49, %dma_start3A_50, %dma_start3A_55] : memref<2x6x2048xf32, #tpu.memory_space<vmem>> -> memref<1x1x2048xf32, #tpu.memory_space<vmem>>
    %dma_start3A_57 = tpu.memref_squeeze %dma_start3A_56 : memref<1x1x2048xf32, #tpu.memory_space<vmem>> -> memref<2048xf32, #tpu.memory_space<vmem>>
    %dma_start3A_58 = tpu.memref_slice %arg7[%multiple_of3A] : memref<1000000xf32, #tpu.memory_space<hbm>> -> memref<2048xf32, #tpu.memory_space<hbm>>
    tpu.enqueue_dma source(%dma_start3A_58 : memref<2048xf32, #tpu.memory_space<hbm>>) target(%dma_start3A_57 : memref<2048xf32, #tpu.memory_space<vmem>>) target_semaphore(%arg21 : memref<!tpu.dma_semaphore, #tpu.memory_space<semaphore_mem>>)
    %dma_start3A_59 = arith.constant 0 : i32
    %dma_start3A_60 = arith.constant 3 : i32
    %dma_start3A_61 = arith.constant 0 : i32
    %dma_start3A_62 = tpu.memref_slice %arg17[%dma_start3A_59, %dma_start3A_60, %dma_start3A_61] : memref<2x6x2048xf32, #tpu.memory_space<vmem>> -> memref<1x1x2048xf32, #tpu.memory_space<vmem>>
    %dma_start3A_63 = tpu.memref_squeeze %dma_start3A_62 : memref<1x1x2048xf32, #tpu.memory_space<vmem>> -> memref<2048xf32, #tpu.memory_space<vmem>>
    %dma_start3A_64 = tpu.memref_slice %arg8[%multiple_of3A] : memref<1000000xf32, #tpu.memory_space<hbm>> -> memref<2048xf32, #tpu.memory_space<hbm>>
    %dma_start3A_65 = arith.constant 0 : i32
    %dma_start3A_66 = tpu.memref_slice %arg17[%dma_start3A_59, %dma_start3A_60, %dma_start3A_65] : memref<2x6x2048xf32, #tpu.memory_space<vmem>> -> memref<1x1x2048xf32, #tpu.memory_space<vmem>>
    %dma_start3A_67 = tpu.memref_squeeze %dma_start3A_66 : memref<1x1x2048xf32, #tpu.memory_space<vmem>> -> memref<2048xf32, #tpu.memory_space<vmem>>
    %dma_start3A_68 = tpu.memref_slice %arg8[%multiple_of3A] : memref<1000000xf32, #tpu.memory_space<hbm>> -> memref<2048xf32, #tpu.memory_space<hbm>>
    tpu.enqueue_dma source(%dma_start3A_68 : memref<2048xf32, #tpu.memory_space<hbm>>) target(%dma_start3A_67 : memref<2048xf32, #tpu.memory_space<vmem>>) target_semaphore(%arg21 : memref<!tpu.dma_semaphore, #tpu.memory_space<semaphore_mem>>)
    %dma_start3A_69 = arith.constant 0 : i32
    %dma_start3A_70 = arith.constant 4 : i32
    %dma_start3A_71 = arith.constant 0 : i32
    %dma_start3A_72 = tpu.memref_slice %arg17[%dma_start3A_69, %dma_start3A_70, %dma_start3A_71] : memref<2x6x2048xf32, #tpu.memory_space<vmem>> -> memref<1x1x2048xf32, #tpu.memory_space<vmem>>
    %dma_start3A_73 = tpu.memref_squeeze %dma_start3A_72 : memref<1x1x2048xf32, #tpu.memory_space<vmem>> -> memref<2048xf32, #tpu.memory_space<vmem>>
    %dma_start3A_74 = tpu.memref_slice %arg9[%multiple_of3A] : memref<1000000xf32, #tpu.memory_space<hbm>> -> memref<2048xf32, #tpu.memory_space<hbm>>
    %dma_start3A_75 = arith.constant 0 : i32
    %dma_start3A_76 = tpu.memref_slice %arg17[%dma_start3A_69, %dma_start3A_70, %dma_start3A_75] : memref<2x6x2048xf32, #tpu.memory_space<vmem>> -> memref<1x1x2048xf32, #tpu.memory_space<vmem>>
    %dma_start3A_77 = tpu.memref_squeeze %dma_start3A_76 : memref<1x1x2048xf32, #tpu.memory_space<vmem>> -> memref<2048xf32, #tpu.memory_space<vmem>>
    %dma_start3A_78 = tpu.memref_slice %arg9[%multiple_of3A] : memref<1000000xf32, #tpu.memory_space<hbm>> -> memref<2048xf32, #tpu.memory_space<hbm>>
    tpu.enqueue_dma source(%dma_start3A_78 : memref<2048xf32, #tpu.memory_space<hbm>>) target(%dma_start3A_77 : memref<2048xf32, #tpu.memory_space<vmem>>) target_semaphore(%arg21 : memref<!tpu.dma_semaphore, #tpu.memory_space<semaphore_mem>>)
    %dma_start3A_79 = arith.constant 0 : i32
    %dma_start3A_80 = arith.constant 5 : i32
    %dma_start3A_81 = arith.constant 0 : i32
    %dma_start3A_82 = tpu.memref_slice %arg17[%dma_start3A_79, %dma_start3A_80, %dma_start3A_81] : memref<2x6x2048xf32, #tpu.memory_space<vmem>> -> memref<1x1x2048xf32, #tpu.memory_space<vmem>>
    %dma_start3A_83 = tpu.memref_squeeze %dma_start3A_82 : memref<1x1x2048xf32, #tpu.memory_space<vmem>> -> memref<2048xf32, #tpu.memory_space<vmem>>
    %dma_start3A_84 = tpu.memref_slice %arg10[%multiple_of3A] : memref<1000000xf32, #tpu.memory_space<hbm>> -> memref<2048xf32, #tpu.memory_space<hbm>>
    %dma_start3A_85 = arith.constant 0 : i32
    %dma_start3A_86 = tpu.memref_slice %arg17[%dma_start3A_79, %dma_start3A_80, %dma_start3A_85] : memref<2x6x2048xf32, #tpu.memory_space<vmem>> -> memref<1x1x2048xf32, #tpu.memory_space<vmem>>
    %dma_start3A_87 = tpu.memref_squeeze %dma_start3A_86 : memref<1x1x2048xf32, #tpu.memory_space<vmem>> -> memref<2048xf32, #tpu.memory_space<vmem>>
    %dma_start3A_88 = tpu.memref_slice %arg10[%multiple_of3A] : memref<1000000xf32, #tpu.memory_space<hbm>> -> memref<2048xf32, #tpu.memory_space<hbm>>
    tpu.enqueue_dma source(%dma_start3A_88 : memref<2048xf32, #tpu.memory_space<hbm>>) target(%dma_start3A_87 : memref<2048xf32, #tpu.memory_space<vmem>>) target_semaphore(%arg21 : memref<!tpu.dma_semaphore, #tpu.memory_space<semaphore_mem>>)
    %add3A_89 = arith.constant 1 : i32
    %add3A_90 = arith.addi %select_n3A, %add3A_89 : i32
    %jit3A_91 = arith.constant 2 : i32
    %div3A_92 = arith.divsi %add3A_90, %jit3A_91 : i32
    %sign3A_93 = arith.constant 0 : i32
    %sign3A_94 = arith.cmpi sgt, %add3A_90, %sign3A_93 : i32
    %sign3A_95 = arith.extui %sign3A_94 : i1 to i32
    %sign3A_96 = arith.constant 0 : i32
    %sign3A_97 = arith.cmpi slt, %add3A_90, %sign3A_96 : i32
    %sign3A_98 = arith.extui %sign3A_97 : i1 to i32
    %sign3A_99 = arith.subi %sign3A_95, %sign3A_98 : i32
    %sign3A_100 = arith.constant 0 : i32
    %sign3A_101 = arith.cmpi sgt, %jit3A_91, %sign3A_100 : i32
    %sign3A_102 = arith.extui %sign3A_101 : i1 to i32
    %sign3A_103 = arith.constant 0 : i32
    %sign3A_104 = arith.cmpi slt, %jit3A_91, %sign3A_103 : i32
    %sign3A_105 = arith.extui %sign3A_104 : i1 to i32
    %sign3A_106 = arith.subi %sign3A_102, %sign3A_105 : i32
    %ne3A_107 = arith.cmpi ne, %sign3A_99, %sign3A_106 : i32
    %rem3A_108 = arith.remsi %add3A_90, %jit3A_91 : i32
    %ne3A_109 = arith.constant 0 : i32
    %ne3A_110 = arith.cmpi ne, %rem3A_108, %ne3A_109 : i32
    %and3A_111 = arith.andi %ne3A_107, %ne3A_110 : i1
    %sub3A_112 = arith.constant 1 : i32
    %sub3A_113 = arith.subi %div3A_92, %sub3A_112 : i32
    %select_n3A_114 = arith.select %and3A_111, %sub3A_113, %div3A_92 : i32
    %while3A = arith.constant 0 : i32
    %while3A_115 = arith.constant 0 : i32
    %while3A_116 = arith.subi %select_n3A_114, %while3A : i32
    %while3A_117 = arith.addi %while3A, %while3A_116 : i32
    %while3A_118 = arith.constant 1 : i32
    %while3A_119 = arith.divsi %while3A_116, %while3A_118 : i32
    %while3A_120 = arith.muli %while3A_119, %while3A_118 : i32
    %while3A_121 = arith.addi %while3A, %while3A_120 : i32
    %while3A_122 = arith.constant 1 : i32
    %while3A_123 = scf.for %while3A_329 = %while3A to %while3A_121 step %while3A_122 iter_args(%while3A_330 = %while3A_115) -> (i32)  : i32 {
      %mul3A_331 = arith.constant 2 : i32
      %mul3A_332 = arith.muli %while3A_329, %mul3A_331 : i32
      %lt3A = arith.cmpi slt, %mul3A_332, %select_n3A : i32
      %convert_element_type3A_333 = arith.extui %lt3A : i1 to i32
      %cond3A_334 = arith.constant 0 : i32
      %cond3A_335 = arith.cmpi ne, %convert_element_type3A_333, %cond3A_334 : i32
      scf.if %cond3A_335 {
        %mul3A_343 = arith.constant 16 : i32
        %mul3A_344 = arith.muli %mul3A_332, %mul3A_343 : i32
        %add3A_345 = arith.addi %arg1, %mul3A_344 : i32
        %mul3A_346 = arith.constant 2048 : i32
        %mul3A_347 = arith.muli %add3A_345, %mul3A_346 : i32
        %min3A_348 = arith.constant 997952 : i32
        %min3A_349 = arith.minsi %mul3A_347, %min3A_348 : i32
        %multiple_of3A_350 = tpu.assume_multiple %min3A_349, 64 : i32
        %dma_wait3A_351 = arith.constant 0 : i32
        %dma_wait3A_352 = arith.constant 0 : i32
        %dma_wait3A_353 = arith.constant 0 : i32
        %dma_wait3A_354 = tpu.memref_slice %arg17[%dma_wait3A_351, %dma_wait3A_352, %dma_wait3A_353] : memref<2x6x2048xf32, #tpu.memory_space<vmem>> -> memref<1x1x2048xf32, #tpu.memory_space<vmem>>
        %dma_wait3A_355 = tpu.memref_squeeze %dma_wait3A_354 : memref<1x1x2048xf32, #tpu.memory_space<vmem>> -> memref<2048xf32, #tpu.memory_space<vmem>>
        %dma_wait3A_356 = tpu.memref_slice %arg5[%multiple_of3A_350] : memref<1000000xf32, #tpu.memory_space<hbm>> -> memref<2048xf32, #tpu.memory_space<hbm>>
        %dma_wait3A_357 = arith.constant 0 : i32
        %dma_wait3A_358 = tpu.memref_slice %arg17[%dma_wait3A_351, %dma_wait3A_352, %dma_wait3A_357] : memref<2x6x2048xf32, #tpu.memory_space<vmem>> -> memref<1x1x2048xf32, #tpu.memory_space<vmem>>
        %dma_wait3A_359 = tpu.memref_squeeze %dma_wait3A_358 : memref<1x1x2048xf32, #tpu.memory_space<vmem>> -> memref<2048xf32, #tpu.memory_space<vmem>>
        %dma_wait3A_360 = tpu.memref_slice %arg5[%multiple_of3A_350] : memref<1000000xf32, #tpu.memory_space<hbm>> -> memref<2048xf32, #tpu.memory_space<hbm>>
        tpu.wait_dma2 semaphore(%arg21 : memref<!tpu.dma_semaphore, #tpu.memory_space<semaphore_mem>>) src(%dma_wait3A_360 : memref<2048xf32, #tpu.memory_space<hbm>>) dst(%dma_wait3A_359 : memref<2048xf32, #tpu.memory_space<vmem>>)
        %dma_wait3A_361 = arith.constant 0 : i32
        %dma_wait3A_362 = arith.constant 1 : i32
        %dma_wait3A_363 = arith.constant 0 : i32
        %dma_wait3A_364 = tpu.memref_slice %arg17[%dma_wait3A_361, %dma_wait3A_362, %dma_wait3A_363] : memref<2x6x2048xf32, #tpu.memory_space<vmem>> -> memref<1x1x2048xf32, #tpu.memory_space<vmem>>
        %dma_wait3A_365 = tpu.memref_squeeze %dma_wait3A_364 : memref<1x1x2048xf32, #tpu.memory_space<vmem>> -> memref<2048xf32, #tpu.memory_space<vmem>>
        %dma_wait3A_366 = tpu.memref_slice %arg6[%multiple_of3A_350] : memref<1000000xf32, #tpu.memory_space<hbm>> -> memref<2048xf32, #tpu.memory_space<hbm>>
        %dma_wait3A_367 = arith.constant 0 : i32
        %dma_wait3A_368 = tpu.memref_slice %arg17[%dma_wait3A_361, %dma_wait3A_362, %dma_wait3A_367] : memref<2x6x2048xf32, #tpu.memory_space<vmem>> -> memref<1x1x2048xf32, #tpu.memory_space<vmem>>
        %dma_wait3A_369 = tpu.memref_squeeze %dma_wait3A_368 : memref<1x1x2048xf32, #tpu.memory_space<vmem>> -> memref<2048xf32, #tpu.memory_space<vmem>>
        %dma_wait3A_370 = tpu.memref_slice %arg6[%multiple_of3A_350] : memref<1000000xf32, #tpu.memory_space<hbm>> -> memref<2048xf32, #tpu.memory_space<hbm>>
        tpu.wait_dma2 semaphore(%arg21 : memref<!tpu.dma_semaphore, #tpu.memory_space<semaphore_mem>>) src(%dma_wait3A_370 : memref<2048xf32, #tpu.memory_space<hbm>>) dst(%dma_wait3A_369 : memref<2048xf32, #tpu.memory_space<vmem>>)
        %dma_wait3A_371 = arith.constant 0 : i32
        %dma_wait3A_372 = arith.constant 2 : i32
        %dma_wait3A_373 = arith.constant 0 : i32
        %dma_wait3A_374 = tpu.memref_slice %arg17[%dma_wait3A_371, %dma_wait3A_372, %dma_wait3A_373] : memref<2x6x2048xf32, #tpu.memory_space<vmem>> -> memref<1x1x2048xf32, #tpu.memory_space<vmem>>
        %dma_wait3A_375 = tpu.memref_squeeze %dma_wait3A_374 : memref<1x1x2048xf32, #tpu.memory_space<vmem>> -> memref<2048xf32, #tpu.memory_space<vmem>>
        %dma_wait3A_376 = tpu.memref_slice %arg7[%multiple_of3A_350] : memref<1000000xf32, #tpu.memory_space<hbm>> -> memref<2048xf32, #tpu.memory_space<hbm>>
        %dma_wait3A_377 = arith.constant 0 : i32
        %dma_wait3A_378 = tpu.memref_slice %arg17[%dma_wait3A_371, %dma_wait3A_372, %dma_wait3A_377] : memref<2x6x2048xf32, #tpu.memory_space<vmem>> -> memref<1x1x2048xf32, #tpu.memory_space<vmem>>
        %dma_wait3A_379 = tpu.memref_squeeze %dma_wait3A_378 : memref<1x1x2048xf32, #tpu.memory_space<vmem>> -> memref<2048xf32, #tpu.memory_space<vmem>>
        %dma_wait3A_380 = tpu.memref_slice %arg7[%multiple_of3A_350] : memref<1000000xf32, #tpu.memory_space<hbm>> -> memref<2048xf32, #tpu.memory_space<hbm>>
        tpu.wait_dma2 semaphore(%arg21 : memref<!tpu.dma_semaphore, #tpu.memory_space<semaphore_mem>>) src(%dma_wait3A_380 : memref<2048xf32, #tpu.memory_space<hbm>>) dst(%dma_wait3A_379 : memref<2048xf32, #tpu.memory_space<vmem>>)
        %dma_wait3A_381 = arith.constant 0 : i32
        %dma_wait3A_382 = arith.constant 3 : i32
        %dma_wait3A_383 = arith.constant 0 : i32
        %dma_wait3A_384 = tpu.memref_slice %arg17[%dma_wait3A_381, %dma_wait3A_382, %dma_wait3A_383] : memref<2x6x2048xf32, #tpu.memory_space<vmem>> -> memref<1x1x2048xf32, #tpu.memory_space<vmem>>
        %dma_wait3A_385 = tpu.memref_squeeze %dma_wait3A_384 : memref<1x1x2048xf32, #tpu.memory_space<vmem>> -> memref<2048xf32, #tpu.memory_space<vmem>>
        %dma_wait3A_386 = tpu.memref_slice %arg8[%multiple_of3A_350] : memref<1000000xf32, #tpu.memory_space<hbm>> -> memref<2048xf32, #tpu.memory_space<hbm>>
        %dma_wait3A_387 = arith.constant 0 : i32
        %dma_wait3A_388 = tpu.memref_slice %arg17[%dma_wait3A_381, %dma_wait3A_382, %dma_wait3A_387] : memref<2x6x2048xf32, #tpu.memory_space<vmem>> -> memref<1x1x2048xf32, #tpu.memory_space<vmem>>
        %dma_wait3A_389 = tpu.memref_squeeze %dma_wait3A_388 : memref<1x1x2048xf32, #tpu.memory_space<vmem>> -> memref<2048xf32, #tpu.memory_space<vmem>>
        %dma_wait3A_390 = tpu.memref_slice %arg8[%multiple_of3A_350] : memref<1000000xf32, #tpu.memory_space<hbm>> -> memref<2048xf32, #tpu.memory_space<hbm>>
        tpu.wait_dma2 semaphore(%arg21 : memref<!tpu.dma_semaphore, #tpu.memory_space<semaphore_mem>>) src(%dma_wait3A_390 : memref<2048xf32, #tpu.memory_space<hbm>>) dst(%dma_wait3A_389 : memref<2048xf32, #tpu.memory_space<vmem>>)
        %dma_wait3A_391 = arith.constant 0 : i32
        %dma_wait3A_392 = arith.constant 4 : i32
        %dma_wait3A_393 = arith.constant 0 : i32
        %dma_wait3A_394 = tpu.memref_slice %arg17[%dma_wait3A_391, %dma_wait3A_392, %dma_wait3A_393] : memref<2x6x2048xf32, #tpu.memory_space<vmem>> -> memref<1x1x2048xf32, #tpu.memory_space<vmem>>
        %dma_wait3A_395 = tpu.memref_squeeze %dma_wait3A_394 : memref<1x1x2048xf32, #tpu.memory_space<vmem>> -> memref<2048xf32, #tpu.memory_space<vmem>>
        %dma_wait3A_396 = tpu.memref_slice %arg9[%multiple_of3A_350] : memref<1000000xf32, #tpu.memory_space<hbm>> -> memref<2048xf32, #tpu.memory_space<hbm>>
        %dma_wait3A_397 = arith.constant 0 : i32
        %dma_wait3A_398 = tpu.memref_slice %arg17[%dma_wait3A_391, %dma_wait3A_392, %dma_wait3A_397] : memref<2x6x2048xf32, #tpu.memory_space<vmem>> -> memref<1x1x2048xf32, #tpu.memory_space<vmem>>
        %dma_wait3A_399 = tpu.memref_squeeze %dma_wait3A_398 : memref<1x1x2048xf32, #tpu.memory_space<vmem>> -> memref<2048xf32, #tpu.memory_space<vmem>>
        %dma_wait3A_400 = tpu.memref_slice %arg9[%multiple_of3A_350] : memref<1000000xf32, #tpu.memory_space<hbm>> -> memref<2048xf32, #tpu.memory_space<hbm>>
        tpu.wait_dma2 semaphore(%arg21 : memref<!tpu.dma_semaphore, #tpu.memory_space<semaphore_mem>>) src(%dma_wait3A_400 : memref<2048xf32, #tpu.memory_space<hbm>>) dst(%dma_wait3A_399 : memref<2048xf32, #tpu.memory_space<vmem>>)
        %dma_wait3A_401 = arith.constant 0 : i32
        %dma_wait3A_402 = arith.constant 5 : i32
        %dma_wait3A_403 = arith.constant 0 : i32
        %dma_wait3A_404 = tpu.memref_slice %arg17[%dma_wait3A_401, %dma_wait3A_402, %dma_wait3A_403] : memref<2x6x2048xf32, #tpu.memory_space<vmem>> -> memref<1x1x2048xf32, #tpu.memory_space<vmem>>
        %dma_wait3A_405 = tpu.memref_squeeze %dma_wait3A_404 : memref<1x1x2048xf32, #tpu.memory_space<vmem>> -> memref<2048xf32, #tpu.memory_space<vmem>>
        %dma_wait3A_406 = tpu.memref_slice %arg10[%multiple_of3A_350] : memref<1000000xf32, #tpu.memory_space<hbm>> -> memref<2048xf32, #tpu.memory_space<hbm>>
        %dma_wait3A_407 = arith.constant 0 : i32
        %dma_wait3A_408 = tpu.memref_slice %arg17[%dma_wait3A_401, %dma_wait3A_402, %dma_wait3A_407] : memref<2x6x2048xf32, #tpu.memory_space<vmem>> -> memref<1x1x2048xf32, #tpu.memory_space<vmem>>
        %dma_wait3A_409 = tpu.memref_squeeze %dma_wait3A_408 : memref<1x1x2048xf32, #tpu.memory_space<vmem>> -> memref<2048xf32, #tpu.memory_space<vmem>>
        %dma_wait3A_410 = tpu.memref_slice %arg10[%multiple_of3A_350] : memref<1000000xf32, #tpu.memory_space<hbm>> -> memref<2048xf32, #tpu.memory_space<hbm>>
        tpu.wait_dma2 semaphore(%arg21 : memref<!tpu.dma_semaphore, #tpu.memory_space<semaphore_mem>>) src(%dma_wait3A_410 : memref<2048xf32, #tpu.memory_space<hbm>>) dst(%dma_wait3A_409 : memref<2048xf32, #tpu.memory_space<vmem>>)
        %add3A_411 = arith.constant 1 : i32
        %add3A_412 = arith.addi %mul3A_332, %add3A_411 : i32
        %lt3A_413 = arith.cmpi slt, %add3A_412, %select_n3A : i32
        %convert_element_type3A_414 = arith.extui %lt3A_413 : i1 to i32
        %cond3A_415 = arith.constant 0 : i32
        %cond3A_416 = arith.cmpi ne, %convert_element_type3A_414, %cond3A_415 : i32
        scf.if %cond3A_416 {
          %add3A_442 = arith.constant 1 : i32
          %add3A_443 = arith.addi %mul3A_332, %add3A_442 : i32
          %mul3A_444 = arith.constant 16 : i32
          %mul3A_445 = arith.muli %add3A_443, %mul3A_444 : i32
          %add3A_446 = arith.addi %arg1, %mul3A_445 : i32
          %mul3A_447 = arith.constant 2048 : i32
          %mul3A_448 = arith.muli %add3A_446, %mul3A_447 : i32
          %min3A_449 = arith.constant 997952 : i32
          %min3A_450 = arith.minsi %mul3A_448, %min3A_449 : i32
          %multiple_of3A_451 = tpu.assume_multiple %min3A_450, 64 : i32
          %dma_start3A_452 = arith.constant 1 : i32
          %dma_start3A_453 = arith.constant 0 : i32
          %dma_start3A_454 = arith.constant 0 : i32
          %dma_start3A_455 = tpu.memref_slice %arg17[%dma_start3A_452, %dma_start3A_453, %dma_start3A_454] : memref<2x6x2048xf32, #tpu.memory_space<vmem>> -> memref<1x1x2048xf32, #tpu.memory_space<vmem>>
          %dma_start3A_456 = tpu.memref_squeeze %dma_start3A_455 : memref<1x1x2048xf32, #tpu.memory_space<vmem>> -> memref<2048xf32, #tpu.memory_space<vmem>>
          %dma_start3A_457 = tpu.memref_slice %arg5[%multiple_of3A_451] : memref<1000000xf32, #tpu.memory_space<hbm>> -> memref<2048xf32, #tpu.memory_space<hbm>>
          %dma_start3A_458 = arith.constant 0 : i32
          %dma_start3A_459 = tpu.memref_slice %arg17[%dma_start3A_452, %dma_start3A_453, %dma_start3A_458] : memref<2x6x2048xf32, #tpu.memory_space<vmem>> -> memref<1x1x2048xf32, #tpu.memory_space<vmem>>
          %dma_start3A_460 = tpu.memref_squeeze %dma_start3A_459 : memref<1x1x2048xf32, #tpu.memory_space<vmem>> -> memref<2048xf32, #tpu.memory_space<vmem>>
          %dma_start3A_461 = tpu.memref_slice %arg5[%multiple_of3A_451] : memref<1000000xf32, #tpu.memory_space<hbm>> -> memref<2048xf32, #tpu.memory_space<hbm>>
          tpu.enqueue_dma source(%dma_start3A_461 : memref<2048xf32, #tpu.memory_space<hbm>>) target(%dma_start3A_460 : memref<2048xf32, #tpu.memory_space<vmem>>) target_semaphore(%arg21 : memref<!tpu.dma_semaphore, #tpu.memory_space<semaphore_mem>>)
          %dma_start3A_462 = arith.constant 1 : i32
          %dma_start3A_463 = arith.constant 1 : i32
          %dma_start3A_464 = arith.constant 0 : i32
          %dma_start3A_465 = tpu.memref_slice %arg17[%dma_start3A_462, %dma_start3A_463, %dma_start3A_464] : memref<2x6x2048xf32, #tpu.memory_space<vmem>> -> memref<1x1x2048xf32, #tpu.memory_space<vmem>>
          %dma_start3A_466 = tpu.memref_squeeze %dma_start3A_465 : memref<1x1x2048xf32, #tpu.memory_space<vmem>> -> memref<2048xf32, #tpu.memory_space<vmem>>
          %dma_start3A_467 = tpu.memref_slice %arg6[%multiple_of3A_451] : memref<1000000xf32, #tpu.memory_space<hbm>> -> memref<2048xf32, #tpu.memory_space<hbm>>
          %dma_start3A_468 = arith.constant 0 : i32
          %dma_start3A_469 = tpu.memref_slice %arg17[%dma_start3A_462, %dma_start3A_463, %dma_start3A_468] : memref<2x6x2048xf32, #tpu.memory_space<vmem>> -> memref<1x1x2048xf32, #tpu.memory_space<vmem>>
          %dma_start3A_470 = tpu.memref_squeeze %dma_start3A_469 : memref<1x1x2048xf32, #tpu.memory_space<vmem>> -> memref<2048xf32, #tpu.memory_space<vmem>>
          %dma_start3A_471 = tpu.memref_slice %arg6[%multiple_of3A_451] : memref<1000000xf32, #tpu.memory_space<hbm>> -> memref<2048xf32, #tpu.memory_space<hbm>>
          tpu.enqueue_dma source(%dma_start3A_471 : memref<2048xf32, #tpu.memory_space<hbm>>) target(%dma_start3A_470 : memref<2048xf32, #tpu.memory_space<vmem>>) target_semaphore(%arg21 : memref<!tpu.dma_semaphore, #tpu.memory_space<semaphore_mem>>)
          %dma_start3A_472 = arith.constant 1 : i32
          %dma_start3A_473 = arith.constant 2 : i32
          %dma_start3A_474 = arith.constant 0 : i32
          %dma_start3A_475 = tpu.memref_slice %arg17[%dma_start3A_472, %dma_start3A_473, %dma_start3A_474] : memref<2x6x2048xf32, #tpu.memory_space<vmem>> -> memref<1x1x2048xf32, #tpu.memory_space<vmem>>
          %dma_start3A_476 = tpu.memref_squeeze %dma_start3A_475 : memref<1x1x2048xf32, #tpu.memory_space<vmem>> -> memref<2048xf32, #tpu.memory_space<vmem>>
          %dma_start3A_477 = tpu.memref_slice %arg7[%multiple_of3A_451] : memref<1000000xf32, #tpu.memory_space<hbm>> -> memref<2048xf32, #tpu.memory_space<hbm>>
          %dma_start3A_478 = arith.constant 0 : i32
          %dma_start3A_479 = tpu.memref_slice %arg17[%dma_start3A_472, %dma_start3A_473, %dma_start3A_478] : memref<2x6x2048xf32, #tpu.memory_space<vmem>> -> memref<1x1x2048xf32, #tpu.memory_space<vmem>>
          %dma_start3A_480 = tpu.memref_squeeze %dma_start3A_479 : memref<1x1x2048xf32, #tpu.memory_space<vmem>> -> memref<2048xf32, #tpu.memory_space<vmem>>
          %dma_start3A_481 = tpu.memref_slice %arg7[%multiple_of3A_451] : memref<1000000xf32, #tpu.memory_space<hbm>> -> memref<2048xf32, #tpu.memory_space<hbm>>
          tpu.enqueue_dma source(%dma_start3A_481 : memref<2048xf32, #tpu.memory_space<hbm>>) target(%dma_start3A_480 : memref<2048xf32, #tpu.memory_space<vmem>>) target_semaphore(%arg21 : memref<!tpu.dma_semaphore, #tpu.memory_space<semaphore_mem>>)
          %dma_start3A_482 = arith.constant 1 : i32
          %dma_start3A_483 = arith.constant 3 : i32
          %dma_start3A_484 = arith.constant 0 : i32
          %dma_start3A_485 = tpu.memref_slice %arg17[%dma_start3A_482, %dma_start3A_483, %dma_start3A_484] : memref<2x6x2048xf32, #tpu.memory_space<vmem>> -> memref<1x1x2048xf32, #tpu.memory_space<vmem>>
          %dma_start3A_486 = tpu.memref_squeeze %dma_start3A_485 : memref<1x1x2048xf32, #tpu.memory_space<vmem>> -> memref<2048xf32, #tpu.memory_space<vmem>>
          %dma_start3A_487 = tpu.memref_slice %arg8[%multiple_of3A_451] : memref<1000000xf32, #tpu.memory_space<hbm>> -> memref<2048xf32, #tpu.memory_space<hbm>>
          %dma_start3A_488 = arith.constant 0 : i32
          %dma_start3A_489 = tpu.memref_slice %arg17[%dma_start3A_482, %dma_start3A_483, %dma_start3A_488] : memref<2x6x2048xf32, #tpu.memory_space<vmem>> -> memref<1x1x2048xf32, #tpu.memory_space<vmem>>
          %dma_start3A_490 = tpu.memref_squeeze %dma_start3A_489 : memref<1x1x2048xf32, #tpu.memory_space<vmem>> -> memref<2048xf32, #tpu.memory_space<vmem>>
          %dma_start3A_491 = tpu.memref_slice %arg8[%multiple_of3A_451] : memref<1000000xf32, #tpu.memory_space<hbm>> -> memref<2048xf32, #tpu.memory_space<hbm>>
          tpu.enqueue_dma source(%dma_start3A_491 : memref<2048xf32, #tpu.memory_space<hbm>>) target(%dma_start3A_490 : memref<2048xf32, #tpu.memory_space<vmem>>) target_semaphore(%arg21 : memref<!tpu.dma_semaphore, #tpu.memory_space<semaphore_mem>>)
          %dma_start3A_492 = arith.constant 1 : i32
          %dma_start3A_493 = arith.constant 4 : i32
          %dma_start3A_494 = arith.constant 0 : i32
          %dma_start3A_495 = tpu.memref_slice %arg17[%dma_start3A_492, %dma_start3A_493, %dma_start3A_494] : memref<2x6x2048xf32, #tpu.memory_space<vmem>> -> memref<1x1x2048xf32, #tpu.memory_space<vmem>>
          %dma_start3A_496 = tpu.memref_squeeze %dma_start3A_495 : memref<1x1x2048xf32, #tpu.memory_space<vmem>> -> memref<2048xf32, #tpu.memory_space<vmem>>
          %dma_start3A_497 = tpu.memref_slice %arg9[%multiple_of3A_451] : memref<1000000xf32, #tpu.memory_space<hbm>> -> memref<2048xf32, #tpu.memory_space<hbm>>
          %dma_start3A_498 = arith.constant 0 : i32
          %dma_start3A_499 = tpu.memref_slice %arg17[%dma_start3A_492, %dma_start3A_493, %dma_start3A_498] : memref<2x6x2048xf32, #tpu.memory_space<vmem>> -> memref<1x1x2048xf32, #tpu.memory_space<vmem>>
          %dma_start3A_500 = tpu.memref_squeeze %dma_start3A_499 : memref<1x1x2048xf32, #tpu.memory_space<vmem>> -> memref<2048xf32, #tpu.memory_space<vmem>>
          %dma_start3A_501 = tpu.memref_slice %arg9[%multiple_of3A_451] : memref<1000000xf32, #tpu.memory_space<hbm>> -> memref<2048xf32, #tpu.memory_space<hbm>>
          tpu.enqueue_dma source(%dma_start3A_501 : memref<2048xf32, #tpu.memory_space<hbm>>) target(%dma_start3A_500 : memref<2048xf32, #tpu.memory_space<vmem>>) target_semaphore(%arg21 : memref<!tpu.dma_semaphore, #tpu.memory_space<semaphore_mem>>)
          %dma_start3A_502 = arith.constant 1 : i32
          %dma_start3A_503 = arith.constant 5 : i32
          %dma_start3A_504 = arith.constant 0 : i32
          %dma_start3A_505 = tpu.memref_slice %arg17[%dma_start3A_502, %dma_start3A_503, %dma_start3A_504] : memref<2x6x2048xf32, #tpu.memory_space<vmem>> -> memref<1x1x2048xf32, #tpu.memory_space<vmem>>
          %dma_start3A_506 = tpu.memref_squeeze %dma_start3A_505 : memref<1x1x2048xf32, #tpu.memory_space<vmem>> -> memref<2048xf32, #tpu.memory_space<vmem>>
          %dma_start3A_507 = tpu.memref_slice %arg10[%multiple_of3A_451] : memref<1000000xf32, #tpu.memory_space<hbm>> -> memref<2048xf32, #tpu.memory_space<hbm>>
          %dma_start3A_508 = arith.constant 0 : i32
          %dma_start3A_509 = tpu.memref_slice %arg17[%dma_start3A_502, %dma_start3A_503, %dma_start3A_508] : memref<2x6x2048xf32, #tpu.memory_space<vmem>> -> memref<1x1x2048xf32, #tpu.memory_space<vmem>>
          %dma_start3A_510 = tpu.memref_squeeze %dma_start3A_509 : memref<1x1x2048xf32, #tpu.memory_space<vmem>> -> memref<2048xf32, #tpu.memory_space<vmem>>
          %dma_start3A_511 = tpu.memref_slice %arg10[%multiple_of3A_451] : memref<1000000xf32, #tpu.memory_space<hbm>> -> memref<2048xf32, #tpu.memory_space<hbm>>
          tpu.enqueue_dma source(%dma_start3A_511 : memref<2048xf32, #tpu.memory_space<hbm>>) target(%dma_start3A_510 : memref<2048xf32, #tpu.memory_space<vmem>>) target_semaphore(%arg21 : memref<!tpu.dma_semaphore, #tpu.memory_space<semaphore_mem>>)
        } else {
        }
        %ge3A_417 = arith.constant 2 : i32
        %ge3A_418 = arith.cmpi sge, %mul3A_332, %ge3A_417 : i32
        %convert_element_type3A_419 = arith.extui %ge3A_418 : i1 to i32
        %cond3A_420 = arith.constant 0 : i32
        %cond3A_421 = arith.cmpi ne, %convert_element_type3A_419, %cond3A_420 : i32
        scf.if %cond3A_421 {
          %sub3A_442 = arith.constant 2 : i32
          %sub3A_443 = arith.subi %mul3A_332, %sub3A_442 : i32
          %mul3A_444 = arith.constant 16 : i32
          %mul3A_445 = arith.muli %sub3A_443, %mul3A_444 : i32
          %add3A_446 = arith.addi %arg1, %mul3A_445 : i32
          %mul3A_447 = arith.constant 2048 : i32
          %mul3A_448 = arith.muli %add3A_446, %mul3A_447 : i32
          %min3A_449 = arith.constant 997952 : i32
          %min3A_450 = arith.minsi %mul3A_448, %min3A_449 : i32
          %multiple_of3A_451 = tpu.assume_multiple %min3A_450, 64 : i32
          %add3A_452 = arith.addi %mul3A_2, %multiple_of3A_451 : i32
          %dma_wait3A_453 = arith.constant 0 : i32
          %dma_wait3A_454 = tpu.memref_slice %arg12[%add3A_452, %dma_wait3A_453] : memref<2000000x8xf32, #tpu.memory_space<hbm>> -> memref<2048x8xf32, #tpu.memory_space<hbm>>
          %dma_wait3A_455 = arith.constant 0 : i32
          %dma_wait3A_456 = tpu.memref_slice %arg12[%add3A_452, %dma_wait3A_455] : memref<2000000x8xf32, #tpu.memory_space<hbm>> -> memref<2048x8xf32, #tpu.memory_space<hbm>>
          tpu.wait_dma2 semaphore(%arg24 : memref<!tpu.dma_semaphore, #tpu.memory_space<semaphore_mem>>) src(%arg18 : memref<2048x8xf32, #tpu.memory_space<vmem>>) dst(%dma_wait3A_456 : memref<2048x8xf32, #tpu.memory_space<hbm>>)
        } else {
        }
        %scan3A_422 = arith.constant 0 : i32
        %scan3A_423 = arith.constant 0 : i32
        %scan3A_424 = arith.constant 128 : i32
        %scan3A_425 = arith.addi %scan3A_423, %scan3A_424 : i32
        %scan3A_426 = arith.constant 4 : i32
        %scan3A_427 = scf.for %scan3A_442 = %scan3A_423 to %scan3A_425 step %scan3A_426 iter_args(%scan3A_443 = %scan3A_422) -> (i32)  : i32 {
          %mul3A_444 = arith.constant 16 : i32
          %mul3A_445 = arith.muli %scan3A_442, %mul3A_444 : i32
          %add3A_446 = vector.broadcast %mul3A_445 : i32 to vector<16xi32>
          %add3A_447 = arith.addi %iota3A, %add3A_446 : vector<16xi32>
          %mul3A_448 = arith.constant 16 : i32
          %mul3A_449 = arith.muli %scan3A_442, %mul3A_448 : i32
          %broadcast_in_dim3A = arith.constant 0 : i32
          %broadcast_in_dim3A_450 = vector.broadcast %broadcast_in_dim3A : i32 to vector<16xi32>
          %get3A = arith.constant 0 : i32
          %get3A_451 = arith.constant 0 : i32
          %get3A_452 = arith.index_cast %get3A : i32 to index
          %get3A_453 = arith.index_cast %get3A_451 : i32 to index
          %get3A_454 = arith.index_cast %mul3A_449 : i32 to index
          %get3A_455 = tpu.vector_load %arg17[%get3A_452, %get3A_453, %get3A_454] {strides = array<i32>} : memref<2x6x2048xf32, #tpu.memory_space<vmem>>, vector<16xf32>,
          tpu.vector_store_idx %arg18[%add3A_447, %broadcast_in_dim3A_450], %get3A_455 : memref<2048x8xf32, #tpu.memory_space<vmem>>[vector<16xi32>, vector<16xi32>], vector<16xf32>,
          %broadcast_in_dim3A_456 = arith.constant 1 : i32
          %broadcast_in_dim3A_457 = vector.broadcast %broadcast_in_dim3A_456 : i32 to vector<16xi32>
          %get3A_458 = arith.constant 0 : i32
          %get3A_459 = arith.constant 1 : i32
          %get3A_460 = arith.index_cast %get3A_458 : i32 to index
          %get3A_461 = arith.index_cast %get3A_459 : i32 to index
          %get3A_462 = arith.index_cast %mul3A_449 : i32 to index
          %get3A_463 = tpu.vector_load %arg17[%get3A_460, %get3A_461, %get3A_462] {strides = array<i32>} : memref<2x6x2048xf32, #tpu.memory_space<vmem>>, vector<16xf32>,
          tpu.vector_store_idx %arg18[%add3A_447, %broadcast_in_dim3A_457], %get3A_463 : memref<2048x8xf32, #tpu.memory_space<vmem>>[vector<16xi32>, vector<16xi32>], vector<16xf32>,
          %broadcast_in_dim3A_464 = arith.constant 2 : i32
          %broadcast_in_dim3A_465 = vector.broadcast %broadcast_in_dim3A_464 : i32 to vector<16xi32>
          %get3A_466 = arith.constant 0 : i32
          %get3A_467 = arith.constant 2 : i32
          %get3A_468 = arith.index_cast %get3A_466 : i32 to index
          %get3A_469 = arith.index_cast %get3A_467 : i32 to index
          %get3A_470 = arith.index_cast %mul3A_449 : i32 to index
          %get3A_471 = tpu.vector_load %arg17[%get3A_468, %get3A_469, %get3A_470] {strides = array<i32>} : memref<2x6x2048xf32, #tpu.memory_space<vmem>>, vector<16xf32>,
          tpu.vector_store_idx %arg18[%add3A_447, %broadcast_in_dim3A_465], %get3A_471 : memref<2048x8xf32, #tpu.memory_space<vmem>>[vector<16xi32>, vector<16xi32>], vector<16xf32>,
          %broadcast_in_dim3A_472 = arith.constant 3 : i32
          %broadcast_in_dim3A_473 = vector.broadcast %broadcast_in_dim3A_472 : i32 to vector<16xi32>
          %get3A_474 = arith.constant 0 : i32
          %get3A_475 = arith.constant 3 : i32
          %get3A_476 = arith.index_cast %get3A_474 : i32 to index
          %get3A_477 = arith.index_cast %get3A_475 : i32 to index
          %get3A_478 = arith.index_cast %mul3A_449 : i32 to index
          %get3A_479 = tpu.vector_load %arg17[%get3A_476, %get3A_477, %get3A_478] {strides = array<i32>} : memref<2x6x2048xf32, #tpu.memory_space<vmem>>, vector<16xf32>,
          tpu.vector_store_idx %arg18[%add3A_447, %broadcast_in_dim3A_473], %get3A_479 : memref<2048x8xf32, #tpu.memory_space<vmem>>[vector<16xi32>, vector<16xi32>], vector<16xf32>,
          %broadcast_in_dim3A_480 = arith.constant 4 : i32
          %broadcast_in_dim3A_481 = vector.broadcast %broadcast_in_dim3A_480 : i32 to vector<16xi32>
          %get3A_482 = arith.constant 0 : i32
          %get3A_483 = arith.constant 4 : i32
          %get3A_484 = arith.index_cast %get3A_482 : i32 to index
          %get3A_485 = arith.index_cast %get3A_483 : i32 to index
          %get3A_486 = arith.index_cast %mul3A_449 : i32 to index
          %get3A_487 = tpu.vector_load %arg17[%get3A_484, %get3A_485, %get3A_486] {strides = array<i32>} : memref<2x6x2048xf32, #tpu.memory_space<vmem>>, vector<16xf32>,
          tpu.vector_store_idx %arg18[%add3A_447, %broadcast_in_dim3A_481], %get3A_487 : memref<2048x8xf32, #tpu.memory_space<vmem>>[vector<16xi32>, vector<16xi32>], vector<16xf32>,
          %broadcast_in_dim3A_488 = arith.constant 5 : i32
          %broadcast_in_dim3A_489 = vector.broadcast %broadcast_in_dim3A_488 : i32 to vector<16xi32>
          %get3A_490 = arith.constant 0 : i32
          %get3A_491 = arith.constant 5 : i32
          %get3A_492 = arith.index_cast %get3A_490 : i32 to index
          %get3A_493 = arith.index_cast %get3A_491 : i32 to index
          %get3A_494 = arith.index_cast %mul3A_449 : i32 to index
          %get3A_495 = tpu.vector_load %arg17[%get3A_492, %get3A_493, %get3A_494] {strides = array<i32>} : memref<2x6x2048xf32, #tpu.memory_space<vmem>>, vector<16xf32>,
          tpu.vector_store_idx %arg18[%add3A_447, %broadcast_in_dim3A_489], %get3A_495 : memref<2048x8xf32, #tpu.memory_space<vmem>>[vector<16xi32>, vector<16xi32>], vector<16xf32>,
          %scan3A_496 = arith.constant 0 : i32
          %scan3A_497 = arith.constant 1 : i32
          %scan3A_498 = arith.addi %scan3A_442, %scan3A_497 : i32
          %mul3A_499 = arith.constant 16 : i32
          %mul3A_500 = arith.muli %scan3A_498, %mul3A_499 : i32
          %add3A_501 = vector.broadcast %mul3A_500 : i32 to vector<16xi32>
          %add3A_502 = arith.addi %iota3A, %add3A_501 : vector<16xi32>
          %mul3A_503 = arith.constant 16 : i32
          %mul3A_504 = arith.muli %scan3A_498, %mul3A_503 : i32
          %broadcast_in_dim3A_505 = arith.constant 0 : i32
          %broadcast_in_dim3A_506 = vector.broadcast %broadcast_in_dim3A_505 : i32 to vector<16xi32>
          %get3A_507 = arith.constant 0 : i32
          %get3A_508 = arith.constant 0 : i32
          %get3A_509 = arith.index_cast %get3A_507 : i32 to index
          %get3A_510 = arith.index_cast %get3A_508 : i32 to index
          %get3A_511 = arith.index_cast %mul3A_504 : i32 to index
          %get3A_512 = tpu.vector_load %arg17[%get3A_509, %get3A_510, %get3A_511] {strides = array<i32>} : memref<2x6x2048xf32, #tpu.memory_space<vmem>>, vector<16xf32>,
          tpu.vector_store_idx %arg18[%add3A_502, %broadcast_in_dim3A_506], %get3A_512 : memref<2048x8xf32, #tpu.memory_space<vmem>>[vector<16xi32>, vector<16xi32>], vector<16xf32>,
          %broadcast_in_dim3A_513 = arith.constant 1 : i32
          %broadcast_in_dim3A_514 = vector.broadcast %broadcast_in_dim3A_513 : i32 to vector<16xi32>
          %get3A_515 = arith.constant 0 : i32
          %get3A_516 = arith.constant 1 : i32
          %get3A_517 = arith.index_cast %get3A_515 : i32 to index
          %get3A_518 = arith.index_cast %get3A_516 : i32 to index
          %get3A_519 = arith.index_cast %mul3A_504 : i32 to index
          %get3A_520 = tpu.vector_load %arg17[%get3A_517, %get3A_518, %get3A_519] {strides = array<i32>} : memref<2x6x2048xf32, #tpu.memory_space<vmem>>, vector<16xf32>,
          tpu.vector_store_idx %arg18[%add3A_502, %broadcast_in_dim3A_514], %get3A_520 : memref<2048x8xf32, #tpu.memory_space<vmem>>[vector<16xi32>, vector<16xi32>], vector<16xf32>,
          %broadcast_in_dim3A_521 = arith.constant 2 : i32
          %broadcast_in_dim3A_522 = vector.broadcast %broadcast_in_dim3A_521 : i32 to vector<16xi32>
          %get3A_523 = arith.constant 0 : i32
          %get3A_524 = arith.constant 2 : i32
          %get3A_525 = arith.index_cast %get3A_523 : i32 to index
          %get3A_526 = arith.index_cast %get3A_524 : i32 to index
          %get3A_527 = arith.index_cast %mul3A_504 : i32 to index
          %get3A_528 = tpu.vector_load %arg17[%get3A_525, %get3A_526, %get3A_527] {strides = array<i32>} : memref<2x6x2048xf32, #tpu.memory_space<vmem>>, vector<16xf32>,
          tpu.vector_store_idx %arg18[%add3A_502, %broadcast_in_dim3A_522], %get3A_528 : memref<2048x8xf32, #tpu.memory_space<vmem>>[vector<16xi32>, vector<16xi32>], vector<16xf32>,
          %broadcast_in_dim3A_529 = arith.constant 3 : i32
          %broadcast_in_dim3A_530 = vector.broadcast %broadcast_in_dim3A_529 : i32 to vector<16xi32>
          %get3A_531 = arith.constant 0 : i32
          %get3A_532 = arith.constant 3 : i32
          %get3A_533 = arith.index_cast %get3A_531 : i32 to index
          %get3A_534 = arith.index_cast %get3A_532 : i32 to index
          %get3A_535 = arith.index_cast %mul3A_504 : i32 to index
          %get3A_536 = tpu.vector_load %arg17[%get3A_533, %get3A_534, %get3A_535] {strides = array<i32>} : memref<2x6x2048xf32, #tpu.memory_space<vmem>>, vector<16xf32>,
          tpu.vector_store_idx %arg18[%add3A_502, %broadcast_in_dim3A_530], %get3A_536 : memref<2048x8xf32, #tpu.memory_space<vmem>>[vector<16xi32>, vector<16xi32>], vector<16xf32>,
          %broadcast_in_dim3A_537 = arith.constant 4 : i32
          %broadcast_in_dim3A_538 = vector.broadcast %broadcast_in_dim3A_537 : i32 to vector<16xi32>
          %get3A_539 = arith.constant 0 : i32
          %get3A_540 = arith.constant 4 : i32
          %get3A_541 = arith.index_cast %get3A_539 : i32 to index
          %get3A_542 = arith.index_cast %get3A_540 : i32 to index
          %get3A_543 = arith.index_cast %mul3A_504 : i32 to index
          %get3A_544 = tpu.vector_load %arg17[%get3A_541, %get3A_542, %get3A_543] {strides = array<i32>} : memref<2x6x2048xf32, #tpu.memory_space<vmem>>, vector<16xf32>,
          tpu.vector_store_idx %arg18[%add3A_502, %broadcast_in_dim3A_538], %get3A_544 : memref<2048x8xf32, #tpu.memory_space<vmem>>[vector<16xi32>, vector<16xi32>], vector<16xf32>,
          %broadcast_in_dim3A_545 = arith.constant 5 : i32
          %broadcast_in_dim3A_546 = vector.broadcast %broadcast_in_dim3A_545 : i32 to vector<16xi32>
          %get3A_547 = arith.constant 0 : i32
          %get3A_548 = arith.constant 5 : i32
          %get3A_549 = arith.index_cast %get3A_547 : i32 to index
          %get3A_550 = arith.index_cast %get3A_548 : i32 to index
          %get3A_551 = arith.index_cast %mul3A_504 : i32 to index
          %get3A_552 = tpu.vector_load %arg17[%get3A_549, %get3A_550, %get3A_551] {strides = array<i32>} : memref<2x6x2048xf32, #tpu.memory_space<vmem>>, vector<16xf32>,
          tpu.vector_store_idx %arg18[%add3A_502, %broadcast_in_dim3A_546], %get3A_552 : memref<2048x8xf32, #tpu.memory_space<vmem>>[vector<16xi32>, vector<16xi32>], vector<16xf32>,
          %scan3A_553 = arith.constant 0 : i32
          %scan3A_554 = arith.constant 2 : i32
          %scan3A_555 = arith.addi %scan3A_442, %scan3A_554 : i32
          %mul3A_556 = arith.constant 16 : i32
          %mul3A_557 = arith.muli %scan3A_555, %mul3A_556 : i32
          %add3A_558 = vector.broadcast %mul3A_557 : i32 to vector<16xi32>
          %add3A_559 = arith.addi %iota3A, %add3A_558 : vector<16xi32>
          %mul3A_560 = arith.constant 16 : i32
          %mul3A_561 = arith.muli %scan3A_555, %mul3A_560 : i32
          %broadcast_in_dim3A_562 = arith.constant 0 : i32
          %broadcast_in_dim3A_563 = vector.broadcast %broadcast_in_dim3A_562 : i32 to vector<16xi32>
          %get3A_564 = arith.constant 0 : i32
          %get3A_565 = arith.constant 0 : i32
          %get3A_566 = arith.index_cast %get3A_564 : i32 to index
          %get3A_567 = arith.index_cast %get3A_565 : i32 to index
          %get3A_568 = arith.index_cast %mul3A_561 : i32 to index
          %get3A_569 = tpu.vector_load %arg17[%get3A_566, %get3A_567, %get3A_568] {strides = array<i32>} : memref<2x6x2048xf32, #tpu.memory_space<vmem>>, vector<16xf32>,
          tpu.vector_store_idx %arg18[%add3A_559, %broadcast_in_dim3A_563], %get3A_569 : memref<2048x8xf32, #tpu.memory_space<vmem>>[vector<16xi32>, vector<16xi32>], vector<16xf32>,
          %broadcast_in_dim3A_570 = arith.constant 1 : i32
          %broadcast_in_dim3A_571 = vector.broadcast %broadcast_in_dim3A_570 : i32 to vector<16xi32>
          %get3A_572 = arith.constant 0 : i32
          %get3A_573 = arith.constant 1 : i32
          %get3A_574 = arith.index_cast %get3A_572 : i32 to index
          %get3A_575 = arith.index_cast %get3A_573 : i32 to index
          %get3A_576 = arith.index_cast %mul3A_561 : i32 to index
          %get3A_577 = tpu.vector_load %arg17[%get3A_574, %get3A_575, %get3A_576] {strides = array<i32>} : memref<2x6x2048xf32, #tpu.memory_space<vmem>>, vector<16xf32>,
          tpu.vector_store_idx %arg18[%add3A_559, %broadcast_in_dim3A_571], %get3A_577 : memref<2048x8xf32, #tpu.memory_space<vmem>>[vector<16xi32>, vector<16xi32>], vector<16xf32>,
          %broadcast_in_dim3A_578 = arith.constant 2 : i32
          %broadcast_in_dim3A_579 = vector.broadcast %broadcast_in_dim3A_578 : i32 to vector<16xi32>
          %get3A_580 = arith.constant 0 : i32
          %get3A_581 = arith.constant 2 : i32
          %get3A_582 = arith.index_cast %get3A_580 : i32 to index
          %get3A_583 = arith.index_cast %get3A_581 : i32 to index
          %get3A_584 = arith.index_cast %mul3A_561 : i32 to index
          %get3A_585 = tpu.vector_load %arg17[%get3A_582, %get3A_583, %get3A_584] {strides = array<i32>} : memref<2x6x2048xf32, #tpu.memory_space<vmem>>, vector<16xf32>,
          tpu.vector_store_idx %arg18[%add3A_559, %broadcast_in_dim3A_579], %get3A_585 : memref<2048x8xf32, #tpu.memory_space<vmem>>[vector<16xi32>, vector<16xi32>], vector<16xf32>,
          %broadcast_in_dim3A_586 = arith.constant 3 : i32
          %broadcast_in_dim3A_587 = vector.broadcast %broadcast_in_dim3A_586 : i32 to vector<16xi32>
          %get3A_588 = arith.constant 0 : i32
          %get3A_589 = arith.constant 3 : i32
          %get3A_590 = arith.index_cast %get3A_588 : i32 to index
          %get3A_591 = arith.index_cast %get3A_589 : i32 to index
          %get3A_592 = arith.index_cast %mul3A_561 : i32 to index
          %get3A_593 = tpu.vector_load %arg17[%get3A_590, %get3A_591, %get3A_592] {strides = array<i32>} : memref<2x6x2048xf32, #tpu.memory_space<vmem>>, vector<16xf32>,
          tpu.vector_store_idx %arg18[%add3A_559, %broadcast_in_dim3A_587], %get3A_593 : memref<2048x8xf32, #tpu.memory_space<vmem>>[vector<16xi32>, vector<16xi32>], vector<16xf32>,
          %broadcast_in_dim3A_594 = arith.constant 4 : i32
          %broadcast_in_dim3A_595 = vector.broadcast %broadcast_in_dim3A_594 : i32 to vector<16xi32>
          %get3A_596 = arith.constant 0 : i32
          %get3A_597 = arith.constant 4 : i32
          %get3A_598 = arith.index_cast %get3A_596 : i32 to index
          %get3A_599 = arith.index_cast %get3A_597 : i32 to index
          %get3A_600 = arith.index_cast %mul3A_561 : i32 to index
          %get3A_601 = tpu.vector_load %arg17[%get3A_598, %get3A_599, %get3A_600] {strides = array<i32>} : memref<2x6x2048xf32, #tpu.memory_space<vmem>>, vector<16xf32>,
          tpu.vector_store_idx %arg18[%add3A_559, %broadcast_in_dim3A_595], %get3A_601 : memref<2048x8xf32, #tpu.memory_space<vmem>>[vector<16xi32>, vector<16xi32>], vector<16xf32>,
          %broadcast_in_dim3A_602 = arith.constant 5 : i32
          %broadcast_in_dim3A_603 = vector.broadcast %broadcast_in_dim3A_602 : i32 to vector<16xi32>
          %get3A_604 = arith.constant 0 : i32
          %get3A_605 = arith.constant 5 : i32
          %get3A_606 = arith.index_cast %get3A_604 : i32 to index
          %get3A_607 = arith.index_cast %get3A_605 : i32 to index
          %get3A_608 = arith.index_cast %mul3A_561 : i32 to index
          %get3A_609 = tpu.vector_load %arg17[%get3A_606, %get3A_607, %get3A_608] {strides = array<i32>} : memref<2x6x2048xf32, #tpu.memory_space<vmem>>, vector<16xf32>,
          tpu.vector_store_idx %arg18[%add3A_559, %broadcast_in_dim3A_603], %get3A_609 : memref<2048x8xf32, #tpu.memory_space<vmem>>[vector<16xi32>, vector<16xi32>], vector<16xf32>,
          %scan3A_610 = arith.constant 0 : i32
          %scan3A_611 = arith.constant 3 : i32
          %scan3A_612 = arith.addi %scan3A_442, %scan3A_611 : i32
          %mul3A_613 = arith.constant 16 : i32
          %mul3A_614 = arith.muli %scan3A_612, %mul3A_613 : i32
          %add3A_615 = vector.broadcast %mul3A_614 : i32 to vector<16xi32>
          %add3A_616 = arith.addi %iota3A, %add3A_615 : vector<16xi32>
          %mul3A_617 = arith.constant 16 : i32
          %mul3A_618 = arith.muli %scan3A_612, %mul3A_617 : i32
          %broadcast_in_dim3A_619 = arith.constant 0 : i32
          %broadcast_in_dim3A_620 = vector.broadcast %broadcast_in_dim3A_619 : i32 to vector<16xi32>
          %get3A_621 = arith.constant 0 : i32
          %get3A_622 = arith.constant 0 : i32
          %get3A_623 = arith.index_cast %get3A_621 : i32 to index
          %get3A_624 = arith.index_cast %get3A_622 : i32 to index
          %get3A_625 = arith.index_cast %mul3A_618 : i32 to index
          %get3A_626 = tpu.vector_load %arg17[%get3A_623, %get3A_624, %get3A_625] {strides = array<i32>} : memref<2x6x2048xf32, #tpu.memory_space<vmem>>, vector<16xf32>,
          tpu.vector_store_idx %arg18[%add3A_616, %broadcast_in_dim3A_620], %get3A_626 : memref<2048x8xf32, #tpu.memory_space<vmem>>[vector<16xi32>, vector<16xi32>], vector<16xf32>,
          %broadcast_in_dim3A_627 = arith.constant 1 : i32
          %broadcast_in_dim3A_628 = vector.broadcast %broadcast_in_dim3A_627 : i32 to vector<16xi32>
          %get3A_629 = arith.constant 0 : i32
          %get3A_630 = arith.constant 1 : i32
          %get3A_631 = arith.index_cast %get3A_629 : i32 to index
          %get3A_632 = arith.index_cast %get3A_630 : i32 to index
          %get3A_633 = arith.index_cast %mul3A_618 : i32 to index
          %get3A_634 = tpu.vector_load %arg17[%get3A_631, %get3A_632, %get3A_633] {strides = array<i32>} : memref<2x6x2048xf32, #tpu.memory_space<vmem>>, vector<16xf32>,
          tpu.vector_store_idx %arg18[%add3A_616, %broadcast_in_dim3A_628], %get3A_634 : memref<2048x8xf32, #tpu.memory_space<vmem>>[vector<16xi32>, vector<16xi32>], vector<16xf32>,
          %broadcast_in_dim3A_635 = arith.constant 2 : i32
          %broadcast_in_dim3A_636 = vector.broadcast %broadcast_in_dim3A_635 : i32 to vector<16xi32>
          %get3A_637 = arith.constant 0 : i32
          %get3A_638 = arith.constant 2 : i32
          %get3A_639 = arith.index_cast %get3A_637 : i32 to index
          %get3A_640 = arith.index_cast %get3A_638 : i32 to index
          %get3A_641 = arith.index_cast %mul3A_618 : i32 to index
          %get3A_642 = tpu.vector_load %arg17[%get3A_639, %get3A_640, %get3A_641] {strides = array<i32>} : memref<2x6x2048xf32, #tpu.memory_space<vmem>>, vector<16xf32>,
          tpu.vector_store_idx %arg18[%add3A_616, %broadcast_in_dim3A_636], %get3A_642 : memref<2048x8xf32, #tpu.memory_space<vmem>>[vector<16xi32>, vector<16xi32>], vector<16xf32>,
          %broadcast_in_dim3A_643 = arith.constant 3 : i32
          %broadcast_in_dim3A_644 = vector.broadcast %broadcast_in_dim3A_643 : i32 to vector<16xi32>
          %get3A_645 = arith.constant 0 : i32
          %get3A_646 = arith.constant 3 : i32
          %get3A_647 = arith.index_cast %get3A_645 : i32 to index
          %get3A_648 = arith.index_cast %get3A_646 : i32 to index
          %get3A_649 = arith.index_cast %mul3A_618 : i32 to index
          %get3A_650 = tpu.vector_load %arg17[%get3A_647, %get3A_648, %get3A_649] {strides = array<i32>} : memref<2x6x2048xf32, #tpu.memory_space<vmem>>, vector<16xf32>,
          tpu.vector_store_idx %arg18[%add3A_616, %broadcast_in_dim3A_644], %get3A_650 : memref<2048x8xf32, #tpu.memory_space<vmem>>[vector<16xi32>, vector<16xi32>], vector<16xf32>,
          %broadcast_in_dim3A_651 = arith.constant 4 : i32
          %broadcast_in_dim3A_652 = vector.broadcast %broadcast_in_dim3A_651 : i32 to vector<16xi32>
          %get3A_653 = arith.constant 0 : i32
          %get3A_654 = arith.constant 4 : i32
          %get3A_655 = arith.index_cast %get3A_653 : i32 to index
          %get3A_656 = arith.index_cast %get3A_654 : i32 to index
          %get3A_657 = arith.index_cast %mul3A_618 : i32 to index
          %get3A_658 = tpu.vector_load %arg17[%get3A_655, %get3A_656, %get3A_657] {strides = array<i32>} : memref<2x6x2048xf32, #tpu.memory_space<vmem>>, vector<16xf32>,
          tpu.vector_store_idx %arg18[%add3A_616, %broadcast_in_dim3A_652], %get3A_658 : memref<2048x8xf32, #tpu.memory_space<vmem>>[vector<16xi32>, vector<16xi32>], vector<16xf32>,
          %broadcast_in_dim3A_659 = arith.constant 5 : i32
          %broadcast_in_dim3A_660 = vector.broadcast %broadcast_in_dim3A_659 : i32 to vector<16xi32>
          %get3A_661 = arith.constant 0 : i32
          %get3A_662 = arith.constant 5 : i32
          %get3A_663 = arith.index_cast %get3A_661 : i32 to index
          %get3A_664 = arith.index_cast %get3A_662 : i32 to index
          %get3A_665 = arith.index_cast %mul3A_618 : i32 to index
          %get3A_666 = tpu.vector_load %arg17[%get3A_663, %get3A_664, %get3A_665] {strides = array<i32>} : memref<2x6x2048xf32, #tpu.memory_space<vmem>>, vector<16xf32>,
          tpu.vector_store_idx %arg18[%add3A_616, %broadcast_in_dim3A_660], %get3A_666 : memref<2048x8xf32, #tpu.memory_space<vmem>>[vector<16xi32>, vector<16xi32>], vector<16xf32>,
          %scan3A_667 = arith.constant 0 : i32
          scf.yield %scan3A_667 : i32
        }
        %scan3A_428 = arith.constant 128 : i32
        %mul3A_429 = arith.constant 16 : i32
        %mul3A_430 = arith.muli %mul3A_332, %mul3A_429 : i32
        %add3A_431 = arith.addi %arg1, %mul3A_430 : i32
        %mul3A_432 = arith.constant 2048 : i32
        %mul3A_433 = arith.muli %add3A_431, %mul3A_432 : i32
        %min3A_434 = arith.constant 997952 : i32
        %min3A_435 = arith.minsi %mul3A_433, %min3A_434 : i32
        %multiple_of3A_436 = tpu.assume_multiple %min3A_435, 64 : i32
        %add3A_437 = arith.addi %mul3A_2, %multiple_of3A_436 : i32
        %dma_start3A_438 = arith.constant 0 : i32
        %dma_start3A_439 = tpu.memref_slice %arg12[%add3A_437, %dma_start3A_438] : memref<2000000x8xf32, #tpu.memory_space<hbm>> -> memref<2048x8xf32, #tpu.memory_space<hbm>>
        %dma_start3A_440 = arith.constant 0 : i32
        %dma_start3A_441 = tpu.memref_slice %arg12[%add3A_437, %dma_start3A_440] : memref<2000000x8xf32, #tpu.memory_space<hbm>> -> memref<2048x8xf32, #tpu.memory_space<hbm>>
        tpu.enqueue_dma source(%arg18 : memref<2048x8xf32, #tpu.memory_space<vmem>>) target(%dma_start3A_441 : memref<2048x8xf32, #tpu.memory_space<hbm>>) target_semaphore(%arg24 : memref<!tpu.dma_semaphore, #tpu.memory_space<semaphore_mem>>)
      } else {
      }
      %add3A_336 = arith.constant 1 : i32
      %add3A_337 = arith.addi %mul3A_332, %add3A_336 : i32
      %lt3A_338 = arith.cmpi slt, %add3A_337, %select_n3A : i32
      %convert_element_type3A_339 = arith.extui %lt3A_338 : i1 to i32
      %cond3A_340 = arith.constant 0 : i32
      %cond3A_341 = arith.cmpi ne, %convert_element_type3A_339, %cond3A_340 : i32
      scf.if %cond3A_341 {
        %add3A_343 = arith.constant 1 : i32
        %add3A_344 = arith.addi %mul3A_332, %add3A_343 : i32
        %mul3A_345 = arith.constant 16 : i32
        %mul3A_346 = arith.muli %add3A_344, %mul3A_345 : i32
        %add3A_347 = arith.addi %arg1, %mul3A_346 : i32
        %mul3A_348 = arith.constant 2048 : i32
        %mul3A_349 = arith.muli %add3A_347, %mul3A_348 : i32
        %min3A_350 = arith.constant 997952 : i32
        %min3A_351 = arith.minsi %mul3A_349, %min3A_350 : i32
        %multiple_of3A_352 = tpu.assume_multiple %min3A_351, 64 : i32
        %dma_wait3A_353 = arith.constant 1 : i32
        %dma_wait3A_354 = arith.constant 0 : i32
        %dma_wait3A_355 = arith.constant 0 : i32
        %dma_wait3A_356 = tpu.memref_slice %arg17[%dma_wait3A_353, %dma_wait3A_354, %dma_wait3A_355] : memref<2x6x2048xf32, #tpu.memory_space<vmem>> -> memref<1x1x2048xf32, #tpu.memory_space<vmem>>
        %dma_wait3A_357 = tpu.memref_squeeze %dma_wait3A_356 : memref<1x1x2048xf32, #tpu.memory_space<vmem>> -> memref<2048xf32, #tpu.memory_space<vmem>>
        %dma_wait3A_358 = tpu.memref_slice %arg5[%multiple_of3A_352] : memref<1000000xf32, #tpu.memory_space<hbm>> -> memref<2048xf32, #tpu.memory_space<hbm>>
        %dma_wait3A_359 = arith.constant 0 : i32
        %dma_wait3A_360 = tpu.memref_slice %arg17[%dma_wait3A_353, %dma_wait3A_354, %dma_wait3A_359] : memref<2x6x2048xf32, #tpu.memory_space<vmem>> -> memref<1x1x2048xf32, #tpu.memory_space<vmem>>
        %dma_wait3A_361 = tpu.memref_squeeze %dma_wait3A_360 : memref<1x1x2048xf32, #tpu.memory_space<vmem>> -> memref<2048xf32, #tpu.memory_space<vmem>>
        %dma_wait3A_362 = tpu.memref_slice %arg5[%multiple_of3A_352] : memref<1000000xf32, #tpu.memory_space<hbm>> -> memref<2048xf32, #tpu.memory_space<hbm>>
        tpu.wait_dma2 semaphore(%arg21 : memref<!tpu.dma_semaphore, #tpu.memory_space<semaphore_mem>>) src(%dma_wait3A_362 : memref<2048xf32, #tpu.memory_space<hbm>>) dst(%dma_wait3A_361 : memref<2048xf32, #tpu.memory_space<vmem>>)
        %dma_wait3A_363 = arith.constant 1 : i32
        %dma_wait3A_364 = arith.constant 1 : i32
        %dma_wait3A_365 = arith.constant 0 : i32
        %dma_wait3A_366 = tpu.memref_slice %arg17[%dma_wait3A_363, %dma_wait3A_364, %dma_wait3A_365] : memref<2x6x2048xf32, #tpu.memory_space<vmem>> -> memref<1x1x2048xf32, #tpu.memory_space<vmem>>
        %dma_wait3A_367 = tpu.memref_squeeze %dma_wait3A_366 : memref<1x1x2048xf32, #tpu.memory_space<vmem>> -> memref<2048xf32, #tpu.memory_space<vmem>>
        %dma_wait3A_368 = tpu.memref_slice %arg6[%multiple_of3A_352] : memref<1000000xf32, #tpu.memory_space<hbm>> -> memref<2048xf32, #tpu.memory_space<hbm>>
        %dma_wait3A_369 = arith.constant 0 : i32
        %dma_wait3A_370 = tpu.memref_slice %arg17[%dma_wait3A_363, %dma_wait3A_364, %dma_wait3A_369] : memref<2x6x2048xf32, #tpu.memory_space<vmem>> -> memref<1x1x2048xf32, #tpu.memory_space<vmem>>
        %dma_wait3A_371 = tpu.memref_squeeze %dma_wait3A_370 : memref<1x1x2048xf32, #tpu.memory_space<vmem>> -> memref<2048xf32, #tpu.memory_space<vmem>>
        %dma_wait3A_372 = tpu.memref_slice %arg6[%multiple_of3A_352] : memref<1000000xf32, #tpu.memory_space<hbm>> -> memref<2048xf32, #tpu.memory_space<hbm>>
        tpu.wait_dma2 semaphore(%arg21 : memref<!tpu.dma_semaphore, #tpu.memory_space<semaphore_mem>>) src(%dma_wait3A_372 : memref<2048xf32, #tpu.memory_space<hbm>>) dst(%dma_wait3A_371 : memref<2048xf32, #tpu.memory_space<vmem>>)
        %dma_wait3A_373 = arith.constant 1 : i32
        %dma_wait3A_374 = arith.constant 2 : i32
        %dma_wait3A_375 = arith.constant 0 : i32
        %dma_wait3A_376 = tpu.memref_slice %arg17[%dma_wait3A_373, %dma_wait3A_374, %dma_wait3A_375] : memref<2x6x2048xf32, #tpu.memory_space<vmem>> -> memref<1x1x2048xf32, #tpu.memory_space<vmem>>
        %dma_wait3A_377 = tpu.memref_squeeze %dma_wait3A_376 : memref<1x1x2048xf32, #tpu.memory_space<vmem>> -> memref<2048xf32, #tpu.memory_space<vmem>>
        %dma_wait3A_378 = tpu.memref_slice %arg7[%multiple_of3A_352] : memref<1000000xf32, #tpu.memory_space<hbm>> -> memref<2048xf32, #tpu.memory_space<hbm>>
        %dma_wait3A_379 = arith.constant 0 : i32
        %dma_wait3A_380 = tpu.memref_slice %arg17[%dma_wait3A_373, %dma_wait3A_374, %dma_wait3A_379] : memref<2x6x2048xf32, #tpu.memory_space<vmem>> -> memref<1x1x2048xf32, #tpu.memory_space<vmem>>
        %dma_wait3A_381 = tpu.memref_squeeze %dma_wait3A_380 : memref<1x1x2048xf32, #tpu.memory_space<vmem>> -> memref<2048xf32, #tpu.memory_space<vmem>>
        %dma_wait3A_382 = tpu.memref_slice %arg7[%multiple_of3A_352] : memref<1000000xf32, #tpu.memory_space<hbm>> -> memref<2048xf32, #tpu.memory_space<hbm>>
        tpu.wait_dma2 semaphore(%arg21 : memref<!tpu.dma_semaphore, #tpu.memory_space<semaphore_mem>>) src(%dma_wait3A_382 : memref<2048xf32, #tpu.memory_space<hbm>>) dst(%dma_wait3A_381 : memref<2048xf32, #tpu.memory_space<vmem>>)
        %dma_wait3A_383 = arith.constant 1 : i32
        %dma_wait3A_384 = arith.constant 3 : i32
        %dma_wait3A_385 = arith.constant 0 : i32
        %dma_wait3A_386 = tpu.memref_slice %arg17[%dma_wait3A_383, %dma_wait3A_384, %dma_wait3A_385] : memref<2x6x2048xf32, #tpu.memory_space<vmem>> -> memref<1x1x2048xf32, #tpu.memory_space<vmem>>
        %dma_wait3A_387 = tpu.memref_squeeze %dma_wait3A_386 : memref<1x1x2048xf32, #tpu.memory_space<vmem>> -> memref<2048xf32, #tpu.memory_space<vmem>>
        %dma_wait3A_388 = tpu.memref_slice %arg8[%multiple_of3A_352] : memref<1000000xf32, #tpu.memory_space<hbm>> -> memref<2048xf32, #tpu.memory_space<hbm>>
        %dma_wait3A_389 = arith.constant 0 : i32
        %dma_wait3A_390 = tpu.memref_slice %arg17[%dma_wait3A_383, %dma_wait3A_384, %dma_wait3A_389] : memref<2x6x2048xf32, #tpu.memory_space<vmem>> -> memref<1x1x2048xf32, #tpu.memory_space<vmem>>
        %dma_wait3A_391 = tpu.memref_squeeze %dma_wait3A_390 : memref<1x1x2048xf32, #tpu.memory_space<vmem>> -> memref<2048xf32, #tpu.memory_space<vmem>>
        %dma_wait3A_392 = tpu.memref_slice %arg8[%multiple_of3A_352] : memref<1000000xf32, #tpu.memory_space<hbm>> -> memref<2048xf32, #tpu.memory_space<hbm>>
        tpu.wait_dma2 semaphore(%arg21 : memref<!tpu.dma_semaphore, #tpu.memory_space<semaphore_mem>>) src(%dma_wait3A_392 : memref<2048xf32, #tpu.memory_space<hbm>>) dst(%dma_wait3A_391 : memref<2048xf32, #tpu.memory_space<vmem>>)
        %dma_wait3A_393 = arith.constant 1 : i32
        %dma_wait3A_394 = arith.constant 4 : i32
        %dma_wait3A_395 = arith.constant 0 : i32
        %dma_wait3A_396 = tpu.memref_slice %arg17[%dma_wait3A_393, %dma_wait3A_394, %dma_wait3A_395] : memref<2x6x2048xf32, #tpu.memory_space<vmem>> -> memref<1x1x2048xf32, #tpu.memory_space<vmem>>
        %dma_wait3A_397 = tpu.memref_squeeze %dma_wait3A_396 : memref<1x1x2048xf32, #tpu.memory_space<vmem>> -> memref<2048xf32, #tpu.memory_space<vmem>>
        %dma_wait3A_398 = tpu.memref_slice %arg9[%multiple_of3A_352] : memref<1000000xf32, #tpu.memory_space<hbm>> -> memref<2048xf32, #tpu.memory_space<hbm>>
        %dma_wait3A_399 = arith.constant 0 : i32
        %dma_wait3A_400 = tpu.memref_slice %arg17[%dma_wait3A_393, %dma_wait3A_394, %dma_wait3A_399] : memref<2x6x2048xf32, #tpu.memory_space<vmem>> -> memref<1x1x2048xf32, #tpu.memory_space<vmem>>
        %dma_wait3A_401 = tpu.memref_squeeze %dma_wait3A_400 : memref<1x1x2048xf32, #tpu.memory_space<vmem>> -> memref<2048xf32, #tpu.memory_space<vmem>>
        %dma_wait3A_402 = tpu.memref_slice %arg9[%multiple_of3A_352] : memref<1000000xf32, #tpu.memory_space<hbm>> -> memref<2048xf32, #tpu.memory_space<hbm>>
        tpu.wait_dma2 semaphore(%arg21 : memref<!tpu.dma_semaphore, #tpu.memory_space<semaphore_mem>>) src(%dma_wait3A_402 : memref<2048xf32, #tpu.memory_space<hbm>>) dst(%dma_wait3A_401 : memref<2048xf32, #tpu.memory_space<vmem>>)
        %dma_wait3A_403 = arith.constant 1 : i32
        %dma_wait3A_404 = arith.constant 5 : i32
        %dma_wait3A_405 = arith.constant 0 : i32
        %dma_wait3A_406 = tpu.memref_slice %arg17[%dma_wait3A_403, %dma_wait3A_404, %dma_wait3A_405] : memref<2x6x2048xf32, #tpu.memory_space<vmem>> -> memref<1x1x2048xf32, #tpu.memory_space<vmem>>
        %dma_wait3A_407 = tpu.memref_squeeze %dma_wait3A_406 : memref<1x1x2048xf32, #tpu.memory_space<vmem>> -> memref<2048xf32, #tpu.memory_space<vmem>>
        %dma_wait3A_408 = tpu.memref_slice %arg10[%multiple_of3A_352] : memref<1000000xf32, #tpu.memory_space<hbm>> -> memref<2048xf32, #tpu.memory_space<hbm>>
        %dma_wait3A_409 = arith.constant 0 : i32
        %dma_wait3A_410 = tpu.memref_slice %arg17[%dma_wait3A_403, %dma_wait3A_404, %dma_wait3A_409] : memref<2x6x2048xf32, #tpu.memory_space<vmem>> -> memref<1x1x2048xf32, #tpu.memory_space<vmem>>
        %dma_wait3A_411 = tpu.memref_squeeze %dma_wait3A_410 : memref<1x1x2048xf32, #tpu.memory_space<vmem>> -> memref<2048xf32, #tpu.memory_space<vmem>>
        %dma_wait3A_412 = tpu.memref_slice %arg10[%multiple_of3A_352] : memref<1000000xf32, #tpu.memory_space<hbm>> -> memref<2048xf32, #tpu.memory_space<hbm>>
        tpu.wait_dma2 semaphore(%arg21 : memref<!tpu.dma_semaphore, #tpu.memory_space<semaphore_mem>>) src(%dma_wait3A_412 : memref<2048xf32, #tpu.memory_space<hbm>>) dst(%dma_wait3A_411 : memref<2048xf32, #tpu.memory_space<vmem>>)
        %add3A_413 = arith.constant 1 : i32
        %add3A_414 = arith.addi %add3A_344, %add3A_413 : i32
        %lt3A_415 = arith.cmpi slt, %add3A_414, %select_n3A : i32
        %convert_element_type3A_416 = arith.extui %lt3A_415 : i1 to i32
        %cond3A_417 = arith.constant 0 : i32
        %cond3A_418 = arith.cmpi ne, %convert_element_type3A_416, %cond3A_417 : i32
        scf.if %cond3A_418 {
          %add3A_444 = arith.constant 1 : i32
          %add3A_445 = arith.addi %add3A_344, %add3A_444 : i32
          %mul3A_446 = arith.constant 16 : i32
          %mul3A_447 = arith.muli %add3A_445, %mul3A_446 : i32
          %add3A_448 = arith.addi %arg1, %mul3A_447 : i32
          %mul3A_449 = arith.constant 2048 : i32
          %mul3A_450 = arith.muli %add3A_448, %mul3A_449 : i32
          %min3A_451 = arith.constant 997952 : i32
          %min3A_452 = arith.minsi %mul3A_450, %min3A_451 : i32
          %multiple_of3A_453 = tpu.assume_multiple %min3A_452, 64 : i32
          %dma_start3A_454 = arith.constant 0 : i32
          %dma_start3A_455 = arith.constant 0 : i32
          %dma_start3A_456 = arith.constant 0 : i32
          %dma_start3A_457 = tpu.memref_slice %arg17[%dma_start3A_454, %dma_start3A_455, %dma_start3A_456] : memref<2x6x2048xf32, #tpu.memory_space<vmem>> -> memref<1x1x2048xf32, #tpu.memory_space<vmem>>
          %dma_start3A_458 = tpu.memref_squeeze %dma_start3A_457 : memref<1x1x2048xf32, #tpu.memory_space<vmem>> -> memref<2048xf32, #tpu.memory_space<vmem>>
          %dma_start3A_459 = tpu.memref_slice %arg5[%multiple_of3A_453] : memref<1000000xf32, #tpu.memory_space<hbm>> -> memref<2048xf32, #tpu.memory_space<hbm>>
          %dma_start3A_460 = arith.constant 0 : i32
          %dma_start3A_461 = tpu.memref_slice %arg17[%dma_start3A_454, %dma_start3A_455, %dma_start3A_460] : memref<2x6x2048xf32, #tpu.memory_space<vmem>> -> memref<1x1x2048xf32, #tpu.memory_space<vmem>>
          %dma_start3A_462 = tpu.memref_squeeze %dma_start3A_461 : memref<1x1x2048xf32, #tpu.memory_space<vmem>> -> memref<2048xf32, #tpu.memory_space<vmem>>
          %dma_start3A_463 = tpu.memref_slice %arg5[%multiple_of3A_453] : memref<1000000xf32, #tpu.memory_space<hbm>> -> memref<2048xf32, #tpu.memory_space<hbm>>
          tpu.enqueue_dma source(%dma_start3A_463 : memref<2048xf32, #tpu.memory_space<hbm>>) target(%dma_start3A_462 : memref<2048xf32, #tpu.memory_space<vmem>>) target_semaphore(%arg21 : memref<!tpu.dma_semaphore, #tpu.memory_space<semaphore_mem>>)
          %dma_start3A_464 = arith.constant 0 : i32
          %dma_start3A_465 = arith.constant 1 : i32
          %dma_start3A_466 = arith.constant 0 : i32
          %dma_start3A_467 = tpu.memref_slice %arg17[%dma_start3A_464, %dma_start3A_465, %dma_start3A_466] : memref<2x6x2048xf32, #tpu.memory_space<vmem>> -> memref<1x1x2048xf32, #tpu.memory_space<vmem>>
          %dma_start3A_468 = tpu.memref_squeeze %dma_start3A_467 : memref<1x1x2048xf32, #tpu.memory_space<vmem>> -> memref<2048xf32, #tpu.memory_space<vmem>>
          %dma_start3A_469 = tpu.memref_slice %arg6[%multiple_of3A_453] : memref<1000000xf32, #tpu.memory_space<hbm>> -> memref<2048xf32, #tpu.memory_space<hbm>>
          %dma_start3A_470 = arith.constant 0 : i32
          %dma_start3A_471 = tpu.memref_slice %arg17[%dma_start3A_464, %dma_start3A_465, %dma_start3A_470] : memref<2x6x2048xf32, #tpu.memory_space<vmem>> -> memref<1x1x2048xf32, #tpu.memory_space<vmem>>
          %dma_start3A_472 = tpu.memref_squeeze %dma_start3A_471 : memref<1x1x2048xf32, #tpu.memory_space<vmem>> -> memref<2048xf32, #tpu.memory_space<vmem>>
          %dma_start3A_473 = tpu.memref_slice %arg6[%multiple_of3A_453] : memref<1000000xf32, #tpu.memory_space<hbm>> -> memref<2048xf32, #tpu.memory_space<hbm>>
          tpu.enqueue_dma source(%dma_start3A_473 : memref<2048xf32, #tpu.memory_space<hbm>>) target(%dma_start3A_472 : memref<2048xf32, #tpu.memory_space<vmem>>) target_semaphore(%arg21 : memref<!tpu.dma_semaphore, #tpu.memory_space<semaphore_mem>>)
          %dma_start3A_474 = arith.constant 0 : i32
          %dma_start3A_475 = arith.constant 2 : i32
          %dma_start3A_476 = arith.constant 0 : i32
          %dma_start3A_477 = tpu.memref_slice %arg17[%dma_start3A_474, %dma_start3A_475, %dma_start3A_476] : memref<2x6x2048xf32, #tpu.memory_space<vmem>> -> memref<1x1x2048xf32, #tpu.memory_space<vmem>>
          %dma_start3A_478 = tpu.memref_squeeze %dma_start3A_477 : memref<1x1x2048xf32, #tpu.memory_space<vmem>> -> memref<2048xf32, #tpu.memory_space<vmem>>
          %dma_start3A_479 = tpu.memref_slice %arg7[%multiple_of3A_453] : memref<1000000xf32, #tpu.memory_space<hbm>> -> memref<2048xf32, #tpu.memory_space<hbm>>
          %dma_start3A_480 = arith.constant 0 : i32
          %dma_start3A_481 = tpu.memref_slice %arg17[%dma_start3A_474, %dma_start3A_475, %dma_start3A_480] : memref<2x6x2048xf32, #tpu.memory_space<vmem>> -> memref<1x1x2048xf32, #tpu.memory_space<vmem>>
          %dma_start3A_482 = tpu.memref_squeeze %dma_start3A_481 : memref<1x1x2048xf32, #tpu.memory_space<vmem>> -> memref<2048xf32, #tpu.memory_space<vmem>>
          %dma_start3A_483 = tpu.memref_slice %arg7[%multiple_of3A_453] : memref<1000000xf32, #tpu.memory_space<hbm>> -> memref<2048xf32, #tpu.memory_space<hbm>>
          tpu.enqueue_dma source(%dma_start3A_483 : memref<2048xf32, #tpu.memory_space<hbm>>) target(%dma_start3A_482 : memref<2048xf32, #tpu.memory_space<vmem>>) target_semaphore(%arg21 : memref<!tpu.dma_semaphore, #tpu.memory_space<semaphore_mem>>)
          %dma_start3A_484 = arith.constant 0 : i32
          %dma_start3A_485 = arith.constant 3 : i32
          %dma_start3A_486 = arith.constant 0 : i32
          %dma_start3A_487 = tpu.memref_slice %arg17[%dma_start3A_484, %dma_start3A_485, %dma_start3A_486] : memref<2x6x2048xf32, #tpu.memory_space<vmem>> -> memref<1x1x2048xf32, #tpu.memory_space<vmem>>
          %dma_start3A_488 = tpu.memref_squeeze %dma_start3A_487 : memref<1x1x2048xf32, #tpu.memory_space<vmem>> -> memref<2048xf32, #tpu.memory_space<vmem>>
          %dma_start3A_489 = tpu.memref_slice %arg8[%multiple_of3A_453] : memref<1000000xf32, #tpu.memory_space<hbm>> -> memref<2048xf32, #tpu.memory_space<hbm>>
          %dma_start3A_490 = arith.constant 0 : i32
          %dma_start3A_491 = tpu.memref_slice %arg17[%dma_start3A_484, %dma_start3A_485, %dma_start3A_490] : memref<2x6x2048xf32, #tpu.memory_space<vmem>> -> memref<1x1x2048xf32, #tpu.memory_space<vmem>>
          %dma_start3A_492 = tpu.memref_squeeze %dma_start3A_491 : memref<1x1x2048xf32, #tpu.memory_space<vmem>> -> memref<2048xf32, #tpu.memory_space<vmem>>
          %dma_start3A_493 = tpu.memref_slice %arg8[%multiple_of3A_453] : memref<1000000xf32, #tpu.memory_space<hbm>> -> memref<2048xf32, #tpu.memory_space<hbm>>
          tpu.enqueue_dma source(%dma_start3A_493 : memref<2048xf32, #tpu.memory_space<hbm>>) target(%dma_start3A_492 : memref<2048xf32, #tpu.memory_space<vmem>>) target_semaphore(%arg21 : memref<!tpu.dma_semaphore, #tpu.memory_space<semaphore_mem>>)
          %dma_start3A_494 = arith.constant 0 : i32
          %dma_start3A_495 = arith.constant 4 : i32
          %dma_start3A_496 = arith.constant 0 : i32
          %dma_start3A_497 = tpu.memref_slice %arg17[%dma_start3A_494, %dma_start3A_495, %dma_start3A_496] : memref<2x6x2048xf32, #tpu.memory_space<vmem>> -> memref<1x1x2048xf32, #tpu.memory_space<vmem>>
          %dma_start3A_498 = tpu.memref_squeeze %dma_start3A_497 : memref<1x1x2048xf32, #tpu.memory_space<vmem>> -> memref<2048xf32, #tpu.memory_space<vmem>>
          %dma_start3A_499 = tpu.memref_slice %arg9[%multiple_of3A_453] : memref<1000000xf32, #tpu.memory_space<hbm>> -> memref<2048xf32, #tpu.memory_space<hbm>>
          %dma_start3A_500 = arith.constant 0 : i32
          %dma_start3A_501 = tpu.memref_slice %arg17[%dma_start3A_494, %dma_start3A_495, %dma_start3A_500] : memref<2x6x2048xf32, #tpu.memory_space<vmem>> -> memref<1x1x2048xf32, #tpu.memory_space<vmem>>
          %dma_start3A_502 = tpu.memref_squeeze %dma_start3A_501 : memref<1x1x2048xf32, #tpu.memory_space<vmem>> -> memref<2048xf32, #tpu.memory_space<vmem>>
          %dma_start3A_503 = tpu.memref_slice %arg9[%multiple_of3A_453] : memref<1000000xf32, #tpu.memory_space<hbm>> -> memref<2048xf32, #tpu.memory_space<hbm>>
          tpu.enqueue_dma source(%dma_start3A_503 : memref<2048xf32, #tpu.memory_space<hbm>>) target(%dma_start3A_502 : memref<2048xf32, #tpu.memory_space<vmem>>) target_semaphore(%arg21 : memref<!tpu.dma_semaphore, #tpu.memory_space<semaphore_mem>>)
          %dma_start3A_504 = arith.constant 0 : i32
          %dma_start3A_505 = arith.constant 5 : i32
          %dma_start3A_506 = arith.constant 0 : i32
          %dma_start3A_507 = tpu.memref_slice %arg17[%dma_start3A_504, %dma_start3A_505, %dma_start3A_506] : memref<2x6x2048xf32, #tpu.memory_space<vmem>> -> memref<1x1x2048xf32, #tpu.memory_space<vmem>>
          %dma_start3A_508 = tpu.memref_squeeze %dma_start3A_507 : memref<1x1x2048xf32, #tpu.memory_space<vmem>> -> memref<2048xf32, #tpu.memory_space<vmem>>
          %dma_start3A_509 = tpu.memref_slice %arg10[%multiple_of3A_453] : memref<1000000xf32, #tpu.memory_space<hbm>> -> memref<2048xf32, #tpu.memory_space<hbm>>
          %dma_start3A_510 = arith.constant 0 : i32
          %dma_start3A_511 = tpu.memref_slice %arg17[%dma_start3A_504, %dma_start3A_505, %dma_start3A_510] : memref<2x6x2048xf32, #tpu.memory_space<vmem>> -> memref<1x1x2048xf32, #tpu.memory_space<vmem>>
          %dma_start3A_512 = tpu.memref_squeeze %dma_start3A_511 : memref<1x1x2048xf32, #tpu.memory_space<vmem>> -> memref<2048xf32, #tpu.memory_space<vmem>>
          %dma_start3A_513 = tpu.memref_slice %arg10[%multiple_of3A_453] : memref<1000000xf32, #tpu.memory_space<hbm>> -> memref<2048xf32, #tpu.memory_space<hbm>>
          tpu.enqueue_dma source(%dma_start3A_513 : memref<2048xf32, #tpu.memory_space<hbm>>) target(%dma_start3A_512 : memref<2048xf32, #tpu.memory_space<vmem>>) target_semaphore(%arg21 : memref<!tpu.dma_semaphore, #tpu.memory_space<semaphore_mem>>)
        } else {
        }
        %ge3A_419 = arith.constant 2 : i32
        %ge3A_420 = arith.cmpi sge, %add3A_344, %ge3A_419 : i32
        %convert_element_type3A_421 = arith.extui %ge3A_420 : i1 to i32
        %cond3A_422 = arith.constant 0 : i32
        %cond3A_423 = arith.cmpi ne, %convert_element_type3A_421, %cond3A_422 : i32
        scf.if %cond3A_423 {
          %sub3A_444 = arith.constant 2 : i32
          %sub3A_445 = arith.subi %add3A_344, %sub3A_444 : i32
          %mul3A_446 = arith.constant 16 : i32
          %mul3A_447 = arith.muli %sub3A_445, %mul3A_446 : i32
          %add3A_448 = arith.addi %arg1, %mul3A_447 : i32
          %mul3A_449 = arith.constant 2048 : i32
          %mul3A_450 = arith.muli %add3A_448, %mul3A_449 : i32
          %min3A_451 = arith.constant 997952 : i32
          %min3A_452 = arith.minsi %mul3A_450, %min3A_451 : i32
          %multiple_of3A_453 = tpu.assume_multiple %min3A_452, 64 : i32
          %add3A_454 = arith.addi %mul3A_2, %multiple_of3A_453 : i32
          %dma_wait3A_455 = arith.constant 0 : i32
          %dma_wait3A_456 = tpu.memref_slice %arg12[%add3A_454, %dma_wait3A_455] : memref<2000000x8xf32, #tpu.memory_space<hbm>> -> memref<2048x8xf32, #tpu.memory_space<hbm>>
          %dma_wait3A_457 = arith.constant 0 : i32
          %dma_wait3A_458 = tpu.memref_slice %arg12[%add3A_454, %dma_wait3A_457] : memref<2000000x8xf32, #tpu.memory_space<hbm>> -> memref<2048x8xf32, #tpu.memory_space<hbm>>
          tpu.wait_dma2 semaphore(%arg24 : memref<!tpu.dma_semaphore, #tpu.memory_space<semaphore_mem>>) src(%arg19 : memref<2048x8xf32, #tpu.memory_space<vmem>>) dst(%dma_wait3A_458 : memref<2048x8xf32, #tpu.memory_space<hbm>>)
        } else {
        }
        %scan3A_424 = arith.constant 0 : i32
        %scan3A_425 = arith.constant 0 : i32
        %scan3A_426 = arith.constant 128 : i32
        %scan3A_427 = arith.addi %scan3A_425, %scan3A_426 : i32
        %scan3A_428 = arith.constant 4 : i32
        %scan3A_429 = scf.for %scan3A_444 = %scan3A_425 to %scan3A_427 step %scan3A_428 iter_args(%scan3A_445 = %scan3A_424) -> (i32)  : i32 {
          %mul3A_446 = arith.constant 16 : i32
          %mul3A_447 = arith.muli %scan3A_444, %mul3A_446 : i32
          %add3A_448 = vector.broadcast %mul3A_447 : i32 to vector<16xi32>
          %add3A_449 = arith.addi %iota3A, %add3A_448 : vector<16xi32>
          %mul3A_450 = arith.constant 16 : i32
          %mul3A_451 = arith.muli %scan3A_444, %mul3A_450 : i32
          %broadcast_in_dim3A = arith.constant 0 : i32
          %broadcast_in_dim3A_452 = vector.broadcast %broadcast_in_dim3A : i32 to vector<16xi32>
          %get3A = arith.constant 1 : i32
          %get3A_453 = arith.constant 0 : i32
          %get3A_454 = arith.index_cast %get3A : i32 to index
          %get3A_455 = arith.index_cast %get3A_453 : i32 to index
          %get3A_456 = arith.index_cast %mul3A_451 : i32 to index
          %get3A_457 = tpu.vector_load %arg17[%get3A_454, %get3A_455, %get3A_456] {strides = array<i32>} : memref<2x6x2048xf32, #tpu.memory_space<vmem>>, vector<16xf32>,
          tpu.vector_store_idx %arg19[%add3A_449, %broadcast_in_dim3A_452], %get3A_457 : memref<2048x8xf32, #tpu.memory_space<vmem>>[vector<16xi32>, vector<16xi32>], vector<16xf32>,
          %broadcast_in_dim3A_458 = arith.constant 1 : i32
          %broadcast_in_dim3A_459 = vector.broadcast %broadcast_in_dim3A_458 : i32 to vector<16xi32>
          %get3A_460 = arith.constant 1 : i32
          %get3A_461 = arith.constant 1 : i32
          %get3A_462 = arith.index_cast %get3A_460 : i32 to index
          %get3A_463 = arith.index_cast %get3A_461 : i32 to index
          %get3A_464 = arith.index_cast %mul3A_451 : i32 to index
          %get3A_465 = tpu.vector_load %arg17[%get3A_462, %get3A_463, %get3A_464] {strides = array<i32>} : memref<2x6x2048xf32, #tpu.memory_space<vmem>>, vector<16xf32>,
          tpu.vector_store_idx %arg19[%add3A_449, %broadcast_in_dim3A_459], %get3A_465 : memref<2048x8xf32, #tpu.memory_space<vmem>>[vector<16xi32>, vector<16xi32>], vector<16xf32>,
          %broadcast_in_dim3A_466 = arith.constant 2 : i32
          %broadcast_in_dim3A_467 = vector.broadcast %broadcast_in_dim3A_466 : i32 to vector<16xi32>
          %get3A_468 = arith.constant 1 : i32
          %get3A_469 = arith.constant 2 : i32
          %get3A_470 = arith.index_cast %get3A_468 : i32 to index
          %get3A_471 = arith.index_cast %get3A_469 : i32 to index
          %get3A_472 = arith.index_cast %mul3A_451 : i32 to index
          %get3A_473 = tpu.vector_load %arg17[%get3A_470, %get3A_471, %get3A_472] {strides = array<i32>} : memref<2x6x2048xf32, #tpu.memory_space<vmem>>, vector<16xf32>,
          tpu.vector_store_idx %arg19[%add3A_449, %broadcast_in_dim3A_467], %get3A_473 : memref<2048x8xf32, #tpu.memory_space<vmem>>[vector<16xi32>, vector<16xi32>], vector<16xf32>,
          %broadcast_in_dim3A_474 = arith.constant 3 : i32
          %broadcast_in_dim3A_475 = vector.broadcast %broadcast_in_dim3A_474 : i32 to vector<16xi32>
          %get3A_476 = arith.constant 1 : i32
          %get3A_477 = arith.constant 3 : i32
          %get3A_478 = arith.index_cast %get3A_476 : i32 to index
          %get3A_479 = arith.index_cast %get3A_477 : i32 to index
          %get3A_480 = arith.index_cast %mul3A_451 : i32 to index
          %get3A_481 = tpu.vector_load %arg17[%get3A_478, %get3A_479, %get3A_480] {strides = array<i32>} : memref<2x6x2048xf32, #tpu.memory_space<vmem>>, vector<16xf32>,
          tpu.vector_store_idx %arg19[%add3A_449, %broadcast_in_dim3A_475], %get3A_481 : memref<2048x8xf32, #tpu.memory_space<vmem>>[vector<16xi32>, vector<16xi32>], vector<16xf32>,
          %broadcast_in_dim3A_482 = arith.constant 4 : i32
          %broadcast_in_dim3A_483 = vector.broadcast %broadcast_in_dim3A_482 : i32 to vector<16xi32>
          %get3A_484 = arith.constant 1 : i32
          %get3A_485 = arith.constant 4 : i32
          %get3A_486 = arith.index_cast %get3A_484 : i32 to index
          %get3A_487 = arith.index_cast %get3A_485 : i32 to index
          %get3A_488 = arith.index_cast %mul3A_451 : i32 to index
          %get3A_489 = tpu.vector_load %arg17[%get3A_486, %get3A_487, %get3A_488] {strides = array<i32>} : memref<2x6x2048xf32, #tpu.memory_space<vmem>>, vector<16xf32>,
          tpu.vector_store_idx %arg19[%add3A_449, %broadcast_in_dim3A_483], %get3A_489 : memref<2048x8xf32, #tpu.memory_space<vmem>>[vector<16xi32>, vector<16xi32>], vector<16xf32>,
          %broadcast_in_dim3A_490 = arith.constant 5 : i32
          %broadcast_in_dim3A_491 = vector.broadcast %broadcast_in_dim3A_490 : i32 to vector<16xi32>
          %get3A_492 = arith.constant 1 : i32
          %get3A_493 = arith.constant 5 : i32
          %get3A_494 = arith.index_cast %get3A_492 : i32 to index
          %get3A_495 = arith.index_cast %get3A_493 : i32 to index
          %get3A_496 = arith.index_cast %mul3A_451 : i32 to index
          %get3A_497 = tpu.vector_load %arg17[%get3A_494, %get3A_495, %get3A_496] {strides = array<i32>} : memref<2x6x2048xf32, #tpu.memory_space<vmem>>, vector<16xf32>,
          tpu.vector_store_idx %arg19[%add3A_449, %broadcast_in_dim3A_491], %get3A_497 : memref<2048x8xf32, #tpu.memory_space<vmem>>[vector<16xi32>, vector<16xi32>], vector<16xf32>,
          %scan3A_498 = arith.constant 0 : i32
          %scan3A_499 = arith.constant 1 : i32
          %scan3A_500 = arith.addi %scan3A_444, %scan3A_499 : i32
          %mul3A_501 = arith.constant 16 : i32
          %mul3A_502 = arith.muli %scan3A_500, %mul3A_501 : i32
          %add3A_503 = vector.broadcast %mul3A_502 : i32 to vector<16xi32>
          %add3A_504 = arith.addi %iota3A, %add3A_503 : vector<16xi32>
          %mul3A_505 = arith.constant 16 : i32
          %mul3A_506 = arith.muli %scan3A_500, %mul3A_505 : i32
          %broadcast_in_dim3A_507 = arith.constant 0 : i32
          %broadcast_in_dim3A_508 = vector.broadcast %broadcast_in_dim3A_507 : i32 to vector<16xi32>
          %get3A_509 = arith.constant 1 : i32
          %get3A_510 = arith.constant 0 : i32
          %get3A_511 = arith.index_cast %get3A_509 : i32 to index
          %get3A_512 = arith.index_cast %get3A_510 : i32 to index
          %get3A_513 = arith.index_cast %mul3A_506 : i32 to index
          %get3A_514 = tpu.vector_load %arg17[%get3A_511, %get3A_512, %get3A_513] {strides = array<i32>} : memref<2x6x2048xf32, #tpu.memory_space<vmem>>, vector<16xf32>,
          tpu.vector_store_idx %arg19[%add3A_504, %broadcast_in_dim3A_508], %get3A_514 : memref<2048x8xf32, #tpu.memory_space<vmem>>[vector<16xi32>, vector<16xi32>], vector<16xf32>,
          %broadcast_in_dim3A_515 = arith.constant 1 : i32
          %broadcast_in_dim3A_516 = vector.broadcast %broadcast_in_dim3A_515 : i32 to vector<16xi32>
          %get3A_517 = arith.constant 1 : i32
          %get3A_518 = arith.constant 1 : i32
          %get3A_519 = arith.index_cast %get3A_517 : i32 to index
          %get3A_520 = arith.index_cast %get3A_518 : i32 to index
          %get3A_521 = arith.index_cast %mul3A_506 : i32 to index
          %get3A_522 = tpu.vector_load %arg17[%get3A_519, %get3A_520, %get3A_521] {strides = array<i32>} : memref<2x6x2048xf32, #tpu.memory_space<vmem>>, vector<16xf32>,
          tpu.vector_store_idx %arg19[%add3A_504, %broadcast_in_dim3A_516], %get3A_522 : memref<2048x8xf32, #tpu.memory_space<vmem>>[vector<16xi32>, vector<16xi32>], vector<16xf32>,
          %broadcast_in_dim3A_523 = arith.constant 2 : i32
          %broadcast_in_dim3A_524 = vector.broadcast %broadcast_in_dim3A_523 : i32 to vector<16xi32>
          %get3A_525 = arith.constant 1 : i32
          %get3A_526 = arith.constant 2 : i32
          %get3A_527 = arith.index_cast %get3A_525 : i32 to index
          %get3A_528 = arith.index_cast %get3A_526 : i32 to index
          %get3A_529 = arith.index_cast %mul3A_506 : i32 to index
          %get3A_530 = tpu.vector_load %arg17[%get3A_527, %get3A_528, %get3A_529] {strides = array<i32>} : memref<2x6x2048xf32, #tpu.memory_space<vmem>>, vector<16xf32>,
          tpu.vector_store_idx %arg19[%add3A_504, %broadcast_in_dim3A_524], %get3A_530 : memref<2048x8xf32, #tpu.memory_space<vmem>>[vector<16xi32>, vector<16xi32>], vector<16xf32>,
          %broadcast_in_dim3A_531 = arith.constant 3 : i32
          %broadcast_in_dim3A_532 = vector.broadcast %broadcast_in_dim3A_531 : i32 to vector<16xi32>
          %get3A_533 = arith.constant 1 : i32
          %get3A_534 = arith.constant 3 : i32
          %get3A_535 = arith.index_cast %get3A_533 : i32 to index
          %get3A_536 = arith.index_cast %get3A_534 : i32 to index
          %get3A_537 = arith.index_cast %mul3A_506 : i32 to index
          %get3A_538 = tpu.vector_load %arg17[%get3A_535, %get3A_536, %get3A_537] {strides = array<i32>} : memref<2x6x2048xf32, #tpu.memory_space<vmem>>, vector<16xf32>,
          tpu.vector_store_idx %arg19[%add3A_504, %broadcast_in_dim3A_532], %get3A_538 : memref<2048x8xf32, #tpu.memory_space<vmem>>[vector<16xi32>, vector<16xi32>], vector<16xf32>,
          %broadcast_in_dim3A_539 = arith.constant 4 : i32
          %broadcast_in_dim3A_540 = vector.broadcast %broadcast_in_dim3A_539 : i32 to vector<16xi32>
          %get3A_541 = arith.constant 1 : i32
          %get3A_542 = arith.constant 4 : i32
          %get3A_543 = arith.index_cast %get3A_541 : i32 to index
          %get3A_544 = arith.index_cast %get3A_542 : i32 to index
          %get3A_545 = arith.index_cast %mul3A_506 : i32 to index
          %get3A_546 = tpu.vector_load %arg17[%get3A_543, %get3A_544, %get3A_545] {strides = array<i32>} : memref<2x6x2048xf32, #tpu.memory_space<vmem>>, vector<16xf32>,
          tpu.vector_store_idx %arg19[%add3A_504, %broadcast_in_dim3A_540], %get3A_546 : memref<2048x8xf32, #tpu.memory_space<vmem>>[vector<16xi32>, vector<16xi32>], vector<16xf32>,
          %broadcast_in_dim3A_547 = arith.constant 5 : i32
          %broadcast_in_dim3A_548 = vector.broadcast %broadcast_in_dim3A_547 : i32 to vector<16xi32>
          %get3A_549 = arith.constant 1 : i32
          %get3A_550 = arith.constant 5 : i32
          %get3A_551 = arith.index_cast %get3A_549 : i32 to index
          %get3A_552 = arith.index_cast %get3A_550 : i32 to index
          %get3A_553 = arith.index_cast %mul3A_506 : i32 to index
          %get3A_554 = tpu.vector_load %arg17[%get3A_551, %get3A_552, %get3A_553] {strides = array<i32>} : memref<2x6x2048xf32, #tpu.memory_space<vmem>>, vector<16xf32>,
          tpu.vector_store_idx %arg19[%add3A_504, %broadcast_in_dim3A_548], %get3A_554 : memref<2048x8xf32, #tpu.memory_space<vmem>>[vector<16xi32>, vector<16xi32>], vector<16xf32>,
          %scan3A_555 = arith.constant 0 : i32
          %scan3A_556 = arith.constant 2 : i32
          %scan3A_557 = arith.addi %scan3A_444, %scan3A_556 : i32
          %mul3A_558 = arith.constant 16 : i32
          %mul3A_559 = arith.muli %scan3A_557, %mul3A_558 : i32
          %add3A_560 = vector.broadcast %mul3A_559 : i32 to vector<16xi32>
          %add3A_561 = arith.addi %iota3A, %add3A_560 : vector<16xi32>
          %mul3A_562 = arith.constant 16 : i32
          %mul3A_563 = arith.muli %scan3A_557, %mul3A_562 : i32
          %broadcast_in_dim3A_564 = arith.constant 0 : i32
          %broadcast_in_dim3A_565 = vector.broadcast %broadcast_in_dim3A_564 : i32 to vector<16xi32>
          %get3A_566 = arith.constant 1 : i32
          %get3A_567 = arith.constant 0 : i32
          %get3A_568 = arith.index_cast %get3A_566 : i32 to index
          %get3A_569 = arith.index_cast %get3A_567 : i32 to index
          %get3A_570 = arith.index_cast %mul3A_563 : i32 to index
          %get3A_571 = tpu.vector_load %arg17[%get3A_568, %get3A_569, %get3A_570] {strides = array<i32>} : memref<2x6x2048xf32, #tpu.memory_space<vmem>>, vector<16xf32>,
          tpu.vector_store_idx %arg19[%add3A_561, %broadcast_in_dim3A_565], %get3A_571 : memref<2048x8xf32, #tpu.memory_space<vmem>>[vector<16xi32>, vector<16xi32>], vector<16xf32>,
          %broadcast_in_dim3A_572 = arith.constant 1 : i32
          %broadcast_in_dim3A_573 = vector.broadcast %broadcast_in_dim3A_572 : i32 to vector<16xi32>
          %get3A_574 = arith.constant 1 : i32
          %get3A_575 = arith.constant 1 : i32
          %get3A_576 = arith.index_cast %get3A_574 : i32 to index
          %get3A_577 = arith.index_cast %get3A_575 : i32 to index
          %get3A_578 = arith.index_cast %mul3A_563 : i32 to index
          %get3A_579 = tpu.vector_load %arg17[%get3A_576, %get3A_577, %get3A_578] {strides = array<i32>} : memref<2x6x2048xf32, #tpu.memory_space<vmem>>, vector<16xf32>,
          tpu.vector_store_idx %arg19[%add3A_561, %broadcast_in_dim3A_573], %get3A_579 : memref<2048x8xf32, #tpu.memory_space<vmem>>[vector<16xi32>, vector<16xi32>], vector<16xf32>,
          %broadcast_in_dim3A_580 = arith.constant 2 : i32
          %broadcast_in_dim3A_581 = vector.broadcast %broadcast_in_dim3A_580 : i32 to vector<16xi32>
          %get3A_582 = arith.constant 1 : i32
          %get3A_583 = arith.constant 2 : i32
          %get3A_584 = arith.index_cast %get3A_582 : i32 to index
          %get3A_585 = arith.index_cast %get3A_583 : i32 to index
          %get3A_586 = arith.index_cast %mul3A_563 : i32 to index
          %get3A_587 = tpu.vector_load %arg17[%get3A_584, %get3A_585, %get3A_586] {strides = array<i32>} : memref<2x6x2048xf32, #tpu.memory_space<vmem>>, vector<16xf32>,
          tpu.vector_store_idx %arg19[%add3A_561, %broadcast_in_dim3A_581], %get3A_587 : memref<2048x8xf32, #tpu.memory_space<vmem>>[vector<16xi32>, vector<16xi32>], vector<16xf32>,
          %broadcast_in_dim3A_588 = arith.constant 3 : i32
          %broadcast_in_dim3A_589 = vector.broadcast %broadcast_in_dim3A_588 : i32 to vector<16xi32>
          %get3A_590 = arith.constant 1 : i32
          %get3A_591 = arith.constant 3 : i32
          %get3A_592 = arith.index_cast %get3A_590 : i32 to index
          %get3A_593 = arith.index_cast %get3A_591 : i32 to index
          %get3A_594 = arith.index_cast %mul3A_563 : i32 to index
          %get3A_595 = tpu.vector_load %arg17[%get3A_592, %get3A_593, %get3A_594] {strides = array<i32>} : memref<2x6x2048xf32, #tpu.memory_space<vmem>>, vector<16xf32>,
          tpu.vector_store_idx %arg19[%add3A_561, %broadcast_in_dim3A_589], %get3A_595 : memref<2048x8xf32, #tpu.memory_space<vmem>>[vector<16xi32>, vector<16xi32>], vector<16xf32>,
          %broadcast_in_dim3A_596 = arith.constant 4 : i32
          %broadcast_in_dim3A_597 = vector.broadcast %broadcast_in_dim3A_596 : i32 to vector<16xi32>
          %get3A_598 = arith.constant 1 : i32
          %get3A_599 = arith.constant 4 : i32
          %get3A_600 = arith.index_cast %get3A_598 : i32 to index
          %get3A_601 = arith.index_cast %get3A_599 : i32 to index
          %get3A_602 = arith.index_cast %mul3A_563 : i32 to index
          %get3A_603 = tpu.vector_load %arg17[%get3A_600, %get3A_601, %get3A_602] {strides = array<i32>} : memref<2x6x2048xf32, #tpu.memory_space<vmem>>, vector<16xf32>,
          tpu.vector_store_idx %arg19[%add3A_561, %broadcast_in_dim3A_597], %get3A_603 : memref<2048x8xf32, #tpu.memory_space<vmem>>[vector<16xi32>, vector<16xi32>], vector<16xf32>,
          %broadcast_in_dim3A_604 = arith.constant 5 : i32
          %broadcast_in_dim3A_605 = vector.broadcast %broadcast_in_dim3A_604 : i32 to vector<16xi32>
          %get3A_606 = arith.constant 1 : i32
          %get3A_607 = arith.constant 5 : i32
          %get3A_608 = arith.index_cast %get3A_606 : i32 to index
          %get3A_609 = arith.index_cast %get3A_607 : i32 to index
          %get3A_610 = arith.index_cast %mul3A_563 : i32 to index
          %get3A_611 = tpu.vector_load %arg17[%get3A_608, %get3A_609, %get3A_610] {strides = array<i32>} : memref<2x6x2048xf32, #tpu.memory_space<vmem>>, vector<16xf32>,
          tpu.vector_store_idx %arg19[%add3A_561, %broadcast_in_dim3A_605], %get3A_611 : memref<2048x8xf32, #tpu.memory_space<vmem>>[vector<16xi32>, vector<16xi32>], vector<16xf32>,
          %scan3A_612 = arith.constant 0 : i32
          %scan3A_613 = arith.constant 3 : i32
          %scan3A_614 = arith.addi %scan3A_444, %scan3A_613 : i32
          %mul3A_615 = arith.constant 16 : i32
          %mul3A_616 = arith.muli %scan3A_614, %mul3A_615 : i32
          %add3A_617 = vector.broadcast %mul3A_616 : i32 to vector<16xi32>
          %add3A_618 = arith.addi %iota3A, %add3A_617 : vector<16xi32>
          %mul3A_619 = arith.constant 16 : i32
          %mul3A_620 = arith.muli %scan3A_614, %mul3A_619 : i32
          %broadcast_in_dim3A_621 = arith.constant 0 : i32
          %broadcast_in_dim3A_622 = vector.broadcast %broadcast_in_dim3A_621 : i32 to vector<16xi32>
          %get3A_623 = arith.constant 1 : i32
          %get3A_624 = arith.constant 0 : i32
          %get3A_625 = arith.index_cast %get3A_623 : i32 to index
          %get3A_626 = arith.index_cast %get3A_624 : i32 to index
          %get3A_627 = arith.index_cast %mul3A_620 : i32 to index
          %get3A_628 = tpu.vector_load %arg17[%get3A_625, %get3A_626, %get3A_627] {strides = array<i32>} : memref<2x6x2048xf32, #tpu.memory_space<vmem>>, vector<16xf32>,
          tpu.vector_store_idx %arg19[%add3A_618, %broadcast_in_dim3A_622], %get3A_628 : memref<2048x8xf32, #tpu.memory_space<vmem>>[vector<16xi32>, vector<16xi32>], vector<16xf32>,
          %broadcast_in_dim3A_629 = arith.constant 1 : i32
          %broadcast_in_dim3A_630 = vector.broadcast %broadcast_in_dim3A_629 : i32 to vector<16xi32>
          %get3A_631 = arith.constant 1 : i32
          %get3A_632 = arith.constant 1 : i32
          %get3A_633 = arith.index_cast %get3A_631 : i32 to index
          %get3A_634 = arith.index_cast %get3A_632 : i32 to index
          %get3A_635 = arith.index_cast %mul3A_620 : i32 to index
          %get3A_636 = tpu.vector_load %arg17[%get3A_633, %get3A_634, %get3A_635] {strides = array<i32>} : memref<2x6x2048xf32, #tpu.memory_space<vmem>>, vector<16xf32>,
          tpu.vector_store_idx %arg19[%add3A_618, %broadcast_in_dim3A_630], %get3A_636 : memref<2048x8xf32, #tpu.memory_space<vmem>>[vector<16xi32>, vector<16xi32>], vector<16xf32>,
          %broadcast_in_dim3A_637 = arith.constant 2 : i32
          %broadcast_in_dim3A_638 = vector.broadcast %broadcast_in_dim3A_637 : i32 to vector<16xi32>
          %get3A_639 = arith.constant 1 : i32
          %get3A_640 = arith.constant 2 : i32
          %get3A_641 = arith.index_cast %get3A_639 : i32 to index
          %get3A_642 = arith.index_cast %get3A_640 : i32 to index
          %get3A_643 = arith.index_cast %mul3A_620 : i32 to index
          %get3A_644 = tpu.vector_load %arg17[%get3A_641, %get3A_642, %get3A_643] {strides = array<i32>} : memref<2x6x2048xf32, #tpu.memory_space<vmem>>, vector<16xf32>,
          tpu.vector_store_idx %arg19[%add3A_618, %broadcast_in_dim3A_638], %get3A_644 : memref<2048x8xf32, #tpu.memory_space<vmem>>[vector<16xi32>, vector<16xi32>], vector<16xf32>,
          %broadcast_in_dim3A_645 = arith.constant 3 : i32
          %broadcast_in_dim3A_646 = vector.broadcast %broadcast_in_dim3A_645 : i32 to vector<16xi32>
          %get3A_647 = arith.constant 1 : i32
          %get3A_648 = arith.constant 3 : i32
          %get3A_649 = arith.index_cast %get3A_647 : i32 to index
          %get3A_650 = arith.index_cast %get3A_648 : i32 to index
          %get3A_651 = arith.index_cast %mul3A_620 : i32 to index
          %get3A_652 = tpu.vector_load %arg17[%get3A_649, %get3A_650, %get3A_651] {strides = array<i32>} : memref<2x6x2048xf32, #tpu.memory_space<vmem>>, vector<16xf32>,
          tpu.vector_store_idx %arg19[%add3A_618, %broadcast_in_dim3A_646], %get3A_652 : memref<2048x8xf32, #tpu.memory_space<vmem>>[vector<16xi32>, vector<16xi32>], vector<16xf32>,
          %broadcast_in_dim3A_653 = arith.constant 4 : i32
          %broadcast_in_dim3A_654 = vector.broadcast %broadcast_in_dim3A_653 : i32 to vector<16xi32>
          %get3A_655 = arith.constant 1 : i32
          %get3A_656 = arith.constant 4 : i32
          %get3A_657 = arith.index_cast %get3A_655 : i32 to index
          %get3A_658 = arith.index_cast %get3A_656 : i32 to index
          %get3A_659 = arith.index_cast %mul3A_620 : i32 to index
          %get3A_660 = tpu.vector_load %arg17[%get3A_657, %get3A_658, %get3A_659] {strides = array<i32>} : memref<2x6x2048xf32, #tpu.memory_space<vmem>>, vector<16xf32>,
          tpu.vector_store_idx %arg19[%add3A_618, %broadcast_in_dim3A_654], %get3A_660 : memref<2048x8xf32, #tpu.memory_space<vmem>>[vector<16xi32>, vector<16xi32>], vector<16xf32>,
          %broadcast_in_dim3A_661 = arith.constant 5 : i32
          %broadcast_in_dim3A_662 = vector.broadcast %broadcast_in_dim3A_661 : i32 to vector<16xi32>
          %get3A_663 = arith.constant 1 : i32
          %get3A_664 = arith.constant 5 : i32
          %get3A_665 = arith.index_cast %get3A_663 : i32 to index
          %get3A_666 = arith.index_cast %get3A_664 : i32 to index
          %get3A_667 = arith.index_cast %mul3A_620 : i32 to index
          %get3A_668 = tpu.vector_load %arg17[%get3A_665, %get3A_666, %get3A_667] {strides = array<i32>} : memref<2x6x2048xf32, #tpu.memory_space<vmem>>, vector<16xf32>,
          tpu.vector_store_idx %arg19[%add3A_618, %broadcast_in_dim3A_662], %get3A_668 : memref<2048x8xf32, #tpu.memory_space<vmem>>[vector<16xi32>, vector<16xi32>], vector<16xf32>,
          %scan3A_669 = arith.constant 0 : i32
          scf.yield %scan3A_669 : i32
        }
        %scan3A_430 = arith.constant 128 : i32
        %mul3A_431 = arith.constant 16 : i32
        %mul3A_432 = arith.muli %add3A_344, %mul3A_431 : i32
        %add3A_433 = arith.addi %arg1, %mul3A_432 : i32
        %mul3A_434 = arith.constant 2048 : i32
        %mul3A_435 = arith.muli %add3A_433, %mul3A_434 : i32
        %min3A_436 = arith.constant 997952 : i32
        %min3A_437 = arith.minsi %mul3A_435, %min3A_436 : i32
        %multiple_of3A_438 = tpu.assume_multiple %min3A_437, 64 : i32
        %add3A_439 = arith.addi %mul3A_2, %multiple_of3A_438 : i32
        %dma_start3A_440 = arith.constant 0 : i32
        %dma_start3A_441 = tpu.memref_slice %arg12[%add3A_439, %dma_start3A_440] : memref<2000000x8xf32, #tpu.memory_space<hbm>> -> memref<2048x8xf32, #tpu.memory_space<hbm>>
        %dma_start3A_442 = arith.constant 0 : i32
        %dma_start3A_443 = tpu.memref_slice %arg12[%add3A_439, %dma_start3A_442] : memref<2000000x8xf32, #tpu.memory_space<hbm>> -> memref<2048x8xf32, #tpu.memory_space<hbm>>
        tpu.enqueue_dma source(%arg19 : memref<2048x8xf32, #tpu.memory_space<vmem>>) target(%dma_start3A_443 : memref<2048x8xf32, #tpu.memory_space<hbm>>) target_semaphore(%arg24 : memref<!tpu.dma_semaphore, #tpu.memory_space<semaphore_mem>>)
      } else {
      }
      %while3A_342 = arith.constant 0 : i32
      scf.yield %while3A_342 : i32
    }
    %while3A_124 = arith.constant 1 : i32
    %while3A_125 = scf.for %while3A_329 = %while3A_121 to %while3A_117 step %while3A_124 iter_args(%while3A_330 = %while3A_123) -> (i32)  : i32 {
      %mul3A_331 = arith.constant 2 : i32
      %mul3A_332 = arith.muli %while3A_329, %mul3A_331 : i32
      %lt3A = arith.cmpi slt, %mul3A_332, %select_n3A : i32
      %convert_element_type3A_333 = arith.extui %lt3A : i1 to i32
      %cond3A_334 = arith.constant 0 : i32
      %cond3A_335 = arith.cmpi ne, %convert_element_type3A_333, %cond3A_334 : i32
      scf.if %cond3A_335 {
        %mul3A_343 = arith.constant 16 : i32
        %mul3A_344 = arith.muli %mul3A_332, %mul3A_343 : i32
        %add3A_345 = arith.addi %arg1, %mul3A_344 : i32
        %mul3A_346 = arith.constant 2048 : i32
        %mul3A_347 = arith.muli %add3A_345, %mul3A_346 : i32
        %min3A_348 = arith.constant 997952 : i32
        %min3A_349 = arith.minsi %mul3A_347, %min3A_348 : i32
        %multiple_of3A_350 = tpu.assume_multiple %min3A_349, 64 : i32
        %dma_wait3A_351 = arith.constant 0 : i32
        %dma_wait3A_352 = arith.constant 0 : i32
        %dma_wait3A_353 = arith.constant 0 : i32
        %dma_wait3A_354 = tpu.memref_slice %arg17[%dma_wait3A_351, %dma_wait3A_352, %dma_wait3A_353] : memref<2x6x2048xf32, #tpu.memory_space<vmem>> -> memref<1x1x2048xf32, #tpu.memory_space<vmem>>
        %dma_wait3A_355 = tpu.memref_squeeze %dma_wait3A_354 : memref<1x1x2048xf32, #tpu.memory_space<vmem>> -> memref<2048xf32, #tpu.memory_space<vmem>>
        %dma_wait3A_356 = tpu.memref_slice %arg5[%multiple_of3A_350] : memref<1000000xf32, #tpu.memory_space<hbm>> -> memref<2048xf32, #tpu.memory_space<hbm>>
        %dma_wait3A_357 = arith.constant 0 : i32
        %dma_wait3A_358 = tpu.memref_slice %arg17[%dma_wait3A_351, %dma_wait3A_352, %dma_wait3A_357] : memref<2x6x2048xf32, #tpu.memory_space<vmem>> -> memref<1x1x2048xf32, #tpu.memory_space<vmem>>
        %dma_wait3A_359 = tpu.memref_squeeze %dma_wait3A_358 : memref<1x1x2048xf32, #tpu.memory_space<vmem>> -> memref<2048xf32, #tpu.memory_space<vmem>>
        %dma_wait3A_360 = tpu.memref_slice %arg5[%multiple_of3A_350] : memref<1000000xf32, #tpu.memory_space<hbm>> -> memref<2048xf32, #tpu.memory_space<hbm>>
        tpu.wait_dma2 semaphore(%arg21 : memref<!tpu.dma_semaphore, #tpu.memory_space<semaphore_mem>>) src(%dma_wait3A_360 : memref<2048xf32, #tpu.memory_space<hbm>>) dst(%dma_wait3A_359 : memref<2048xf32, #tpu.memory_space<vmem>>)
        %dma_wait3A_361 = arith.constant 0 : i32
        %dma_wait3A_362 = arith.constant 1 : i32
        %dma_wait3A_363 = arith.constant 0 : i32
        %dma_wait3A_364 = tpu.memref_slice %arg17[%dma_wait3A_361, %dma_wait3A_362, %dma_wait3A_363] : memref<2x6x2048xf32, #tpu.memory_space<vmem>> -> memref<1x1x2048xf32, #tpu.memory_space<vmem>>
        %dma_wait3A_365 = tpu.memref_squeeze %dma_wait3A_364 : memref<1x1x2048xf32, #tpu.memory_space<vmem>> -> memref<2048xf32, #tpu.memory_space<vmem>>
        %dma_wait3A_366 = tpu.memref_slice %arg6[%multiple_of3A_350] : memref<1000000xf32, #tpu.memory_space<hbm>> -> memref<2048xf32, #tpu.memory_space<hbm>>
        %dma_wait3A_367 = arith.constant 0 : i32
        %dma_wait3A_368 = tpu.memref_slice %arg17[%dma_wait3A_361, %dma_wait3A_362, %dma_wait3A_367] : memref<2x6x2048xf32, #tpu.memory_space<vmem>> -> memref<1x1x2048xf32, #tpu.memory_space<vmem>>
        %dma_wait3A_369 = tpu.memref_squeeze %dma_wait3A_368 : memref<1x1x2048xf32, #tpu.memory_space<vmem>> -> memref<2048xf32, #tpu.memory_space<vmem>>
        %dma_wait3A_370 = tpu.memref_slice %arg6[%multiple_of3A_350] : memref<1000000xf32, #tpu.memory_space<hbm>> -> memref<2048xf32, #tpu.memory_space<hbm>>
        tpu.wait_dma2 semaphore(%arg21 : memref<!tpu.dma_semaphore, #tpu.memory_space<semaphore_mem>>) src(%dma_wait3A_370 : memref<2048xf32, #tpu.memory_space<hbm>>) dst(%dma_wait3A_369 : memref<2048xf32, #tpu.memory_space<vmem>>)
        %dma_wait3A_371 = arith.constant 0 : i32
        %dma_wait3A_372 = arith.constant 2 : i32
        %dma_wait3A_373 = arith.constant 0 : i32
        %dma_wait3A_374 = tpu.memref_slice %arg17[%dma_wait3A_371, %dma_wait3A_372, %dma_wait3A_373] : memref<2x6x2048xf32, #tpu.memory_space<vmem>> -> memref<1x1x2048xf32, #tpu.memory_space<vmem>>
        %dma_wait3A_375 = tpu.memref_squeeze %dma_wait3A_374 : memref<1x1x2048xf32, #tpu.memory_space<vmem>> -> memref<2048xf32, #tpu.memory_space<vmem>>
        %dma_wait3A_376 = tpu.memref_slice %arg7[%multiple_of3A_350] : memref<1000000xf32, #tpu.memory_space<hbm>> -> memref<2048xf32, #tpu.memory_space<hbm>>
        %dma_wait3A_377 = arith.constant 0 : i32
        %dma_wait3A_378 = tpu.memref_slice %arg17[%dma_wait3A_371, %dma_wait3A_372, %dma_wait3A_377] : memref<2x6x2048xf32, #tpu.memory_space<vmem>> -> memref<1x1x2048xf32, #tpu.memory_space<vmem>>
        %dma_wait3A_379 = tpu.memref_squeeze %dma_wait3A_378 : memref<1x1x2048xf32, #tpu.memory_space<vmem>> -> memref<2048xf32, #tpu.memory_space<vmem>>
        %dma_wait3A_380 = tpu.memref_slice %arg7[%multiple_of3A_350] : memref<1000000xf32, #tpu.memory_space<hbm>> -> memref<2048xf32, #tpu.memory_space<hbm>>
        tpu.wait_dma2 semaphore(%arg21 : memref<!tpu.dma_semaphore, #tpu.memory_space<semaphore_mem>>) src(%dma_wait3A_380 : memref<2048xf32, #tpu.memory_space<hbm>>) dst(%dma_wait3A_379 : memref<2048xf32, #tpu.memory_space<vmem>>)
        %dma_wait3A_381 = arith.constant 0 : i32
        %dma_wait3A_382 = arith.constant 3 : i32
        %dma_wait3A_383 = arith.constant 0 : i32
        %dma_wait3A_384 = tpu.memref_slice %arg17[%dma_wait3A_381, %dma_wait3A_382, %dma_wait3A_383] : memref<2x6x2048xf32, #tpu.memory_space<vmem>> -> memref<1x1x2048xf32, #tpu.memory_space<vmem>>
        %dma_wait3A_385 = tpu.memref_squeeze %dma_wait3A_384 : memref<1x1x2048xf32, #tpu.memory_space<vmem>> -> memref<2048xf32, #tpu.memory_space<vmem>>
        %dma_wait3A_386 = tpu.memref_slice %arg8[%multiple_of3A_350] : memref<1000000xf32, #tpu.memory_space<hbm>> -> memref<2048xf32, #tpu.memory_space<hbm>>
        %dma_wait3A_387 = arith.constant 0 : i32
        %dma_wait3A_388 = tpu.memref_slice %arg17[%dma_wait3A_381, %dma_wait3A_382, %dma_wait3A_387] : memref<2x6x2048xf32, #tpu.memory_space<vmem>> -> memref<1x1x2048xf32, #tpu.memory_space<vmem>>
        %dma_wait3A_389 = tpu.memref_squeeze %dma_wait3A_388 : memref<1x1x2048xf32, #tpu.memory_space<vmem>> -> memref<2048xf32, #tpu.memory_space<vmem>>
        %dma_wait3A_390 = tpu.memref_slice %arg8[%multiple_of3A_350] : memref<1000000xf32, #tpu.memory_space<hbm>> -> memref<2048xf32, #tpu.memory_space<hbm>>
        tpu.wait_dma2 semaphore(%arg21 : memref<!tpu.dma_semaphore, #tpu.memory_space<semaphore_mem>>) src(%dma_wait3A_390 : memref<2048xf32, #tpu.memory_space<hbm>>) dst(%dma_wait3A_389 : memref<2048xf32, #tpu.memory_space<vmem>>)
        %dma_wait3A_391 = arith.constant 0 : i32
        %dma_wait3A_392 = arith.constant 4 : i32
        %dma_wait3A_393 = arith.constant 0 : i32
        %dma_wait3A_394 = tpu.memref_slice %arg17[%dma_wait3A_391, %dma_wait3A_392, %dma_wait3A_393] : memref<2x6x2048xf32, #tpu.memory_space<vmem>> -> memref<1x1x2048xf32, #tpu.memory_space<vmem>>
        %dma_wait3A_395 = tpu.memref_squeeze %dma_wait3A_394 : memref<1x1x2048xf32, #tpu.memory_space<vmem>> -> memref<2048xf32, #tpu.memory_space<vmem>>
        %dma_wait3A_396 = tpu.memref_slice %arg9[%multiple_of3A_350] : memref<1000000xf32, #tpu.memory_space<hbm>> -> memref<2048xf32, #tpu.memory_space<hbm>>
        %dma_wait3A_397 = arith.constant 0 : i32
        %dma_wait3A_398 = tpu.memref_slice %arg17[%dma_wait3A_391, %dma_wait3A_392, %dma_wait3A_397] : memref<2x6x2048xf32, #tpu.memory_space<vmem>> -> memref<1x1x2048xf32, #tpu.memory_space<vmem>>
        %dma_wait3A_399 = tpu.memref_squeeze %dma_wait3A_398 : memref<1x1x2048xf32, #tpu.memory_space<vmem>> -> memref<2048xf32, #tpu.memory_space<vmem>>
        %dma_wait3A_400 = tpu.memref_slice %arg9[%multiple_of3A_350] : memref<1000000xf32, #tpu.memory_space<hbm>> -> memref<2048xf32, #tpu.memory_space<hbm>>
        tpu.wait_dma2 semaphore(%arg21 : memref<!tpu.dma_semaphore, #tpu.memory_space<semaphore_mem>>) src(%dma_wait3A_400 : memref<2048xf32, #tpu.memory_space<hbm>>) dst(%dma_wait3A_399 : memref<2048xf32, #tpu.memory_space<vmem>>)
        %dma_wait3A_401 = arith.constant 0 : i32
        %dma_wait3A_402 = arith.constant 5 : i32
        %dma_wait3A_403 = arith.constant 0 : i32
        %dma_wait3A_404 = tpu.memref_slice %arg17[%dma_wait3A_401, %dma_wait3A_402, %dma_wait3A_403] : memref<2x6x2048xf32, #tpu.memory_space<vmem>> -> memref<1x1x2048xf32, #tpu.memory_space<vmem>>
        %dma_wait3A_405 = tpu.memref_squeeze %dma_wait3A_404 : memref<1x1x2048xf32, #tpu.memory_space<vmem>> -> memref<2048xf32, #tpu.memory_space<vmem>>
        %dma_wait3A_406 = tpu.memref_slice %arg10[%multiple_of3A_350] : memref<1000000xf32, #tpu.memory_space<hbm>> -> memref<2048xf32, #tpu.memory_space<hbm>>
        %dma_wait3A_407 = arith.constant 0 : i32
        %dma_wait3A_408 = tpu.memref_slice %arg17[%dma_wait3A_401, %dma_wait3A_402, %dma_wait3A_407] : memref<2x6x2048xf32, #tpu.memory_space<vmem>> -> memref<1x1x2048xf32, #tpu.memory_space<vmem>>
        %dma_wait3A_409 = tpu.memref_squeeze %dma_wait3A_408 : memref<1x1x2048xf32, #tpu.memory_space<vmem>> -> memref<2048xf32, #tpu.memory_space<vmem>>
        %dma_wait3A_410 = tpu.memref_slice %arg10[%multiple_of3A_350] : memref<1000000xf32, #tpu.memory_space<hbm>> -> memref<2048xf32, #tpu.memory_space<hbm>>
        tpu.wait_dma2 semaphore(%arg21 : memref<!tpu.dma_semaphore, #tpu.memory_space<semaphore_mem>>) src(%dma_wait3A_410 : memref<2048xf32, #tpu.memory_space<hbm>>) dst(%dma_wait3A_409 : memref<2048xf32, #tpu.memory_space<vmem>>)
        %add3A_411 = arith.constant 1 : i32
        %add3A_412 = arith.addi %mul3A_332, %add3A_411 : i32
        %lt3A_413 = arith.cmpi slt, %add3A_412, %select_n3A : i32
        %convert_element_type3A_414 = arith.extui %lt3A_413 : i1 to i32
        %cond3A_415 = arith.constant 0 : i32
        %cond3A_416 = arith.cmpi ne, %convert_element_type3A_414, %cond3A_415 : i32
        scf.if %cond3A_416 {
          %add3A_442 = arith.constant 1 : i32
          %add3A_443 = arith.addi %mul3A_332, %add3A_442 : i32
          %mul3A_444 = arith.constant 16 : i32
          %mul3A_445 = arith.muli %add3A_443, %mul3A_444 : i32
          %add3A_446 = arith.addi %arg1, %mul3A_445 : i32
          %mul3A_447 = arith.constant 2048 : i32
          %mul3A_448 = arith.muli %add3A_446, %mul3A_447 : i32
          %min3A_449 = arith.constant 997952 : i32
          %min3A_450 = arith.minsi %mul3A_448, %min3A_449 : i32
          %multiple_of3A_451 = tpu.assume_multiple %min3A_450, 64 : i32
          %dma_start3A_452 = arith.constant 1 : i32
          %dma_start3A_453 = arith.constant 0 : i32
          %dma_start3A_454 = arith.constant 0 : i32
          %dma_start3A_455 = tpu.memref_slice %arg17[%dma_start3A_452, %dma_start3A_453, %dma_start3A_454] : memref<2x6x2048xf32, #tpu.memory_space<vmem>> -> memref<1x1x2048xf32, #tpu.memory_space<vmem>>
          %dma_start3A_456 = tpu.memref_squeeze %dma_start3A_455 : memref<1x1x2048xf32, #tpu.memory_space<vmem>> -> memref<2048xf32, #tpu.memory_space<vmem>>
          %dma_start3A_457 = tpu.memref_slice %arg5[%multiple_of3A_451] : memref<1000000xf32, #tpu.memory_space<hbm>> -> memref<2048xf32, #tpu.memory_space<hbm>>
          %dma_start3A_458 = arith.constant 0 : i32
          %dma_start3A_459 = tpu.memref_slice %arg17[%dma_start3A_452, %dma_start3A_453, %dma_start3A_458] : memref<2x6x2048xf32, #tpu.memory_space<vmem>> -> memref<1x1x2048xf32, #tpu.memory_space<vmem>>
          %dma_start3A_460 = tpu.memref_squeeze %dma_start3A_459 : memref<1x1x2048xf32, #tpu.memory_space<vmem>> -> memref<2048xf32, #tpu.memory_space<vmem>>
          %dma_start3A_461 = tpu.memref_slice %arg5[%multiple_of3A_451] : memref<1000000xf32, #tpu.memory_space<hbm>> -> memref<2048xf32, #tpu.memory_space<hbm>>
          tpu.enqueue_dma source(%dma_start3A_461 : memref<2048xf32, #tpu.memory_space<hbm>>) target(%dma_start3A_460 : memref<2048xf32, #tpu.memory_space<vmem>>) target_semaphore(%arg21 : memref<!tpu.dma_semaphore, #tpu.memory_space<semaphore_mem>>)
          %dma_start3A_462 = arith.constant 1 : i32
          %dma_start3A_463 = arith.constant 1 : i32
          %dma_start3A_464 = arith.constant 0 : i32
          %dma_start3A_465 = tpu.memref_slice %arg17[%dma_start3A_462, %dma_start3A_463, %dma_start3A_464] : memref<2x6x2048xf32, #tpu.memory_space<vmem>> -> memref<1x1x2048xf32, #tpu.memory_space<vmem>>
          %dma_start3A_466 = tpu.memref_squeeze %dma_start3A_465 : memref<1x1x2048xf32, #tpu.memory_space<vmem>> -> memref<2048xf32, #tpu.memory_space<vmem>>
          %dma_start3A_467 = tpu.memref_slice %arg6[%multiple_of3A_451] : memref<1000000xf32, #tpu.memory_space<hbm>> -> memref<2048xf32, #tpu.memory_space<hbm>>
          %dma_start3A_468 = arith.constant 0 : i32
          %dma_start3A_469 = tpu.memref_slice %arg17[%dma_start3A_462, %dma_start3A_463, %dma_start3A_468] : memref<2x6x2048xf32, #tpu.memory_space<vmem>> -> memref<1x1x2048xf32, #tpu.memory_space<vmem>>
          %dma_start3A_470 = tpu.memref_squeeze %dma_start3A_469 : memref<1x1x2048xf32, #tpu.memory_space<vmem>> -> memref<2048xf32, #tpu.memory_space<vmem>>
          %dma_start3A_471 = tpu.memref_slice %arg6[%multiple_of3A_451] : memref<1000000xf32, #tpu.memory_space<hbm>> -> memref<2048xf32, #tpu.memory_space<hbm>>
          tpu.enqueue_dma source(%dma_start3A_471 : memref<2048xf32, #tpu.memory_space<hbm>>) target(%dma_start3A_470 : memref<2048xf32, #tpu.memory_space<vmem>>) target_semaphore(%arg21 : memref<!tpu.dma_semaphore, #tpu.memory_space<semaphore_mem>>)
          %dma_start3A_472 = arith.constant 1 : i32
          %dma_start3A_473 = arith.constant 2 : i32
          %dma_start3A_474 = arith.constant 0 : i32
          %dma_start3A_475 = tpu.memref_slice %arg17[%dma_start3A_472, %dma_start3A_473, %dma_start3A_474] : memref<2x6x2048xf32, #tpu.memory_space<vmem>> -> memref<1x1x2048xf32, #tpu.memory_space<vmem>>
          %dma_start3A_476 = tpu.memref_squeeze %dma_start3A_475 : memref<1x1x2048xf32, #tpu.memory_space<vmem>> -> memref<2048xf32, #tpu.memory_space<vmem>>
          %dma_start3A_477 = tpu.memref_slice %arg7[%multiple_of3A_451] : memref<1000000xf32, #tpu.memory_space<hbm>> -> memref<2048xf32, #tpu.memory_space<hbm>>
          %dma_start3A_478 = arith.constant 0 : i32
          %dma_start3A_479 = tpu.memref_slice %arg17[%dma_start3A_472, %dma_start3A_473, %dma_start3A_478] : memref<2x6x2048xf32, #tpu.memory_space<vmem>> -> memref<1x1x2048xf32, #tpu.memory_space<vmem>>
          %dma_start3A_480 = tpu.memref_squeeze %dma_start3A_479 : memref<1x1x2048xf32, #tpu.memory_space<vmem>> -> memref<2048xf32, #tpu.memory_space<vmem>>
          %dma_start3A_481 = tpu.memref_slice %arg7[%multiple_of3A_451] : memref<1000000xf32, #tpu.memory_space<hbm>> -> memref<2048xf32, #tpu.memory_space<hbm>>
          tpu.enqueue_dma source(%dma_start3A_481 : memref<2048xf32, #tpu.memory_space<hbm>>) target(%dma_start3A_480 : memref<2048xf32, #tpu.memory_space<vmem>>) target_semaphore(%arg21 : memref<!tpu.dma_semaphore, #tpu.memory_space<semaphore_mem>>)
          %dma_start3A_482 = arith.constant 1 : i32
          %dma_start3A_483 = arith.constant 3 : i32
          %dma_start3A_484 = arith.constant 0 : i32
          %dma_start3A_485 = tpu.memref_slice %arg17[%dma_start3A_482, %dma_start3A_483, %dma_start3A_484] : memref<2x6x2048xf32, #tpu.memory_space<vmem>> -> memref<1x1x2048xf32, #tpu.memory_space<vmem>>
          %dma_start3A_486 = tpu.memref_squeeze %dma_start3A_485 : memref<1x1x2048xf32, #tpu.memory_space<vmem>> -> memref<2048xf32, #tpu.memory_space<vmem>>
          %dma_start3A_487 = tpu.memref_slice %arg8[%multiple_of3A_451] : memref<1000000xf32, #tpu.memory_space<hbm>> -> memref<2048xf32, #tpu.memory_space<hbm>>
          %dma_start3A_488 = arith.constant 0 : i32
          %dma_start3A_489 = tpu.memref_slice %arg17[%dma_start3A_482, %dma_start3A_483, %dma_start3A_488] : memref<2x6x2048xf32, #tpu.memory_space<vmem>> -> memref<1x1x2048xf32, #tpu.memory_space<vmem>>
          %dma_start3A_490 = tpu.memref_squeeze %dma_start3A_489 : memref<1x1x2048xf32, #tpu.memory_space<vmem>> -> memref<2048xf32, #tpu.memory_space<vmem>>
          %dma_start3A_491 = tpu.memref_slice %arg8[%multiple_of3A_451] : memref<1000000xf32, #tpu.memory_space<hbm>> -> memref<2048xf32, #tpu.memory_space<hbm>>
          tpu.enqueue_dma source(%dma_start3A_491 : memref<2048xf32, #tpu.memory_space<hbm>>) target(%dma_start3A_490 : memref<2048xf32, #tpu.memory_space<vmem>>) target_semaphore(%arg21 : memref<!tpu.dma_semaphore, #tpu.memory_space<semaphore_mem>>)
          %dma_start3A_492 = arith.constant 1 : i32
          %dma_start3A_493 = arith.constant 4 : i32
          %dma_start3A_494 = arith.constant 0 : i32
          %dma_start3A_495 = tpu.memref_slice %arg17[%dma_start3A_492, %dma_start3A_493, %dma_start3A_494] : memref<2x6x2048xf32, #tpu.memory_space<vmem>> -> memref<1x1x2048xf32, #tpu.memory_space<vmem>>
          %dma_start3A_496 = tpu.memref_squeeze %dma_start3A_495 : memref<1x1x2048xf32, #tpu.memory_space<vmem>> -> memref<2048xf32, #tpu.memory_space<vmem>>
          %dma_start3A_497 = tpu.memref_slice %arg9[%multiple_of3A_451] : memref<1000000xf32, #tpu.memory_space<hbm>> -> memref<2048xf32, #tpu.memory_space<hbm>>
          %dma_start3A_498 = arith.constant 0 : i32
          %dma_start3A_499 = tpu.memref_slice %arg17[%dma_start3A_492, %dma_start3A_493, %dma_start3A_498] : memref<2x6x2048xf32, #tpu.memory_space<vmem>> -> memref<1x1x2048xf32, #tpu.memory_space<vmem>>
          %dma_start3A_500 = tpu.memref_squeeze %dma_start3A_499 : memref<1x1x2048xf32, #tpu.memory_space<vmem>> -> memref<2048xf32, #tpu.memory_space<vmem>>
          %dma_start3A_501 = tpu.memref_slice %arg9[%multiple_of3A_451] : memref<1000000xf32, #tpu.memory_space<hbm>> -> memref<2048xf32, #tpu.memory_space<hbm>>
          tpu.enqueue_dma source(%dma_start3A_501 : memref<2048xf32, #tpu.memory_space<hbm>>) target(%dma_start3A_500 : memref<2048xf32, #tpu.memory_space<vmem>>) target_semaphore(%arg21 : memref<!tpu.dma_semaphore, #tpu.memory_space<semaphore_mem>>)
          %dma_start3A_502 = arith.constant 1 : i32
          %dma_start3A_503 = arith.constant 5 : i32
          %dma_start3A_504 = arith.constant 0 : i32
          %dma_start3A_505 = tpu.memref_slice %arg17[%dma_start3A_502, %dma_start3A_503, %dma_start3A_504] : memref<2x6x2048xf32, #tpu.memory_space<vmem>> -> memref<1x1x2048xf32, #tpu.memory_space<vmem>>
          %dma_start3A_506 = tpu.memref_squeeze %dma_start3A_505 : memref<1x1x2048xf32, #tpu.memory_space<vmem>> -> memref<2048xf32, #tpu.memory_space<vmem>>
          %dma_start3A_507 = tpu.memref_slice %arg10[%multiple_of3A_451] : memref<1000000xf32, #tpu.memory_space<hbm>> -> memref<2048xf32, #tpu.memory_space<hbm>>
          %dma_start3A_508 = arith.constant 0 : i32
          %dma_start3A_509 = tpu.memref_slice %arg17[%dma_start3A_502, %dma_start3A_503, %dma_start3A_508] : memref<2x6x2048xf32, #tpu.memory_space<vmem>> -> memref<1x1x2048xf32, #tpu.memory_space<vmem>>
          %dma_start3A_510 = tpu.memref_squeeze %dma_start3A_509 : memref<1x1x2048xf32, #tpu.memory_space<vmem>> -> memref<2048xf32, #tpu.memory_space<vmem>>
          %dma_start3A_511 = tpu.memref_slice %arg10[%multiple_of3A_451] : memref<1000000xf32, #tpu.memory_space<hbm>> -> memref<2048xf32, #tpu.memory_space<hbm>>
          tpu.enqueue_dma source(%dma_start3A_511 : memref<2048xf32, #tpu.memory_space<hbm>>) target(%dma_start3A_510 : memref<2048xf32, #tpu.memory_space<vmem>>) target_semaphore(%arg21 : memref<!tpu.dma_semaphore, #tpu.memory_space<semaphore_mem>>)
        } else {
        }
        %ge3A_417 = arith.constant 2 : i32
        %ge3A_418 = arith.cmpi sge, %mul3A_332, %ge3A_417 : i32
        %convert_element_type3A_419 = arith.extui %ge3A_418 : i1 to i32
        %cond3A_420 = arith.constant 0 : i32
        %cond3A_421 = arith.cmpi ne, %convert_element_type3A_419, %cond3A_420 : i32
        scf.if %cond3A_421 {
          %sub3A_442 = arith.constant 2 : i32
          %sub3A_443 = arith.subi %mul3A_332, %sub3A_442 : i32
          %mul3A_444 = arith.constant 16 : i32
          %mul3A_445 = arith.muli %sub3A_443, %mul3A_444 : i32
          %add3A_446 = arith.addi %arg1, %mul3A_445 : i32
          %mul3A_447 = arith.constant 2048 : i32
          %mul3A_448 = arith.muli %add3A_446, %mul3A_447 : i32
          %min3A_449 = arith.constant 997952 : i32
          %min3A_450 = arith.minsi %mul3A_448, %min3A_449 : i32
          %multiple_of3A_451 = tpu.assume_multiple %min3A_450, 64 : i32
          %add3A_452 = arith.addi %mul3A_2, %multiple_of3A_451 : i32
          %dma_wait3A_453 = arith.constant 0 : i32
          %dma_wait3A_454 = tpu.memref_slice %arg12[%add3A_452, %dma_wait3A_453] : memref<2000000x8xf32, #tpu.memory_space<hbm>> -> memref<2048x8xf32, #tpu.memory_space<hbm>>
          %dma_wait3A_455 = arith.constant 0 : i32
          %dma_wait3A_456 = tpu.memref_slice %arg12[%add3A_452, %dma_wait3A_455] : memref<2000000x8xf32, #tpu.memory_space<hbm>> -> memref<2048x8xf32, #tpu.memory_space<hbm>>
          tpu.wait_dma2 semaphore(%arg24 : memref<!tpu.dma_semaphore, #tpu.memory_space<semaphore_mem>>) src(%arg18 : memref<2048x8xf32, #tpu.memory_space<vmem>>) dst(%dma_wait3A_456 : memref<2048x8xf32, #tpu.memory_space<hbm>>)
        } else {
        }
        %scan3A_422 = arith.constant 0 : i32
        %scan3A_423 = arith.constant 0 : i32
        %scan3A_424 = arith.constant 128 : i32
        %scan3A_425 = arith.addi %scan3A_423, %scan3A_424 : i32
        %scan3A_426 = arith.constant 4 : i32
        %scan3A_427 = scf.for %scan3A_442 = %scan3A_423 to %scan3A_425 step %scan3A_426 iter_args(%scan3A_443 = %scan3A_422) -> (i32)  : i32 {
          %mul3A_444 = arith.constant 16 : i32
          %mul3A_445 = arith.muli %scan3A_442, %mul3A_444 : i32
          %add3A_446 = vector.broadcast %mul3A_445 : i32 to vector<16xi32>
          %add3A_447 = arith.addi %iota3A, %add3A_446 : vector<16xi32>
          %mul3A_448 = arith.constant 16 : i32
          %mul3A_449 = arith.muli %scan3A_442, %mul3A_448 : i32
          %broadcast_in_dim3A = arith.constant 0 : i32
          %broadcast_in_dim3A_450 = vector.broadcast %broadcast_in_dim3A : i32 to vector<16xi32>
          %get3A = arith.constant 0 : i32
          %get3A_451 = arith.constant 0 : i32
          %get3A_452 = arith.index_cast %get3A : i32 to index
          %get3A_453 = arith.index_cast %get3A_451 : i32 to index
          %get3A_454 = arith.index_cast %mul3A_449 : i32 to index
          %get3A_455 = tpu.vector_load %arg17[%get3A_452, %get3A_453, %get3A_454] {strides = array<i32>} : memref<2x6x2048xf32, #tpu.memory_space<vmem>>, vector<16xf32>,
          tpu.vector_store_idx %arg18[%add3A_447, %broadcast_in_dim3A_450], %get3A_455 : memref<2048x8xf32, #tpu.memory_space<vmem>>[vector<16xi32>, vector<16xi32>], vector<16xf32>,
          %broadcast_in_dim3A_456 = arith.constant 1 : i32
          %broadcast_in_dim3A_457 = vector.broadcast %broadcast_in_dim3A_456 : i32 to vector<16xi32>
          %get3A_458 = arith.constant 0 : i32
          %get3A_459 = arith.constant 1 : i32
          %get3A_460 = arith.index_cast %get3A_458 : i32 to index
          %get3A_461 = arith.index_cast %get3A_459 : i32 to index
          %get3A_462 = arith.index_cast %mul3A_449 : i32 to index
          %get3A_463 = tpu.vector_load %arg17[%get3A_460, %get3A_461, %get3A_462] {strides = array<i32>} : memref<2x6x2048xf32, #tpu.memory_space<vmem>>, vector<16xf32>,
          tpu.vector_store_idx %arg18[%add3A_447, %broadcast_in_dim3A_457], %get3A_463 : memref<2048x8xf32, #tpu.memory_space<vmem>>[vector<16xi32>, vector<16xi32>], vector<16xf32>,
          %broadcast_in_dim3A_464 = arith.constant 2 : i32
          %broadcast_in_dim3A_465 = vector.broadcast %broadcast_in_dim3A_464 : i32 to vector<16xi32>
          %get3A_466 = arith.constant 0 : i32
          %get3A_467 = arith.constant 2 : i32
          %get3A_468 = arith.index_cast %get3A_466 : i32 to index
          %get3A_469 = arith.index_cast %get3A_467 : i32 to index
          %get3A_470 = arith.index_cast %mul3A_449 : i32 to index
          %get3A_471 = tpu.vector_load %arg17[%get3A_468, %get3A_469, %get3A_470] {strides = array<i32>} : memref<2x6x2048xf32, #tpu.memory_space<vmem>>, vector<16xf32>,
          tpu.vector_store_idx %arg18[%add3A_447, %broadcast_in_dim3A_465], %get3A_471 : memref<2048x8xf32, #tpu.memory_space<vmem>>[vector<16xi32>, vector<16xi32>], vector<16xf32>,
          %broadcast_in_dim3A_472 = arith.constant 3 : i32
          %broadcast_in_dim3A_473 = vector.broadcast %broadcast_in_dim3A_472 : i32 to vector<16xi32>
          %get3A_474 = arith.constant 0 : i32
          %get3A_475 = arith.constant 3 : i32
          %get3A_476 = arith.index_cast %get3A_474 : i32 to index
          %get3A_477 = arith.index_cast %get3A_475 : i32 to index
          %get3A_478 = arith.index_cast %mul3A_449 : i32 to index
          %get3A_479 = tpu.vector_load %arg17[%get3A_476, %get3A_477, %get3A_478] {strides = array<i32>} : memref<2x6x2048xf32, #tpu.memory_space<vmem>>, vector<16xf32>,
          tpu.vector_store_idx %arg18[%add3A_447, %broadcast_in_dim3A_473], %get3A_479 : memref<2048x8xf32, #tpu.memory_space<vmem>>[vector<16xi32>, vector<16xi32>], vector<16xf32>,
          %broadcast_in_dim3A_480 = arith.constant 4 : i32
          %broadcast_in_dim3A_481 = vector.broadcast %broadcast_in_dim3A_480 : i32 to vector<16xi32>
          %get3A_482 = arith.constant 0 : i32
          %get3A_483 = arith.constant 4 : i32
          %get3A_484 = arith.index_cast %get3A_482 : i32 to index
          %get3A_485 = arith.index_cast %get3A_483 : i32 to index
          %get3A_486 = arith.index_cast %mul3A_449 : i32 to index
          %get3A_487 = tpu.vector_load %arg17[%get3A_484, %get3A_485, %get3A_486] {strides = array<i32>} : memref<2x6x2048xf32, #tpu.memory_space<vmem>>, vector<16xf32>,
          tpu.vector_store_idx %arg18[%add3A_447, %broadcast_in_dim3A_481], %get3A_487 : memref<2048x8xf32, #tpu.memory_space<vmem>>[vector<16xi32>, vector<16xi32>], vector<16xf32>,
          %broadcast_in_dim3A_488 = arith.constant 5 : i32
          %broadcast_in_dim3A_489 = vector.broadcast %broadcast_in_dim3A_488 : i32 to vector<16xi32>
          %get3A_490 = arith.constant 0 : i32
          %get3A_491 = arith.constant 5 : i32
          %get3A_492 = arith.index_cast %get3A_490 : i32 to index
          %get3A_493 = arith.index_cast %get3A_491 : i32 to index
          %get3A_494 = arith.index_cast %mul3A_449 : i32 to index
          %get3A_495 = tpu.vector_load %arg17[%get3A_492, %get3A_493, %get3A_494] {strides = array<i32>} : memref<2x6x2048xf32, #tpu.memory_space<vmem>>, vector<16xf32>,
          tpu.vector_store_idx %arg18[%add3A_447, %broadcast_in_dim3A_489], %get3A_495 : memref<2048x8xf32, #tpu.memory_space<vmem>>[vector<16xi32>, vector<16xi32>], vector<16xf32>,
          %scan3A_496 = arith.constant 0 : i32
          %scan3A_497 = arith.constant 1 : i32
          %scan3A_498 = arith.addi %scan3A_442, %scan3A_497 : i32
          %mul3A_499 = arith.constant 16 : i32
          %mul3A_500 = arith.muli %scan3A_498, %mul3A_499 : i32
          %add3A_501 = vector.broadcast %mul3A_500 : i32 to vector<16xi32>
          %add3A_502 = arith.addi %iota3A, %add3A_501 : vector<16xi32>
          %mul3A_503 = arith.constant 16 : i32
          %mul3A_504 = arith.muli %scan3A_498, %mul3A_503 : i32
          %broadcast_in_dim3A_505 = arith.constant 0 : i32
          %broadcast_in_dim3A_506 = vector.broadcast %broadcast_in_dim3A_505 : i32 to vector<16xi32>
          %get3A_507 = arith.constant 0 : i32
          %get3A_508 = arith.constant 0 : i32
          %get3A_509 = arith.index_cast %get3A_507 : i32 to index
          %get3A_510 = arith.index_cast %get3A_508 : i32 to index
          %get3A_511 = arith.index_cast %mul3A_504 : i32 to index
          %get3A_512 = tpu.vector_load %arg17[%get3A_509, %get3A_510, %get3A_511] {strides = array<i32>} : memref<2x6x2048xf32, #tpu.memory_space<vmem>>, vector<16xf32>,
          tpu.vector_store_idx %arg18[%add3A_502, %broadcast_in_dim3A_506], %get3A_512 : memref<2048x8xf32, #tpu.memory_space<vmem>>[vector<16xi32>, vector<16xi32>], vector<16xf32>,
          %broadcast_in_dim3A_513 = arith.constant 1 : i32
          %broadcast_in_dim3A_514 = vector.broadcast %broadcast_in_dim3A_513 : i32 to vector<16xi32>
          %get3A_515 = arith.constant 0 : i32
          %get3A_516 = arith.constant 1 : i32
          %get3A_517 = arith.index_cast %get3A_515 : i32 to index
          %get3A_518 = arith.index_cast %get3A_516 : i32 to index
          %get3A_519 = arith.index_cast %mul3A_504 : i32 to index
          %get3A_520 = tpu.vector_load %arg17[%get3A_517, %get3A_518, %get3A_519] {strides = array<i32>} : memref<2x6x2048xf32, #tpu.memory_space<vmem>>, vector<16xf32>,
          tpu.vector_store_idx %arg18[%add3A_502, %broadcast_in_dim3A_514], %get3A_520 : memref<2048x8xf32, #tpu.memory_space<vmem>>[vector<16xi32>, vector<16xi32>], vector<16xf32>,
          %broadcast_in_dim3A_521 = arith.constant 2 : i32
          %broadcast_in_dim3A_522 = vector.broadcast %broadcast_in_dim3A_521 : i32 to vector<16xi32>
          %get3A_523 = arith.constant 0 : i32
          %get3A_524 = arith.constant 2 : i32
          %get3A_525 = arith.index_cast %get3A_523 : i32 to index
          %get3A_526 = arith.index_cast %get3A_524 : i32 to index
          %get3A_527 = arith.index_cast %mul3A_504 : i32 to index
          %get3A_528 = tpu.vector_load %arg17[%get3A_525, %get3A_526, %get3A_527] {strides = array<i32>} : memref<2x6x2048xf32, #tpu.memory_space<vmem>>, vector<16xf32>,
          tpu.vector_store_idx %arg18[%add3A_502, %broadcast_in_dim3A_522], %get3A_528 : memref<2048x8xf32, #tpu.memory_space<vmem>>[vector<16xi32>, vector<16xi32>], vector<16xf32>,
          %broadcast_in_dim3A_529 = arith.constant 3 : i32
          %broadcast_in_dim3A_530 = vector.broadcast %broadcast_in_dim3A_529 : i32 to vector<16xi32>
          %get3A_531 = arith.constant 0 : i32
          %get3A_532 = arith.constant 3 : i32
          %get3A_533 = arith.index_cast %get3A_531 : i32 to index
          %get3A_534 = arith.index_cast %get3A_532 : i32 to index
          %get3A_535 = arith.index_cast %mul3A_504 : i32 to index
          %get3A_536 = tpu.vector_load %arg17[%get3A_533, %get3A_534, %get3A_535] {strides = array<i32>} : memref<2x6x2048xf32, #tpu.memory_space<vmem>>, vector<16xf32>,
          tpu.vector_store_idx %arg18[%add3A_502, %broadcast_in_dim3A_530], %get3A_536 : memref<2048x8xf32, #tpu.memory_space<vmem>>[vector<16xi32>, vector<16xi32>], vector<16xf32>,
          %broadcast_in_dim3A_537 = arith.constant 4 : i32
          %broadcast_in_dim3A_538 = vector.broadcast %broadcast_in_dim3A_537 : i32 to vector<16xi32>
          %get3A_539 = arith.constant 0 : i32
          %get3A_540 = arith.constant 4 : i32
          %get3A_541 = arith.index_cast %get3A_539 : i32 to index
          %get3A_542 = arith.index_cast %get3A_540 : i32 to index
          %get3A_543 = arith.index_cast %mul3A_504 : i32 to index
          %get3A_544 = tpu.vector_load %arg17[%get3A_541, %get3A_542, %get3A_543] {strides = array<i32>} : memref<2x6x2048xf32, #tpu.memory_space<vmem>>, vector<16xf32>,
          tpu.vector_store_idx %arg18[%add3A_502, %broadcast_in_dim3A_538], %get3A_544 : memref<2048x8xf32, #tpu.memory_space<vmem>>[vector<16xi32>, vector<16xi32>], vector<16xf32>,
          %broadcast_in_dim3A_545 = arith.constant 5 : i32
          %broadcast_in_dim3A_546 = vector.broadcast %broadcast_in_dim3A_545 : i32 to vector<16xi32>
          %get3A_547 = arith.constant 0 : i32
          %get3A_548 = arith.constant 5 : i32
          %get3A_549 = arith.index_cast %get3A_547 : i32 to index
          %get3A_550 = arith.index_cast %get3A_548 : i32 to index
          %get3A_551 = arith.index_cast %mul3A_504 : i32 to index
          %get3A_552 = tpu.vector_load %arg17[%get3A_549, %get3A_550, %get3A_551] {strides = array<i32>} : memref<2x6x2048xf32, #tpu.memory_space<vmem>>, vector<16xf32>,
          tpu.vector_store_idx %arg18[%add3A_502, %broadcast_in_dim3A_546], %get3A_552 : memref<2048x8xf32, #tpu.memory_space<vmem>>[vector<16xi32>, vector<16xi32>], vector<16xf32>,
          %scan3A_553 = arith.constant 0 : i32
          %scan3A_554 = arith.constant 2 : i32
          %scan3A_555 = arith.addi %scan3A_442, %scan3A_554 : i32
          %mul3A_556 = arith.constant 16 : i32
          %mul3A_557 = arith.muli %scan3A_555, %mul3A_556 : i32
          %add3A_558 = vector.broadcast %mul3A_557 : i32 to vector<16xi32>
          %add3A_559 = arith.addi %iota3A, %add3A_558 : vector<16xi32>
          %mul3A_560 = arith.constant 16 : i32
          %mul3A_561 = arith.muli %scan3A_555, %mul3A_560 : i32
          %broadcast_in_dim3A_562 = arith.constant 0 : i32
          %broadcast_in_dim3A_563 = vector.broadcast %broadcast_in_dim3A_562 : i32 to vector<16xi32>
          %get3A_564 = arith.constant 0 : i32
          %get3A_565 = arith.constant 0 : i32
          %get3A_566 = arith.index_cast %get3A_564 : i32 to index
          %get3A_567 = arith.index_cast %get3A_565 : i32 to index
          %get3A_568 = arith.index_cast %mul3A_561 : i32 to index
          %get3A_569 = tpu.vector_load %arg17[%get3A_566, %get3A_567, %get3A_568] {strides = array<i32>} : memref<2x6x2048xf32, #tpu.memory_space<vmem>>, vector<16xf32>,
          tpu.vector_store_idx %arg18[%add3A_559, %broadcast_in_dim3A_563], %get3A_569 : memref<2048x8xf32, #tpu.memory_space<vmem>>[vector<16xi32>, vector<16xi32>], vector<16xf32>,
          %broadcast_in_dim3A_570 = arith.constant 1 : i32
          %broadcast_in_dim3A_571 = vector.broadcast %broadcast_in_dim3A_570 : i32 to vector<16xi32>
          %get3A_572 = arith.constant 0 : i32
          %get3A_573 = arith.constant 1 : i32
          %get3A_574 = arith.index_cast %get3A_572 : i32 to index
          %get3A_575 = arith.index_cast %get3A_573 : i32 to index
          %get3A_576 = arith.index_cast %mul3A_561 : i32 to index
          %get3A_577 = tpu.vector_load %arg17[%get3A_574, %get3A_575, %get3A_576] {strides = array<i32>} : memref<2x6x2048xf32, #tpu.memory_space<vmem>>, vector<16xf32>,
          tpu.vector_store_idx %arg18[%add3A_559, %broadcast_in_dim3A_571], %get3A_577 : memref<2048x8xf32, #tpu.memory_space<vmem>>[vector<16xi32>, vector<16xi32>], vector<16xf32>,
          %broadcast_in_dim3A_578 = arith.constant 2 : i32
          %broadcast_in_dim3A_579 = vector.broadcast %broadcast_in_dim3A_578 : i32 to vector<16xi32>
          %get3A_580 = arith.constant 0 : i32
          %get3A_581 = arith.constant 2 : i32
          %get3A_582 = arith.index_cast %get3A_580 : i32 to index
          %get3A_583 = arith.index_cast %get3A_581 : i32 to index
          %get3A_584 = arith.index_cast %mul3A_561 : i32 to index
          %get3A_585 = tpu.vector_load %arg17[%get3A_582, %get3A_583, %get3A_584] {strides = array<i32>} : memref<2x6x2048xf32, #tpu.memory_space<vmem>>, vector<16xf32>,
          tpu.vector_store_idx %arg18[%add3A_559, %broadcast_in_dim3A_579], %get3A_585 : memref<2048x8xf32, #tpu.memory_space<vmem>>[vector<16xi32>, vector<16xi32>], vector<16xf32>,
          %broadcast_in_dim3A_586 = arith.constant 3 : i32
          %broadcast_in_dim3A_587 = vector.broadcast %broadcast_in_dim3A_586 : i32 to vector<16xi32>
          %get3A_588 = arith.constant 0 : i32
          %get3A_589 = arith.constant 3 : i32
          %get3A_590 = arith.index_cast %get3A_588 : i32 to index
          %get3A_591 = arith.index_cast %get3A_589 : i32 to index
          %get3A_592 = arith.index_cast %mul3A_561 : i32 to index
          %get3A_593 = tpu.vector_load %arg17[%get3A_590, %get3A_591, %get3A_592] {strides = array<i32>} : memref<2x6x2048xf32, #tpu.memory_space<vmem>>, vector<16xf32>,
          tpu.vector_store_idx %arg18[%add3A_559, %broadcast_in_dim3A_587], %get3A_593 : memref<2048x8xf32, #tpu.memory_space<vmem>>[vector<16xi32>, vector<16xi32>], vector<16xf32>,
          %broadcast_in_dim3A_594 = arith.constant 4 : i32
          %broadcast_in_dim3A_595 = vector.broadcast %broadcast_in_dim3A_594 : i32 to vector<16xi32>
          %get3A_596 = arith.constant 0 : i32
          %get3A_597 = arith.constant 4 : i32
          %get3A_598 = arith.index_cast %get3A_596 : i32 to index
          %get3A_599 = arith.index_cast %get3A_597 : i32 to index
          %get3A_600 = arith.index_cast %mul3A_561 : i32 to index
          %get3A_601 = tpu.vector_load %arg17[%get3A_598, %get3A_599, %get3A_600] {strides = array<i32>} : memref<2x6x2048xf32, #tpu.memory_space<vmem>>, vector<16xf32>,
          tpu.vector_store_idx %arg18[%add3A_559, %broadcast_in_dim3A_595], %get3A_601 : memref<2048x8xf32, #tpu.memory_space<vmem>>[vector<16xi32>, vector<16xi32>], vector<16xf32>,
          %broadcast_in_dim3A_602 = arith.constant 5 : i32
          %broadcast_in_dim3A_603 = vector.broadcast %broadcast_in_dim3A_602 : i32 to vector<16xi32>
          %get3A_604 = arith.constant 0 : i32
          %get3A_605 = arith.constant 5 : i32
          %get3A_606 = arith.index_cast %get3A_604 : i32 to index
          %get3A_607 = arith.index_cast %get3A_605 : i32 to index
          %get3A_608 = arith.index_cast %mul3A_561 : i32 to index
          %get3A_609 = tpu.vector_load %arg17[%get3A_606, %get3A_607, %get3A_608] {strides = array<i32>} : memref<2x6x2048xf32, #tpu.memory_space<vmem>>, vector<16xf32>,
          tpu.vector_store_idx %arg18[%add3A_559, %broadcast_in_dim3A_603], %get3A_609 : memref<2048x8xf32, #tpu.memory_space<vmem>>[vector<16xi32>, vector<16xi32>], vector<16xf32>,
          %scan3A_610 = arith.constant 0 : i32
          %scan3A_611 = arith.constant 3 : i32
          %scan3A_612 = arith.addi %scan3A_442, %scan3A_611 : i32
          %mul3A_613 = arith.constant 16 : i32
          %mul3A_614 = arith.muli %scan3A_612, %mul3A_613 : i32
          %add3A_615 = vector.broadcast %mul3A_614 : i32 to vector<16xi32>
          %add3A_616 = arith.addi %iota3A, %add3A_615 : vector<16xi32>
          %mul3A_617 = arith.constant 16 : i32
          %mul3A_618 = arith.muli %scan3A_612, %mul3A_617 : i32
          %broadcast_in_dim3A_619 = arith.constant 0 : i32
          %broadcast_in_dim3A_620 = vector.broadcast %broadcast_in_dim3A_619 : i32 to vector<16xi32>
          %get3A_621 = arith.constant 0 : i32
          %get3A_622 = arith.constant 0 : i32
          %get3A_623 = arith.index_cast %get3A_621 : i32 to index
          %get3A_624 = arith.index_cast %get3A_622 : i32 to index
          %get3A_625 = arith.index_cast %mul3A_618 : i32 to index
          %get3A_626 = tpu.vector_load %arg17[%get3A_623, %get3A_624, %get3A_625] {strides = array<i32>} : memref<2x6x2048xf32, #tpu.memory_space<vmem>>, vector<16xf32>,
          tpu.vector_store_idx %arg18[%add3A_616, %broadcast_in_dim3A_620], %get3A_626 : memref<2048x8xf32, #tpu.memory_space<vmem>>[vector<16xi32>, vector<16xi32>], vector<16xf32>,
          %broadcast_in_dim3A_627 = arith.constant 1 : i32
          %broadcast_in_dim3A_628 = vector.broadcast %broadcast_in_dim3A_627 : i32 to vector<16xi32>
          %get3A_629 = arith.constant 0 : i32
          %get3A_630 = arith.constant 1 : i32
          %get3A_631 = arith.index_cast %get3A_629 : i32 to index
          %get3A_632 = arith.index_cast %get3A_630 : i32 to index
          %get3A_633 = arith.index_cast %mul3A_618 : i32 to index
          %get3A_634 = tpu.vector_load %arg17[%get3A_631, %get3A_632, %get3A_633] {strides = array<i32>} : memref<2x6x2048xf32, #tpu.memory_space<vmem>>, vector<16xf32>,
          tpu.vector_store_idx %arg18[%add3A_616, %broadcast_in_dim3A_628], %get3A_634 : memref<2048x8xf32, #tpu.memory_space<vmem>>[vector<16xi32>, vector<16xi32>], vector<16xf32>,
          %broadcast_in_dim3A_635 = arith.constant 2 : i32
          %broadcast_in_dim3A_636 = vector.broadcast %broadcast_in_dim3A_635 : i32 to vector<16xi32>
          %get3A_637 = arith.constant 0 : i32
          %get3A_638 = arith.constant 2 : i32
          %get3A_639 = arith.index_cast %get3A_637 : i32 to index
          %get3A_640 = arith.index_cast %get3A_638 : i32 to index
          %get3A_641 = arith.index_cast %mul3A_618 : i32 to index
          %get3A_642 = tpu.vector_load %arg17[%get3A_639, %get3A_640, %get3A_641] {strides = array<i32>} : memref<2x6x2048xf32, #tpu.memory_space<vmem>>, vector<16xf32>,
          tpu.vector_store_idx %arg18[%add3A_616, %broadcast_in_dim3A_636], %get3A_642 : memref<2048x8xf32, #tpu.memory_space<vmem>>[vector<16xi32>, vector<16xi32>], vector<16xf32>,
          %broadcast_in_dim3A_643 = arith.constant 3 : i32
          %broadcast_in_dim3A_644 = vector.broadcast %broadcast_in_dim3A_643 : i32 to vector<16xi32>
          %get3A_645 = arith.constant 0 : i32
          %get3A_646 = arith.constant 3 : i32
          %get3A_647 = arith.index_cast %get3A_645 : i32 to index
          %get3A_648 = arith.index_cast %get3A_646 : i32 to index
          %get3A_649 = arith.index_cast %mul3A_618 : i32 to index
          %get3A_650 = tpu.vector_load %arg17[%get3A_647, %get3A_648, %get3A_649] {strides = array<i32>} : memref<2x6x2048xf32, #tpu.memory_space<vmem>>, vector<16xf32>,
          tpu.vector_store_idx %arg18[%add3A_616, %broadcast_in_dim3A_644], %get3A_650 : memref<2048x8xf32, #tpu.memory_space<vmem>>[vector<16xi32>, vector<16xi32>], vector<16xf32>,
          %broadcast_in_dim3A_651 = arith.constant 4 : i32
          %broadcast_in_dim3A_652 = vector.broadcast %broadcast_in_dim3A_651 : i32 to vector<16xi32>
          %get3A_653 = arith.constant 0 : i32
          %get3A_654 = arith.constant 4 : i32
          %get3A_655 = arith.index_cast %get3A_653 : i32 to index
          %get3A_656 = arith.index_cast %get3A_654 : i32 to index
          %get3A_657 = arith.index_cast %mul3A_618 : i32 to index
          %get3A_658 = tpu.vector_load %arg17[%get3A_655, %get3A_656, %get3A_657] {strides = array<i32>} : memref<2x6x2048xf32, #tpu.memory_space<vmem>>, vector<16xf32>,
          tpu.vector_store_idx %arg18[%add3A_616, %broadcast_in_dim3A_652], %get3A_658 : memref<2048x8xf32, #tpu.memory_space<vmem>>[vector<16xi32>, vector<16xi32>], vector<16xf32>,
          %broadcast_in_dim3A_659 = arith.constant 5 : i32
          %broadcast_in_dim3A_660 = vector.broadcast %broadcast_in_dim3A_659 : i32 to vector<16xi32>
          %get3A_661 = arith.constant 0 : i32
          %get3A_662 = arith.constant 5 : i32
          %get3A_663 = arith.index_cast %get3A_661 : i32 to index
          %get3A_664 = arith.index_cast %get3A_662 : i32 to index
          %get3A_665 = arith.index_cast %mul3A_618 : i32 to index
          %get3A_666 = tpu.vector_load %arg17[%get3A_663, %get3A_664, %get3A_665] {strides = array<i32>} : memref<2x6x2048xf32, #tpu.memory_space<vmem>>, vector<16xf32>,
          tpu.vector_store_idx %arg18[%add3A_616, %broadcast_in_dim3A_660], %get3A_666 : memref<2048x8xf32, #tpu.memory_space<vmem>>[vector<16xi32>, vector<16xi32>], vector<16xf32>,
          %scan3A_667 = arith.constant 0 : i32
          scf.yield %scan3A_667 : i32
        }
        %scan3A_428 = arith.constant 128 : i32
        %mul3A_429 = arith.constant 16 : i32
        %mul3A_430 = arith.muli %mul3A_332, %mul3A_429 : i32
        %add3A_431 = arith.addi %arg1, %mul3A_430 : i32
        %mul3A_432 = arith.constant 2048 : i32
        %mul3A_433 = arith.muli %add3A_431, %mul3A_432 : i32
        %min3A_434 = arith.constant 997952 : i32
        %min3A_435 = arith.minsi %mul3A_433, %min3A_434 : i32
        %multiple_of3A_436 = tpu.assume_multiple %min3A_435, 64 : i32
        %add3A_437 = arith.addi %mul3A_2, %multiple_of3A_436 : i32
        %dma_start3A_438 = arith.constant 0 : i32
        %dma_start3A_439 = tpu.memref_slice %arg12[%add3A_437, %dma_start3A_438] : memref<2000000x8xf32, #tpu.memory_space<hbm>> -> memref<2048x8xf32, #tpu.memory_space<hbm>>
        %dma_start3A_440 = arith.constant 0 : i32
        %dma_start3A_441 = tpu.memref_slice %arg12[%add3A_437, %dma_start3A_440] : memref<2000000x8xf32, #tpu.memory_space<hbm>> -> memref<2048x8xf32, #tpu.memory_space<hbm>>
        tpu.enqueue_dma source(%arg18 : memref<2048x8xf32, #tpu.memory_space<vmem>>) target(%dma_start3A_441 : memref<2048x8xf32, #tpu.memory_space<hbm>>) target_semaphore(%arg24 : memref<!tpu.dma_semaphore, #tpu.memory_space<semaphore_mem>>)
      } else {
      }
      %add3A_336 = arith.constant 1 : i32
      %add3A_337 = arith.addi %mul3A_332, %add3A_336 : i32
      %lt3A_338 = arith.cmpi slt, %add3A_337, %select_n3A : i32
      %convert_element_type3A_339 = arith.extui %lt3A_338 : i1 to i32
      %cond3A_340 = arith.constant 0 : i32
      %cond3A_341 = arith.cmpi ne, %convert_element_type3A_339, %cond3A_340 : i32
      scf.if %cond3A_341 {
        %add3A_343 = arith.constant 1 : i32
        %add3A_344 = arith.addi %mul3A_332, %add3A_343 : i32
        %mul3A_345 = arith.constant 16 : i32
        %mul3A_346 = arith.muli %add3A_344, %mul3A_345 : i32
        %add3A_347 = arith.addi %arg1, %mul3A_346 : i32
        %mul3A_348 = arith.constant 2048 : i32
        %mul3A_349 = arith.muli %add3A_347, %mul3A_348 : i32
        %min3A_350 = arith.constant 997952 : i32
        %min3A_351 = arith.minsi %mul3A_349, %min3A_350 : i32
        %multiple_of3A_352 = tpu.assume_multiple %min3A_351, 64 : i32
        %dma_wait3A_353 = arith.constant 1 : i32
        %dma_wait3A_354 = arith.constant 0 : i32
        %dma_wait3A_355 = arith.constant 0 : i32
        %dma_wait3A_356 = tpu.memref_slice %arg17[%dma_wait3A_353, %dma_wait3A_354, %dma_wait3A_355] : memref<2x6x2048xf32, #tpu.memory_space<vmem>> -> memref<1x1x2048xf32, #tpu.memory_space<vmem>>
        %dma_wait3A_357 = tpu.memref_squeeze %dma_wait3A_356 : memref<1x1x2048xf32, #tpu.memory_space<vmem>> -> memref<2048xf32, #tpu.memory_space<vmem>>
        %dma_wait3A_358 = tpu.memref_slice %arg5[%multiple_of3A_352] : memref<1000000xf32, #tpu.memory_space<hbm>> -> memref<2048xf32, #tpu.memory_space<hbm>>
        %dma_wait3A_359 = arith.constant 0 : i32
        %dma_wait3A_360 = tpu.memref_slice %arg17[%dma_wait3A_353, %dma_wait3A_354, %dma_wait3A_359] : memref<2x6x2048xf32, #tpu.memory_space<vmem>> -> memref<1x1x2048xf32, #tpu.memory_space<vmem>>
        %dma_wait3A_361 = tpu.memref_squeeze %dma_wait3A_360 : memref<1x1x2048xf32, #tpu.memory_space<vmem>> -> memref<2048xf32, #tpu.memory_space<vmem>>
        %dma_wait3A_362 = tpu.memref_slice %arg5[%multiple_of3A_352] : memref<1000000xf32, #tpu.memory_space<hbm>> -> memref<2048xf32, #tpu.memory_space<hbm>>
        tpu.wait_dma2 semaphore(%arg21 : memref<!tpu.dma_semaphore, #tpu.memory_space<semaphore_mem>>) src(%dma_wait3A_362 : memref<2048xf32, #tpu.memory_space<hbm>>) dst(%dma_wait3A_361 : memref<2048xf32, #tpu.memory_space<vmem>>)
        %dma_wait3A_363 = arith.constant 1 : i32
        %dma_wait3A_364 = arith.constant 1 : i32
        %dma_wait3A_365 = arith.constant 0 : i32
        %dma_wait3A_366 = tpu.memref_slice %arg17[%dma_wait3A_363, %dma_wait3A_364, %dma_wait3A_365] : memref<2x6x2048xf32, #tpu.memory_space<vmem>> -> memref<1x1x2048xf32, #tpu.memory_space<vmem>>
        %dma_wait3A_367 = tpu.memref_squeeze %dma_wait3A_366 : memref<1x1x2048xf32, #tpu.memory_space<vmem>> -> memref<2048xf32, #tpu.memory_space<vmem>>
        %dma_wait3A_368 = tpu.memref_slice %arg6[%multiple_of3A_352] : memref<1000000xf32, #tpu.memory_space<hbm>> -> memref<2048xf32, #tpu.memory_space<hbm>>
        %dma_wait3A_369 = arith.constant 0 : i32
        %dma_wait3A_370 = tpu.memref_slice %arg17[%dma_wait3A_363, %dma_wait3A_364, %dma_wait3A_369] : memref<2x6x2048xf32, #tpu.memory_space<vmem>> -> memref<1x1x2048xf32, #tpu.memory_space<vmem>>
        %dma_wait3A_371 = tpu.memref_squeeze %dma_wait3A_370 : memref<1x1x2048xf32, #tpu.memory_space<vmem>> -> memref<2048xf32, #tpu.memory_space<vmem>>
        %dma_wait3A_372 = tpu.memref_slice %arg6[%multiple_of3A_352] : memref<1000000xf32, #tpu.memory_space<hbm>> -> memref<2048xf32, #tpu.memory_space<hbm>>
        tpu.wait_dma2 semaphore(%arg21 : memref<!tpu.dma_semaphore, #tpu.memory_space<semaphore_mem>>) src(%dma_wait3A_372 : memref<2048xf32, #tpu.memory_space<hbm>>) dst(%dma_wait3A_371 : memref<2048xf32, #tpu.memory_space<vmem>>)
        %dma_wait3A_373 = arith.constant 1 : i32
        %dma_wait3A_374 = arith.constant 2 : i32
        %dma_wait3A_375 = arith.constant 0 : i32
        %dma_wait3A_376 = tpu.memref_slice %arg17[%dma_wait3A_373, %dma_wait3A_374, %dma_wait3A_375] : memref<2x6x2048xf32, #tpu.memory_space<vmem>> -> memref<1x1x2048xf32, #tpu.memory_space<vmem>>
        %dma_wait3A_377 = tpu.memref_squeeze %dma_wait3A_376 : memref<1x1x2048xf32, #tpu.memory_space<vmem>> -> memref<2048xf32, #tpu.memory_space<vmem>>
        %dma_wait3A_378 = tpu.memref_slice %arg7[%multiple_of3A_352] : memref<1000000xf32, #tpu.memory_space<hbm>> -> memref<2048xf32, #tpu.memory_space<hbm>>
        %dma_wait3A_379 = arith.constant 0 : i32
        %dma_wait3A_380 = tpu.memref_slice %arg17[%dma_wait3A_373, %dma_wait3A_374, %dma_wait3A_379] : memref<2x6x2048xf32, #tpu.memory_space<vmem>> -> memref<1x1x2048xf32, #tpu.memory_space<vmem>>
        %dma_wait3A_381 = tpu.memref_squeeze %dma_wait3A_380 : memref<1x1x2048xf32, #tpu.memory_space<vmem>> -> memref<2048xf32, #tpu.memory_space<vmem>>
        %dma_wait3A_382 = tpu.memref_slice %arg7[%multiple_of3A_352] : memref<1000000xf32, #tpu.memory_space<hbm>> -> memref<2048xf32, #tpu.memory_space<hbm>>
        tpu.wait_dma2 semaphore(%arg21 : memref<!tpu.dma_semaphore, #tpu.memory_space<semaphore_mem>>) src(%dma_wait3A_382 : memref<2048xf32, #tpu.memory_space<hbm>>) dst(%dma_wait3A_381 : memref<2048xf32, #tpu.memory_space<vmem>>)
        %dma_wait3A_383 = arith.constant 1 : i32
        %dma_wait3A_384 = arith.constant 3 : i32
        %dma_wait3A_385 = arith.constant 0 : i32
        %dma_wait3A_386 = tpu.memref_slice %arg17[%dma_wait3A_383, %dma_wait3A_384, %dma_wait3A_385] : memref<2x6x2048xf32, #tpu.memory_space<vmem>> -> memref<1x1x2048xf32, #tpu.memory_space<vmem>>
        %dma_wait3A_387 = tpu.memref_squeeze %dma_wait3A_386 : memref<1x1x2048xf32, #tpu.memory_space<vmem>> -> memref<2048xf32, #tpu.memory_space<vmem>>
        %dma_wait3A_388 = tpu.memref_slice %arg8[%multiple_of3A_352] : memref<1000000xf32, #tpu.memory_space<hbm>> -> memref<2048xf32, #tpu.memory_space<hbm>>
        %dma_wait3A_389 = arith.constant 0 : i32
        %dma_wait3A_390 = tpu.memref_slice %arg17[%dma_wait3A_383, %dma_wait3A_384, %dma_wait3A_389] : memref<2x6x2048xf32, #tpu.memory_space<vmem>> -> memref<1x1x2048xf32, #tpu.memory_space<vmem>>
        %dma_wait3A_391 = tpu.memref_squeeze %dma_wait3A_390 : memref<1x1x2048xf32, #tpu.memory_space<vmem>> -> memref<2048xf32, #tpu.memory_space<vmem>>
        %dma_wait3A_392 = tpu.memref_slice %arg8[%multiple_of3A_352] : memref<1000000xf32, #tpu.memory_space<hbm>> -> memref<2048xf32, #tpu.memory_space<hbm>>
        tpu.wait_dma2 semaphore(%arg21 : memref<!tpu.dma_semaphore, #tpu.memory_space<semaphore_mem>>) src(%dma_wait3A_392 : memref<2048xf32, #tpu.memory_space<hbm>>) dst(%dma_wait3A_391 : memref<2048xf32, #tpu.memory_space<vmem>>)
        %dma_wait3A_393 = arith.constant 1 : i32
        %dma_wait3A_394 = arith.constant 4 : i32
        %dma_wait3A_395 = arith.constant 0 : i32
        %dma_wait3A_396 = tpu.memref_slice %arg17[%dma_wait3A_393, %dma_wait3A_394, %dma_wait3A_395] : memref<2x6x2048xf32, #tpu.memory_space<vmem>> -> memref<1x1x2048xf32, #tpu.memory_space<vmem>>
        %dma_wait3A_397 = tpu.memref_squeeze %dma_wait3A_396 : memref<1x1x2048xf32, #tpu.memory_space<vmem>> -> memref<2048xf32, #tpu.memory_space<vmem>>
        %dma_wait3A_398 = tpu.memref_slice %arg9[%multiple_of3A_352] : memref<1000000xf32, #tpu.memory_space<hbm>> -> memref<2048xf32, #tpu.memory_space<hbm>>
        %dma_wait3A_399 = arith.constant 0 : i32
        %dma_wait3A_400 = tpu.memref_slice %arg17[%dma_wait3A_393, %dma_wait3A_394, %dma_wait3A_399] : memref<2x6x2048xf32, #tpu.memory_space<vmem>> -> memref<1x1x2048xf32, #tpu.memory_space<vmem>>
        %dma_wait3A_401 = tpu.memref_squeeze %dma_wait3A_400 : memref<1x1x2048xf32, #tpu.memory_space<vmem>> -> memref<2048xf32, #tpu.memory_space<vmem>>
        %dma_wait3A_402 = tpu.memref_slice %arg9[%multiple_of3A_352] : memref<1000000xf32, #tpu.memory_space<hbm>> -> memref<2048xf32, #tpu.memory_space<hbm>>
        tpu.wait_dma2 semaphore(%arg21 : memref<!tpu.dma_semaphore, #tpu.memory_space<semaphore_mem>>) src(%dma_wait3A_402 : memref<2048xf32, #tpu.memory_space<hbm>>) dst(%dma_wait3A_401 : memref<2048xf32, #tpu.memory_space<vmem>>)
        %dma_wait3A_403 = arith.constant 1 : i32
        %dma_wait3A_404 = arith.constant 5 : i32
        %dma_wait3A_405 = arith.constant 0 : i32
        %dma_wait3A_406 = tpu.memref_slice %arg17[%dma_wait3A_403, %dma_wait3A_404, %dma_wait3A_405] : memref<2x6x2048xf32, #tpu.memory_space<vmem>> -> memref<1x1x2048xf32, #tpu.memory_space<vmem>>
        %dma_wait3A_407 = tpu.memref_squeeze %dma_wait3A_406 : memref<1x1x2048xf32, #tpu.memory_space<vmem>> -> memref<2048xf32, #tpu.memory_space<vmem>>
        %dma_wait3A_408 = tpu.memref_slice %arg10[%multiple_of3A_352] : memref<1000000xf32, #tpu.memory_space<hbm>> -> memref<2048xf32, #tpu.memory_space<hbm>>
        %dma_wait3A_409 = arith.constant 0 : i32
        %dma_wait3A_410 = tpu.memref_slice %arg17[%dma_wait3A_403, %dma_wait3A_404, %dma_wait3A_409] : memref<2x6x2048xf32, #tpu.memory_space<vmem>> -> memref<1x1x2048xf32, #tpu.memory_space<vmem>>
        %dma_wait3A_411 = tpu.memref_squeeze %dma_wait3A_410 : memref<1x1x2048xf32, #tpu.memory_space<vmem>> -> memref<2048xf32, #tpu.memory_space<vmem>>
        %dma_wait3A_412 = tpu.memref_slice %arg10[%multiple_of3A_352] : memref<1000000xf32, #tpu.memory_space<hbm>> -> memref<2048xf32, #tpu.memory_space<hbm>>
        tpu.wait_dma2 semaphore(%arg21 : memref<!tpu.dma_semaphore, #tpu.memory_space<semaphore_mem>>) src(%dma_wait3A_412 : memref<2048xf32, #tpu.memory_space<hbm>>) dst(%dma_wait3A_411 : memref<2048xf32, #tpu.memory_space<vmem>>)
        %add3A_413 = arith.constant 1 : i32
        %add3A_414 = arith.addi %add3A_344, %add3A_413 : i32
        %lt3A_415 = arith.cmpi slt, %add3A_414, %select_n3A : i32
        %convert_element_type3A_416 = arith.extui %lt3A_415 : i1 to i32
        %cond3A_417 = arith.constant 0 : i32
        %cond3A_418 = arith.cmpi ne, %convert_element_type3A_416, %cond3A_417 : i32
        scf.if %cond3A_418 {
          %add3A_444 = arith.constant 1 : i32
          %add3A_445 = arith.addi %add3A_344, %add3A_444 : i32
          %mul3A_446 = arith.constant 16 : i32
          %mul3A_447 = arith.muli %add3A_445, %mul3A_446 : i32
          %add3A_448 = arith.addi %arg1, %mul3A_447 : i32
          %mul3A_449 = arith.constant 2048 : i32
          %mul3A_450 = arith.muli %add3A_448, %mul3A_449 : i32
          %min3A_451 = arith.constant 997952 : i32
          %min3A_452 = arith.minsi %mul3A_450, %min3A_451 : i32
          %multiple_of3A_453 = tpu.assume_multiple %min3A_452, 64 : i32
          %dma_start3A_454 = arith.constant 0 : i32
          %dma_start3A_455 = arith.constant 0 : i32
          %dma_start3A_456 = arith.constant 0 : i32
          %dma_start3A_457 = tpu.memref_slice %arg17[%dma_start3A_454, %dma_start3A_455, %dma_start3A_456] : memref<2x6x2048xf32, #tpu.memory_space<vmem>> -> memref<1x1x2048xf32, #tpu.memory_space<vmem>>
          %dma_start3A_458 = tpu.memref_squeeze %dma_start3A_457 : memref<1x1x2048xf32, #tpu.memory_space<vmem>> -> memref<2048xf32, #tpu.memory_space<vmem>>
          %dma_start3A_459 = tpu.memref_slice %arg5[%multiple_of3A_453] : memref<1000000xf32, #tpu.memory_space<hbm>> -> memref<2048xf32, #tpu.memory_space<hbm>>
          %dma_start3A_460 = arith.constant 0 : i32
          %dma_start3A_461 = tpu.memref_slice %arg17[%dma_start3A_454, %dma_start3A_455, %dma_start3A_460] : memref<2x6x2048xf32, #tpu.memory_space<vmem>> -> memref<1x1x2048xf32, #tpu.memory_space<vmem>>
          %dma_start3A_462 = tpu.memref_squeeze %dma_start3A_461 : memref<1x1x2048xf32, #tpu.memory_space<vmem>> -> memref<2048xf32, #tpu.memory_space<vmem>>
          %dma_start3A_463 = tpu.memref_slice %arg5[%multiple_of3A_453] : memref<1000000xf32, #tpu.memory_space<hbm>> -> memref<2048xf32, #tpu.memory_space<hbm>>
          tpu.enqueue_dma source(%dma_start3A_463 : memref<2048xf32, #tpu.memory_space<hbm>>) target(%dma_start3A_462 : memref<2048xf32, #tpu.memory_space<vmem>>) target_semaphore(%arg21 : memref<!tpu.dma_semaphore, #tpu.memory_space<semaphore_mem>>)
          %dma_start3A_464 = arith.constant 0 : i32
          %dma_start3A_465 = arith.constant 1 : i32
          %dma_start3A_466 = arith.constant 0 : i32
          %dma_start3A_467 = tpu.memref_slice %arg17[%dma_start3A_464, %dma_start3A_465, %dma_start3A_466] : memref<2x6x2048xf32, #tpu.memory_space<vmem>> -> memref<1x1x2048xf32, #tpu.memory_space<vmem>>
          %dma_start3A_468 = tpu.memref_squeeze %dma_start3A_467 : memref<1x1x2048xf32, #tpu.memory_space<vmem>> -> memref<2048xf32, #tpu.memory_space<vmem>>
          %dma_start3A_469 = tpu.memref_slice %arg6[%multiple_of3A_453] : memref<1000000xf32, #tpu.memory_space<hbm>> -> memref<2048xf32, #tpu.memory_space<hbm>>
          %dma_start3A_470 = arith.constant 0 : i32
          %dma_start3A_471 = tpu.memref_slice %arg17[%dma_start3A_464, %dma_start3A_465, %dma_start3A_470] : memref<2x6x2048xf32, #tpu.memory_space<vmem>> -> memref<1x1x2048xf32, #tpu.memory_space<vmem>>
          %dma_start3A_472 = tpu.memref_squeeze %dma_start3A_471 : memref<1x1x2048xf32, #tpu.memory_space<vmem>> -> memref<2048xf32, #tpu.memory_space<vmem>>
          %dma_start3A_473 = tpu.memref_slice %arg6[%multiple_of3A_453] : memref<1000000xf32, #tpu.memory_space<hbm>> -> memref<2048xf32, #tpu.memory_space<hbm>>
          tpu.enqueue_dma source(%dma_start3A_473 : memref<2048xf32, #tpu.memory_space<hbm>>) target(%dma_start3A_472 : memref<2048xf32, #tpu.memory_space<vmem>>) target_semaphore(%arg21 : memref<!tpu.dma_semaphore, #tpu.memory_space<semaphore_mem>>)
          %dma_start3A_474 = arith.constant 0 : i32
          %dma_start3A_475 = arith.constant 2 : i32
          %dma_start3A_476 = arith.constant 0 : i32
          %dma_start3A_477 = tpu.memref_slice %arg17[%dma_start3A_474, %dma_start3A_475, %dma_start3A_476] : memref<2x6x2048xf32, #tpu.memory_space<vmem>> -> memref<1x1x2048xf32, #tpu.memory_space<vmem>>
          %dma_start3A_478 = tpu.memref_squeeze %dma_start3A_477 : memref<1x1x2048xf32, #tpu.memory_space<vmem>> -> memref<2048xf32, #tpu.memory_space<vmem>>
          %dma_start3A_479 = tpu.memref_slice %arg7[%multiple_of3A_453] : memref<1000000xf32, #tpu.memory_space<hbm>> -> memref<2048xf32, #tpu.memory_space<hbm>>
          %dma_start3A_480 = arith.constant 0 : i32
          %dma_start3A_481 = tpu.memref_slice %arg17[%dma_start3A_474, %dma_start3A_475, %dma_start3A_480] : memref<2x6x2048xf32, #tpu.memory_space<vmem>> -> memref<1x1x2048xf32, #tpu.memory_space<vmem>>
          %dma_start3A_482 = tpu.memref_squeeze %dma_start3A_481 : memref<1x1x2048xf32, #tpu.memory_space<vmem>> -> memref<2048xf32, #tpu.memory_space<vmem>>
          %dma_start3A_483 = tpu.memref_slice %arg7[%multiple_of3A_453] : memref<1000000xf32, #tpu.memory_space<hbm>> -> memref<2048xf32, #tpu.memory_space<hbm>>
          tpu.enqueue_dma source(%dma_start3A_483 : memref<2048xf32, #tpu.memory_space<hbm>>) target(%dma_start3A_482 : memref<2048xf32, #tpu.memory_space<vmem>>) target_semaphore(%arg21 : memref<!tpu.dma_semaphore, #tpu.memory_space<semaphore_mem>>)
          %dma_start3A_484 = arith.constant 0 : i32
          %dma_start3A_485 = arith.constant 3 : i32
          %dma_start3A_486 = arith.constant 0 : i32
          %dma_start3A_487 = tpu.memref_slice %arg17[%dma_start3A_484, %dma_start3A_485, %dma_start3A_486] : memref<2x6x2048xf32, #tpu.memory_space<vmem>> -> memref<1x1x2048xf32, #tpu.memory_space<vmem>>
          %dma_start3A_488 = tpu.memref_squeeze %dma_start3A_487 : memref<1x1x2048xf32, #tpu.memory_space<vmem>> -> memref<2048xf32, #tpu.memory_space<vmem>>
          %dma_start3A_489 = tpu.memref_slice %arg8[%multiple_of3A_453] : memref<1000000xf32, #tpu.memory_space<hbm>> -> memref<2048xf32, #tpu.memory_space<hbm>>
          %dma_start3A_490 = arith.constant 0 : i32
          %dma_start3A_491 = tpu.memref_slice %arg17[%dma_start3A_484, %dma_start3A_485, %dma_start3A_490] : memref<2x6x2048xf32, #tpu.memory_space<vmem>> -> memref<1x1x2048xf32, #tpu.memory_space<vmem>>
          %dma_start3A_492 = tpu.memref_squeeze %dma_start3A_491 : memref<1x1x2048xf32, #tpu.memory_space<vmem>> -> memref<2048xf32, #tpu.memory_space<vmem>>
          %dma_start3A_493 = tpu.memref_slice %arg8[%multiple_of3A_453] : memref<1000000xf32, #tpu.memory_space<hbm>> -> memref<2048xf32, #tpu.memory_space<hbm>>
          tpu.enqueue_dma source(%dma_start3A_493 : memref<2048xf32, #tpu.memory_space<hbm>>) target(%dma_start3A_492 : memref<2048xf32, #tpu.memory_space<vmem>>) target_semaphore(%arg21 : memref<!tpu.dma_semaphore, #tpu.memory_space<semaphore_mem>>)
          %dma_start3A_494 = arith.constant 0 : i32
          %dma_start3A_495 = arith.constant 4 : i32
          %dma_start3A_496 = arith.constant 0 : i32
          %dma_start3A_497 = tpu.memref_slice %arg17[%dma_start3A_494, %dma_start3A_495, %dma_start3A_496] : memref<2x6x2048xf32, #tpu.memory_space<vmem>> -> memref<1x1x2048xf32, #tpu.memory_space<vmem>>
          %dma_start3A_498 = tpu.memref_squeeze %dma_start3A_497 : memref<1x1x2048xf32, #tpu.memory_space<vmem>> -> memref<2048xf32, #tpu.memory_space<vmem>>
          %dma_start3A_499 = tpu.memref_slice %arg9[%multiple_of3A_453] : memref<1000000xf32, #tpu.memory_space<hbm>> -> memref<2048xf32, #tpu.memory_space<hbm>>
          %dma_start3A_500 = arith.constant 0 : i32
          %dma_start3A_501 = tpu.memref_slice %arg17[%dma_start3A_494, %dma_start3A_495, %dma_start3A_500] : memref<2x6x2048xf32, #tpu.memory_space<vmem>> -> memref<1x1x2048xf32, #tpu.memory_space<vmem>>
          %dma_start3A_502 = tpu.memref_squeeze %dma_start3A_501 : memref<1x1x2048xf32, #tpu.memory_space<vmem>> -> memref<2048xf32, #tpu.memory_space<vmem>>
          %dma_start3A_503 = tpu.memref_slice %arg9[%multiple_of3A_453] : memref<1000000xf32, #tpu.memory_space<hbm>> -> memref<2048xf32, #tpu.memory_space<hbm>>
          tpu.enqueue_dma source(%dma_start3A_503 : memref<2048xf32, #tpu.memory_space<hbm>>) target(%dma_start3A_502 : memref<2048xf32, #tpu.memory_space<vmem>>) target_semaphore(%arg21 : memref<!tpu.dma_semaphore, #tpu.memory_space<semaphore_mem>>)
          %dma_start3A_504 = arith.constant 0 : i32
          %dma_start3A_505 = arith.constant 5 : i32
          %dma_start3A_506 = arith.constant 0 : i32
          %dma_start3A_507 = tpu.memref_slice %arg17[%dma_start3A_504, %dma_start3A_505, %dma_start3A_506] : memref<2x6x2048xf32, #tpu.memory_space<vmem>> -> memref<1x1x2048xf32, #tpu.memory_space<vmem>>
          %dma_start3A_508 = tpu.memref_squeeze %dma_start3A_507 : memref<1x1x2048xf32, #tpu.memory_space<vmem>> -> memref<2048xf32, #tpu.memory_space<vmem>>
          %dma_start3A_509 = tpu.memref_slice %arg10[%multiple_of3A_453] : memref<1000000xf32, #tpu.memory_space<hbm>> -> memref<2048xf32, #tpu.memory_space<hbm>>
          %dma_start3A_510 = arith.constant 0 : i32
          %dma_start3A_511 = tpu.memref_slice %arg17[%dma_start3A_504, %dma_start3A_505, %dma_start3A_510] : memref<2x6x2048xf32, #tpu.memory_space<vmem>> -> memref<1x1x2048xf32, #tpu.memory_space<vmem>>
          %dma_start3A_512 = tpu.memref_squeeze %dma_start3A_511 : memref<1x1x2048xf32, #tpu.memory_space<vmem>> -> memref<2048xf32, #tpu.memory_space<vmem>>
          %dma_start3A_513 = tpu.memref_slice %arg10[%multiple_of3A_453] : memref<1000000xf32, #tpu.memory_space<hbm>> -> memref<2048xf32, #tpu.memory_space<hbm>>
          tpu.enqueue_dma source(%dma_start3A_513 : memref<2048xf32, #tpu.memory_space<hbm>>) target(%dma_start3A_512 : memref<2048xf32, #tpu.memory_space<vmem>>) target_semaphore(%arg21 : memref<!tpu.dma_semaphore, #tpu.memory_space<semaphore_mem>>)
        } else {
        }
        %ge3A_419 = arith.constant 2 : i32
        %ge3A_420 = arith.cmpi sge, %add3A_344, %ge3A_419 : i32
        %convert_element_type3A_421 = arith.extui %ge3A_420 : i1 to i32
        %cond3A_422 = arith.constant 0 : i32
        %cond3A_423 = arith.cmpi ne, %convert_element_type3A_421, %cond3A_422 : i32
        scf.if %cond3A_423 {
          %sub3A_444 = arith.constant 2 : i32
          %sub3A_445 = arith.subi %add3A_344, %sub3A_444 : i32
          %mul3A_446 = arith.constant 16 : i32
          %mul3A_447 = arith.muli %sub3A_445, %mul3A_446 : i32
          %add3A_448 = arith.addi %arg1, %mul3A_447 : i32
          %mul3A_449 = arith.constant 2048 : i32
          %mul3A_450 = arith.muli %add3A_448, %mul3A_449 : i32
          %min3A_451 = arith.constant 997952 : i32
          %min3A_452 = arith.minsi %mul3A_450, %min3A_451 : i32
          %multiple_of3A_453 = tpu.assume_multiple %min3A_452, 64 : i32
          %add3A_454 = arith.addi %mul3A_2, %multiple_of3A_453 : i32
          %dma_wait3A_455 = arith.constant 0 : i32
          %dma_wait3A_456 = tpu.memref_slice %arg12[%add3A_454, %dma_wait3A_455] : memref<2000000x8xf32, #tpu.memory_space<hbm>> -> memref<2048x8xf32, #tpu.memory_space<hbm>>
          %dma_wait3A_457 = arith.constant 0 : i32
          %dma_wait3A_458 = tpu.memref_slice %arg12[%add3A_454, %dma_wait3A_457] : memref<2000000x8xf32, #tpu.memory_space<hbm>> -> memref<2048x8xf32, #tpu.memory_space<hbm>>
          tpu.wait_dma2 semaphore(%arg24 : memref<!tpu.dma_semaphore, #tpu.memory_space<semaphore_mem>>) src(%arg19 : memref<2048x8xf32, #tpu.memory_space<vmem>>) dst(%dma_wait3A_458 : memref<2048x8xf32, #tpu.memory_space<hbm>>)
        } else {
        }
        %scan3A_424 = arith.constant 0 : i32
        %scan3A_425 = arith.constant 0 : i32
        %scan3A_426 = arith.constant 128 : i32
        %scan3A_427 = arith.addi %scan3A_425, %scan3A_426 : i32
        %scan3A_428 = arith.constant 4 : i32
        %scan3A_429 = scf.for %scan3A_444 = %scan3A_425 to %scan3A_427 step %scan3A_428 iter_args(%scan3A_445 = %scan3A_424) -> (i32)  : i32 {
          %mul3A_446 = arith.constant 16 : i32
          %mul3A_447 = arith.muli %scan3A_444, %mul3A_446 : i32
          %add3A_448 = vector.broadcast %mul3A_447 : i32 to vector<16xi32>
          %add3A_449 = arith.addi %iota3A, %add3A_448 : vector<16xi32>
          %mul3A_450 = arith.constant 16 : i32
          %mul3A_451 = arith.muli %scan3A_444, %mul3A_450 : i32
          %broadcast_in_dim3A = arith.constant 0 : i32
          %broadcast_in_dim3A_452 = vector.broadcast %broadcast_in_dim3A : i32 to vector<16xi32>
          %get3A = arith.constant 1 : i32
          %get3A_453 = arith.constant 0 : i32
          %get3A_454 = arith.index_cast %get3A : i32 to index
          %get3A_455 = arith.index_cast %get3A_453 : i32 to index
          %get3A_456 = arith.index_cast %mul3A_451 : i32 to index
          %get3A_457 = tpu.vector_load %arg17[%get3A_454, %get3A_455, %get3A_456] {strides = array<i32>} : memref<2x6x2048xf32, #tpu.memory_space<vmem>>, vector<16xf32>,
          tpu.vector_store_idx %arg19[%add3A_449, %broadcast_in_dim3A_452], %get3A_457 : memref<2048x8xf32, #tpu.memory_space<vmem>>[vector<16xi32>, vector<16xi32>], vector<16xf32>,
          %broadcast_in_dim3A_458 = arith.constant 1 : i32
          %broadcast_in_dim3A_459 = vector.broadcast %broadcast_in_dim3A_458 : i32 to vector<16xi32>
          %get3A_460 = arith.constant 1 : i32
          %get3A_461 = arith.constant 1 : i32
          %get3A_462 = arith.index_cast %get3A_460 : i32 to index
          %get3A_463 = arith.index_cast %get3A_461 : i32 to index
          %get3A_464 = arith.index_cast %mul3A_451 : i32 to index
          %get3A_465 = tpu.vector_load %arg17[%get3A_462, %get3A_463, %get3A_464] {strides = array<i32>} : memref<2x6x2048xf32, #tpu.memory_space<vmem>>, vector<16xf32>,
          tpu.vector_store_idx %arg19[%add3A_449, %broadcast_in_dim3A_459], %get3A_465 : memref<2048x8xf32, #tpu.memory_space<vmem>>[vector<16xi32>, vector<16xi32>], vector<16xf32>,
          %broadcast_in_dim3A_466 = arith.constant 2 : i32
          %broadcast_in_dim3A_467 = vector.broadcast %broadcast_in_dim3A_466 : i32 to vector<16xi32>
          %get3A_468 = arith.constant 1 : i32
          %get3A_469 = arith.constant 2 : i32
          %get3A_470 = arith.index_cast %get3A_468 : i32 to index
          %get3A_471 = arith.index_cast %get3A_469 : i32 to index
          %get3A_472 = arith.index_cast %mul3A_451 : i32 to index
          %get3A_473 = tpu.vector_load %arg17[%get3A_470, %get3A_471, %get3A_472] {strides = array<i32>} : memref<2x6x2048xf32, #tpu.memory_space<vmem>>, vector<16xf32>,
          tpu.vector_store_idx %arg19[%add3A_449, %broadcast_in_dim3A_467], %get3A_473 : memref<2048x8xf32, #tpu.memory_space<vmem>>[vector<16xi32>, vector<16xi32>], vector<16xf32>,
          %broadcast_in_dim3A_474 = arith.constant 3 : i32
          %broadcast_in_dim3A_475 = vector.broadcast %broadcast_in_dim3A_474 : i32 to vector<16xi32>
          %get3A_476 = arith.constant 1 : i32
          %get3A_477 = arith.constant 3 : i32
          %get3A_478 = arith.index_cast %get3A_476 : i32 to index
          %get3A_479 = arith.index_cast %get3A_477 : i32 to index
          %get3A_480 = arith.index_cast %mul3A_451 : i32 to index
          %get3A_481 = tpu.vector_load %arg17[%get3A_478, %get3A_479, %get3A_480] {strides = array<i32>} : memref<2x6x2048xf32, #tpu.memory_space<vmem>>, vector<16xf32>,
          tpu.vector_store_idx %arg19[%add3A_449, %broadcast_in_dim3A_475], %get3A_481 : memref<2048x8xf32, #tpu.memory_space<vmem>>[vector<16xi32>, vector<16xi32>], vector<16xf32>,
          %broadcast_in_dim3A_482 = arith.constant 4 : i32
          %broadcast_in_dim3A_483 = vector.broadcast %broadcast_in_dim3A_482 : i32 to vector<16xi32>
          %get3A_484 = arith.constant 1 : i32
          %get3A_485 = arith.constant 4 : i32
          %get3A_486 = arith.index_cast %get3A_484 : i32 to index
          %get3A_487 = arith.index_cast %get3A_485 : i32 to index
          %get3A_488 = arith.index_cast %mul3A_451 : i32 to index
          %get3A_489 = tpu.vector_load %arg17[%get3A_486, %get3A_487, %get3A_488] {strides = array<i32>} : memref<2x6x2048xf32, #tpu.memory_space<vmem>>, vector<16xf32>,
          tpu.vector_store_idx %arg19[%add3A_449, %broadcast_in_dim3A_483], %get3A_489 : memref<2048x8xf32, #tpu.memory_space<vmem>>[vector<16xi32>, vector<16xi32>], vector<16xf32>,
          %broadcast_in_dim3A_490 = arith.constant 5 : i32
          %broadcast_in_dim3A_491 = vector.broadcast %broadcast_in_dim3A_490 : i32 to vector<16xi32>
          %get3A_492 = arith.constant 1 : i32
          %get3A_493 = arith.constant 5 : i32
          %get3A_494 = arith.index_cast %get3A_492 : i32 to index
          %get3A_495 = arith.index_cast %get3A_493 : i32 to index
          %get3A_496 = arith.index_cast %mul3A_451 : i32 to index
          %get3A_497 = tpu.vector_load %arg17[%get3A_494, %get3A_495, %get3A_496] {strides = array<i32>} : memref<2x6x2048xf32, #tpu.memory_space<vmem>>, vector<16xf32>,
          tpu.vector_store_idx %arg19[%add3A_449, %broadcast_in_dim3A_491], %get3A_497 : memref<2048x8xf32, #tpu.memory_space<vmem>>[vector<16xi32>, vector<16xi32>], vector<16xf32>,
          %scan3A_498 = arith.constant 0 : i32
          %scan3A_499 = arith.constant 1 : i32
          %scan3A_500 = arith.addi %scan3A_444, %scan3A_499 : i32
          %mul3A_501 = arith.constant 16 : i32
          %mul3A_502 = arith.muli %scan3A_500, %mul3A_501 : i32
          %add3A_503 = vector.broadcast %mul3A_502 : i32 to vector<16xi32>
          %add3A_504 = arith.addi %iota3A, %add3A_503 : vector<16xi32>
          %mul3A_505 = arith.constant 16 : i32
          %mul3A_506 = arith.muli %scan3A_500, %mul3A_505 : i32
          %broadcast_in_dim3A_507 = arith.constant 0 : i32
          %broadcast_in_dim3A_508 = vector.broadcast %broadcast_in_dim3A_507 : i32 to vector<16xi32>
          %get3A_509 = arith.constant 1 : i32
          %get3A_510 = arith.constant 0 : i32
          %get3A_511 = arith.index_cast %get3A_509 : i32 to index
          %get3A_512 = arith.index_cast %get3A_510 : i32 to index
          %get3A_513 = arith.index_cast %mul3A_506 : i32 to index
          %get3A_514 = tpu.vector_load %arg17[%get3A_511, %get3A_512, %get3A_513] {strides = array<i32>} : memref<2x6x2048xf32, #tpu.memory_space<vmem>>, vector<16xf32>,
          tpu.vector_store_idx %arg19[%add3A_504, %broadcast_in_dim3A_508], %get3A_514 : memref<2048x8xf32, #tpu.memory_space<vmem>>[vector<16xi32>, vector<16xi32>], vector<16xf32>,
          %broadcast_in_dim3A_515 = arith.constant 1 : i32
          %broadcast_in_dim3A_516 = vector.broadcast %broadcast_in_dim3A_515 : i32 to vector<16xi32>
          %get3A_517 = arith.constant 1 : i32
          %get3A_518 = arith.constant 1 : i32
          %get3A_519 = arith.index_cast %get3A_517 : i32 to index
          %get3A_520 = arith.index_cast %get3A_518 : i32 to index
          %get3A_521 = arith.index_cast %mul3A_506 : i32 to index
          %get3A_522 = tpu.vector_load %arg17[%get3A_519, %get3A_520, %get3A_521] {strides = array<i32>} : memref<2x6x2048xf32, #tpu.memory_space<vmem>>, vector<16xf32>,
          tpu.vector_store_idx %arg19[%add3A_504, %broadcast_in_dim3A_516], %get3A_522 : memref<2048x8xf32, #tpu.memory_space<vmem>>[vector<16xi32>, vector<16xi32>], vector<16xf32>,
          %broadcast_in_dim3A_523 = arith.constant 2 : i32
          %broadcast_in_dim3A_524 = vector.broadcast %broadcast_in_dim3A_523 : i32 to vector<16xi32>
          %get3A_525 = arith.constant 1 : i32
          %get3A_526 = arith.constant 2 : i32
          %get3A_527 = arith.index_cast %get3A_525 : i32 to index
          %get3A_528 = arith.index_cast %get3A_526 : i32 to index
          %get3A_529 = arith.index_cast %mul3A_506 : i32 to index
          %get3A_530 = tpu.vector_load %arg17[%get3A_527, %get3A_528, %get3A_529] {strides = array<i32>} : memref<2x6x2048xf32, #tpu.memory_space<vmem>>, vector<16xf32>,
          tpu.vector_store_idx %arg19[%add3A_504, %broadcast_in_dim3A_524], %get3A_530 : memref<2048x8xf32, #tpu.memory_space<vmem>>[vector<16xi32>, vector<16xi32>], vector<16xf32>,
          %broadcast_in_dim3A_531 = arith.constant 3 : i32
          %broadcast_in_dim3A_532 = vector.broadcast %broadcast_in_dim3A_531 : i32 to vector<16xi32>
          %get3A_533 = arith.constant 1 : i32
          %get3A_534 = arith.constant 3 : i32
          %get3A_535 = arith.index_cast %get3A_533 : i32 to index
          %get3A_536 = arith.index_cast %get3A_534 : i32 to index
          %get3A_537 = arith.index_cast %mul3A_506 : i32 to index
          %get3A_538 = tpu.vector_load %arg17[%get3A_535, %get3A_536, %get3A_537] {strides = array<i32>} : memref<2x6x2048xf32, #tpu.memory_space<vmem>>, vector<16xf32>,
          tpu.vector_store_idx %arg19[%add3A_504, %broadcast_in_dim3A_532], %get3A_538 : memref<2048x8xf32, #tpu.memory_space<vmem>>[vector<16xi32>, vector<16xi32>], vector<16xf32>,
          %broadcast_in_dim3A_539 = arith.constant 4 : i32
          %broadcast_in_dim3A_540 = vector.broadcast %broadcast_in_dim3A_539 : i32 to vector<16xi32>
          %get3A_541 = arith.constant 1 : i32
          %get3A_542 = arith.constant 4 : i32
          %get3A_543 = arith.index_cast %get3A_541 : i32 to index
          %get3A_544 = arith.index_cast %get3A_542 : i32 to index
          %get3A_545 = arith.index_cast %mul3A_506 : i32 to index
          %get3A_546 = tpu.vector_load %arg17[%get3A_543, %get3A_544, %get3A_545] {strides = array<i32>} : memref<2x6x2048xf32, #tpu.memory_space<vmem>>, vector<16xf32>,
          tpu.vector_store_idx %arg19[%add3A_504, %broadcast_in_dim3A_540], %get3A_546 : memref<2048x8xf32, #tpu.memory_space<vmem>>[vector<16xi32>, vector<16xi32>], vector<16xf32>,
          %broadcast_in_dim3A_547 = arith.constant 5 : i32
          %broadcast_in_dim3A_548 = vector.broadcast %broadcast_in_dim3A_547 : i32 to vector<16xi32>
          %get3A_549 = arith.constant 1 : i32
          %get3A_550 = arith.constant 5 : i32
          %get3A_551 = arith.index_cast %get3A_549 : i32 to index
          %get3A_552 = arith.index_cast %get3A_550 : i32 to index
          %get3A_553 = arith.index_cast %mul3A_506 : i32 to index
          %get3A_554 = tpu.vector_load %arg17[%get3A_551, %get3A_552, %get3A_553] {strides = array<i32>} : memref<2x6x2048xf32, #tpu.memory_space<vmem>>, vector<16xf32>,
          tpu.vector_store_idx %arg19[%add3A_504, %broadcast_in_dim3A_548], %get3A_554 : memref<2048x8xf32, #tpu.memory_space<vmem>>[vector<16xi32>, vector<16xi32>], vector<16xf32>,
          %scan3A_555 = arith.constant 0 : i32
          %scan3A_556 = arith.constant 2 : i32
          %scan3A_557 = arith.addi %scan3A_444, %scan3A_556 : i32
          %mul3A_558 = arith.constant 16 : i32
          %mul3A_559 = arith.muli %scan3A_557, %mul3A_558 : i32
          %add3A_560 = vector.broadcast %mul3A_559 : i32 to vector<16xi32>
          %add3A_561 = arith.addi %iota3A, %add3A_560 : vector<16xi32>
          %mul3A_562 = arith.constant 16 : i32
          %mul3A_563 = arith.muli %scan3A_557, %mul3A_562 : i32
          %broadcast_in_dim3A_564 = arith.constant 0 : i32
          %broadcast_in_dim3A_565 = vector.broadcast %broadcast_in_dim3A_564 : i32 to vector<16xi32>
          %get3A_566 = arith.constant 1 : i32
          %get3A_567 = arith.constant 0 : i32
          %get3A_568 = arith.index_cast %get3A_566 : i32 to index
          %get3A_569 = arith.index_cast %get3A_567 : i32 to index
          %get3A_570 = arith.index_cast %mul3A_563 : i32 to index
          %get3A_571 = tpu.vector_load %arg17[%get3A_568, %get3A_569, %get3A_570] {strides = array<i32>} : memref<2x6x2048xf32, #tpu.memory_space<vmem>>, vector<16xf32>,
          tpu.vector_store_idx %arg19[%add3A_561, %broadcast_in_dim3A_565], %get3A_571 : memref<2048x8xf32, #tpu.memory_space<vmem>>[vector<16xi32>, vector<16xi32>], vector<16xf32>,
          %broadcast_in_dim3A_572 = arith.constant 1 : i32
          %broadcast_in_dim3A_573 = vector.broadcast %broadcast_in_dim3A_572 : i32 to vector<16xi32>
          %get3A_574 = arith.constant 1 : i32
          %get3A_575 = arith.constant 1 : i32
          %get3A_576 = arith.index_cast %get3A_574 : i32 to index
          %get3A_577 = arith.index_cast %get3A_575 : i32 to index
          %get3A_578 = arith.index_cast %mul3A_563 : i32 to index
          %get3A_579 = tpu.vector_load %arg17[%get3A_576, %get3A_577, %get3A_578] {strides = array<i32>} : memref<2x6x2048xf32, #tpu.memory_space<vmem>>, vector<16xf32>,
          tpu.vector_store_idx %arg19[%add3A_561, %broadcast_in_dim3A_573], %get3A_579 : memref<2048x8xf32, #tpu.memory_space<vmem>>[vector<16xi32>, vector<16xi32>], vector<16xf32>,
          %broadcast_in_dim3A_580 = arith.constant 2 : i32
          %broadcast_in_dim3A_581 = vector.broadcast %broadcast_in_dim3A_580 : i32 to vector<16xi32>
          %get3A_582 = arith.constant 1 : i32
          %get3A_583 = arith.constant 2 : i32
          %get3A_584 = arith.index_cast %get3A_582 : i32 to index
          %get3A_585 = arith.index_cast %get3A_583 : i32 to index
          %get3A_586 = arith.index_cast %mul3A_563 : i32 to index
          %get3A_587 = tpu.vector_load %arg17[%get3A_584, %get3A_585, %get3A_586] {strides = array<i32>} : memref<2x6x2048xf32, #tpu.memory_space<vmem>>, vector<16xf32>,
          tpu.vector_store_idx %arg19[%add3A_561, %broadcast_in_dim3A_581], %get3A_587 : memref<2048x8xf32, #tpu.memory_space<vmem>>[vector<16xi32>, vector<16xi32>], vector<16xf32>,
          %broadcast_in_dim3A_588 = arith.constant 3 : i32
          %broadcast_in_dim3A_589 = vector.broadcast %broadcast_in_dim3A_588 : i32 to vector<16xi32>
          %get3A_590 = arith.constant 1 : i32
          %get3A_591 = arith.constant 3 : i32
          %get3A_592 = arith.index_cast %get3A_590 : i32 to index
          %get3A_593 = arith.index_cast %get3A_591 : i32 to index
          %get3A_594 = arith.index_cast %mul3A_563 : i32 to index
          %get3A_595 = tpu.vector_load %arg17[%get3A_592, %get3A_593, %get3A_594] {strides = array<i32>} : memref<2x6x2048xf32, #tpu.memory_space<vmem>>, vector<16xf32>,
          tpu.vector_store_idx %arg19[%add3A_561, %broadcast_in_dim3A_589], %get3A_595 : memref<2048x8xf32, #tpu.memory_space<vmem>>[vector<16xi32>, vector<16xi32>], vector<16xf32>,
          %broadcast_in_dim3A_596 = arith.constant 4 : i32
          %broadcast_in_dim3A_597 = vector.broadcast %broadcast_in_dim3A_596 : i32 to vector<16xi32>
          %get3A_598 = arith.constant 1 : i32
          %get3A_599 = arith.constant 4 : i32
          %get3A_600 = arith.index_cast %get3A_598 : i32 to index
          %get3A_601 = arith.index_cast %get3A_599 : i32 to index
          %get3A_602 = arith.index_cast %mul3A_563 : i32 to index
          %get3A_603 = tpu.vector_load %arg17[%get3A_600, %get3A_601, %get3A_602] {strides = array<i32>} : memref<2x6x2048xf32, #tpu.memory_space<vmem>>, vector<16xf32>,
          tpu.vector_store_idx %arg19[%add3A_561, %broadcast_in_dim3A_597], %get3A_603 : memref<2048x8xf32, #tpu.memory_space<vmem>>[vector<16xi32>, vector<16xi32>], vector<16xf32>,
          %broadcast_in_dim3A_604 = arith.constant 5 : i32
          %broadcast_in_dim3A_605 = vector.broadcast %broadcast_in_dim3A_604 : i32 to vector<16xi32>
          %get3A_606 = arith.constant 1 : i32
          %get3A_607 = arith.constant 5 : i32
          %get3A_608 = arith.index_cast %get3A_606 : i32 to index
          %get3A_609 = arith.index_cast %get3A_607 : i32 to index
          %get3A_610 = arith.index_cast %mul3A_563 : i32 to index
          %get3A_611 = tpu.vector_load %arg17[%get3A_608, %get3A_609, %get3A_610] {strides = array<i32>} : memref<2x6x2048xf32, #tpu.memory_space<vmem>>, vector<16xf32>,
          tpu.vector_store_idx %arg19[%add3A_561, %broadcast_in_dim3A_605], %get3A_611 : memref<2048x8xf32, #tpu.memory_space<vmem>>[vector<16xi32>, vector<16xi32>], vector<16xf32>,
          %scan3A_612 = arith.constant 0 : i32
          %scan3A_613 = arith.constant 3 : i32
          %scan3A_614 = arith.addi %scan3A_444, %scan3A_613 : i32
          %mul3A_615 = arith.constant 16 : i32
          %mul3A_616 = arith.muli %scan3A_614, %mul3A_615 : i32
          %add3A_617 = vector.broadcast %mul3A_616 : i32 to vector<16xi32>
          %add3A_618 = arith.addi %iota3A, %add3A_617 : vector<16xi32>
          %mul3A_619 = arith.constant 16 : i32
          %mul3A_620 = arith.muli %scan3A_614, %mul3A_619 : i32
          %broadcast_in_dim3A_621 = arith.constant 0 : i32
          %broadcast_in_dim3A_622 = vector.broadcast %broadcast_in_dim3A_621 : i32 to vector<16xi32>
          %get3A_623 = arith.constant 1 : i32
          %get3A_624 = arith.constant 0 : i32
          %get3A_625 = arith.index_cast %get3A_623 : i32 to index
          %get3A_626 = arith.index_cast %get3A_624 : i32 to index
          %get3A_627 = arith.index_cast %mul3A_620 : i32 to index
          %get3A_628 = tpu.vector_load %arg17[%get3A_625, %get3A_626, %get3A_627] {strides = array<i32>} : memref<2x6x2048xf32, #tpu.memory_space<vmem>>, vector<16xf32>,
          tpu.vector_store_idx %arg19[%add3A_618, %broadcast_in_dim3A_622], %get3A_628 : memref<2048x8xf32, #tpu.memory_space<vmem>>[vector<16xi32>, vector<16xi32>], vector<16xf32>,
          %broadcast_in_dim3A_629 = arith.constant 1 : i32
          %broadcast_in_dim3A_630 = vector.broadcast %broadcast_in_dim3A_629 : i32 to vector<16xi32>
          %get3A_631 = arith.constant 1 : i32
          %get3A_632 = arith.constant 1 : i32
          %get3A_633 = arith.index_cast %get3A_631 : i32 to index
          %get3A_634 = arith.index_cast %get3A_632 : i32 to index
          %get3A_635 = arith.index_cast %mul3A_620 : i32 to index
          %get3A_636 = tpu.vector_load %arg17[%get3A_633, %get3A_634, %get3A_635] {strides = array<i32>} : memref<2x6x2048xf32, #tpu.memory_space<vmem>>, vector<16xf32>,
          tpu.vector_store_idx %arg19[%add3A_618, %broadcast_in_dim3A_630], %get3A_636 : memref<2048x8xf32, #tpu.memory_space<vmem>>[vector<16xi32>, vector<16xi32>], vector<16xf32>,
          %broadcast_in_dim3A_637 = arith.constant 2 : i32
          %broadcast_in_dim3A_638 = vector.broadcast %broadcast_in_dim3A_637 : i32 to vector<16xi32>
          %get3A_639 = arith.constant 1 : i32
          %get3A_640 = arith.constant 2 : i32
          %get3A_641 = arith.index_cast %get3A_639 : i32 to index
          %get3A_642 = arith.index_cast %get3A_640 : i32 to index
          %get3A_643 = arith.index_cast %mul3A_620 : i32 to index
          %get3A_644 = tpu.vector_load %arg17[%get3A_641, %get3A_642, %get3A_643] {strides = array<i32>} : memref<2x6x2048xf32, #tpu.memory_space<vmem>>, vector<16xf32>,
          tpu.vector_store_idx %arg19[%add3A_618, %broadcast_in_dim3A_638], %get3A_644 : memref<2048x8xf32, #tpu.memory_space<vmem>>[vector<16xi32>, vector<16xi32>], vector<16xf32>,
          %broadcast_in_dim3A_645 = arith.constant 3 : i32
          %broadcast_in_dim3A_646 = vector.broadcast %broadcast_in_dim3A_645 : i32 to vector<16xi32>
          %get3A_647 = arith.constant 1 : i32
          %get3A_648 = arith.constant 3 : i32
          %get3A_649 = arith.index_cast %get3A_647 : i32 to index
          %get3A_650 = arith.index_cast %get3A_648 : i32 to index
          %get3A_651 = arith.index_cast %mul3A_620 : i32 to index
          %get3A_652 = tpu.vector_load %arg17[%get3A_649, %get3A_650, %get3A_651] {strides = array<i32>} : memref<2x6x2048xf32, #tpu.memory_space<vmem>>, vector<16xf32>,
          tpu.vector_store_idx %arg19[%add3A_618, %broadcast_in_dim3A_646], %get3A_652 : memref<2048x8xf32, #tpu.memory_space<vmem>>[vector<16xi32>, vector<16xi32>], vector<16xf32>,
          %broadcast_in_dim3A_653 = arith.constant 4 : i32
          %broadcast_in_dim3A_654 = vector.broadcast %broadcast_in_dim3A_653 : i32 to vector<16xi32>
          %get3A_655 = arith.constant 1 : i32
          %get3A_656 = arith.constant 4 : i32
          %get3A_657 = arith.index_cast %get3A_655 : i32 to index
          %get3A_658 = arith.index_cast %get3A_656 : i32 to index
          %get3A_659 = arith.index_cast %mul3A_620 : i32 to index
          %get3A_660 = tpu.vector_load %arg17[%get3A_657, %get3A_658, %get3A_659] {strides = array<i32>} : memref<2x6x2048xf32, #tpu.memory_space<vmem>>, vector<16xf32>,
          tpu.vector_store_idx %arg19[%add3A_618, %broadcast_in_dim3A_654], %get3A_660 : memref<2048x8xf32, #tpu.memory_space<vmem>>[vector<16xi32>, vector<16xi32>], vector<16xf32>,
          %broadcast_in_dim3A_661 = arith.constant 5 : i32
          %broadcast_in_dim3A_662 = vector.broadcast %broadcast_in_dim3A_661 : i32 to vector<16xi32>
          %get3A_663 = arith.constant 1 : i32
          %get3A_664 = arith.constant 5 : i32
          %get3A_665 = arith.index_cast %get3A_663 : i32 to index
          %get3A_666 = arith.index_cast %get3A_664 : i32 to index
          %get3A_667 = arith.index_cast %mul3A_620 : i32 to index
          %get3A_668 = tpu.vector_load %arg17[%get3A_665, %get3A_666, %get3A_667] {strides = array<i32>} : memref<2x6x2048xf32, #tpu.memory_space<vmem>>, vector<16xf32>,
          tpu.vector_store_idx %arg19[%add3A_618, %broadcast_in_dim3A_662], %get3A_668 : memref<2048x8xf32, #tpu.memory_space<vmem>>[vector<16xi32>, vector<16xi32>], vector<16xf32>,
          %scan3A_669 = arith.constant 0 : i32
          scf.yield %scan3A_669 : i32
        }
        %scan3A_430 = arith.constant 128 : i32
        %mul3A_431 = arith.constant 16 : i32
        %mul3A_432 = arith.muli %add3A_344, %mul3A_431 : i32
        %add3A_433 = arith.addi %arg1, %mul3A_432 : i32
        %mul3A_434 = arith.constant 2048 : i32
        %mul3A_435 = arith.muli %add3A_433, %mul3A_434 : i32
        %min3A_436 = arith.constant 997952 : i32
        %min3A_437 = arith.minsi %mul3A_435, %min3A_436 : i32
        %multiple_of3A_438 = tpu.assume_multiple %min3A_437, 64 : i32
        %add3A_439 = arith.addi %mul3A_2, %multiple_of3A_438 : i32
        %dma_start3A_440 = arith.constant 0 : i32
        %dma_start3A_441 = tpu.memref_slice %arg12[%add3A_439, %dma_start3A_440] : memref<2000000x8xf32, #tpu.memory_space<hbm>> -> memref<2048x8xf32, #tpu.memory_space<hbm>>
        %dma_start3A_442 = arith.constant 0 : i32
        %dma_start3A_443 = tpu.memref_slice %arg12[%add3A_439, %dma_start3A_442] : memref<2000000x8xf32, #tpu.memory_space<hbm>> -> memref<2048x8xf32, #tpu.memory_space<hbm>>
        tpu.enqueue_dma source(%arg19 : memref<2048x8xf32, #tpu.memory_space<vmem>>) target(%dma_start3A_443 : memref<2048x8xf32, #tpu.memory_space<hbm>>) target_semaphore(%arg24 : memref<!tpu.dma_semaphore, #tpu.memory_space<semaphore_mem>>)
      } else {
      }
      %while3A_342 = arith.constant 0 : i32
      scf.yield %while3A_342 : i32
    }
    %sub3A_126 = arith.constant 2 : i32
    %sub3A_127 = arith.subi %select_n3A, %sub3A_126 : i32
    %rem3A_128 = arith.constant 2 : i32
    %rem3A_129 = arith.remsi %sub3A_127, %rem3A_128 : i32
    %eq3A = arith.constant 0 : i32
    %eq3A_130 = arith.cmpi eq, %rem3A_129, %eq3A : i32
    %convert_element_type3A = arith.extui %eq3A_130 : i1 to i32
    %cond3A = arith.constant 0 : i32
    %cond3A_131 = arith.cmpi ne, %convert_element_type3A, %cond3A : i32
    scf.if %cond3A_131 {
      %mul3A_329 = arith.constant 16 : i32
      %mul3A_330 = arith.muli %sub3A_127, %mul3A_329 : i32
      %add3A_331 = arith.addi %arg1, %mul3A_330 : i32
      %mul3A_332 = arith.constant 2048 : i32
      %mul3A_333 = arith.muli %add3A_331, %mul3A_332 : i32
      %min3A_334 = arith.constant 997952 : i32
      %min3A_335 = arith.minsi %mul3A_333, %min3A_334 : i32
      %multiple_of3A_336 = tpu.assume_multiple %min3A_335, 64 : i32
      %add3A_337 = arith.addi %mul3A_2, %multiple_of3A_336 : i32
      %dma_wait3A_338 = arith.constant 0 : i32
      %dma_wait3A_339 = tpu.memref_slice %arg12[%add3A_337, %dma_wait3A_338] : memref<2000000x8xf32, #tpu.memory_space<hbm>> -> memref<2048x8xf32, #tpu.memory_space<hbm>>
      %dma_wait3A_340 = arith.constant 0 : i32
      %dma_wait3A_341 = tpu.memref_slice %arg12[%add3A_337, %dma_wait3A_340] : memref<2000000x8xf32, #tpu.memory_space<hbm>> -> memref<2048x8xf32, #tpu.memory_space<hbm>>
      tpu.wait_dma2 semaphore(%arg24 : memref<!tpu.dma_semaphore, #tpu.memory_space<semaphore_mem>>) src(%arg18 : memref<2048x8xf32, #tpu.memory_space<vmem>>) dst(%dma_wait3A_341 : memref<2048x8xf32, #tpu.memory_space<hbm>>)
    } else {
    }
    %eq3A_132 = arith.constant 1 : i32
    %eq3A_133 = arith.cmpi eq, %rem3A_129, %eq3A_132 : i32
    %convert_element_type3A_134 = arith.extui %eq3A_133 : i1 to i32
    %cond3A_135 = arith.constant 0 : i32
    %cond3A_136 = arith.cmpi ne, %convert_element_type3A_134, %cond3A_135 : i32
    scf.if %cond3A_136 {
      %mul3A_329 = arith.constant 16 : i32
      %mul3A_330 = arith.muli %sub3A_127, %mul3A_329 : i32
      %add3A_331 = arith.addi %arg1, %mul3A_330 : i32
      %mul3A_332 = arith.constant 2048 : i32
      %mul3A_333 = arith.muli %add3A_331, %mul3A_332 : i32
      %min3A_334 = arith.constant 997952 : i32
      %min3A_335 = arith.minsi %mul3A_333, %min3A_334 : i32
      %multiple_of3A_336 = tpu.assume_multiple %min3A_335, 64 : i32
      %add3A_337 = arith.addi %mul3A_2, %multiple_of3A_336 : i32
      %dma_wait3A_338 = arith.constant 0 : i32
      %dma_wait3A_339 = tpu.memref_slice %arg12[%add3A_337, %dma_wait3A_338] : memref<2000000x8xf32, #tpu.memory_space<hbm>> -> memref<2048x8xf32, #tpu.memory_space<hbm>>
      %dma_wait3A_340 = arith.constant 0 : i32
      %dma_wait3A_341 = tpu.memref_slice %arg12[%add3A_337, %dma_wait3A_340] : memref<2000000x8xf32, #tpu.memory_space<hbm>> -> memref<2048x8xf32, #tpu.memory_space<hbm>>
      tpu.wait_dma2 semaphore(%arg24 : memref<!tpu.dma_semaphore, #tpu.memory_space<semaphore_mem>>) src(%arg19 : memref<2048x8xf32, #tpu.memory_space<vmem>>) dst(%dma_wait3A_341 : memref<2048x8xf32, #tpu.memory_space<hbm>>)
    } else {
    }
    %sub3A_137 = arith.constant 1 : i32
    %sub3A_138 = arith.subi %select_n3A, %sub3A_137 : i32
    %rem3A_139 = arith.constant 2 : i32
    %rem3A_140 = arith.remsi %sub3A_138, %rem3A_139 : i32
    %eq3A_141 = arith.constant 0 : i32
    %eq3A_142 = arith.cmpi eq, %rem3A_140, %eq3A_141 : i32
    %convert_element_type3A_143 = arith.extui %eq3A_142 : i1 to i32
    %cond3A_144 = arith.constant 0 : i32
    %cond3A_145 = arith.cmpi ne, %convert_element_type3A_143, %cond3A_144 : i32
    scf.if %cond3A_145 {
      %mul3A_329 = arith.constant 16 : i32
      %mul3A_330 = arith.muli %sub3A_138, %mul3A_329 : i32
      %add3A_331 = arith.addi %arg1, %mul3A_330 : i32
      %mul3A_332 = arith.constant 2048 : i32
      %mul3A_333 = arith.muli %add3A_331, %mul3A_332 : i32
      %min3A_334 = arith.constant 997952 : i32
      %min3A_335 = arith.minsi %mul3A_333, %min3A_334 : i32
      %multiple_of3A_336 = tpu.assume_multiple %min3A_335, 64 : i32
      %add3A_337 = arith.addi %mul3A_2, %multiple_of3A_336 : i32
      %dma_wait3A_338 = arith.constant 0 : i32
      %dma_wait3A_339 = tpu.memref_slice %arg12[%add3A_337, %dma_wait3A_338] : memref<2000000x8xf32, #tpu.memory_space<hbm>> -> memref<2048x8xf32, #tpu.memory_space<hbm>>
      %dma_wait3A_340 = arith.constant 0 : i32
      %dma_wait3A_341 = tpu.memref_slice %arg12[%add3A_337, %dma_wait3A_340] : memref<2000000x8xf32, #tpu.memory_space<hbm>> -> memref<2048x8xf32, #tpu.memory_space<hbm>>
      tpu.wait_dma2 semaphore(%arg24 : memref<!tpu.dma_semaphore, #tpu.memory_space<semaphore_mem>>) src(%arg18 : memref<2048x8xf32, #tpu.memory_space<vmem>>) dst(%dma_wait3A_341 : memref<2048x8xf32, #tpu.memory_space<hbm>>)
    } else {
    }
    %eq3A_146 = arith.constant 1 : i32
    %eq3A_147 = arith.cmpi eq, %rem3A_140, %eq3A_146 : i32
    %convert_element_type3A_148 = arith.extui %eq3A_147 : i1 to i32
    %cond3A_149 = arith.constant 0 : i32
    %cond3A_150 = arith.cmpi ne, %convert_element_type3A_148, %cond3A_149 : i32
    scf.if %cond3A_150 {
      %mul3A_329 = arith.constant 16 : i32
      %mul3A_330 = arith.muli %sub3A_138, %mul3A_329 : i32
      %add3A_331 = arith.addi %arg1, %mul3A_330 : i32
      %mul3A_332 = arith.constant 2048 : i32
      %mul3A_333 = arith.muli %add3A_331, %mul3A_332 : i32
      %min3A_334 = arith.constant 997952 : i32
      %min3A_335 = arith.minsi %mul3A_333, %min3A_334 : i32
      %multiple_of3A_336 = tpu.assume_multiple %min3A_335, 64 : i32
      %add3A_337 = arith.addi %mul3A_2, %multiple_of3A_336 : i32
      %dma_wait3A_338 = arith.constant 0 : i32
      %dma_wait3A_339 = tpu.memref_slice %arg12[%add3A_337, %dma_wait3A_338] : memref<2000000x8xf32, #tpu.memory_space<hbm>> -> memref<2048x8xf32, #tpu.memory_space<hbm>>
      %dma_wait3A_340 = arith.constant 0 : i32
      %dma_wait3A_341 = tpu.memref_slice %arg12[%add3A_337, %dma_wait3A_340] : memref<2000000x8xf32, #tpu.memory_space<hbm>> -> memref<2048x8xf32, #tpu.memory_space<hbm>>
      tpu.wait_dma2 semaphore(%arg24 : memref<!tpu.dma_semaphore, #tpu.memory_space<semaphore_mem>>) src(%arg19 : memref<2048x8xf32, #tpu.memory_space<vmem>>) dst(%dma_wait3A_341 : memref<2048x8xf32, #tpu.memory_space<hbm>>)
    } else {
    }
    %barrier3A = arith.constant 0 : index
    tpu.barrier barrier_id(%barrier3A)
    %sub3A_151 = arith.constant 489 : i32
    %sub3A_152 = arith.subi %sub3A_151, %add3A : i32
    %add3A_153 = arith.constant 32 : i32
    %add3A_154 = arith.addi %sub3A_152, %add3A_153 : i32
    %sub3A_155 = arith.constant 1 : i32
    %sub3A_156 = arith.subi %add3A_154, %sub3A_155 : i32
    %jit3A_157 = arith.constant 32 : i32
    %div3A_158 = arith.divsi %sub3A_156, %jit3A_157 : i32
    %sign3A_159 = arith.constant 0 : i32
    %sign3A_160 = arith.cmpi sgt, %sub3A_156, %sign3A_159 : i32
    %sign3A_161 = arith.extui %sign3A_160 : i1 to i32
    %sign3A_162 = arith.constant 0 : i32
    %sign3A_163 = arith.cmpi slt, %sub3A_156, %sign3A_162 : i32
    %sign3A_164 = arith.extui %sign3A_163 : i1 to i32
    %sign3A_165 = arith.subi %sign3A_161, %sign3A_164 : i32
    %sign3A_166 = arith.constant 0 : i32
    %sign3A_167 = arith.cmpi sgt, %jit3A_157, %sign3A_166 : i32
    %sign3A_168 = arith.extui %sign3A_167 : i1 to i32
    %sign3A_169 = arith.constant 0 : i32
    %sign3A_170 = arith.cmpi slt, %jit3A_157, %sign3A_169 : i32
    %sign3A_171 = arith.extui %sign3A_170 : i1 to i32
    %sign3A_172 = arith.subi %sign3A_168, %sign3A_171 : i32
    %ne3A_173 = arith.cmpi ne, %sign3A_165, %sign3A_172 : i32
    %rem3A_174 = arith.remsi %sub3A_156, %jit3A_157 : i32
    %ne3A_175 = arith.constant 0 : i32
    %ne3A_176 = arith.cmpi ne, %rem3A_174, %ne3A_175 : i32
    %and3A_177 = arith.andi %ne3A_173, %ne3A_176 : i1
    %sub3A_178 = arith.constant 1 : i32
    %sub3A_179 = arith.subi %div3A_158, %sub3A_178 : i32
    %select_n3A_180 = arith.select %and3A_177, %sub3A_179, %div3A_158 : i32
    %add3A_181 = arith.constant 0 : i32
    %add3A_182 = arith.addi %add3A, %add3A_181 : i32
    %mul3A_183 = arith.constant 2048 : i32
    %mul3A_184 = arith.muli %add3A_182, %mul3A_183 : i32
    %min3A_185 = arith.constant 997952 : i32
    %min3A_186 = arith.minsi %mul3A_184, %min3A_185 : i32
    %multiple_of3A_187 = tpu.assume_multiple %min3A_186, 64 : i32
    %dma_start3A_188 = arith.constant 0 : i32
    %dma_start3A_189 = arith.constant 0 : i32
    %dma_start3A_190 = tpu.memref_slice %arg13[%dma_start3A_188, %dma_start3A_189] : memref<2x2048xi32, #tpu.memory_space<vmem>> -> memref<1x2048xi32, #tpu.memory_space<vmem>>
    %dma_start3A_191 = tpu.memref_squeeze %dma_start3A_190 : memref<1x2048xi32, #tpu.memory_space<vmem>> -> memref<2048xi32, #tpu.memory_space<vmem>>
    %dma_start3A_192 = tpu.memref_slice %arg3[%multiple_of3A_187] : memref<1000000xi32, #tpu.memory_space<hbm>> -> memref<2048xi32, #tpu.memory_space<hbm>>
    %dma_start3A_193 = arith.constant 0 : i32
    %dma_start3A_194 = tpu.memref_slice %arg13[%dma_start3A_188, %dma_start3A_193] : memref<2x2048xi32, #tpu.memory_space<vmem>> -> memref<1x2048xi32, #tpu.memory_space<vmem>>
    %dma_start3A_195 = tpu.memref_squeeze %dma_start3A_194 : memref<1x2048xi32, #tpu.memory_space<vmem>> -> memref<2048xi32, #tpu.memory_space<vmem>>
    %dma_start3A_196 = tpu.memref_slice %arg3[%multiple_of3A_187] : memref<1000000xi32, #tpu.memory_space<hbm>> -> memref<2048xi32, #tpu.memory_space<hbm>>
    tpu.enqueue_dma source(%dma_start3A_196 : memref<2048xi32, #tpu.memory_space<hbm>>) target(%dma_start3A_195 : memref<2048xi32, #tpu.memory_space<vmem>>) target_semaphore(%arg21 : memref<!tpu.dma_semaphore, #tpu.memory_space<semaphore_mem>>)
    %dma_start3A_197 = arith.constant 0 : i32
    %dma_start3A_198 = arith.constant 0 : i32
    %dma_start3A_199 = tpu.memref_slice %arg14[%dma_start3A_197, %dma_start3A_198] : memref<2x2048xi32, #tpu.memory_space<vmem>> -> memref<1x2048xi32, #tpu.memory_space<vmem>>
    %dma_start3A_200 = tpu.memref_squeeze %dma_start3A_199 : memref<1x2048xi32, #tpu.memory_space<vmem>> -> memref<2048xi32, #tpu.memory_space<vmem>>
    %dma_start3A_201 = tpu.memref_slice %arg4[%multiple_of3A_187] : memref<1000000xi32, #tpu.memory_space<hbm>> -> memref<2048xi32, #tpu.memory_space<hbm>>
    %dma_start3A_202 = arith.constant 0 : i32
    %dma_start3A_203 = tpu.memref_slice %arg14[%dma_start3A_197, %dma_start3A_202] : memref<2x2048xi32, #tpu.memory_space<vmem>> -> memref<1x2048xi32, #tpu.memory_space<vmem>>
    %dma_start3A_204 = tpu.memref_squeeze %dma_start3A_203 : memref<1x2048xi32, #tpu.memory_space<vmem>> -> memref<2048xi32, #tpu.memory_space<vmem>>
    %dma_start3A_205 = tpu.memref_slice %arg4[%multiple_of3A_187] : memref<1000000xi32, #tpu.memory_space<hbm>> -> memref<2048xi32, #tpu.memory_space<hbm>>
    tpu.enqueue_dma source(%dma_start3A_205 : memref<2048xi32, #tpu.memory_space<hbm>>) target(%dma_start3A_204 : memref<2048xi32, #tpu.memory_space<vmem>>) target_semaphore(%arg21 : memref<!tpu.dma_semaphore, #tpu.memory_space<semaphore_mem>>)
    %dma_start3A_206 = arith.constant 0 : i32
    %dma_start3A_207 = arith.constant 0 : i32
    %dma_start3A_208 = tpu.memref_slice %arg15[%dma_start3A_206, %dma_start3A_207] : memref<2x2048xf32, #tpu.memory_space<vmem>> -> memref<1x2048xf32, #tpu.memory_space<vmem>>
    %dma_start3A_209 = tpu.memref_squeeze %dma_start3A_208 : memref<1x2048xf32, #tpu.memory_space<vmem>> -> memref<2048xf32, #tpu.memory_space<vmem>>
    %dma_start3A_210 = tpu.memref_slice %arg2[%multiple_of3A_187] : memref<1000000xf32, #tpu.memory_space<hbm>> -> memref<2048xf32, #tpu.memory_space<hbm>>
    %dma_start3A_211 = arith.constant 0 : i32
    %dma_start3A_212 = tpu.memref_slice %arg15[%dma_start3A_206, %dma_start3A_211] : memref<2x2048xf32, #tpu.memory_space<vmem>> -> memref<1x2048xf32, #tpu.memory_space<vmem>>
    %dma_start3A_213 = tpu.memref_squeeze %dma_start3A_212 : memref<1x2048xf32, #tpu.memory_space<vmem>> -> memref<2048xf32, #tpu.memory_space<vmem>>
    %dma_start3A_214 = tpu.memref_slice %arg2[%multiple_of3A_187] : memref<1000000xf32, #tpu.memory_space<hbm>> -> memref<2048xf32, #tpu.memory_space<hbm>>
    tpu.enqueue_dma source(%dma_start3A_214 : memref<2048xf32, #tpu.memory_space<hbm>>) target(%dma_start3A_213 : memref<2048xf32, #tpu.memory_space<vmem>>) target_semaphore(%arg21 : memref<!tpu.dma_semaphore, #tpu.memory_space<semaphore_mem>>)
    %add3A_215 = arith.constant 0 : i32
    %add3A_216 = arith.addi %add3A, %add3A_215 : i32
    %mul3A_217 = arith.constant 2048 : i32
    %mul3A_218 = arith.muli %add3A_216, %mul3A_217 : i32
    %min3A_219 = arith.constant 997952 : i32
    %min3A_220 = arith.minsi %mul3A_218, %min3A_219 : i32
    %multiple_of3A_221 = tpu.assume_multiple %min3A_220, 64 : i32
    %dma_wait3A = arith.constant 0 : i32
    %dma_wait3A_222 = arith.constant 0 : i32
    %dma_wait3A_223 = tpu.memref_slice %arg13[%dma_wait3A, %dma_wait3A_222] : memref<2x2048xi32, #tpu.memory_space<vmem>> -> memref<1x2048xi32, #tpu.memory_space<vmem>>
    %dma_wait3A_224 = tpu.memref_squeeze %dma_wait3A_223 : memref<1x2048xi32, #tpu.memory_space<vmem>> -> memref<2048xi32, #tpu.memory_space<vmem>>
    %dma_wait3A_225 = tpu.memref_slice %arg3[%multiple_of3A_221] : memref<1000000xi32, #tpu.memory_space<hbm>> -> memref<2048xi32, #tpu.memory_space<hbm>>
    %dma_wait3A_226 = arith.constant 0 : i32
    %dma_wait3A_227 = tpu.memref_slice %arg13[%dma_wait3A, %dma_wait3A_226] : memref<2x2048xi32, #tpu.memory_space<vmem>> -> memref<1x2048xi32, #tpu.memory_space<vmem>>
    %dma_wait3A_228 = tpu.memref_squeeze %dma_wait3A_227 : memref<1x2048xi32, #tpu.memory_space<vmem>> -> memref<2048xi32, #tpu.memory_space<vmem>>
    %dma_wait3A_229 = tpu.memref_slice %arg3[%multiple_of3A_221] : memref<1000000xi32, #tpu.memory_space<hbm>> -> memref<2048xi32, #tpu.memory_space<hbm>>
    tpu.wait_dma2 semaphore(%arg21 : memref<!tpu.dma_semaphore, #tpu.memory_space<semaphore_mem>>) src(%dma_wait3A_229 : memref<2048xi32, #tpu.memory_space<hbm>>) dst(%dma_wait3A_228 : memref<2048xi32, #tpu.memory_space<vmem>>)
    %dma_wait3A_230 = arith.constant 0 : i32
    %dma_wait3A_231 = arith.constant 0 : i32
    %dma_wait3A_232 = tpu.memref_slice %arg14[%dma_wait3A_230, %dma_wait3A_231] : memref<2x2048xi32, #tpu.memory_space<vmem>> -> memref<1x2048xi32, #tpu.memory_space<vmem>>
    %dma_wait3A_233 = tpu.memref_squeeze %dma_wait3A_232 : memref<1x2048xi32, #tpu.memory_space<vmem>> -> memref<2048xi32, #tpu.memory_space<vmem>>
    %dma_wait3A_234 = tpu.memref_slice %arg4[%multiple_of3A_221] : memref<1000000xi32, #tpu.memory_space<hbm>> -> memref<2048xi32, #tpu.memory_space<hbm>>
    %dma_wait3A_235 = arith.constant 0 : i32
    %dma_wait3A_236 = tpu.memref_slice %arg14[%dma_wait3A_230, %dma_wait3A_235] : memref<2x2048xi32, #tpu.memory_space<vmem>> -> memref<1x2048xi32, #tpu.memory_space<vmem>>
    %dma_wait3A_237 = tpu.memref_squeeze %dma_wait3A_236 : memref<1x2048xi32, #tpu.memory_space<vmem>> -> memref<2048xi32, #tpu.memory_space<vmem>>
    %dma_wait3A_238 = tpu.memref_slice %arg4[%multiple_of3A_221] : memref<1000000xi32, #tpu.memory_space<hbm>> -> memref<2048xi32, #tpu.memory_space<hbm>>
    tpu.wait_dma2 semaphore(%arg21 : memref<!tpu.dma_semaphore, #tpu.memory_space<semaphore_mem>>) src(%dma_wait3A_238 : memref<2048xi32, #tpu.memory_space<hbm>>) dst(%dma_wait3A_237 : memref<2048xi32, #tpu.memory_space<vmem>>)
    %dma_wait3A_239 = arith.constant 0 : i32
    %dma_wait3A_240 = arith.constant 0 : i32
    %dma_wait3A_241 = tpu.memref_slice %arg15[%dma_wait3A_239, %dma_wait3A_240] : memref<2x2048xf32, #tpu.memory_space<vmem>> -> memref<1x2048xf32, #tpu.memory_space<vmem>>
    %dma_wait3A_242 = tpu.memref_squeeze %dma_wait3A_241 : memref<1x2048xf32, #tpu.memory_space<vmem>> -> memref<2048xf32, #tpu.memory_space<vmem>>
    %dma_wait3A_243 = tpu.memref_slice %arg2[%multiple_of3A_221] : memref<1000000xf32, #tpu.memory_space<hbm>> -> memref<2048xf32, #tpu.memory_space<hbm>>
    %dma_wait3A_244 = arith.constant 0 : i32
    %dma_wait3A_245 = tpu.memref_slice %arg15[%dma_wait3A_239, %dma_wait3A_244] : memref<2x2048xf32, #tpu.memory_space<vmem>> -> memref<1x2048xf32, #tpu.memory_space<vmem>>
    %dma_wait3A_246 = tpu.memref_squeeze %dma_wait3A_245 : memref<1x2048xf32, #tpu.memory_space<vmem>> -> memref<2048xf32, #tpu.memory_space<vmem>>
    %dma_wait3A_247 = tpu.memref_slice %arg2[%multiple_of3A_221] : memref<1000000xf32, #tpu.memory_space<hbm>> -> memref<2048xf32, #tpu.memory_space<hbm>>
    tpu.wait_dma2 semaphore(%arg21 : memref<!tpu.dma_semaphore, #tpu.memory_space<semaphore_mem>>) src(%dma_wait3A_247 : memref<2048xf32, #tpu.memory_space<hbm>>) dst(%dma_wait3A_246 : memref<2048xf32, #tpu.memory_space<vmem>>)
    %scan3A = arith.constant 0 : i32
    %scan3A_248 = arith.constant 0 : i32
    %scan3A_249 = arith.constant 16 : i32
    %scan3A_250 = arith.addi %scan3A_248, %scan3A_249 : i32
    %scan3A_251 = arith.constant 1 : i32
    %scan3A_252 = scf.for %scan3A_329 = %scan3A_248 to %scan3A_250 step %scan3A_251 iter_args(%scan3A_330 = %scan3A) -> (i32)  : i32 {
      %mul3A_331 = arith.constant 8 : i32
      %mul3A_332 = arith.muli %scan3A_329, %mul3A_331 : i32
      %add3A_333 = arith.constant 0 : i32
      %add3A_334 = arith.addi %mul3A_332, %add3A_333 : i32
      %mul3A_335 = arith.constant 16 : i32
      %mul3A_336 = arith.muli %add3A_334, %mul3A_335 : i32
      %get3A = arith.constant 0 : i32
      %get3A_337 = arith.index_cast %get3A : i32 to index
      %get3A_338 = arith.index_cast %mul3A_336 : i32 to index
      %get3A_339 = tpu.vector_load %arg13[%get3A_337, %get3A_338] {strides = array<i32>} : memref<2x2048xi32, #tpu.memory_space<vmem>>, vector<16xi32>,
      %get3A_340 = arith.constant 0 : i32
      %get3A_341 = arith.index_cast %get3A_340 : i32 to index
      %get3A_342 = arith.index_cast %mul3A_336 : i32 to index
      %get3A_343 = tpu.vector_load %arg14[%get3A_341, %get3A_342] {strides = array<i32>} : memref<2x2048xi32, #tpu.memory_space<vmem>>, vector<16xi32>,
      %mul3A_344 = arith.constant 500 : i32
      %mul3A_345 = vector.broadcast %mul3A_344 : i32 to vector<16xi32>
      %mul3A_346 = arith.muli %get3A_339, %mul3A_345 : vector<16xi32>
      %add3A_347 = arith.addi %mul3A_346, %get3A_343 : vector<16xi32>
      %add3A_348 = vector.broadcast %mul3A_2 : i32 to vector<16xi32>
      %add3A_349 = arith.addi %add3A_347, %add3A_348 : vector<16xi32>
      %swap3A = arith.constant 0 : i32
      %swap3A_350 = arith.index_cast %swap3A : i32 to index
      %swap3A_351 = arith.index_cast %mul3A_336 : i32 to index
      %swap3A_352 = tpu.vector_load %arg16[%swap3A_350, %swap3A_351] {strides = array<i32>} : memref<2x2048xi32, #tpu.memory_space<vmem>>, vector<16xi32>,
      tpu.vector_store %arg16[%swap3A_350, %swap3A_351], %add3A_349 {strides = array<i32>} : memref<2x2048xi32, #tpu.memory_space<vmem>>, vector<16xi32>,
      %mul3A_353 = arith.constant 8 : i32
      %mul3A_354 = arith.muli %scan3A_329, %mul3A_353 : i32
      %add3A_355 = arith.constant 1 : i32
      %add3A_356 = arith.addi %mul3A_354, %add3A_355 : i32
      %mul3A_357 = arith.constant 16 : i32
      %mul3A_358 = arith.muli %add3A_356, %mul3A_357 : i32
      %get3A_359 = arith.constant 0 : i32
      %get3A_360 = arith.index_cast %get3A_359 : i32 to index
      %get3A_361 = arith.index_cast %mul3A_358 : i32 to index
      %get3A_362 = tpu.vector_load %arg13[%get3A_360, %get3A_361] {strides = array<i32>} : memref<2x2048xi32, #tpu.memory_space<vmem>>, vector<16xi32>,
      %get3A_363 = arith.constant 0 : i32
      %get3A_364 = arith.index_cast %get3A_363 : i32 to index
      %get3A_365 = arith.index_cast %mul3A_358 : i32 to index
      %get3A_366 = tpu.vector_load %arg14[%get3A_364, %get3A_365] {strides = array<i32>} : memref<2x2048xi32, #tpu.memory_space<vmem>>, vector<16xi32>,
      %mul3A_367 = arith.constant 500 : i32
      %mul3A_368 = vector.broadcast %mul3A_367 : i32 to vector<16xi32>
      %mul3A_369 = arith.muli %get3A_362, %mul3A_368 : vector<16xi32>
      %add3A_370 = arith.addi %mul3A_369, %get3A_366 : vector<16xi32>
      %add3A_371 = vector.broadcast %mul3A_2 : i32 to vector<16xi32>
      %add3A_372 = arith.addi %add3A_370, %add3A_371 : vector<16xi32>
      %swap3A_373 = arith.constant 0 : i32
      %swap3A_374 = arith.index_cast %swap3A_373 : i32 to index
      %swap3A_375 = arith.index_cast %mul3A_358 : i32 to index
      %swap3A_376 = tpu.vector_load %arg16[%swap3A_374, %swap3A_375] {strides = array<i32>} : memref<2x2048xi32, #tpu.memory_space<vmem>>, vector<16xi32>,
      tpu.vector_store %arg16[%swap3A_374, %swap3A_375], %add3A_372 {strides = array<i32>} : memref<2x2048xi32, #tpu.memory_space<vmem>>, vector<16xi32>,
      %mul3A_377 = arith.constant 8 : i32
      %mul3A_378 = arith.muli %scan3A_329, %mul3A_377 : i32
      %add3A_379 = arith.constant 2 : i32
      %add3A_380 = arith.addi %mul3A_378, %add3A_379 : i32
      %mul3A_381 = arith.constant 16 : i32
      %mul3A_382 = arith.muli %add3A_380, %mul3A_381 : i32
      %get3A_383 = arith.constant 0 : i32
      %get3A_384 = arith.index_cast %get3A_383 : i32 to index
      %get3A_385 = arith.index_cast %mul3A_382 : i32 to index
      %get3A_386 = tpu.vector_load %arg13[%get3A_384, %get3A_385] {strides = array<i32>} : memref<2x2048xi32, #tpu.memory_space<vmem>>, vector<16xi32>,
      %get3A_387 = arith.constant 0 : i32
      %get3A_388 = arith.index_cast %get3A_387 : i32 to index
      %get3A_389 = arith.index_cast %mul3A_382 : i32 to index
      %get3A_390 = tpu.vector_load %arg14[%get3A_388, %get3A_389] {strides = array<i32>} : memref<2x2048xi32, #tpu.memory_space<vmem>>, vector<16xi32>,
      %mul3A_391 = arith.constant 500 : i32
      %mul3A_392 = vector.broadcast %mul3A_391 : i32 to vector<16xi32>
      %mul3A_393 = arith.muli %get3A_386, %mul3A_392 : vector<16xi32>
      %add3A_394 = arith.addi %mul3A_393, %get3A_390 : vector<16xi32>
      %add3A_395 = vector.broadcast %mul3A_2 : i32 to vector<16xi32>
      %add3A_396 = arith.addi %add3A_394, %add3A_395 : vector<16xi32>
      %swap3A_397 = arith.constant 0 : i32
      %swap3A_398 = arith.index_cast %swap3A_397 : i32 to index
      %swap3A_399 = arith.index_cast %mul3A_382 : i32 to index
      %swap3A_400 = tpu.vector_load %arg16[%swap3A_398, %swap3A_399] {strides = array<i32>} : memref<2x2048xi32, #tpu.memory_space<vmem>>, vector<16xi32>,
      tpu.vector_store %arg16[%swap3A_398, %swap3A_399], %add3A_396 {strides = array<i32>} : memref<2x2048xi32, #tpu.memory_space<vmem>>, vector<16xi32>,
      %mul3A_401 = arith.constant 8 : i32
      %mul3A_402 = arith.muli %scan3A_329, %mul3A_401 : i32
      %add3A_403 = arith.constant 3 : i32
      %add3A_404 = arith.addi %mul3A_402, %add3A_403 : i32
      %mul3A_405 = arith.constant 16 : i32
      %mul3A_406 = arith.muli %add3A_404, %mul3A_405 : i32
      %get3A_407 = arith.constant 0 : i32
      %get3A_408 = arith.index_cast %get3A_407 : i32 to index
      %get3A_409 = arith.index_cast %mul3A_406 : i32 to index
      %get3A_410 = tpu.vector_load %arg13[%get3A_408, %get3A_409] {strides = array<i32>} : memref<2x2048xi32, #tpu.memory_space<vmem>>, vector<16xi32>,
      %get3A_411 = arith.constant 0 : i32
      %get3A_412 = arith.index_cast %get3A_411 : i32 to index
      %get3A_413 = arith.index_cast %mul3A_406 : i32 to index
      %get3A_414 = tpu.vector_load %arg14[%get3A_412, %get3A_413] {strides = array<i32>} : memref<2x2048xi32, #tpu.memory_space<vmem>>, vector<16xi32>,
      %mul3A_415 = arith.constant 500 : i32
      %mul3A_416 = vector.broadcast %mul3A_415 : i32 to vector<16xi32>
      %mul3A_417 = arith.muli %get3A_410, %mul3A_416 : vector<16xi32>
      %add3A_418 = arith.addi %mul3A_417, %get3A_414 : vector<16xi32>
      %add3A_419 = vector.broadcast %mul3A_2 : i32 to vector<16xi32>
      %add3A_420 = arith.addi %add3A_418, %add3A_419 : vector<16xi32>
      %swap3A_421 = arith.constant 0 : i32
      %swap3A_422 = arith.index_cast %swap3A_421 : i32 to index
      %swap3A_423 = arith.index_cast %mul3A_406 : i32 to index
      %swap3A_424 = tpu.vector_load %arg16[%swap3A_422, %swap3A_423] {strides = array<i32>} : memref<2x2048xi32, #tpu.memory_space<vmem>>, vector<16xi32>,
      tpu.vector_store %arg16[%swap3A_422, %swap3A_423], %add3A_420 {strides = array<i32>} : memref<2x2048xi32, #tpu.memory_space<vmem>>, vector<16xi32>,
      %mul3A_425 = arith.constant 8 : i32
      %mul3A_426 = arith.muli %scan3A_329, %mul3A_425 : i32
      %add3A_427 = arith.constant 4 : i32
      %add3A_428 = arith.addi %mul3A_426, %add3A_427 : i32
      %mul3A_429 = arith.constant 16 : i32
      %mul3A_430 = arith.muli %add3A_428, %mul3A_429 : i32
      %get3A_431 = arith.constant 0 : i32
      %get3A_432 = arith.index_cast %get3A_431 : i32 to index
      %get3A_433 = arith.index_cast %mul3A_430 : i32 to index
      %get3A_434 = tpu.vector_load %arg13[%get3A_432, %get3A_433] {strides = array<i32>} : memref<2x2048xi32, #tpu.memory_space<vmem>>, vector<16xi32>,
      %get3A_435 = arith.constant 0 : i32
      %get3A_436 = arith.index_cast %get3A_435 : i32 to index
      %get3A_437 = arith.index_cast %mul3A_430 : i32 to index
      %get3A_438 = tpu.vector_load %arg14[%get3A_436, %get3A_437] {strides = array<i32>} : memref<2x2048xi32, #tpu.memory_space<vmem>>, vector<16xi32>,
      %mul3A_439 = arith.constant 500 : i32
      %mul3A_440 = vector.broadcast %mul3A_439 : i32 to vector<16xi32>
      %mul3A_441 = arith.muli %get3A_434, %mul3A_440 : vector<16xi32>
      %add3A_442 = arith.addi %mul3A_441, %get3A_438 : vector<16xi32>
      %add3A_443 = vector.broadcast %mul3A_2 : i32 to vector<16xi32>
      %add3A_444 = arith.addi %add3A_442, %add3A_443 : vector<16xi32>
      %swap3A_445 = arith.constant 0 : i32
      %swap3A_446 = arith.index_cast %swap3A_445 : i32 to index
      %swap3A_447 = arith.index_cast %mul3A_430 : i32 to index
      %swap3A_448 = tpu.vector_load %arg16[%swap3A_446, %swap3A_447] {strides = array<i32>} : memref<2x2048xi32, #tpu.memory_space<vmem>>, vector<16xi32>,
      tpu.vector_store %arg16[%swap3A_446, %swap3A_447], %add3A_444 {strides = array<i32>} : memref<2x2048xi32, #tpu.memory_space<vmem>>, vector<16xi32>,
      %mul3A_449 = arith.constant 8 : i32
      %mul3A_450 = arith.muli %scan3A_329, %mul3A_449 : i32
      %add3A_451 = arith.constant 5 : i32
      %add3A_452 = arith.addi %mul3A_450, %add3A_451 : i32
      %mul3A_453 = arith.constant 16 : i32
      %mul3A_454 = arith.muli %add3A_452, %mul3A_453 : i32
      %get3A_455 = arith.constant 0 : i32
      %get3A_456 = arith.index_cast %get3A_455 : i32 to index
      %get3A_457 = arith.index_cast %mul3A_454 : i32 to index
      %get3A_458 = tpu.vector_load %arg13[%get3A_456, %get3A_457] {strides = array<i32>} : memref<2x2048xi32, #tpu.memory_space<vmem>>, vector<16xi32>,
      %get3A_459 = arith.constant 0 : i32
      %get3A_460 = arith.index_cast %get3A_459 : i32 to index
      %get3A_461 = arith.index_cast %mul3A_454 : i32 to index
      %get3A_462 = tpu.vector_load %arg14[%get3A_460, %get3A_461] {strides = array<i32>} : memref<2x2048xi32, #tpu.memory_space<vmem>>, vector<16xi32>,
      %mul3A_463 = arith.constant 500 : i32
      %mul3A_464 = vector.broadcast %mul3A_463 : i32 to vector<16xi32>
      %mul3A_465 = arith.muli %get3A_458, %mul3A_464 : vector<16xi32>
      %add3A_466 = arith.addi %mul3A_465, %get3A_462 : vector<16xi32>
      %add3A_467 = vector.broadcast %mul3A_2 : i32 to vector<16xi32>
      %add3A_468 = arith.addi %add3A_466, %add3A_467 : vector<16xi32>
      %swap3A_469 = arith.constant 0 : i32
      %swap3A_470 = arith.index_cast %swap3A_469 : i32 to index
      %swap3A_471 = arith.index_cast %mul3A_454 : i32 to index
      %swap3A_472 = tpu.vector_load %arg16[%swap3A_470, %swap3A_471] {strides = array<i32>} : memref<2x2048xi32, #tpu.memory_space<vmem>>, vector<16xi32>,
      tpu.vector_store %arg16[%swap3A_470, %swap3A_471], %add3A_468 {strides = array<i32>} : memref<2x2048xi32, #tpu.memory_space<vmem>>, vector<16xi32>,
      %mul3A_473 = arith.constant 8 : i32
      %mul3A_474 = arith.muli %scan3A_329, %mul3A_473 : i32
      %add3A_475 = arith.constant 6 : i32
      %add3A_476 = arith.addi %mul3A_474, %add3A_475 : i32
      %mul3A_477 = arith.constant 16 : i32
      %mul3A_478 = arith.muli %add3A_476, %mul3A_477 : i32
      %get3A_479 = arith.constant 0 : i32
      %get3A_480 = arith.index_cast %get3A_479 : i32 to index
      %get3A_481 = arith.index_cast %mul3A_478 : i32 to index
      %get3A_482 = tpu.vector_load %arg13[%get3A_480, %get3A_481] {strides = array<i32>} : memref<2x2048xi32, #tpu.memory_space<vmem>>, vector<16xi32>,
      %get3A_483 = arith.constant 0 : i32
      %get3A_484 = arith.index_cast %get3A_483 : i32 to index
      %get3A_485 = arith.index_cast %mul3A_478 : i32 to index
      %get3A_486 = tpu.vector_load %arg14[%get3A_484, %get3A_485] {strides = array<i32>} : memref<2x2048xi32, #tpu.memory_space<vmem>>, vector<16xi32>,
      %mul3A_487 = arith.constant 500 : i32
      %mul3A_488 = vector.broadcast %mul3A_487 : i32 to vector<16xi32>
      %mul3A_489 = arith.muli %get3A_482, %mul3A_488 : vector<16xi32>
      %add3A_490 = arith.addi %mul3A_489, %get3A_486 : vector<16xi32>
      %add3A_491 = vector.broadcast %mul3A_2 : i32 to vector<16xi32>
      %add3A_492 = arith.addi %add3A_490, %add3A_491 : vector<16xi32>
      %swap3A_493 = arith.constant 0 : i32
      %swap3A_494 = arith.index_cast %swap3A_493 : i32 to index
      %swap3A_495 = arith.index_cast %mul3A_478 : i32 to index
      %swap3A_496 = tpu.vector_load %arg16[%swap3A_494, %swap3A_495] {strides = array<i32>} : memref<2x2048xi32, #tpu.memory_space<vmem>>, vector<16xi32>,
      tpu.vector_store %arg16[%swap3A_494, %swap3A_495], %add3A_492 {strides = array<i32>} : memref<2x2048xi32, #tpu.memory_space<vmem>>, vector<16xi32>,
      %mul3A_497 = arith.constant 8 : i32
      %mul3A_498 = arith.muli %scan3A_329, %mul3A_497 : i32
      %add3A_499 = arith.constant 7 : i32
      %add3A_500 = arith.addi %mul3A_498, %add3A_499 : i32
      %mul3A_501 = arith.constant 16 : i32
      %mul3A_502 = arith.muli %add3A_500, %mul3A_501 : i32
      %get3A_503 = arith.constant 0 : i32
      %get3A_504 = arith.index_cast %get3A_503 : i32 to index
      %get3A_505 = arith.index_cast %mul3A_502 : i32 to index
      %get3A_506 = tpu.vector_load %arg13[%get3A_504, %get3A_505] {strides = array<i32>} : memref<2x2048xi32, #tpu.memory_space<vmem>>, vector<16xi32>,
      %get3A_507 = arith.constant 0 : i32
      %get3A_508 = arith.index_cast %get3A_507 : i32 to index
      %get3A_509 = arith.index_cast %mul3A_502 : i32 to index
      %get3A_510 = tpu.vector_load %arg14[%get3A_508, %get3A_509] {strides = array<i32>} : memref<2x2048xi32, #tpu.memory_space<vmem>>, vector<16xi32>,
      %mul3A_511 = arith.constant 500 : i32
      %mul3A_512 = vector.broadcast %mul3A_511 : i32 to vector<16xi32>
      %mul3A_513 = arith.muli %get3A_506, %mul3A_512 : vector<16xi32>
      %add3A_514 = arith.addi %mul3A_513, %get3A_510 : vector<16xi32>
      %add3A_515 = vector.broadcast %mul3A_2 : i32 to vector<16xi32>
      %add3A_516 = arith.addi %add3A_514, %add3A_515 : vector<16xi32>
      %swap3A_517 = arith.constant 0 : i32
      %swap3A_518 = arith.index_cast %swap3A_517 : i32 to index
      %swap3A_519 = arith.index_cast %mul3A_502 : i32 to index
      %swap3A_520 = tpu.vector_load %arg16[%swap3A_518, %swap3A_519] {strides = array<i32>} : memref<2x2048xi32, #tpu.memory_space<vmem>>, vector<16xi32>,
      tpu.vector_store %arg16[%swap3A_518, %swap3A_519], %add3A_516 {strides = array<i32>} : memref<2x2048xi32, #tpu.memory_space<vmem>>, vector<16xi32>,
      %scan3A_521 = arith.constant 0 : i32
      scf.yield %scan3A_521 : i32
    }
    %scan3A_253 = arith.constant 16 : i32
    %dma_start3A_254 = arith.constant 0 : i32
    %dma_start3A_255 = arith.constant 0 : i32
    %dma_start3A_256 = tpu.memref_slice %arg16[%dma_start3A_254, %dma_start3A_255] : memref<2x2048xi32, #tpu.memory_space<vmem>> -> memref<1x2048xi32, #tpu.memory_space<vmem>>
    %dma_start3A_257 = tpu.memref_squeeze %dma_start3A_256 : memref<1x2048xi32, #tpu.memory_space<vmem>> -> memref<2048xi32, #tpu.memory_space<vmem>>
    %dma_start3A_258 = arith.constant 0 : i32
    %dma_start3A_259 = arith.constant 0 : i32
    %dma_start3A_260 = tpu.memref_slice %arg12[%dma_start3A_258, %dma_start3A_259] : memref<2000000x8xf32, #tpu.memory_space<hbm>> -> memref<2000000x8xf32, #tpu.memory_space<hbm>>
    tpu.enqueue_indirect_dma source(%dma_start3A_260 : memref<2000000x8xf32, #tpu.memory_space<hbm>>) target(%arg18 : memref<2048x8xf32, #tpu.memory_space<vmem>>) offsets(%dma_start3A_257 : memref<2048xi32, #tpu.memory_space<vmem>>) semaphore(%arg22 : memref<!tpu.dma_semaphore, #tpu.memory_space<semaphore_mem>>)
    %gt3A = arith.constant 1 : i32
    %gt3A_261 = arith.cmpi sgt, %select_n3A_180, %gt3A : i32
    %convert_element_type3A_262 = arith.extui %gt3A_261 : i1 to i32
    %cond3A_263 = arith.constant 0 : i32
    %cond3A_264 = arith.cmpi ne, %convert_element_type3A_262, %cond3A_263 : i32
    scf.if %cond3A_264 {
      %add3A_329 = arith.constant 32 : i32
      %add3A_330 = arith.addi %add3A, %add3A_329 : i32
      %mul3A_331 = arith.constant 2048 : i32
      %mul3A_332 = arith.muli %add3A_330, %mul3A_331 : i32
      %min3A_333 = arith.constant 997952 : i32
      %min3A_334 = arith.minsi %mul3A_332, %min3A_333 : i32
      %multiple_of3A_335 = tpu.assume_multiple %min3A_334, 64 : i32
      %dma_start3A_336 = arith.constant 1 : i32
      %dma_start3A_337 = arith.constant 0 : i32
      %dma_start3A_338 = tpu.memref_slice %arg13[%dma_start3A_336, %dma_start3A_337] : memref<2x2048xi32, #tpu.memory_space<vmem>> -> memref<1x2048xi32, #tpu.memory_space<vmem>>
      %dma_start3A_339 = tpu.memref_squeeze %dma_start3A_338 : memref<1x2048xi32, #tpu.memory_space<vmem>> -> memref<2048xi32, #tpu.memory_space<vmem>>
      %dma_start3A_340 = tpu.memref_slice %arg3[%multiple_of3A_335] : memref<1000000xi32, #tpu.memory_space<hbm>> -> memref<2048xi32, #tpu.memory_space<hbm>>
      %dma_start3A_341 = arith.constant 0 : i32
      %dma_start3A_342 = tpu.memref_slice %arg13[%dma_start3A_336, %dma_start3A_341] : memref<2x2048xi32, #tpu.memory_space<vmem>> -> memref<1x2048xi32, #tpu.memory_space<vmem>>
      %dma_start3A_343 = tpu.memref_squeeze %dma_start3A_342 : memref<1x2048xi32, #tpu.memory_space<vmem>> -> memref<2048xi32, #tpu.memory_space<vmem>>
      %dma_start3A_344 = tpu.memref_slice %arg3[%multiple_of3A_335] : memref<1000000xi32, #tpu.memory_space<hbm>> -> memref<2048xi32, #tpu.memory_space<hbm>>
      tpu.enqueue_dma source(%dma_start3A_344 : memref<2048xi32, #tpu.memory_space<hbm>>) target(%dma_start3A_343 : memref<2048xi32, #tpu.memory_space<vmem>>) target_semaphore(%arg21 : memref<!tpu.dma_semaphore, #tpu.memory_space<semaphore_mem>>)
      %dma_start3A_345 = arith.constant 1 : i32
      %dma_start3A_346 = arith.constant 0 : i32
      %dma_start3A_347 = tpu.memref_slice %arg14[%dma_start3A_345, %dma_start3A_346] : memref<2x2048xi32, #tpu.memory_space<vmem>> -> memref<1x2048xi32, #tpu.memory_space<vmem>>
      %dma_start3A_348 = tpu.memref_squeeze %dma_start3A_347 : memref<1x2048xi32, #tpu.memory_space<vmem>> -> memref<2048xi32, #tpu.memory_space<vmem>>
      %dma_start3A_349 = tpu.memref_slice %arg4[%multiple_of3A_335] : memref<1000000xi32, #tpu.memory_space<hbm>> -> memref<2048xi32, #tpu.memory_space<hbm>>
      %dma_start3A_350 = arith.constant 0 : i32
      %dma_start3A_351 = tpu.memref_slice %arg14[%dma_start3A_345, %dma_start3A_350] : memref<2x2048xi32, #tpu.memory_space<vmem>> -> memref<1x2048xi32, #tpu.memory_space<vmem>>
      %dma_start3A_352 = tpu.memref_squeeze %dma_start3A_351 : memref<1x2048xi32, #tpu.memory_space<vmem>> -> memref<2048xi32, #tpu.memory_space<vmem>>
      %dma_start3A_353 = tpu.memref_slice %arg4[%multiple_of3A_335] : memref<1000000xi32, #tpu.memory_space<hbm>> -> memref<2048xi32, #tpu.memory_space<hbm>>
      tpu.enqueue_dma source(%dma_start3A_353 : memref<2048xi32, #tpu.memory_space<hbm>>) target(%dma_start3A_352 : memref<2048xi32, #tpu.memory_space<vmem>>) target_semaphore(%arg21 : memref<!tpu.dma_semaphore, #tpu.memory_space<semaphore_mem>>)
      %dma_start3A_354 = arith.constant 1 : i32
      %dma_start3A_355 = arith.constant 0 : i32
      %dma_start3A_356 = tpu.memref_slice %arg15[%dma_start3A_354, %dma_start3A_355] : memref<2x2048xf32, #tpu.memory_space<vmem>> -> memref<1x2048xf32, #tpu.memory_space<vmem>>
      %dma_start3A_357 = tpu.memref_squeeze %dma_start3A_356 : memref<1x2048xf32, #tpu.memory_space<vmem>> -> memref<2048xf32, #tpu.memory_space<vmem>>
      %dma_start3A_358 = tpu.memref_slice %arg2[%multiple_of3A_335] : memref<1000000xf32, #tpu.memory_space<hbm>> -> memref<2048xf32, #tpu.memory_space<hbm>>
      %dma_start3A_359 = arith.constant 0 : i32
      %dma_start3A_360 = tpu.memref_slice %arg15[%dma_start3A_354, %dma_start3A_359] : memref<2x2048xf32, #tpu.memory_space<vmem>> -> memref<1x2048xf32, #tpu.memory_space<vmem>>
      %dma_start3A_361 = tpu.memref_squeeze %dma_start3A_360 : memref<1x2048xf32, #tpu.memory_space<vmem>> -> memref<2048xf32, #tpu.memory_space<vmem>>
      %dma_start3A_362 = tpu.memref_slice %arg2[%multiple_of3A_335] : memref<1000000xf32, #tpu.memory_space<hbm>> -> memref<2048xf32, #tpu.memory_space<hbm>>
      tpu.enqueue_dma source(%dma_start3A_362 : memref<2048xf32, #tpu.memory_space<hbm>>) target(%dma_start3A_361 : memref<2048xf32, #tpu.memory_space<vmem>>) target_semaphore(%arg21 : memref<!tpu.dma_semaphore, #tpu.memory_space<semaphore_mem>>)
    } else {
    }
    %add3A_265 = arith.constant 1 : i32
    %add3A_266 = arith.addi %select_n3A_180, %add3A_265 : i32
    %jit3A_267 = arith.constant 2 : i32
    %div3A_268 = arith.divsi %add3A_266, %jit3A_267 : i32
    %sign3A_269 = arith.constant 0 : i32
    %sign3A_270 = arith.cmpi sgt, %add3A_266, %sign3A_269 : i32
    %sign3A_271 = arith.extui %sign3A_270 : i1 to i32
    %sign3A_272 = arith.constant 0 : i32
    %sign3A_273 = arith.cmpi slt, %add3A_266, %sign3A_272 : i32
    %sign3A_274 = arith.extui %sign3A_273 : i1 to i32
    %sign3A_275 = arith.subi %sign3A_271, %sign3A_274 : i32
    %sign3A_276 = arith.constant 0 : i32
    %sign3A_277 = arith.cmpi sgt, %jit3A_267, %sign3A_276 : i32
    %sign3A_278 = arith.extui %sign3A_277 : i1 to i32
    %sign3A_279 = arith.constant 0 : i32
    %sign3A_280 = arith.cmpi slt, %jit3A_267, %sign3A_279 : i32
    %sign3A_281 = arith.extui %sign3A_280 : i1 to i32
    %sign3A_282 = arith.subi %sign3A_278, %sign3A_281 : i32
    %ne3A_283 = arith.cmpi ne, %sign3A_275, %sign3A_282 : i32
    %rem3A_284 = arith.remsi %add3A_266, %jit3A_267 : i32
    %ne3A_285 = arith.constant 0 : i32
    %ne3A_286 = arith.cmpi ne, %rem3A_284, %ne3A_285 : i32
    %and3A_287 = arith.andi %ne3A_283, %ne3A_286 : i1
    %sub3A_288 = arith.constant 1 : i32
    %sub3A_289 = arith.subi %div3A_268, %sub3A_288 : i32
    %select_n3A_290 = arith.select %and3A_287, %sub3A_289, %div3A_268 : i32
    %while3A_291 = arith.constant 0 : i32
    %while3A_292 = arith.constant 0 : i32
    %while3A_293 = arith.subi %select_n3A_290, %while3A_291 : i32
    %while3A_294 = arith.addi %while3A_291, %while3A_293 : i32
    %while3A_295 = arith.constant 1 : i32
    %while3A_296 = arith.divsi %while3A_293, %while3A_295 : i32
    %while3A_297 = arith.muli %while3A_296, %while3A_295 : i32
    %while3A_298 = arith.addi %while3A_291, %while3A_297 : i32
    %while3A_299 = arith.constant 1 : i32
    %while3A_300 = scf.for %while3A_329 = %while3A_291 to %while3A_298 step %while3A_299 iter_args(%while3A_330 = %while3A_292) -> (i32)  : i32 {
      %mul3A_331 = arith.constant 2 : i32
      %mul3A_332 = arith.muli %while3A_329, %mul3A_331 : i32
      %lt3A = arith.cmpi slt, %mul3A_332, %select_n3A_180 : i32
      %convert_element_type3A_333 = arith.extui %lt3A : i1 to i32
      %cond3A_334 = arith.constant 0 : i32
      %cond3A_335 = arith.cmpi ne, %convert_element_type3A_333, %cond3A_334 : i32
      scf.if %cond3A_335 {
        %add3A_343 = arith.constant 1 : i32
        %add3A_344 = arith.addi %mul3A_332, %add3A_343 : i32
        %lt3A_345 = arith.cmpi slt, %add3A_344, %select_n3A_180 : i32
        %convert_element_type3A_346 = arith.extui %lt3A_345 : i1 to i32
        %cond3A_347 = arith.constant 0 : i32
        %cond3A_348 = arith.cmpi ne, %convert_element_type3A_346, %cond3A_347 : i32
        scf.if %cond3A_348 {
          %add3A_391 = arith.constant 1 : i32
          %add3A_392 = arith.addi %mul3A_332, %add3A_391 : i32
          %mul3A_393 = arith.constant 32 : i32
          %mul3A_394 = arith.muli %add3A_392, %mul3A_393 : i32
          %add3A_395 = arith.addi %add3A, %mul3A_394 : i32
          %mul3A_396 = arith.constant 2048 : i32
          %mul3A_397 = arith.muli %add3A_395, %mul3A_396 : i32
          %min3A_398 = arith.constant 997952 : i32
          %min3A_399 = arith.minsi %mul3A_397, %min3A_398 : i32
          %multiple_of3A_400 = tpu.assume_multiple %min3A_399, 64 : i32
          %dma_wait3A_401 = arith.constant 1 : i32
          %dma_wait3A_402 = arith.constant 0 : i32
          %dma_wait3A_403 = tpu.memref_slice %arg13[%dma_wait3A_401, %dma_wait3A_402] : memref<2x2048xi32, #tpu.memory_space<vmem>> -> memref<1x2048xi32, #tpu.memory_space<vmem>>
          %dma_wait3A_404 = tpu.memref_squeeze %dma_wait3A_403 : memref<1x2048xi32, #tpu.memory_space<vmem>> -> memref<2048xi32, #tpu.memory_space<vmem>>
          %dma_wait3A_405 = tpu.memref_slice %arg3[%multiple_of3A_400] : memref<1000000xi32, #tpu.memory_space<hbm>> -> memref<2048xi32, #tpu.memory_space<hbm>>
          %dma_wait3A_406 = arith.constant 0 : i32
          %dma_wait3A_407 = tpu.memref_slice %arg13[%dma_wait3A_401, %dma_wait3A_406] : memref<2x2048xi32, #tpu.memory_space<vmem>> -> memref<1x2048xi32, #tpu.memory_space<vmem>>
          %dma_wait3A_408 = tpu.memref_squeeze %dma_wait3A_407 : memref<1x2048xi32, #tpu.memory_space<vmem>> -> memref<2048xi32, #tpu.memory_space<vmem>>
          %dma_wait3A_409 = tpu.memref_slice %arg3[%multiple_of3A_400] : memref<1000000xi32, #tpu.memory_space<hbm>> -> memref<2048xi32, #tpu.memory_space<hbm>>
          tpu.wait_dma2 semaphore(%arg21 : memref<!tpu.dma_semaphore, #tpu.memory_space<semaphore_mem>>) src(%dma_wait3A_409 : memref<2048xi32, #tpu.memory_space<hbm>>) dst(%dma_wait3A_408 : memref<2048xi32, #tpu.memory_space<vmem>>)
          %dma_wait3A_410 = arith.constant 1 : i32
          %dma_wait3A_411 = arith.constant 0 : i32
          %dma_wait3A_412 = tpu.memref_slice %arg14[%dma_wait3A_410, %dma_wait3A_411] : memref<2x2048xi32, #tpu.memory_space<vmem>> -> memref<1x2048xi32, #tpu.memory_space<vmem>>
          %dma_wait3A_413 = tpu.memref_squeeze %dma_wait3A_412 : memref<1x2048xi32, #tpu.memory_space<vmem>> -> memref<2048xi32, #tpu.memory_space<vmem>>
          %dma_wait3A_414 = tpu.memref_slice %arg4[%multiple_of3A_400] : memref<1000000xi32, #tpu.memory_space<hbm>> -> memref<2048xi32, #tpu.memory_space<hbm>>
          %dma_wait3A_415 = arith.constant 0 : i32
          %dma_wait3A_416 = tpu.memref_slice %arg14[%dma_wait3A_410, %dma_wait3A_415] : memref<2x2048xi32, #tpu.memory_space<vmem>> -> memref<1x2048xi32, #tpu.memory_space<vmem>>
          %dma_wait3A_417 = tpu.memref_squeeze %dma_wait3A_416 : memref<1x2048xi32, #tpu.memory_space<vmem>> -> memref<2048xi32, #tpu.memory_space<vmem>>
          %dma_wait3A_418 = tpu.memref_slice %arg4[%multiple_of3A_400] : memref<1000000xi32, #tpu.memory_space<hbm>> -> memref<2048xi32, #tpu.memory_space<hbm>>
          tpu.wait_dma2 semaphore(%arg21 : memref<!tpu.dma_semaphore, #tpu.memory_space<semaphore_mem>>) src(%dma_wait3A_418 : memref<2048xi32, #tpu.memory_space<hbm>>) dst(%dma_wait3A_417 : memref<2048xi32, #tpu.memory_space<vmem>>)
          %dma_wait3A_419 = arith.constant 1 : i32
          %dma_wait3A_420 = arith.constant 0 : i32
          %dma_wait3A_421 = tpu.memref_slice %arg15[%dma_wait3A_419, %dma_wait3A_420] : memref<2x2048xf32, #tpu.memory_space<vmem>> -> memref<1x2048xf32, #tpu.memory_space<vmem>>
          %dma_wait3A_422 = tpu.memref_squeeze %dma_wait3A_421 : memref<1x2048xf32, #tpu.memory_space<vmem>> -> memref<2048xf32, #tpu.memory_space<vmem>>
          %dma_wait3A_423 = tpu.memref_slice %arg2[%multiple_of3A_400] : memref<1000000xf32, #tpu.memory_space<hbm>> -> memref<2048xf32, #tpu.memory_space<hbm>>
          %dma_wait3A_424 = arith.constant 0 : i32
          %dma_wait3A_425 = tpu.memref_slice %arg15[%dma_wait3A_419, %dma_wait3A_424] : memref<2x2048xf32, #tpu.memory_space<vmem>> -> memref<1x2048xf32, #tpu.memory_space<vmem>>
          %dma_wait3A_426 = tpu.memref_squeeze %dma_wait3A_425 : memref<1x2048xf32, #tpu.memory_space<vmem>> -> memref<2048xf32, #tpu.memory_space<vmem>>
          %dma_wait3A_427 = tpu.memref_slice %arg2[%multiple_of3A_400] : memref<1000000xf32, #tpu.memory_space<hbm>> -> memref<2048xf32, #tpu.memory_space<hbm>>
          tpu.wait_dma2 semaphore(%arg21 : memref<!tpu.dma_semaphore, #tpu.memory_space<semaphore_mem>>) src(%dma_wait3A_427 : memref<2048xf32, #tpu.memory_space<hbm>>) dst(%dma_wait3A_426 : memref<2048xf32, #tpu.memory_space<vmem>>)
          %scan3A_428 = arith.constant 0 : i32
          %scan3A_429 = arith.constant 0 : i32
          %scan3A_430 = arith.constant 16 : i32
          %scan3A_431 = arith.addi %scan3A_429, %scan3A_430 : i32
          %scan3A_432 = arith.constant 1 : i32
          %scan3A_433 = scf.for %scan3A_442 = %scan3A_429 to %scan3A_431 step %scan3A_432 iter_args(%scan3A_443 = %scan3A_428) -> (i32)  : i32 {
            %mul3A_444 = arith.constant 8 : i32
            %mul3A_445 = arith.muli %scan3A_442, %mul3A_444 : i32
            %add3A_446 = arith.constant 0 : i32
            %add3A_447 = arith.addi %mul3A_445, %add3A_446 : i32
            %mul3A_448 = arith.constant 16 : i32
            %mul3A_449 = arith.muli %add3A_447, %mul3A_448 : i32
            %get3A = arith.constant 1 : i32
            %get3A_450 = arith.index_cast %get3A : i32 to index
            %get3A_451 = arith.index_cast %mul3A_449 : i32 to index
            %get3A_452 = tpu.vector_load %arg13[%get3A_450, %get3A_451] {strides = array<i32>} : memref<2x2048xi32, #tpu.memory_space<vmem>>, vector<16xi32>,
            %get3A_453 = arith.constant 1 : i32
            %get3A_454 = arith.index_cast %get3A_453 : i32 to index
            %get3A_455 = arith.index_cast %mul3A_449 : i32 to index
            %get3A_456 = tpu.vector_load %arg14[%get3A_454, %get3A_455] {strides = array<i32>} : memref<2x2048xi32, #tpu.memory_space<vmem>>, vector<16xi32>,
            %mul3A_457 = arith.constant 500 : i32
            %mul3A_458 = vector.broadcast %mul3A_457 : i32 to vector<16xi32>
            %mul3A_459 = arith.muli %get3A_452, %mul3A_458 : vector<16xi32>
            %add3A_460 = arith.addi %mul3A_459, %get3A_456 : vector<16xi32>
            %add3A_461 = vector.broadcast %mul3A_2 : i32 to vector<16xi32>
            %add3A_462 = arith.addi %add3A_460, %add3A_461 : vector<16xi32>
            %swap3A = arith.constant 1 : i32
            %swap3A_463 = arith.index_cast %swap3A : i32 to index
            %swap3A_464 = arith.index_cast %mul3A_449 : i32 to index
            %swap3A_465 = tpu.vector_load %arg16[%swap3A_463, %swap3A_464] {strides = array<i32>} : memref<2x2048xi32, #tpu.memory_space<vmem>>, vector<16xi32>,
            tpu.vector_store %arg16[%swap3A_463, %swap3A_464], %add3A_462 {strides = array<i32>} : memref<2x2048xi32, #tpu.memory_space<vmem>>, vector<16xi32>,
            %mul3A_466 = arith.constant 8 : i32
            %mul3A_467 = arith.muli %scan3A_442, %mul3A_466 : i32
            %add3A_468 = arith.constant 1 : i32
            %add3A_469 = arith.addi %mul3A_467, %add3A_468 : i32
            %mul3A_470 = arith.constant 16 : i32
            %mul3A_471 = arith.muli %add3A_469, %mul3A_470 : i32
            %get3A_472 = arith.constant 1 : i32
            %get3A_473 = arith.index_cast %get3A_472 : i32 to index
            %get3A_474 = arith.index_cast %mul3A_471 : i32 to index
            %get3A_475 = tpu.vector_load %arg13[%get3A_473, %get3A_474] {strides = array<i32>} : memref<2x2048xi32, #tpu.memory_space<vmem>>, vector<16xi32>,
            %get3A_476 = arith.constant 1 : i32
            %get3A_477 = arith.index_cast %get3A_476 : i32 to index
            %get3A_478 = arith.index_cast %mul3A_471 : i32 to index
            %get3A_479 = tpu.vector_load %arg14[%get3A_477, %get3A_478] {strides = array<i32>} : memref<2x2048xi32, #tpu.memory_space<vmem>>, vector<16xi32>,
            %mul3A_480 = arith.constant 500 : i32
            %mul3A_481 = vector.broadcast %mul3A_480 : i32 to vector<16xi32>
            %mul3A_482 = arith.muli %get3A_475, %mul3A_481 : vector<16xi32>
            %add3A_483 = arith.addi %mul3A_482, %get3A_479 : vector<16xi32>
            %add3A_484 = vector.broadcast %mul3A_2 : i32 to vector<16xi32>
            %add3A_485 = arith.addi %add3A_483, %add3A_484 : vector<16xi32>
            %swap3A_486 = arith.constant 1 : i32
            %swap3A_487 = arith.index_cast %swap3A_486 : i32 to index
            %swap3A_488 = arith.index_cast %mul3A_471 : i32 to index
            %swap3A_489 = tpu.vector_load %arg16[%swap3A_487, %swap3A_488] {strides = array<i32>} : memref<2x2048xi32, #tpu.memory_space<vmem>>, vector<16xi32>,
            tpu.vector_store %arg16[%swap3A_487, %swap3A_488], %add3A_485 {strides = array<i32>} : memref<2x2048xi32, #tpu.memory_space<vmem>>, vector<16xi32>,
            %mul3A_490 = arith.constant 8 : i32
            %mul3A_491 = arith.muli %scan3A_442, %mul3A_490 : i32
            %add3A_492 = arith.constant 2 : i32
            %add3A_493 = arith.addi %mul3A_491, %add3A_492 : i32
            %mul3A_494 = arith.constant 16 : i32
            %mul3A_495 = arith.muli %add3A_493, %mul3A_494 : i32
            %get3A_496 = arith.constant 1 : i32
            %get3A_497 = arith.index_cast %get3A_496 : i32 to index
            %get3A_498 = arith.index_cast %mul3A_495 : i32 to index
            %get3A_499 = tpu.vector_load %arg13[%get3A_497, %get3A_498] {strides = array<i32>} : memref<2x2048xi32, #tpu.memory_space<vmem>>, vector<16xi32>,
            %get3A_500 = arith.constant 1 : i32
            %get3A_501 = arith.index_cast %get3A_500 : i32 to index
            %get3A_502 = arith.index_cast %mul3A_495 : i32 to index
            %get3A_503 = tpu.vector_load %arg14[%get3A_501, %get3A_502] {strides = array<i32>} : memref<2x2048xi32, #tpu.memory_space<vmem>>, vector<16xi32>,
            %mul3A_504 = arith.constant 500 : i32
            %mul3A_505 = vector.broadcast %mul3A_504 : i32 to vector<16xi32>
            %mul3A_506 = arith.muli %get3A_499, %mul3A_505 : vector<16xi32>
            %add3A_507 = arith.addi %mul3A_506, %get3A_503 : vector<16xi32>
            %add3A_508 = vector.broadcast %mul3A_2 : i32 to vector<16xi32>
            %add3A_509 = arith.addi %add3A_507, %add3A_508 : vector<16xi32>
            %swap3A_510 = arith.constant 1 : i32
            %swap3A_511 = arith.index_cast %swap3A_510 : i32 to index
            %swap3A_512 = arith.index_cast %mul3A_495 : i32 to index
            %swap3A_513 = tpu.vector_load %arg16[%swap3A_511, %swap3A_512] {strides = array<i32>} : memref<2x2048xi32, #tpu.memory_space<vmem>>, vector<16xi32>,
            tpu.vector_store %arg16[%swap3A_511, %swap3A_512], %add3A_509 {strides = array<i32>} : memref<2x2048xi32, #tpu.memory_space<vmem>>, vector<16xi32>,
            %mul3A_514 = arith.constant 8 : i32
            %mul3A_515 = arith.muli %scan3A_442, %mul3A_514 : i32
            %add3A_516 = arith.constant 3 : i32
            %add3A_517 = arith.addi %mul3A_515, %add3A_516 : i32
            %mul3A_518 = arith.constant 16 : i32
            %mul3A_519 = arith.muli %add3A_517, %mul3A_518 : i32
            %get3A_520 = arith.constant 1 : i32
            %get3A_521 = arith.index_cast %get3A_520 : i32 to index
            %get3A_522 = arith.index_cast %mul3A_519 : i32 to index
            %get3A_523 = tpu.vector_load %arg13[%get3A_521, %get3A_522] {strides = array<i32>} : memref<2x2048xi32, #tpu.memory_space<vmem>>, vector<16xi32>,
            %get3A_524 = arith.constant 1 : i32
            %get3A_525 = arith.index_cast %get3A_524 : i32 to index
            %get3A_526 = arith.index_cast %mul3A_519 : i32 to index
            %get3A_527 = tpu.vector_load %arg14[%get3A_525, %get3A_526] {strides = array<i32>} : memref<2x2048xi32, #tpu.memory_space<vmem>>, vector<16xi32>,
            %mul3A_528 = arith.constant 500 : i32
            %mul3A_529 = vector.broadcast %mul3A_528 : i32 to vector<16xi32>
            %mul3A_530 = arith.muli %get3A_523, %mul3A_529 : vector<16xi32>
            %add3A_531 = arith.addi %mul3A_530, %get3A_527 : vector<16xi32>
            %add3A_532 = vector.broadcast %mul3A_2 : i32 to vector<16xi32>
            %add3A_533 = arith.addi %add3A_531, %add3A_532 : vector<16xi32>
            %swap3A_534 = arith.constant 1 : i32
            %swap3A_535 = arith.index_cast %swap3A_534 : i32 to index
            %swap3A_536 = arith.index_cast %mul3A_519 : i32 to index
            %swap3A_537 = tpu.vector_load %arg16[%swap3A_535, %swap3A_536] {strides = array<i32>} : memref<2x2048xi32, #tpu.memory_space<vmem>>, vector<16xi32>,
            tpu.vector_store %arg16[%swap3A_535, %swap3A_536], %add3A_533 {strides = array<i32>} : memref<2x2048xi32, #tpu.memory_space<vmem>>, vector<16xi32>,
            %mul3A_538 = arith.constant 8 : i32
            %mul3A_539 = arith.muli %scan3A_442, %mul3A_538 : i32
            %add3A_540 = arith.constant 4 : i32
            %add3A_541 = arith.addi %mul3A_539, %add3A_540 : i32
            %mul3A_542 = arith.constant 16 : i32
            %mul3A_543 = arith.muli %add3A_541, %mul3A_542 : i32
            %get3A_544 = arith.constant 1 : i32
            %get3A_545 = arith.index_cast %get3A_544 : i32 to index
            %get3A_546 = arith.index_cast %mul3A_543 : i32 to index
            %get3A_547 = tpu.vector_load %arg13[%get3A_545, %get3A_546] {strides = array<i32>} : memref<2x2048xi32, #tpu.memory_space<vmem>>, vector<16xi32>,
            %get3A_548 = arith.constant 1 : i32
            %get3A_549 = arith.index_cast %get3A_548 : i32 to index
            %get3A_550 = arith.index_cast %mul3A_543 : i32 to index
            %get3A_551 = tpu.vector_load %arg14[%get3A_549, %get3A_550] {strides = array<i32>} : memref<2x2048xi32, #tpu.memory_space<vmem>>, vector<16xi32>,
            %mul3A_552 = arith.constant 500 : i32
            %mul3A_553 = vector.broadcast %mul3A_552 : i32 to vector<16xi32>
            %mul3A_554 = arith.muli %get3A_547, %mul3A_553 : vector<16xi32>
            %add3A_555 = arith.addi %mul3A_554, %get3A_551 : vector<16xi32>
            %add3A_556 = vector.broadcast %mul3A_2 : i32 to vector<16xi32>
            %add3A_557 = arith.addi %add3A_555, %add3A_556 : vector<16xi32>
            %swap3A_558 = arith.constant 1 : i32
            %swap3A_559 = arith.index_cast %swap3A_558 : i32 to index
            %swap3A_560 = arith.index_cast %mul3A_543 : i32 to index
            %swap3A_561 = tpu.vector_load %arg16[%swap3A_559, %swap3A_560] {strides = array<i32>} : memref<2x2048xi32, #tpu.memory_space<vmem>>, vector<16xi32>,
            tpu.vector_store %arg16[%swap3A_559, %swap3A_560], %add3A_557 {strides = array<i32>} : memref<2x2048xi32, #tpu.memory_space<vmem>>, vector<16xi32>,
            %mul3A_562 = arith.constant 8 : i32
            %mul3A_563 = arith.muli %scan3A_442, %mul3A_562 : i32
            %add3A_564 = arith.constant 5 : i32
            %add3A_565 = arith.addi %mul3A_563, %add3A_564 : i32
            %mul3A_566 = arith.constant 16 : i32
            %mul3A_567 = arith.muli %add3A_565, %mul3A_566 : i32
            %get3A_568 = arith.constant 1 : i32
            %get3A_569 = arith.index_cast %get3A_568 : i32 to index
            %get3A_570 = arith.index_cast %mul3A_567 : i32 to index
            %get3A_571 = tpu.vector_load %arg13[%get3A_569, %get3A_570] {strides = array<i32>} : memref<2x2048xi32, #tpu.memory_space<vmem>>, vector<16xi32>,
            %get3A_572 = arith.constant 1 : i32
            %get3A_573 = arith.index_cast %get3A_572 : i32 to index
            %get3A_574 = arith.index_cast %mul3A_567 : i32 to index
            %get3A_575 = tpu.vector_load %arg14[%get3A_573, %get3A_574] {strides = array<i32>} : memref<2x2048xi32, #tpu.memory_space<vmem>>, vector<16xi32>,
            %mul3A_576 = arith.constant 500 : i32
            %mul3A_577 = vector.broadcast %mul3A_576 : i32 to vector<16xi32>
            %mul3A_578 = arith.muli %get3A_571, %mul3A_577 : vector<16xi32>
            %add3A_579 = arith.addi %mul3A_578, %get3A_575 : vector<16xi32>
            %add3A_580 = vector.broadcast %mul3A_2 : i32 to vector<16xi32>
            %add3A_581 = arith.addi %add3A_579, %add3A_580 : vector<16xi32>
            %swap3A_582 = arith.constant 1 : i32
            %swap3A_583 = arith.index_cast %swap3A_582 : i32 to index
            %swap3A_584 = arith.index_cast %mul3A_567 : i32 to index
            %swap3A_585 = tpu.vector_load %arg16[%swap3A_583, %swap3A_584] {strides = array<i32>} : memref<2x2048xi32, #tpu.memory_space<vmem>>, vector<16xi32>,
            tpu.vector_store %arg16[%swap3A_583, %swap3A_584], %add3A_581 {strides = array<i32>} : memref<2x2048xi32, #tpu.memory_space<vmem>>, vector<16xi32>,
            %mul3A_586 = arith.constant 8 : i32
            %mul3A_587 = arith.muli %scan3A_442, %mul3A_586 : i32
            %add3A_588 = arith.constant 6 : i32
            %add3A_589 = arith.addi %mul3A_587, %add3A_588 : i32
            %mul3A_590 = arith.constant 16 : i32
            %mul3A_591 = arith.muli %add3A_589, %mul3A_590 : i32
            %get3A_592 = arith.constant 1 : i32
            %get3A_593 = arith.index_cast %get3A_592 : i32 to index
            %get3A_594 = arith.index_cast %mul3A_591 : i32 to index
            %get3A_595 = tpu.vector_load %arg13[%get3A_593, %get3A_594] {strides = array<i32>} : memref<2x2048xi32, #tpu.memory_space<vmem>>, vector<16xi32>,
            %get3A_596 = arith.constant 1 : i32
            %get3A_597 = arith.index_cast %get3A_596 : i32 to index
            %get3A_598 = arith.index_cast %mul3A_591 : i32 to index
            %get3A_599 = tpu.vector_load %arg14[%get3A_597, %get3A_598] {strides = array<i32>} : memref<2x2048xi32, #tpu.memory_space<vmem>>, vector<16xi32>,
            %mul3A_600 = arith.constant 500 : i32
            %mul3A_601 = vector.broadcast %mul3A_600 : i32 to vector<16xi32>
            %mul3A_602 = arith.muli %get3A_595, %mul3A_601 : vector<16xi32>
            %add3A_603 = arith.addi %mul3A_602, %get3A_599 : vector<16xi32>
            %add3A_604 = vector.broadcast %mul3A_2 : i32 to vector<16xi32>
            %add3A_605 = arith.addi %add3A_603, %add3A_604 : vector<16xi32>
            %swap3A_606 = arith.constant 1 : i32
            %swap3A_607 = arith.index_cast %swap3A_606 : i32 to index
            %swap3A_608 = arith.index_cast %mul3A_591 : i32 to index
            %swap3A_609 = tpu.vector_load %arg16[%swap3A_607, %swap3A_608] {strides = array<i32>} : memref<2x2048xi32, #tpu.memory_space<vmem>>, vector<16xi32>,
            tpu.vector_store %arg16[%swap3A_607, %swap3A_608], %add3A_605 {strides = array<i32>} : memref<2x2048xi32, #tpu.memory_space<vmem>>, vector<16xi32>,
            %mul3A_610 = arith.constant 8 : i32
            %mul3A_611 = arith.muli %scan3A_442, %mul3A_610 : i32
            %add3A_612 = arith.constant 7 : i32
            %add3A_613 = arith.addi %mul3A_611, %add3A_612 : i32
            %mul3A_614 = arith.constant 16 : i32
            %mul3A_615 = arith.muli %add3A_613, %mul3A_614 : i32
            %get3A_616 = arith.constant 1 : i32
            %get3A_617 = arith.index_cast %get3A_616 : i32 to index
            %get3A_618 = arith.index_cast %mul3A_615 : i32 to index
            %get3A_619 = tpu.vector_load %arg13[%get3A_617, %get3A_618] {strides = array<i32>} : memref<2x2048xi32, #tpu.memory_space<vmem>>, vector<16xi32>,
            %get3A_620 = arith.constant 1 : i32
            %get3A_621 = arith.index_cast %get3A_620 : i32 to index
            %get3A_622 = arith.index_cast %mul3A_615 : i32 to index
            %get3A_623 = tpu.vector_load %arg14[%get3A_621, %get3A_622] {strides = array<i32>} : memref<2x2048xi32, #tpu.memory_space<vmem>>, vector<16xi32>,
            %mul3A_624 = arith.constant 500 : i32
            %mul3A_625 = vector.broadcast %mul3A_624 : i32 to vector<16xi32>
            %mul3A_626 = arith.muli %get3A_619, %mul3A_625 : vector<16xi32>
            %add3A_627 = arith.addi %mul3A_626, %get3A_623 : vector<16xi32>
            %add3A_628 = vector.broadcast %mul3A_2 : i32 to vector<16xi32>
            %add3A_629 = arith.addi %add3A_627, %add3A_628 : vector<16xi32>
            %swap3A_630 = arith.constant 1 : i32
            %swap3A_631 = arith.index_cast %swap3A_630 : i32 to index
            %swap3A_632 = arith.index_cast %mul3A_615 : i32 to index
            %swap3A_633 = tpu.vector_load %arg16[%swap3A_631, %swap3A_632] {strides = array<i32>} : memref<2x2048xi32, #tpu.memory_space<vmem>>, vector<16xi32>,
            tpu.vector_store %arg16[%swap3A_631, %swap3A_632], %add3A_629 {strides = array<i32>} : memref<2x2048xi32, #tpu.memory_space<vmem>>, vector<16xi32>,
            %scan3A_634 = arith.constant 0 : i32
            scf.yield %scan3A_634 : i32
          }
          %scan3A_434 = arith.constant 16 : i32
          %dma_start3A_435 = arith.constant 1 : i32
          %dma_start3A_436 = arith.constant 0 : i32
          %dma_start3A_437 = tpu.memref_slice %arg16[%dma_start3A_435, %dma_start3A_436] : memref<2x2048xi32, #tpu.memory_space<vmem>> -> memref<1x2048xi32, #tpu.memory_space<vmem>>
          %dma_start3A_438 = tpu.memref_squeeze %dma_start3A_437 : memref<1x2048xi32, #tpu.memory_space<vmem>> -> memref<2048xi32, #tpu.memory_space<vmem>>
          %dma_start3A_439 = arith.constant 0 : i32
          %dma_start3A_440 = arith.constant 0 : i32
          %dma_start3A_441 = tpu.memref_slice %arg12[%dma_start3A_439, %dma_start3A_440] : memref<2000000x8xf32, #tpu.memory_space<hbm>> -> memref<2000000x8xf32, #tpu.memory_space<hbm>>
          tpu.enqueue_indirect_dma source(%dma_start3A_441 : memref<2000000x8xf32, #tpu.memory_space<hbm>>) target(%arg19 : memref<2048x8xf32, #tpu.memory_space<vmem>>) offsets(%dma_start3A_438 : memref<2048xi32, #tpu.memory_space<vmem>>) semaphore(%arg23 : memref<!tpu.dma_semaphore, #tpu.memory_space<semaphore_mem>>)
        } else {
        }
        %dma_wait3A_349 = arith.constant 0 : i32
        %dma_wait3A_350 = arith.constant 0 : i32
        %dma_wait3A_351 = tpu.memref_slice %arg16[%dma_wait3A_349, %dma_wait3A_350] : memref<2x2048xi32, #tpu.memory_space<vmem>> -> memref<1x2048xi32, #tpu.memory_space<vmem>>
        %dma_wait3A_352 = tpu.memref_squeeze %dma_wait3A_351 : memref<1x2048xi32, #tpu.memory_space<vmem>> -> memref<2048xi32, #tpu.memory_space<vmem>>
        %dma_wait3A_353 = arith.constant 0 : i32
        %dma_wait3A_354 = arith.constant 0 : i32
        %dma_wait3A_355 = tpu.memref_slice %arg12[%dma_wait3A_353, %dma_wait3A_354] : memref<2000000x8xf32, #tpu.memory_space<hbm>> -> memref<2000000x8xf32, #tpu.memory_space<hbm>>
        tpu.wait_indirect_dma semaphore(%arg22 : memref<!tpu.dma_semaphore, #tpu.memory_space<semaphore_mem>>) src(%dma_wait3A_355 : memref<2000000x8xf32, #tpu.memory_space<hbm>>) dst(%arg18 : memref<2048x8xf32, #tpu.memory_space<vmem>>)
        %ge3A_356 = arith.constant 2 : i32
        %ge3A_357 = arith.cmpi sge, %mul3A_332, %ge3A_356 : i32
        %convert_element_type3A_358 = arith.extui %ge3A_357 : i1 to i32
        %cond3A_359 = arith.constant 0 : i32
        %cond3A_360 = arith.cmpi ne, %convert_element_type3A_358, %cond3A_359 : i32
        scf.if %cond3A_360 {
          %sub3A_391 = arith.constant 2 : i32
          %sub3A_392 = arith.subi %mul3A_332, %sub3A_391 : i32
          %mul3A_393 = arith.constant 32 : i32
          %mul3A_394 = arith.muli %sub3A_392, %mul3A_393 : i32
          %add3A_395 = arith.addi %add3A, %mul3A_394 : i32
          %mul3A_396 = arith.constant 2048 : i32
          %mul3A_397 = arith.muli %add3A_395, %mul3A_396 : i32
          %min3A_398 = arith.constant 997952 : i32
          %min3A_399 = arith.minsi %mul3A_397, %min3A_398 : i32
          %multiple_of3A_400 = tpu.assume_multiple %min3A_399, 64 : i32
          %dma_wait3A_401 = arith.constant 0 : i32
          %dma_wait3A_402 = arith.constant 0 : i32
          %dma_wait3A_403 = tpu.memref_slice %arg20[%dma_wait3A_401, %dma_wait3A_402] : memref<2x2048xf32, #tpu.memory_space<vmem>> -> memref<1x2048xf32, #tpu.memory_space<vmem>>
          %dma_wait3A_404 = tpu.memref_squeeze %dma_wait3A_403 : memref<1x2048xf32, #tpu.memory_space<vmem>> -> memref<2048xf32, #tpu.memory_space<vmem>>
          %dma_wait3A_405 = tpu.memref_slice %arg11[%multiple_of3A_400] : memref<1000000xf32, #tpu.memory_space<hbm>> -> memref<2048xf32, #tpu.memory_space<hbm>>
          %dma_wait3A_406 = tpu.memref_slice %arg11[%multiple_of3A_400] : memref<1000000xf32, #tpu.memory_space<hbm>> -> memref<2048xf32, #tpu.memory_space<hbm>>
          %dma_wait3A_407 = arith.constant 0 : i32
          %dma_wait3A_408 = tpu.memref_slice %arg20[%dma_wait3A_401, %dma_wait3A_407] : memref<2x2048xf32, #tpu.memory_space<vmem>> -> memref<1x2048xf32, #tpu.memory_space<vmem>>
          %dma_wait3A_409 = tpu.memref_squeeze %dma_wait3A_408 : memref<1x2048xf32, #tpu.memory_space<vmem>> -> memref<2048xf32, #tpu.memory_space<vmem>>
          tpu.wait_dma2 semaphore(%arg24 : memref<!tpu.dma_semaphore, #tpu.memory_space<semaphore_mem>>) src(%dma_wait3A_409 : memref<2048xf32, #tpu.memory_space<vmem>>) dst(%dma_wait3A_406 : memref<2048xf32, #tpu.memory_space<hbm>>)
        } else {
        }
        %scan3A_361 = arith.constant 0 : i32
        %scan3A_362 = arith.constant 0 : i32
        %scan3A_363 = arith.constant 128 : i32
        %scan3A_364 = arith.addi %scan3A_362, %scan3A_363 : i32
        %scan3A_365 = arith.constant 2 : i32
        %scan3A_366 = scf.for %scan3A_391 = %scan3A_362 to %scan3A_364 step %scan3A_365 iter_args(%scan3A_392 = %scan3A_361) -> (i32)  : i32 {
          %mul3A_393 = arith.constant 16 : i32
          %mul3A_394 = arith.muli %scan3A_391, %mul3A_393 : i32
          %add3A_395 = vector.broadcast %mul3A_394 : i32 to vector<16xi32>
          %add3A_396 = arith.addi %iota3A, %add3A_395 : vector<16xi32>
          %get3A = arith.constant 0 : i32
          %get3A_397 = arith.index_cast %get3A : i32 to index
          %get3A_398 = arith.index_cast %mul3A_394 : i32 to index
          %get3A_399 = tpu.vector_load %arg15[%get3A_397, %get3A_398] {strides = array<i32>} : memref<2x2048xf32, #tpu.memory_space<vmem>>, vector<16xf32>,
          %max3A = arith.constant 0.000000e+00 : f32
          %max3A_400 = vector.broadcast %max3A : f32 to vector<16xf32>
          %max3A_401 = arith.maximumf %get3A_399, %max3A_400 : vector<16xf32>
          %min3A_402 = arith.constant 1.000000e+00 : f32
          %min3A_403 = vector.broadcast %min3A_402 : f32 to vector<16xf32>
          %min3A_404 = arith.minimumf %max3A_401, %min3A_403 : vector<16xf32>
          %broadcast_in_dim3A = arith.constant 0 : i32
          %broadcast_in_dim3A_405 = vector.broadcast %broadcast_in_dim3A : i32 to vector<16xi32>
          %gather3A = tpu.vector_load_idx %arg18[%add3A_396, %broadcast_in_dim3A_405] : memref<2048x8xf32, #tpu.memory_space<vmem>>[vector<16xi32>, vector<16xi32>], vector<16xf32>,
          %broadcast_in_dim3A_406 = arith.constant 1 : i32
          %broadcast_in_dim3A_407 = vector.broadcast %broadcast_in_dim3A_406 : i32 to vector<16xi32>
          %gather3A_408 = tpu.vector_load_idx %arg18[%add3A_396, %broadcast_in_dim3A_407] : memref<2048x8xf32, #tpu.memory_space<vmem>>[vector<16xi32>, vector<16xi32>], vector<16xf32>,
          %broadcast_in_dim3A_409 = arith.constant 2 : i32
          %broadcast_in_dim3A_410 = vector.broadcast %broadcast_in_dim3A_409 : i32 to vector<16xi32>
          %gather3A_411 = tpu.vector_load_idx %arg18[%add3A_396, %broadcast_in_dim3A_410] : memref<2048x8xf32, #tpu.memory_space<vmem>>[vector<16xi32>, vector<16xi32>], vector<16xf32>,
          %broadcast_in_dim3A_412 = arith.constant 3 : i32
          %broadcast_in_dim3A_413 = vector.broadcast %broadcast_in_dim3A_412 : i32 to vector<16xi32>
          %gather3A_414 = tpu.vector_load_idx %arg18[%add3A_396, %broadcast_in_dim3A_413] : memref<2048x8xf32, #tpu.memory_space<vmem>>[vector<16xi32>, vector<16xi32>], vector<16xf32>,
          %broadcast_in_dim3A_415 = arith.constant 4 : i32
          %broadcast_in_dim3A_416 = vector.broadcast %broadcast_in_dim3A_415 : i32 to vector<16xi32>
          %gather3A_417 = tpu.vector_load_idx %arg18[%add3A_396, %broadcast_in_dim3A_416] : memref<2048x8xf32, #tpu.memory_space<vmem>>[vector<16xi32>, vector<16xi32>], vector<16xf32>,
          %broadcast_in_dim3A_418 = arith.constant 5 : i32
          %broadcast_in_dim3A_419 = vector.broadcast %broadcast_in_dim3A_418 : i32 to vector<16xi32>
          %gather3A_420 = tpu.vector_load_idx %arg18[%add3A_396, %broadcast_in_dim3A_419] : memref<2048x8xf32, #tpu.memory_space<vmem>>[vector<16xi32>, vector<16xi32>], vector<16xf32>,
          %sub3A_421 = arith.constant 5.000000e-01 : f32
          %sub3A_422 = vector.broadcast %sub3A_421 : f32 to vector<16xf32>
          %sub3A_423 = arith.subf %sub3A_422, %min3A_404 : vector<16xf32>
          %mul3A_424 = arith.mulf %gather3A_408, %sub3A_423 : vector<16xf32>
          %add3A_425 = arith.addf %gather3A, %mul3A_424 : vector<16xf32>
          %sub3A_426 = arith.constant 4.000000e-01 : f32
          %sub3A_427 = vector.broadcast %sub3A_426 : f32 to vector<16xf32>
          %sub3A_428 = arith.subf %sub3A_427, %min3A_404 : vector<16xf32>
          %max3A_429 = arith.constant 0.000000e+00 : f32
          %max3A_430 = vector.broadcast %max3A_429 : f32 to vector<16xf32>
          %max3A_431 = arith.maximumf %sub3A_428, %max3A_430 : vector<16xf32>
          %mul3A_432 = arith.mulf %gather3A_411, %max3A_431 : vector<16xf32>
          %add3A_433 = arith.addf %add3A_425, %mul3A_432 : vector<16xf32>
          %sub3A_434 = arith.constant 5.000000e-01 : f32
          %sub3A_435 = vector.broadcast %sub3A_434 : f32 to vector<16xf32>
          %sub3A_436 = arith.subf %sub3A_435, %min3A_404 : vector<16xf32>
          %max3A_437 = arith.constant 0.000000e+00 : f32
          %max3A_438 = vector.broadcast %max3A_437 : f32 to vector<16xf32>
          %max3A_439 = arith.maximumf %sub3A_436, %max3A_438 : vector<16xf32>
          %mul3A_440 = arith.mulf %gather3A_414, %max3A_439 : vector<16xf32>
          %add3A_441 = arith.addf %add3A_433, %mul3A_440 : vector<16xf32>
          %sub3A_442 = arith.constant 6.000000e-01 : f32
          %sub3A_443 = vector.broadcast %sub3A_442 : f32 to vector<16xf32>
          %sub3A_444 = arith.subf %sub3A_443, %min3A_404 : vector<16xf32>
          %max3A_445 = arith.constant 0.000000e+00 : f32
          %max3A_446 = vector.broadcast %max3A_445 : f32 to vector<16xf32>
          %max3A_447 = arith.maximumf %sub3A_444, %max3A_446 : vector<16xf32>
          %mul3A_448 = arith.mulf %gather3A_417, %max3A_447 : vector<16xf32>
          %add3A_449 = arith.addf %add3A_441, %mul3A_448 : vector<16xf32>
          %sub3A_450 = arith.constant 0.699999988 : f32
          %sub3A_451 = vector.broadcast %sub3A_450 : f32 to vector<16xf32>
          %sub3A_452 = arith.subf %sub3A_451, %min3A_404 : vector<16xf32>
          %max3A_453 = arith.constant 0.000000e+00 : f32
          %max3A_454 = vector.broadcast %max3A_453 : f32 to vector<16xf32>
          %max3A_455 = arith.maximumf %sub3A_452, %max3A_454 : vector<16xf32>
          %mul3A_456 = arith.mulf %gather3A_420, %max3A_455 : vector<16xf32>
          %add3A_457 = arith.addf %add3A_449, %mul3A_456 : vector<16xf32>
          %swap3A = arith.constant 0 : i32
          %swap3A_458 = arith.index_cast %swap3A : i32 to index
          %swap3A_459 = arith.index_cast %mul3A_394 : i32 to index
          %swap3A_460 = tpu.vector_load %arg20[%swap3A_458, %swap3A_459] {strides = array<i32>} : memref<2x2048xf32, #tpu.memory_space<vmem>>, vector<16xf32>,
          tpu.vector_store %arg20[%swap3A_458, %swap3A_459], %add3A_457 {strides = array<i32>} : memref<2x2048xf32, #tpu.memory_space<vmem>>, vector<16xf32>,
          %scan3A_461 = arith.constant 0 : i32
          %scan3A_462 = arith.constant 1 : i32
          %scan3A_463 = arith.addi %scan3A_391, %scan3A_462 : i32
          %mul3A_464 = arith.constant 16 : i32
          %mul3A_465 = arith.muli %scan3A_463, %mul3A_464 : i32
          %add3A_466 = vector.broadcast %mul3A_465 : i32 to vector<16xi32>
          %add3A_467 = arith.addi %iota3A, %add3A_466 : vector<16xi32>
          %get3A_468 = arith.constant 0 : i32
          %get3A_469 = arith.index_cast %get3A_468 : i32 to index
          %get3A_470 = arith.index_cast %mul3A_465 : i32 to index
          %get3A_471 = tpu.vector_load %arg15[%get3A_469, %get3A_470] {strides = array<i32>} : memref<2x2048xf32, #tpu.memory_space<vmem>>, vector<16xf32>,
          %max3A_472 = arith.constant 0.000000e+00 : f32
          %max3A_473 = vector.broadcast %max3A_472 : f32 to vector<16xf32>
          %max3A_474 = arith.maximumf %get3A_471, %max3A_473 : vector<16xf32>
          %min3A_475 = arith.constant 1.000000e+00 : f32
          %min3A_476 = vector.broadcast %min3A_475 : f32 to vector<16xf32>
          %min3A_477 = arith.minimumf %max3A_474, %min3A_476 : vector<16xf32>
          %broadcast_in_dim3A_478 = arith.constant 0 : i32
          %broadcast_in_dim3A_479 = vector.broadcast %broadcast_in_dim3A_478 : i32 to vector<16xi32>
          %gather3A_480 = tpu.vector_load_idx %arg18[%add3A_467, %broadcast_in_dim3A_479] : memref<2048x8xf32, #tpu.memory_space<vmem>>[vector<16xi32>, vector<16xi32>], vector<16xf32>,
          %broadcast_in_dim3A_481 = arith.constant 1 : i32
          %broadcast_in_dim3A_482 = vector.broadcast %broadcast_in_dim3A_481 : i32 to vector<16xi32>
          %gather3A_483 = tpu.vector_load_idx %arg18[%add3A_467, %broadcast_in_dim3A_482] : memref<2048x8xf32, #tpu.memory_space<vmem>>[vector<16xi32>, vector<16xi32>], vector<16xf32>,
          %broadcast_in_dim3A_484 = arith.constant 2 : i32
          %broadcast_in_dim3A_485 = vector.broadcast %broadcast_in_dim3A_484 : i32 to vector<16xi32>
          %gather3A_486 = tpu.vector_load_idx %arg18[%add3A_467, %broadcast_in_dim3A_485] : memref<2048x8xf32, #tpu.memory_space<vmem>>[vector<16xi32>, vector<16xi32>], vector<16xf32>,
          %broadcast_in_dim3A_487 = arith.constant 3 : i32
          %broadcast_in_dim3A_488 = vector.broadcast %broadcast_in_dim3A_487 : i32 to vector<16xi32>
          %gather3A_489 = tpu.vector_load_idx %arg18[%add3A_467, %broadcast_in_dim3A_488] : memref<2048x8xf32, #tpu.memory_space<vmem>>[vector<16xi32>, vector<16xi32>], vector<16xf32>,
          %broadcast_in_dim3A_490 = arith.constant 4 : i32
          %broadcast_in_dim3A_491 = vector.broadcast %broadcast_in_dim3A_490 : i32 to vector<16xi32>
          %gather3A_492 = tpu.vector_load_idx %arg18[%add3A_467, %broadcast_in_dim3A_491] : memref<2048x8xf32, #tpu.memory_space<vmem>>[vector<16xi32>, vector<16xi32>], vector<16xf32>,
          %broadcast_in_dim3A_493 = arith.constant 5 : i32
          %broadcast_in_dim3A_494 = vector.broadcast %broadcast_in_dim3A_493 : i32 to vector<16xi32>
          %gather3A_495 = tpu.vector_load_idx %arg18[%add3A_467, %broadcast_in_dim3A_494] : memref<2048x8xf32, #tpu.memory_space<vmem>>[vector<16xi32>, vector<16xi32>], vector<16xf32>,
          %sub3A_496 = arith.constant 5.000000e-01 : f32
          %sub3A_497 = vector.broadcast %sub3A_496 : f32 to vector<16xf32>
          %sub3A_498 = arith.subf %sub3A_497, %min3A_477 : vector<16xf32>
          %mul3A_499 = arith.mulf %gather3A_483, %sub3A_498 : vector<16xf32>
          %add3A_500 = arith.addf %gather3A_480, %mul3A_499 : vector<16xf32>
          %sub3A_501 = arith.constant 4.000000e-01 : f32
          %sub3A_502 = vector.broadcast %sub3A_501 : f32 to vector<16xf32>
          %sub3A_503 = arith.subf %sub3A_502, %min3A_477 : vector<16xf32>
          %max3A_504 = arith.constant 0.000000e+00 : f32
          %max3A_505 = vector.broadcast %max3A_504 : f32 to vector<16xf32>
          %max3A_506 = arith.maximumf %sub3A_503, %max3A_505 : vector<16xf32>
          %mul3A_507 = arith.mulf %gather3A_486, %max3A_506 : vector<16xf32>
          %add3A_508 = arith.addf %add3A_500, %mul3A_507 : vector<16xf32>
          %sub3A_509 = arith.constant 5.000000e-01 : f32
          %sub3A_510 = vector.broadcast %sub3A_509 : f32 to vector<16xf32>
          %sub3A_511 = arith.subf %sub3A_510, %min3A_477 : vector<16xf32>
          %max3A_512 = arith.constant 0.000000e+00 : f32
          %max3A_513 = vector.broadcast %max3A_512 : f32 to vector<16xf32>
          %max3A_514 = arith.maximumf %sub3A_511, %max3A_513 : vector<16xf32>
          %mul3A_515 = arith.mulf %gather3A_489, %max3A_514 : vector<16xf32>
          %add3A_516 = arith.addf %add3A_508, %mul3A_515 : vector<16xf32>
          %sub3A_517 = arith.constant 6.000000e-01 : f32
          %sub3A_518 = vector.broadcast %sub3A_517 : f32 to vector<16xf32>
          %sub3A_519 = arith.subf %sub3A_518, %min3A_477 : vector<16xf32>
          %max3A_520 = arith.constant 0.000000e+00 : f32
          %max3A_521 = vector.broadcast %max3A_520 : f32 to vector<16xf32>
          %max3A_522 = arith.maximumf %sub3A_519, %max3A_521 : vector<16xf32>
          %mul3A_523 = arith.mulf %gather3A_492, %max3A_522 : vector<16xf32>
          %add3A_524 = arith.addf %add3A_516, %mul3A_523 : vector<16xf32>
          %sub3A_525 = arith.constant 0.699999988 : f32
          %sub3A_526 = vector.broadcast %sub3A_525 : f32 to vector<16xf32>
          %sub3A_527 = arith.subf %sub3A_526, %min3A_477 : vector<16xf32>
          %max3A_528 = arith.constant 0.000000e+00 : f32
          %max3A_529 = vector.broadcast %max3A_528 : f32 to vector<16xf32>
          %max3A_530 = arith.maximumf %sub3A_527, %max3A_529 : vector<16xf32>
          %mul3A_531 = arith.mulf %gather3A_495, %max3A_530 : vector<16xf32>
          %add3A_532 = arith.addf %add3A_524, %mul3A_531 : vector<16xf32>
          %swap3A_533 = arith.constant 0 : i32
          %swap3A_534 = arith.index_cast %swap3A_533 : i32 to index
          %swap3A_535 = arith.index_cast %mul3A_465 : i32 to index
          %swap3A_536 = tpu.vector_load %arg20[%swap3A_534, %swap3A_535] {strides = array<i32>} : memref<2x2048xf32, #tpu.memory_space<vmem>>, vector<16xf32>,
          tpu.vector_store %arg20[%swap3A_534, %swap3A_535], %add3A_532 {strides = array<i32>} : memref<2x2048xf32, #tpu.memory_space<vmem>>, vector<16xf32>,
          %scan3A_537 = arith.constant 0 : i32
          scf.yield %scan3A_537 : i32
        }
        %scan3A_367 = arith.constant 128 : i32
        %mul3A_368 = arith.constant 32 : i32
        %mul3A_369 = arith.muli %mul3A_332, %mul3A_368 : i32
        %add3A_370 = arith.addi %add3A, %mul3A_369 : i32
        %mul3A_371 = arith.constant 2048 : i32
        %mul3A_372 = arith.muli %add3A_370, %mul3A_371 : i32
        %min3A_373 = arith.constant 997952 : i32
        %min3A_374 = arith.minsi %mul3A_372, %min3A_373 : i32
        %multiple_of3A_375 = tpu.assume_multiple %min3A_374, 64 : i32
        %dma_start3A_376 = arith.constant 0 : i32
        %dma_start3A_377 = arith.constant 0 : i32
        %dma_start3A_378 = tpu.memref_slice %arg20[%dma_start3A_376, %dma_start3A_377] : memref<2x2048xf32, #tpu.memory_space<vmem>> -> memref<1x2048xf32, #tpu.memory_space<vmem>>
        %dma_start3A_379 = tpu.memref_squeeze %dma_start3A_378 : memref<1x2048xf32, #tpu.memory_space<vmem>> -> memref<2048xf32, #tpu.memory_space<vmem>>
        %dma_start3A_380 = tpu.memref_slice %arg11[%multiple_of3A_375] : memref<1000000xf32, #tpu.memory_space<hbm>> -> memref<2048xf32, #tpu.memory_space<hbm>>
        %dma_start3A_381 = tpu.memref_slice %arg11[%multiple_of3A_375] : memref<1000000xf32, #tpu.memory_space<hbm>> -> memref<2048xf32, #tpu.memory_space<hbm>>
        %dma_start3A_382 = arith.constant 0 : i32
        %dma_start3A_383 = tpu.memref_slice %arg20[%dma_start3A_376, %dma_start3A_382] : memref<2x2048xf32, #tpu.memory_space<vmem>> -> memref<1x2048xf32, #tpu.memory_space<vmem>>
        %dma_start3A_384 = tpu.memref_squeeze %dma_start3A_383 : memref<1x2048xf32, #tpu.memory_space<vmem>> -> memref<2048xf32, #tpu.memory_space<vmem>>
        tpu.enqueue_dma source(%dma_start3A_384 : memref<2048xf32, #tpu.memory_space<vmem>>) target(%dma_start3A_381 : memref<2048xf32, #tpu.memory_space<hbm>>) target_semaphore(%arg24 : memref<!tpu.dma_semaphore, #tpu.memory_space<semaphore_mem>>)
        %add3A_385 = arith.constant 2 : i32
        %add3A_386 = arith.addi %mul3A_332, %add3A_385 : i32
        %lt3A_387 = arith.cmpi slt, %add3A_386, %select_n3A_180 : i32
        %convert_element_type3A_388 = arith.extui %lt3A_387 : i1 to i32
        %cond3A_389 = arith.constant 0 : i32
        %cond3A_390 = arith.cmpi ne, %convert_element_type3A_388, %cond3A_389 : i32
        scf.if %cond3A_390 {
          %add3A_391 = arith.constant 2 : i32
          %add3A_392 = arith.addi %mul3A_332, %add3A_391 : i32
          %mul3A_393 = arith.constant 32 : i32
          %mul3A_394 = arith.muli %add3A_392, %mul3A_393 : i32
          %add3A_395 = arith.addi %add3A, %mul3A_394 : i32
          %mul3A_396 = arith.constant 2048 : i32
          %mul3A_397 = arith.muli %add3A_395, %mul3A_396 : i32
          %min3A_398 = arith.constant 997952 : i32
          %min3A_399 = arith.minsi %mul3A_397, %min3A_398 : i32
          %multiple_of3A_400 = tpu.assume_multiple %min3A_399, 64 : i32
          %dma_start3A_401 = arith.constant 0 : i32
          %dma_start3A_402 = arith.constant 0 : i32
          %dma_start3A_403 = tpu.memref_slice %arg13[%dma_start3A_401, %dma_start3A_402] : memref<2x2048xi32, #tpu.memory_space<vmem>> -> memref<1x2048xi32, #tpu.memory_space<vmem>>
          %dma_start3A_404 = tpu.memref_squeeze %dma_start3A_403 : memref<1x2048xi32, #tpu.memory_space<vmem>> -> memref<2048xi32, #tpu.memory_space<vmem>>
          %dma_start3A_405 = tpu.memref_slice %arg3[%multiple_of3A_400] : memref<1000000xi32, #tpu.memory_space<hbm>> -> memref<2048xi32, #tpu.memory_space<hbm>>
          %dma_start3A_406 = arith.constant 0 : i32
          %dma_start3A_407 = tpu.memref_slice %arg13[%dma_start3A_401, %dma_start3A_406] : memref<2x2048xi32, #tpu.memory_space<vmem>> -> memref<1x2048xi32, #tpu.memory_space<vmem>>
          %dma_start3A_408 = tpu.memref_squeeze %dma_start3A_407 : memref<1x2048xi32, #tpu.memory_space<vmem>> -> memref<2048xi32, #tpu.memory_space<vmem>>
          %dma_start3A_409 = tpu.memref_slice %arg3[%multiple_of3A_400] : memref<1000000xi32, #tpu.memory_space<hbm>> -> memref<2048xi32, #tpu.memory_space<hbm>>
          tpu.enqueue_dma source(%dma_start3A_409 : memref<2048xi32, #tpu.memory_space<hbm>>) target(%dma_start3A_408 : memref<2048xi32, #tpu.memory_space<vmem>>) target_semaphore(%arg21 : memref<!tpu.dma_semaphore, #tpu.memory_space<semaphore_mem>>)
          %dma_start3A_410 = arith.constant 0 : i32
          %dma_start3A_411 = arith.constant 0 : i32
          %dma_start3A_412 = tpu.memref_slice %arg14[%dma_start3A_410, %dma_start3A_411] : memref<2x2048xi32, #tpu.memory_space<vmem>> -> memref<1x2048xi32, #tpu.memory_space<vmem>>
          %dma_start3A_413 = tpu.memref_squeeze %dma_start3A_412 : memref<1x2048xi32, #tpu.memory_space<vmem>> -> memref<2048xi32, #tpu.memory_space<vmem>>
          %dma_start3A_414 = tpu.memref_slice %arg4[%multiple_of3A_400] : memref<1000000xi32, #tpu.memory_space<hbm>> -> memref<2048xi32, #tpu.memory_space<hbm>>
          %dma_start3A_415 = arith.constant 0 : i32
          %dma_start3A_416 = tpu.memref_slice %arg14[%dma_start3A_410, %dma_start3A_415] : memref<2x2048xi32, #tpu.memory_space<vmem>> -> memref<1x2048xi32, #tpu.memory_space<vmem>>
          %dma_start3A_417 = tpu.memref_squeeze %dma_start3A_416 : memref<1x2048xi32, #tpu.memory_space<vmem>> -> memref<2048xi32, #tpu.memory_space<vmem>>
          %dma_start3A_418 = tpu.memref_slice %arg4[%multiple_of3A_400] : memref<1000000xi32, #tpu.memory_space<hbm>> -> memref<2048xi32, #tpu.memory_space<hbm>>
          tpu.enqueue_dma source(%dma_start3A_418 : memref<2048xi32, #tpu.memory_space<hbm>>) target(%dma_start3A_417 : memref<2048xi32, #tpu.memory_space<vmem>>) target_semaphore(%arg21 : memref<!tpu.dma_semaphore, #tpu.memory_space<semaphore_mem>>)
          %dma_start3A_419 = arith.constant 0 : i32
          %dma_start3A_420 = arith.constant 0 : i32
          %dma_start3A_421 = tpu.memref_slice %arg15[%dma_start3A_419, %dma_start3A_420] : memref<2x2048xf32, #tpu.memory_space<vmem>> -> memref<1x2048xf32, #tpu.memory_space<vmem>>
          %dma_start3A_422 = tpu.memref_squeeze %dma_start3A_421 : memref<1x2048xf32, #tpu.memory_space<vmem>> -> memref<2048xf32, #tpu.memory_space<vmem>>
          %dma_start3A_423 = tpu.memref_slice %arg2[%multiple_of3A_400] : memref<1000000xf32, #tpu.memory_space<hbm>> -> memref<2048xf32, #tpu.memory_space<hbm>>
          %dma_start3A_424 = arith.constant 0 : i32
          %dma_start3A_425 = tpu.memref_slice %arg15[%dma_start3A_419, %dma_start3A_424] : memref<2x2048xf32, #tpu.memory_space<vmem>> -> memref<1x2048xf32, #tpu.memory_space<vmem>>
          %dma_start3A_426 = tpu.memref_squeeze %dma_start3A_425 : memref<1x2048xf32, #tpu.memory_space<vmem>> -> memref<2048xf32, #tpu.memory_space<vmem>>
          %dma_start3A_427 = tpu.memref_slice %arg2[%multiple_of3A_400] : memref<1000000xf32, #tpu.memory_space<hbm>> -> memref<2048xf32, #tpu.memory_space<hbm>>
          tpu.enqueue_dma source(%dma_start3A_427 : memref<2048xf32, #tpu.memory_space<hbm>>) target(%dma_start3A_426 : memref<2048xf32, #tpu.memory_space<vmem>>) target_semaphore(%arg21 : memref<!tpu.dma_semaphore, #tpu.memory_space<semaphore_mem>>)
        } else {
        }
      } else {
      }
      %add3A_336 = arith.constant 1 : i32
      %add3A_337 = arith.addi %mul3A_332, %add3A_336 : i32
      %lt3A_338 = arith.cmpi slt, %add3A_337, %select_n3A_180 : i32
      %convert_element_type3A_339 = arith.extui %lt3A_338 : i1 to i32
      %cond3A_340 = arith.constant 0 : i32
      %cond3A_341 = arith.cmpi ne, %convert_element_type3A_339, %cond3A_340 : i32
      scf.if %cond3A_341 {
        %add3A_343 = arith.constant 1 : i32
        %add3A_344 = arith.addi %mul3A_332, %add3A_343 : i32
        %add3A_345 = arith.constant 1 : i32
        %add3A_346 = arith.addi %add3A_344, %add3A_345 : i32
        %lt3A_347 = arith.cmpi slt, %add3A_346, %select_n3A_180 : i32
        %convert_element_type3A_348 = arith.extui %lt3A_347 : i1 to i32
        %cond3A_349 = arith.constant 0 : i32
        %cond3A_350 = arith.cmpi ne, %convert_element_type3A_348, %cond3A_349 : i32
        scf.if %cond3A_350 {
          %add3A_393 = arith.constant 1 : i32
          %add3A_394 = arith.addi %add3A_344, %add3A_393 : i32
          %mul3A_395 = arith.constant 32 : i32
          %mul3A_396 = arith.muli %add3A_394, %mul3A_395 : i32
          %add3A_397 = arith.addi %add3A, %mul3A_396 : i32
          %mul3A_398 = arith.constant 2048 : i32
          %mul3A_399 = arith.muli %add3A_397, %mul3A_398 : i32
          %min3A_400 = arith.constant 997952 : i32
          %min3A_401 = arith.minsi %mul3A_399, %min3A_400 : i32
          %multiple_of3A_402 = tpu.assume_multiple %min3A_401, 64 : i32
          %dma_wait3A_403 = arith.constant 0 : i32
          %dma_wait3A_404 = arith.constant 0 : i32
          %dma_wait3A_405 = tpu.memref_slice %arg13[%dma_wait3A_403, %dma_wait3A_404] : memref<2x2048xi32, #tpu.memory_space<vmem>> -> memref<1x2048xi32, #tpu.memory_space<vmem>>
          %dma_wait3A_406 = tpu.memref_squeeze %dma_wait3A_405 : memref<1x2048xi32, #tpu.memory_space<vmem>> -> memref<2048xi32, #tpu.memory_space<vmem>>
          %dma_wait3A_407 = tpu.memref_slice %arg3[%multiple_of3A_402] : memref<1000000xi32, #tpu.memory_space<hbm>> -> memref<2048xi32, #tpu.memory_space<hbm>>
          %dma_wait3A_408 = arith.constant 0 : i32
          %dma_wait3A_409 = tpu.memref_slice %arg13[%dma_wait3A_403, %dma_wait3A_408] : memref<2x2048xi32, #tpu.memory_space<vmem>> -> memref<1x2048xi32, #tpu.memory_space<vmem>>
          %dma_wait3A_410 = tpu.memref_squeeze %dma_wait3A_409 : memref<1x2048xi32, #tpu.memory_space<vmem>> -> memref<2048xi32, #tpu.memory_space<vmem>>
          %dma_wait3A_411 = tpu.memref_slice %arg3[%multiple_of3A_402] : memref<1000000xi32, #tpu.memory_space<hbm>> -> memref<2048xi32, #tpu.memory_space<hbm>>
          tpu.wait_dma2 semaphore(%arg21 : memref<!tpu.dma_semaphore, #tpu.memory_space<semaphore_mem>>) src(%dma_wait3A_411 : memref<2048xi32, #tpu.memory_space<hbm>>) dst(%dma_wait3A_410 : memref<2048xi32, #tpu.memory_space<vmem>>)
          %dma_wait3A_412 = arith.constant 0 : i32
          %dma_wait3A_413 = arith.constant 0 : i32
          %dma_wait3A_414 = tpu.memref_slice %arg14[%dma_wait3A_412, %dma_wait3A_413] : memref<2x2048xi32, #tpu.memory_space<vmem>> -> memref<1x2048xi32, #tpu.memory_space<vmem>>
          %dma_wait3A_415 = tpu.memref_squeeze %dma_wait3A_414 : memref<1x2048xi32, #tpu.memory_space<vmem>> -> memref<2048xi32, #tpu.memory_space<vmem>>
          %dma_wait3A_416 = tpu.memref_slice %arg4[%multiple_of3A_402] : memref<1000000xi32, #tpu.memory_space<hbm>> -> memref<2048xi32, #tpu.memory_space<hbm>>
          %dma_wait3A_417 = arith.constant 0 : i32
          %dma_wait3A_418 = tpu.memref_slice %arg14[%dma_wait3A_412, %dma_wait3A_417] : memref<2x2048xi32, #tpu.memory_space<vmem>> -> memref<1x2048xi32, #tpu.memory_space<vmem>>
          %dma_wait3A_419 = tpu.memref_squeeze %dma_wait3A_418 : memref<1x2048xi32, #tpu.memory_space<vmem>> -> memref<2048xi32, #tpu.memory_space<vmem>>
          %dma_wait3A_420 = tpu.memref_slice %arg4[%multiple_of3A_402] : memref<1000000xi32, #tpu.memory_space<hbm>> -> memref<2048xi32, #tpu.memory_space<hbm>>
          tpu.wait_dma2 semaphore(%arg21 : memref<!tpu.dma_semaphore, #tpu.memory_space<semaphore_mem>>) src(%dma_wait3A_420 : memref<2048xi32, #tpu.memory_space<hbm>>) dst(%dma_wait3A_419 : memref<2048xi32, #tpu.memory_space<vmem>>)
          %dma_wait3A_421 = arith.constant 0 : i32
          %dma_wait3A_422 = arith.constant 0 : i32
          %dma_wait3A_423 = tpu.memref_slice %arg15[%dma_wait3A_421, %dma_wait3A_422] : memref<2x2048xf32, #tpu.memory_space<vmem>> -> memref<1x2048xf32, #tpu.memory_space<vmem>>
          %dma_wait3A_424 = tpu.memref_squeeze %dma_wait3A_423 : memref<1x2048xf32, #tpu.memory_space<vmem>> -> memref<2048xf32, #tpu.memory_space<vmem>>
          %dma_wait3A_425 = tpu.memref_slice %arg2[%multiple_of3A_402] : memref<1000000xf32, #tpu.memory_space<hbm>> -> memref<2048xf32, #tpu.memory_space<hbm>>
          %dma_wait3A_426 = arith.constant 0 : i32
          %dma_wait3A_427 = tpu.memref_slice %arg15[%dma_wait3A_421, %dma_wait3A_426] : memref<2x2048xf32, #tpu.memory_space<vmem>> -> memref<1x2048xf32, #tpu.memory_space<vmem>>
          %dma_wait3A_428 = tpu.memref_squeeze %dma_wait3A_427 : memref<1x2048xf32, #tpu.memory_space<vmem>> -> memref<2048xf32, #tpu.memory_space<vmem>>
          %dma_wait3A_429 = tpu.memref_slice %arg2[%multiple_of3A_402] : memref<1000000xf32, #tpu.memory_space<hbm>> -> memref<2048xf32, #tpu.memory_space<hbm>>
          tpu.wait_dma2 semaphore(%arg21 : memref<!tpu.dma_semaphore, #tpu.memory_space<semaphore_mem>>) src(%dma_wait3A_429 : memref<2048xf32, #tpu.memory_space<hbm>>) dst(%dma_wait3A_428 : memref<2048xf32, #tpu.memory_space<vmem>>)
          %scan3A_430 = arith.constant 0 : i32
          %scan3A_431 = arith.constant 0 : i32
          %scan3A_432 = arith.constant 16 : i32
          %scan3A_433 = arith.addi %scan3A_431, %scan3A_432 : i32
          %scan3A_434 = arith.constant 1 : i32
          %scan3A_435 = scf.for %scan3A_444 = %scan3A_431 to %scan3A_433 step %scan3A_434 iter_args(%scan3A_445 = %scan3A_430) -> (i32)  : i32 {
            %mul3A_446 = arith.constant 8 : i32
            %mul3A_447 = arith.muli %scan3A_444, %mul3A_446 : i32
            %add3A_448 = arith.constant 0 : i32
            %add3A_449 = arith.addi %mul3A_447, %add3A_448 : i32
            %mul3A_450 = arith.constant 16 : i32
            %mul3A_451 = arith.muli %add3A_449, %mul3A_450 : i32
            %get3A = arith.constant 0 : i32
            %get3A_452 = arith.index_cast %get3A : i32 to index
            %get3A_453 = arith.index_cast %mul3A_451 : i32 to index
            %get3A_454 = tpu.vector_load %arg13[%get3A_452, %get3A_453] {strides = array<i32>} : memref<2x2048xi32, #tpu.memory_space<vmem>>, vector<16xi32>,
            %get3A_455 = arith.constant 0 : i32
            %get3A_456 = arith.index_cast %get3A_455 : i32 to index
            %get3A_457 = arith.index_cast %mul3A_451 : i32 to index
            %get3A_458 = tpu.vector_load %arg14[%get3A_456, %get3A_457] {strides = array<i32>} : memref<2x2048xi32, #tpu.memory_space<vmem>>, vector<16xi32>,
            %mul3A_459 = arith.constant 500 : i32
            %mul3A_460 = vector.broadcast %mul3A_459 : i32 to vector<16xi32>
            %mul3A_461 = arith.muli %get3A_454, %mul3A_460 : vector<16xi32>
            %add3A_462 = arith.addi %mul3A_461, %get3A_458 : vector<16xi32>
            %add3A_463 = vector.broadcast %mul3A_2 : i32 to vector<16xi32>
            %add3A_464 = arith.addi %add3A_462, %add3A_463 : vector<16xi32>
            %swap3A = arith.constant 0 : i32
            %swap3A_465 = arith.index_cast %swap3A : i32 to index
            %swap3A_466 = arith.index_cast %mul3A_451 : i32 to index
            %swap3A_467 = tpu.vector_load %arg16[%swap3A_465, %swap3A_466] {strides = array<i32>} : memref<2x2048xi32, #tpu.memory_space<vmem>>, vector<16xi32>,
            tpu.vector_store %arg16[%swap3A_465, %swap3A_466], %add3A_464 {strides = array<i32>} : memref<2x2048xi32, #tpu.memory_space<vmem>>, vector<16xi32>,
            %mul3A_468 = arith.constant 8 : i32
            %mul3A_469 = arith.muli %scan3A_444, %mul3A_468 : i32
            %add3A_470 = arith.constant 1 : i32
            %add3A_471 = arith.addi %mul3A_469, %add3A_470 : i32
            %mul3A_472 = arith.constant 16 : i32
            %mul3A_473 = arith.muli %add3A_471, %mul3A_472 : i32
            %get3A_474 = arith.constant 0 : i32
            %get3A_475 = arith.index_cast %get3A_474 : i32 to index
            %get3A_476 = arith.index_cast %mul3A_473 : i32 to index
            %get3A_477 = tpu.vector_load %arg13[%get3A_475, %get3A_476] {strides = array<i32>} : memref<2x2048xi32, #tpu.memory_space<vmem>>, vector<16xi32>,
            %get3A_478 = arith.constant 0 : i32
            %get3A_479 = arith.index_cast %get3A_478 : i32 to index
            %get3A_480 = arith.index_cast %mul3A_473 : i32 to index
            %get3A_481 = tpu.vector_load %arg14[%get3A_479, %get3A_480] {strides = array<i32>} : memref<2x2048xi32, #tpu.memory_space<vmem>>, vector<16xi32>,
            %mul3A_482 = arith.constant 500 : i32
            %mul3A_483 = vector.broadcast %mul3A_482 : i32 to vector<16xi32>
            %mul3A_484 = arith.muli %get3A_477, %mul3A_483 : vector<16xi32>
            %add3A_485 = arith.addi %mul3A_484, %get3A_481 : vector<16xi32>
            %add3A_486 = vector.broadcast %mul3A_2 : i32 to vector<16xi32>
            %add3A_487 = arith.addi %add3A_485, %add3A_486 : vector<16xi32>
            %swap3A_488 = arith.constant 0 : i32
            %swap3A_489 = arith.index_cast %swap3A_488 : i32 to index
            %swap3A_490 = arith.index_cast %mul3A_473 : i32 to index
            %swap3A_491 = tpu.vector_load %arg16[%swap3A_489, %swap3A_490] {strides = array<i32>} : memref<2x2048xi32, #tpu.memory_space<vmem>>, vector<16xi32>,
            tpu.vector_store %arg16[%swap3A_489, %swap3A_490], %add3A_487 {strides = array<i32>} : memref<2x2048xi32, #tpu.memory_space<vmem>>, vector<16xi32>,
            %mul3A_492 = arith.constant 8 : i32
            %mul3A_493 = arith.muli %scan3A_444, %mul3A_492 : i32
            %add3A_494 = arith.constant 2 : i32
            %add3A_495 = arith.addi %mul3A_493, %add3A_494 : i32
            %mul3A_496 = arith.constant 16 : i32
            %mul3A_497 = arith.muli %add3A_495, %mul3A_496 : i32
            %get3A_498 = arith.constant 0 : i32
            %get3A_499 = arith.index_cast %get3A_498 : i32 to index
            %get3A_500 = arith.index_cast %mul3A_497 : i32 to index
            %get3A_501 = tpu.vector_load %arg13[%get3A_499, %get3A_500] {strides = array<i32>} : memref<2x2048xi32, #tpu.memory_space<vmem>>, vector<16xi32>,
            %get3A_502 = arith.constant 0 : i32
            %get3A_503 = arith.index_cast %get3A_502 : i32 to index
            %get3A_504 = arith.index_cast %mul3A_497 : i32 to index
            %get3A_505 = tpu.vector_load %arg14[%get3A_503, %get3A_504] {strides = array<i32>} : memref<2x2048xi32, #tpu.memory_space<vmem>>, vector<16xi32>,
            %mul3A_506 = arith.constant 500 : i32
            %mul3A_507 = vector.broadcast %mul3A_506 : i32 to vector<16xi32>
            %mul3A_508 = arith.muli %get3A_501, %mul3A_507 : vector<16xi32>
            %add3A_509 = arith.addi %mul3A_508, %get3A_505 : vector<16xi32>
            %add3A_510 = vector.broadcast %mul3A_2 : i32 to vector<16xi32>
            %add3A_511 = arith.addi %add3A_509, %add3A_510 : vector<16xi32>
            %swap3A_512 = arith.constant 0 : i32
            %swap3A_513 = arith.index_cast %swap3A_512 : i32 to index
            %swap3A_514 = arith.index_cast %mul3A_497 : i32 to index
            %swap3A_515 = tpu.vector_load %arg16[%swap3A_513, %swap3A_514] {strides = array<i32>} : memref<2x2048xi32, #tpu.memory_space<vmem>>, vector<16xi32>,
            tpu.vector_store %arg16[%swap3A_513, %swap3A_514], %add3A_511 {strides = array<i32>} : memref<2x2048xi32, #tpu.memory_space<vmem>>, vector<16xi32>,
            %mul3A_516 = arith.constant 8 : i32
            %mul3A_517 = arith.muli %scan3A_444, %mul3A_516 : i32
            %add3A_518 = arith.constant 3 : i32
            %add3A_519 = arith.addi %mul3A_517, %add3A_518 : i32
            %mul3A_520 = arith.constant 16 : i32
            %mul3A_521 = arith.muli %add3A_519, %mul3A_520 : i32
            %get3A_522 = arith.constant 0 : i32
            %get3A_523 = arith.index_cast %get3A_522 : i32 to index
            %get3A_524 = arith.index_cast %mul3A_521 : i32 to index
            %get3A_525 = tpu.vector_load %arg13[%get3A_523, %get3A_524] {strides = array<i32>} : memref<2x2048xi32, #tpu.memory_space<vmem>>, vector<16xi32>,
            %get3A_526 = arith.constant 0 : i32
            %get3A_527 = arith.index_cast %get3A_526 : i32 to index
            %get3A_528 = arith.index_cast %mul3A_521 : i32 to index
            %get3A_529 = tpu.vector_load %arg14[%get3A_527, %get3A_528] {strides = array<i32>} : memref<2x2048xi32, #tpu.memory_space<vmem>>, vector<16xi32>,
            %mul3A_530 = arith.constant 500 : i32
            %mul3A_531 = vector.broadcast %mul3A_530 : i32 to vector<16xi32>
            %mul3A_532 = arith.muli %get3A_525, %mul3A_531 : vector<16xi32>
            %add3A_533 = arith.addi %mul3A_532, %get3A_529 : vector<16xi32>
            %add3A_534 = vector.broadcast %mul3A_2 : i32 to vector<16xi32>
            %add3A_535 = arith.addi %add3A_533, %add3A_534 : vector<16xi32>
            %swap3A_536 = arith.constant 0 : i32
            %swap3A_537 = arith.index_cast %swap3A_536 : i32 to index
            %swap3A_538 = arith.index_cast %mul3A_521 : i32 to index
            %swap3A_539 = tpu.vector_load %arg16[%swap3A_537, %swap3A_538] {strides = array<i32>} : memref<2x2048xi32, #tpu.memory_space<vmem>>, vector<16xi32>,
            tpu.vector_store %arg16[%swap3A_537, %swap3A_538], %add3A_535 {strides = array<i32>} : memref<2x2048xi32, #tpu.memory_space<vmem>>, vector<16xi32>,
            %mul3A_540 = arith.constant 8 : i32
            %mul3A_541 = arith.muli %scan3A_444, %mul3A_540 : i32
            %add3A_542 = arith.constant 4 : i32
            %add3A_543 = arith.addi %mul3A_541, %add3A_542 : i32
            %mul3A_544 = arith.constant 16 : i32
            %mul3A_545 = arith.muli %add3A_543, %mul3A_544 : i32
            %get3A_546 = arith.constant 0 : i32
            %get3A_547 = arith.index_cast %get3A_546 : i32 to index
            %get3A_548 = arith.index_cast %mul3A_545 : i32 to index
            %get3A_549 = tpu.vector_load %arg13[%get3A_547, %get3A_548] {strides = array<i32>} : memref<2x2048xi32, #tpu.memory_space<vmem>>, vector<16xi32>,
            %get3A_550 = arith.constant 0 : i32
            %get3A_551 = arith.index_cast %get3A_550 : i32 to index
            %get3A_552 = arith.index_cast %mul3A_545 : i32 to index
            %get3A_553 = tpu.vector_load %arg14[%get3A_551, %get3A_552] {strides = array<i32>} : memref<2x2048xi32, #tpu.memory_space<vmem>>, vector<16xi32>,
            %mul3A_554 = arith.constant 500 : i32
            %mul3A_555 = vector.broadcast %mul3A_554 : i32 to vector<16xi32>
            %mul3A_556 = arith.muli %get3A_549, %mul3A_555 : vector<16xi32>
            %add3A_557 = arith.addi %mul3A_556, %get3A_553 : vector<16xi32>
            %add3A_558 = vector.broadcast %mul3A_2 : i32 to vector<16xi32>
            %add3A_559 = arith.addi %add3A_557, %add3A_558 : vector<16xi32>
            %swap3A_560 = arith.constant 0 : i32
            %swap3A_561 = arith.index_cast %swap3A_560 : i32 to index
            %swap3A_562 = arith.index_cast %mul3A_545 : i32 to index
            %swap3A_563 = tpu.vector_load %arg16[%swap3A_561, %swap3A_562] {strides = array<i32>} : memref<2x2048xi32, #tpu.memory_space<vmem>>, vector<16xi32>,
            tpu.vector_store %arg16[%swap3A_561, %swap3A_562], %add3A_559 {strides = array<i32>} : memref<2x2048xi32, #tpu.memory_space<vmem>>, vector<16xi32>,
            %mul3A_564 = arith.constant 8 : i32
            %mul3A_565 = arith.muli %scan3A_444, %mul3A_564 : i32
            %add3A_566 = arith.constant 5 : i32
            %add3A_567 = arith.addi %mul3A_565, %add3A_566 : i32
            %mul3A_568 = arith.constant 16 : i32
            %mul3A_569 = arith.muli %add3A_567, %mul3A_568 : i32
            %get3A_570 = arith.constant 0 : i32
            %get3A_571 = arith.index_cast %get3A_570 : i32 to index
            %get3A_572 = arith.index_cast %mul3A_569 : i32 to index
            %get3A_573 = tpu.vector_load %arg13[%get3A_571, %get3A_572] {strides = array<i32>} : memref<2x2048xi32, #tpu.memory_space<vmem>>, vector<16xi32>,
            %get3A_574 = arith.constant 0 : i32
            %get3A_575 = arith.index_cast %get3A_574 : i32 to index
            %get3A_576 = arith.index_cast %mul3A_569 : i32 to index
            %get3A_577 = tpu.vector_load %arg14[%get3A_575, %get3A_576] {strides = array<i32>} : memref<2x2048xi32, #tpu.memory_space<vmem>>, vector<16xi32>,
            %mul3A_578 = arith.constant 500 : i32
            %mul3A_579 = vector.broadcast %mul3A_578 : i32 to vector<16xi32>
            %mul3A_580 = arith.muli %get3A_573, %mul3A_579 : vector<16xi32>
            %add3A_581 = arith.addi %mul3A_580, %get3A_577 : vector<16xi32>
            %add3A_582 = vector.broadcast %mul3A_2 : i32 to vector<16xi32>
            %add3A_583 = arith.addi %add3A_581, %add3A_582 : vector<16xi32>
            %swap3A_584 = arith.constant 0 : i32
            %swap3A_585 = arith.index_cast %swap3A_584 : i32 to index
            %swap3A_586 = arith.index_cast %mul3A_569 : i32 to index
            %swap3A_587 = tpu.vector_load %arg16[%swap3A_585, %swap3A_586] {strides = array<i32>} : memref<2x2048xi32, #tpu.memory_space<vmem>>, vector<16xi32>,
            tpu.vector_store %arg16[%swap3A_585, %swap3A_586], %add3A_583 {strides = array<i32>} : memref<2x2048xi32, #tpu.memory_space<vmem>>, vector<16xi32>,
            %mul3A_588 = arith.constant 8 : i32
            %mul3A_589 = arith.muli %scan3A_444, %mul3A_588 : i32
            %add3A_590 = arith.constant 6 : i32
            %add3A_591 = arith.addi %mul3A_589, %add3A_590 : i32
            %mul3A_592 = arith.constant 16 : i32
            %mul3A_593 = arith.muli %add3A_591, %mul3A_592 : i32
            %get3A_594 = arith.constant 0 : i32
            %get3A_595 = arith.index_cast %get3A_594 : i32 to index
            %get3A_596 = arith.index_cast %mul3A_593 : i32 to index
            %get3A_597 = tpu.vector_load %arg13[%get3A_595, %get3A_596] {strides = array<i32>} : memref<2x2048xi32, #tpu.memory_space<vmem>>, vector<16xi32>,
            %get3A_598 = arith.constant 0 : i32
            %get3A_599 = arith.index_cast %get3A_598 : i32 to index
            %get3A_600 = arith.index_cast %mul3A_593 : i32 to index
            %get3A_601 = tpu.vector_load %arg14[%get3A_599, %get3A_600] {strides = array<i32>} : memref<2x2048xi32, #tpu.memory_space<vmem>>, vector<16xi32>,
            %mul3A_602 = arith.constant 500 : i32
            %mul3A_603 = vector.broadcast %mul3A_602 : i32 to vector<16xi32>
            %mul3A_604 = arith.muli %get3A_597, %mul3A_603 : vector<16xi32>
            %add3A_605 = arith.addi %mul3A_604, %get3A_601 : vector<16xi32>
            %add3A_606 = vector.broadcast %mul3A_2 : i32 to vector<16xi32>
            %add3A_607 = arith.addi %add3A_605, %add3A_606 : vector<16xi32>
            %swap3A_608 = arith.constant 0 : i32
            %swap3A_609 = arith.index_cast %swap3A_608 : i32 to index
            %swap3A_610 = arith.index_cast %mul3A_593 : i32 to index
            %swap3A_611 = tpu.vector_load %arg16[%swap3A_609, %swap3A_610] {strides = array<i32>} : memref<2x2048xi32, #tpu.memory_space<vmem>>, vector<16xi32>,
            tpu.vector_store %arg16[%swap3A_609, %swap3A_610], %add3A_607 {strides = array<i32>} : memref<2x2048xi32, #tpu.memory_space<vmem>>, vector<16xi32>,
            %mul3A_612 = arith.constant 8 : i32
            %mul3A_613 = arith.muli %scan3A_444, %mul3A_612 : i32
            %add3A_614 = arith.constant 7 : i32
            %add3A_615 = arith.addi %mul3A_613, %add3A_614 : i32
            %mul3A_616 = arith.constant 16 : i32
            %mul3A_617 = arith.muli %add3A_615, %mul3A_616 : i32
            %get3A_618 = arith.constant 0 : i32
            %get3A_619 = arith.index_cast %get3A_618 : i32 to index
            %get3A_620 = arith.index_cast %mul3A_617 : i32 to index
            %get3A_621 = tpu.vector_load %arg13[%get3A_619, %get3A_620] {strides = array<i32>} : memref<2x2048xi32, #tpu.memory_space<vmem>>, vector<16xi32>,
            %get3A_622 = arith.constant 0 : i32
            %get3A_623 = arith.index_cast %get3A_622 : i32 to index
            %get3A_624 = arith.index_cast %mul3A_617 : i32 to index
            %get3A_625 = tpu.vector_load %arg14[%get3A_623, %get3A_624] {strides = array<i32>} : memref<2x2048xi32, #tpu.memory_space<vmem>>, vector<16xi32>,
            %mul3A_626 = arith.constant 500 : i32
            %mul3A_627 = vector.broadcast %mul3A_626 : i32 to vector<16xi32>
            %mul3A_628 = arith.muli %get3A_621, %mul3A_627 : vector<16xi32>
            %add3A_629 = arith.addi %mul3A_628, %get3A_625 : vector<16xi32>
            %add3A_630 = vector.broadcast %mul3A_2 : i32 to vector<16xi32>
            %add3A_631 = arith.addi %add3A_629, %add3A_630 : vector<16xi32>
            %swap3A_632 = arith.constant 0 : i32
            %swap3A_633 = arith.index_cast %swap3A_632 : i32 to index
            %swap3A_634 = arith.index_cast %mul3A_617 : i32 to index
            %swap3A_635 = tpu.vector_load %arg16[%swap3A_633, %swap3A_634] {strides = array<i32>} : memref<2x2048xi32, #tpu.memory_space<vmem>>, vector<16xi32>,
            tpu.vector_store %arg16[%swap3A_633, %swap3A_634], %add3A_631 {strides = array<i32>} : memref<2x2048xi32, #tpu.memory_space<vmem>>, vector<16xi32>,
            %scan3A_636 = arith.constant 0 : i32
            scf.yield %scan3A_636 : i32
          }
          %scan3A_436 = arith.constant 16 : i32
          %dma_start3A_437 = arith.constant 0 : i32
          %dma_start3A_438 = arith.constant 0 : i32
          %dma_start3A_439 = tpu.memref_slice %arg16[%dma_start3A_437, %dma_start3A_438] : memref<2x2048xi32, #tpu.memory_space<vmem>> -> memref<1x2048xi32, #tpu.memory_space<vmem>>
          %dma_start3A_440 = tpu.memref_squeeze %dma_start3A_439 : memref<1x2048xi32, #tpu.memory_space<vmem>> -> memref<2048xi32, #tpu.memory_space<vmem>>
          %dma_start3A_441 = arith.constant 0 : i32
          %dma_start3A_442 = arith.constant 0 : i32
          %dma_start3A_443 = tpu.memref_slice %arg12[%dma_start3A_441, %dma_start3A_442] : memref<2000000x8xf32, #tpu.memory_space<hbm>> -> memref<2000000x8xf32, #tpu.memory_space<hbm>>
          tpu.enqueue_indirect_dma source(%dma_start3A_443 : memref<2000000x8xf32, #tpu.memory_space<hbm>>) target(%arg18 : memref<2048x8xf32, #tpu.memory_space<vmem>>) offsets(%dma_start3A_440 : memref<2048xi32, #tpu.memory_space<vmem>>) semaphore(%arg22 : memref<!tpu.dma_semaphore, #tpu.memory_space<semaphore_mem>>)
        } else {
        }
        %dma_wait3A_351 = arith.constant 1 : i32
        %dma_wait3A_352 = arith.constant 0 : i32
        %dma_wait3A_353 = tpu.memref_slice %arg16[%dma_wait3A_351, %dma_wait3A_352] : memref<2x2048xi32, #tpu.memory_space<vmem>> -> memref<1x2048xi32, #tpu.memory_space<vmem>>
        %dma_wait3A_354 = tpu.memref_squeeze %dma_wait3A_353 : memref<1x2048xi32, #tpu.memory_space<vmem>> -> memref<2048xi32, #tpu.memory_space<vmem>>
        %dma_wait3A_355 = arith.constant 0 : i32
        %dma_wait3A_356 = arith.constant 0 : i32
        %dma_wait3A_357 = tpu.memref_slice %arg12[%dma_wait3A_355, %dma_wait3A_356] : memref<2000000x8xf32, #tpu.memory_space<hbm>> -> memref<2000000x8xf32, #tpu.memory_space<hbm>>
        tpu.wait_indirect_dma semaphore(%arg23 : memref<!tpu.dma_semaphore, #tpu.memory_space<semaphore_mem>>) src(%dma_wait3A_357 : memref<2000000x8xf32, #tpu.memory_space<hbm>>) dst(%arg19 : memref<2048x8xf32, #tpu.memory_space<vmem>>)
        %ge3A_358 = arith.constant 2 : i32
        %ge3A_359 = arith.cmpi sge, %add3A_344, %ge3A_358 : i32
        %convert_element_type3A_360 = arith.extui %ge3A_359 : i1 to i32
        %cond3A_361 = arith.constant 0 : i32
        %cond3A_362 = arith.cmpi ne, %convert_element_type3A_360, %cond3A_361 : i32
        scf.if %cond3A_362 {
          %sub3A_393 = arith.constant 2 : i32
          %sub3A_394 = arith.subi %add3A_344, %sub3A_393 : i32
          %mul3A_395 = arith.constant 32 : i32
          %mul3A_396 = arith.muli %sub3A_394, %mul3A_395 : i32
          %add3A_397 = arith.addi %add3A, %mul3A_396 : i32
          %mul3A_398 = arith.constant 2048 : i32
          %mul3A_399 = arith.muli %add3A_397, %mul3A_398 : i32
          %min3A_400 = arith.constant 997952 : i32
          %min3A_401 = arith.minsi %mul3A_399, %min3A_400 : i32
          %multiple_of3A_402 = tpu.assume_multiple %min3A_401, 64 : i32
          %dma_wait3A_403 = arith.constant 1 : i32
          %dma_wait3A_404 = arith.constant 0 : i32
          %dma_wait3A_405 = tpu.memref_slice %arg20[%dma_wait3A_403, %dma_wait3A_404] : memref<2x2048xf32, #tpu.memory_space<vmem>> -> memref<1x2048xf32, #tpu.memory_space<vmem>>
          %dma_wait3A_406 = tpu.memref_squeeze %dma_wait3A_405 : memref<1x2048xf32, #tpu.memory_space<vmem>> -> memref<2048xf32, #tpu.memory_space<vmem>>
          %dma_wait3A_407 = tpu.memref_slice %arg11[%multiple_of3A_402] : memref<1000000xf32, #tpu.memory_space<hbm>> -> memref<2048xf32, #tpu.memory_space<hbm>>
          %dma_wait3A_408 = tpu.memref_slice %arg11[%multiple_of3A_402] : memref<1000000xf32, #tpu.memory_space<hbm>> -> memref<2048xf32, #tpu.memory_space<hbm>>
          %dma_wait3A_409 = arith.constant 0 : i32
          %dma_wait3A_410 = tpu.memref_slice %arg20[%dma_wait3A_403, %dma_wait3A_409] : memref<2x2048xf32, #tpu.memory_space<vmem>> -> memref<1x2048xf32, #tpu.memory_space<vmem>>
          %dma_wait3A_411 = tpu.memref_squeeze %dma_wait3A_410 : memref<1x2048xf32, #tpu.memory_space<vmem>> -> memref<2048xf32, #tpu.memory_space<vmem>>
          tpu.wait_dma2 semaphore(%arg24 : memref<!tpu.dma_semaphore, #tpu.memory_space<semaphore_mem>>) src(%dma_wait3A_411 : memref<2048xf32, #tpu.memory_space<vmem>>) dst(%dma_wait3A_408 : memref<2048xf32, #tpu.memory_space<hbm>>)
        } else {
        }
        %scan3A_363 = arith.constant 0 : i32
        %scan3A_364 = arith.constant 0 : i32
        %scan3A_365 = arith.constant 128 : i32
        %scan3A_366 = arith.addi %scan3A_364, %scan3A_365 : i32
        %scan3A_367 = arith.constant 2 : i32
        %scan3A_368 = scf.for %scan3A_393 = %scan3A_364 to %scan3A_366 step %scan3A_367 iter_args(%scan3A_394 = %scan3A_363) -> (i32)  : i32 {
          %mul3A_395 = arith.constant 16 : i32
          %mul3A_396 = arith.muli %scan3A_393, %mul3A_395 : i32
          %add3A_397 = vector.broadcast %mul3A_396 : i32 to vector<16xi32>
          %add3A_398 = arith.addi %iota3A, %add3A_397 : vector<16xi32>
          %get3A = arith.constant 1 : i32
          %get3A_399 = arith.index_cast %get3A : i32 to index
          %get3A_400 = arith.index_cast %mul3A_396 : i32 to index
          %get3A_401 = tpu.vector_load %arg15[%get3A_399, %get3A_400] {strides = array<i32>} : memref<2x2048xf32, #tpu.memory_space<vmem>>, vector<16xf32>,
          %max3A = arith.constant 0.000000e+00 : f32
          %max3A_402 = vector.broadcast %max3A : f32 to vector<16xf32>
          %max3A_403 = arith.maximumf %get3A_401, %max3A_402 : vector<16xf32>
          %min3A_404 = arith.constant 1.000000e+00 : f32
          %min3A_405 = vector.broadcast %min3A_404 : f32 to vector<16xf32>
          %min3A_406 = arith.minimumf %max3A_403, %min3A_405 : vector<16xf32>
          %broadcast_in_dim3A = arith.constant 0 : i32
          %broadcast_in_dim3A_407 = vector.broadcast %broadcast_in_dim3A : i32 to vector<16xi32>
          %gather3A = tpu.vector_load_idx %arg19[%add3A_398, %broadcast_in_dim3A_407] : memref<2048x8xf32, #tpu.memory_space<vmem>>[vector<16xi32>, vector<16xi32>], vector<16xf32>,
          %broadcast_in_dim3A_408 = arith.constant 1 : i32
          %broadcast_in_dim3A_409 = vector.broadcast %broadcast_in_dim3A_408 : i32 to vector<16xi32>
          %gather3A_410 = tpu.vector_load_idx %arg19[%add3A_398, %broadcast_in_dim3A_409] : memref<2048x8xf32, #tpu.memory_space<vmem>>[vector<16xi32>, vector<16xi32>], vector<16xf32>,
          %broadcast_in_dim3A_411 = arith.constant 2 : i32
          %broadcast_in_dim3A_412 = vector.broadcast %broadcast_in_dim3A_411 : i32 to vector<16xi32>
          %gather3A_413 = tpu.vector_load_idx %arg19[%add3A_398, %broadcast_in_dim3A_412] : memref<2048x8xf32, #tpu.memory_space<vmem>>[vector<16xi32>, vector<16xi32>], vector<16xf32>,
          %broadcast_in_dim3A_414 = arith.constant 3 : i32
          %broadcast_in_dim3A_415 = vector.broadcast %broadcast_in_dim3A_414 : i32 to vector<16xi32>
          %gather3A_416 = tpu.vector_load_idx %arg19[%add3A_398, %broadcast_in_dim3A_415] : memref<2048x8xf32, #tpu.memory_space<vmem>>[vector<16xi32>, vector<16xi32>], vector<16xf32>,
          %broadcast_in_dim3A_417 = arith.constant 4 : i32
          %broadcast_in_dim3A_418 = vector.broadcast %broadcast_in_dim3A_417 : i32 to vector<16xi32>
          %gather3A_419 = tpu.vector_load_idx %arg19[%add3A_398, %broadcast_in_dim3A_418] : memref<2048x8xf32, #tpu.memory_space<vmem>>[vector<16xi32>, vector<16xi32>], vector<16xf32>,
          %broadcast_in_dim3A_420 = arith.constant 5 : i32
          %broadcast_in_dim3A_421 = vector.broadcast %broadcast_in_dim3A_420 : i32 to vector<16xi32>
          %gather3A_422 = tpu.vector_load_idx %arg19[%add3A_398, %broadcast_in_dim3A_421] : memref<2048x8xf32, #tpu.memory_space<vmem>>[vector<16xi32>, vector<16xi32>], vector<16xf32>,
          %sub3A_423 = arith.constant 5.000000e-01 : f32
          %sub3A_424 = vector.broadcast %sub3A_423 : f32 to vector<16xf32>
          %sub3A_425 = arith.subf %sub3A_424, %min3A_406 : vector<16xf32>
          %mul3A_426 = arith.mulf %gather3A_410, %sub3A_425 : vector<16xf32>
          %add3A_427 = arith.addf %gather3A, %mul3A_426 : vector<16xf32>
          %sub3A_428 = arith.constant 4.000000e-01 : f32
          %sub3A_429 = vector.broadcast %sub3A_428 : f32 to vector<16xf32>
          %sub3A_430 = arith.subf %sub3A_429, %min3A_406 : vector<16xf32>
          %max3A_431 = arith.constant 0.000000e+00 : f32
          %max3A_432 = vector.broadcast %max3A_431 : f32 to vector<16xf32>
          %max3A_433 = arith.maximumf %sub3A_430, %max3A_432 : vector<16xf32>
          %mul3A_434 = arith.mulf %gather3A_413, %max3A_433 : vector<16xf32>
          %add3A_435 = arith.addf %add3A_427, %mul3A_434 : vector<16xf32>
          %sub3A_436 = arith.constant 5.000000e-01 : f32
          %sub3A_437 = vector.broadcast %sub3A_436 : f32 to vector<16xf32>
          %sub3A_438 = arith.subf %sub3A_437, %min3A_406 : vector<16xf32>
          %max3A_439 = arith.constant 0.000000e+00 : f32
          %max3A_440 = vector.broadcast %max3A_439 : f32 to vector<16xf32>
          %max3A_441 = arith.maximumf %sub3A_438, %max3A_440 : vector<16xf32>
          %mul3A_442 = arith.mulf %gather3A_416, %max3A_441 : vector<16xf32>
          %add3A_443 = arith.addf %add3A_435, %mul3A_442 : vector<16xf32>
          %sub3A_444 = arith.constant 6.000000e-01 : f32
          %sub3A_445 = vector.broadcast %sub3A_444 : f32 to vector<16xf32>
          %sub3A_446 = arith.subf %sub3A_445, %min3A_406 : vector<16xf32>
          %max3A_447 = arith.constant 0.000000e+00 : f32
          %max3A_448 = vector.broadcast %max3A_447 : f32 to vector<16xf32>
          %max3A_449 = arith.maximumf %sub3A_446, %max3A_448 : vector<16xf32>
          %mul3A_450 = arith.mulf %gather3A_419, %max3A_449 : vector<16xf32>
          %add3A_451 = arith.addf %add3A_443, %mul3A_450 : vector<16xf32>
          %sub3A_452 = arith.constant 0.699999988 : f32
          %sub3A_453 = vector.broadcast %sub3A_452 : f32 to vector<16xf32>
          %sub3A_454 = arith.subf %sub3A_453, %min3A_406 : vector<16xf32>
          %max3A_455 = arith.constant 0.000000e+00 : f32
          %max3A_456 = vector.broadcast %max3A_455 : f32 to vector<16xf32>
          %max3A_457 = arith.maximumf %sub3A_454, %max3A_456 : vector<16xf32>
          %mul3A_458 = arith.mulf %gather3A_422, %max3A_457 : vector<16xf32>
          %add3A_459 = arith.addf %add3A_451, %mul3A_458 : vector<16xf32>
          %swap3A = arith.constant 1 : i32
          %swap3A_460 = arith.index_cast %swap3A : i32 to index
          %swap3A_461 = arith.index_cast %mul3A_396 : i32 to index
          %swap3A_462 = tpu.vector_load %arg20[%swap3A_460, %swap3A_461] {strides = array<i32>} : memref<2x2048xf32, #tpu.memory_space<vmem>>, vector<16xf32>,
          tpu.vector_store %arg20[%swap3A_460, %swap3A_461], %add3A_459 {strides = array<i32>} : memref<2x2048xf32, #tpu.memory_space<vmem>>, vector<16xf32>,
          %scan3A_463 = arith.constant 0 : i32
          %scan3A_464 = arith.constant 1 : i32
          %scan3A_465 = arith.addi %scan3A_393, %scan3A_464 : i32
          %mul3A_466 = arith.constant 16 : i32
          %mul3A_467 = arith.muli %scan3A_465, %mul3A_466 : i32
          %add3A_468 = vector.broadcast %mul3A_467 : i32 to vector<16xi32>
          %add3A_469 = arith.addi %iota3A, %add3A_468 : vector<16xi32>
          %get3A_470 = arith.constant 1 : i32
          %get3A_471 = arith.index_cast %get3A_470 : i32 to index
          %get3A_472 = arith.index_cast %mul3A_467 : i32 to index
          %get3A_473 = tpu.vector_load %arg15[%get3A_471, %get3A_472] {strides = array<i32>} : memref<2x2048xf32, #tpu.memory_space<vmem>>, vector<16xf32>,
          %max3A_474 = arith.constant 0.000000e+00 : f32
          %max3A_475 = vector.broadcast %max3A_474 : f32 to vector<16xf32>
          %max3A_476 = arith.maximumf %get3A_473, %max3A_475 : vector<16xf32>
          %min3A_477 = arith.constant 1.000000e+00 : f32
          %min3A_478 = vector.broadcast %min3A_477 : f32 to vector<16xf32>
          %min3A_479 = arith.minimumf %max3A_476, %min3A_478 : vector<16xf32>
          %broadcast_in_dim3A_480 = arith.constant 0 : i32
          %broadcast_in_dim3A_481 = vector.broadcast %broadcast_in_dim3A_480 : i32 to vector<16xi32>
          %gather3A_482 = tpu.vector_load_idx %arg19[%add3A_469, %broadcast_in_dim3A_481] : memref<2048x8xf32, #tpu.memory_space<vmem>>[vector<16xi32>, vector<16xi32>], vector<16xf32>,
          %broadcast_in_dim3A_483 = arith.constant 1 : i32
          %broadcast_in_dim3A_484 = vector.broadcast %broadcast_in_dim3A_483 : i32 to vector<16xi32>
          %gather3A_485 = tpu.vector_load_idx %arg19[%add3A_469, %broadcast_in_dim3A_484] : memref<2048x8xf32, #tpu.memory_space<vmem>>[vector<16xi32>, vector<16xi32>], vector<16xf32>,
          %broadcast_in_dim3A_486 = arith.constant 2 : i32
          %broadcast_in_dim3A_487 = vector.broadcast %broadcast_in_dim3A_486 : i32 to vector<16xi32>
          %gather3A_488 = tpu.vector_load_idx %arg19[%add3A_469, %broadcast_in_dim3A_487] : memref<2048x8xf32, #tpu.memory_space<vmem>>[vector<16xi32>, vector<16xi32>], vector<16xf32>,
          %broadcast_in_dim3A_489 = arith.constant 3 : i32
          %broadcast_in_dim3A_490 = vector.broadcast %broadcast_in_dim3A_489 : i32 to vector<16xi32>
          %gather3A_491 = tpu.vector_load_idx %arg19[%add3A_469, %broadcast_in_dim3A_490] : memref<2048x8xf32, #tpu.memory_space<vmem>>[vector<16xi32>, vector<16xi32>], vector<16xf32>,
          %broadcast_in_dim3A_492 = arith.constant 4 : i32
          %broadcast_in_dim3A_493 = vector.broadcast %broadcast_in_dim3A_492 : i32 to vector<16xi32>
          %gather3A_494 = tpu.vector_load_idx %arg19[%add3A_469, %broadcast_in_dim3A_493] : memref<2048x8xf32, #tpu.memory_space<vmem>>[vector<16xi32>, vector<16xi32>], vector<16xf32>,
          %broadcast_in_dim3A_495 = arith.constant 5 : i32
          %broadcast_in_dim3A_496 = vector.broadcast %broadcast_in_dim3A_495 : i32 to vector<16xi32>
          %gather3A_497 = tpu.vector_load_idx %arg19[%add3A_469, %broadcast_in_dim3A_496] : memref<2048x8xf32, #tpu.memory_space<vmem>>[vector<16xi32>, vector<16xi32>], vector<16xf32>,
          %sub3A_498 = arith.constant 5.000000e-01 : f32
          %sub3A_499 = vector.broadcast %sub3A_498 : f32 to vector<16xf32>
          %sub3A_500 = arith.subf %sub3A_499, %min3A_479 : vector<16xf32>
          %mul3A_501 = arith.mulf %gather3A_485, %sub3A_500 : vector<16xf32>
          %add3A_502 = arith.addf %gather3A_482, %mul3A_501 : vector<16xf32>
          %sub3A_503 = arith.constant 4.000000e-01 : f32
          %sub3A_504 = vector.broadcast %sub3A_503 : f32 to vector<16xf32>
          %sub3A_505 = arith.subf %sub3A_504, %min3A_479 : vector<16xf32>
          %max3A_506 = arith.constant 0.000000e+00 : f32
          %max3A_507 = vector.broadcast %max3A_506 : f32 to vector<16xf32>
          %max3A_508 = arith.maximumf %sub3A_505, %max3A_507 : vector<16xf32>
          %mul3A_509 = arith.mulf %gather3A_488, %max3A_508 : vector<16xf32>
          %add3A_510 = arith.addf %add3A_502, %mul3A_509 : vector<16xf32>
          %sub3A_511 = arith.constant 5.000000e-01 : f32
          %sub3A_512 = vector.broadcast %sub3A_511 : f32 to vector<16xf32>
          %sub3A_513 = arith.subf %sub3A_512, %min3A_479 : vector<16xf32>
          %max3A_514 = arith.constant 0.000000e+00 : f32
          %max3A_515 = vector.broadcast %max3A_514 : f32 to vector<16xf32>
          %max3A_516 = arith.maximumf %sub3A_513, %max3A_515 : vector<16xf32>
          %mul3A_517 = arith.mulf %gather3A_491, %max3A_516 : vector<16xf32>
          %add3A_518 = arith.addf %add3A_510, %mul3A_517 : vector<16xf32>
          %sub3A_519 = arith.constant 6.000000e-01 : f32
          %sub3A_520 = vector.broadcast %sub3A_519 : f32 to vector<16xf32>
          %sub3A_521 = arith.subf %sub3A_520, %min3A_479 : vector<16xf32>
          %max3A_522 = arith.constant 0.000000e+00 : f32
          %max3A_523 = vector.broadcast %max3A_522 : f32 to vector<16xf32>
          %max3A_524 = arith.maximumf %sub3A_521, %max3A_523 : vector<16xf32>
          %mul3A_525 = arith.mulf %gather3A_494, %max3A_524 : vector<16xf32>
          %add3A_526 = arith.addf %add3A_518, %mul3A_525 : vector<16xf32>
          %sub3A_527 = arith.constant 0.699999988 : f32
          %sub3A_528 = vector.broadcast %sub3A_527 : f32 to vector<16xf32>
          %sub3A_529 = arith.subf %sub3A_528, %min3A_479 : vector<16xf32>
          %max3A_530 = arith.constant 0.000000e+00 : f32
          %max3A_531 = vector.broadcast %max3A_530 : f32 to vector<16xf32>
          %max3A_532 = arith.maximumf %sub3A_529, %max3A_531 : vector<16xf32>
          %mul3A_533 = arith.mulf %gather3A_497, %max3A_532 : vector<16xf32>
          %add3A_534 = arith.addf %add3A_526, %mul3A_533 : vector<16xf32>
          %swap3A_535 = arith.constant 1 : i32
          %swap3A_536 = arith.index_cast %swap3A_535 : i32 to index
          %swap3A_537 = arith.index_cast %mul3A_467 : i32 to index
          %swap3A_538 = tpu.vector_load %arg20[%swap3A_536, %swap3A_537] {strides = array<i32>} : memref<2x2048xf32, #tpu.memory_space<vmem>>, vector<16xf32>,
          tpu.vector_store %arg20[%swap3A_536, %swap3A_537], %add3A_534 {strides = array<i32>} : memref<2x2048xf32, #tpu.memory_space<vmem>>, vector<16xf32>,
          %scan3A_539 = arith.constant 0 : i32
          scf.yield %scan3A_539 : i32
        }
        %scan3A_369 = arith.constant 128 : i32
        %mul3A_370 = arith.constant 32 : i32
        %mul3A_371 = arith.muli %add3A_344, %mul3A_370 : i32
        %add3A_372 = arith.addi %add3A, %mul3A_371 : i32
        %mul3A_373 = arith.constant 2048 : i32
        %mul3A_374 = arith.muli %add3A_372, %mul3A_373 : i32
        %min3A_375 = arith.constant 997952 : i32
        %min3A_376 = arith.minsi %mul3A_374, %min3A_375 : i32
        %multiple_of3A_377 = tpu.assume_multiple %min3A_376, 64 : i32
        %dma_start3A_378 = arith.constant 1 : i32
        %dma_start3A_379 = arith.constant 0 : i32
        %dma_start3A_380 = tpu.memref_slice %arg20[%dma_start3A_378, %dma_start3A_379] : memref<2x2048xf32, #tpu.memory_space<vmem>> -> memref<1x2048xf32, #tpu.memory_space<vmem>>
        %dma_start3A_381 = tpu.memref_squeeze %dma_start3A_380 : memref<1x2048xf32, #tpu.memory_space<vmem>> -> memref<2048xf32, #tpu.memory_space<vmem>>
        %dma_start3A_382 = tpu.memref_slice %arg11[%multiple_of3A_377] : memref<1000000xf32, #tpu.memory_space<hbm>> -> memref<2048xf32, #tpu.memory_space<hbm>>
        %dma_start3A_383 = tpu.memref_slice %arg11[%multiple_of3A_377] : memref<1000000xf32, #tpu.memory_space<hbm>> -> memref<2048xf32, #tpu.memory_space<hbm>>
        %dma_start3A_384 = arith.constant 0 : i32
        %dma_start3A_385 = tpu.memref_slice %arg20[%dma_start3A_378, %dma_start3A_384] : memref<2x2048xf32, #tpu.memory_space<vmem>> -> memref<1x2048xf32, #tpu.memory_space<vmem>>
        %dma_start3A_386 = tpu.memref_squeeze %dma_start3A_385 : memref<1x2048xf32, #tpu.memory_space<vmem>> -> memref<2048xf32, #tpu.memory_space<vmem>>
        tpu.enqueue_dma source(%dma_start3A_386 : memref<2048xf32, #tpu.memory_space<vmem>>) target(%dma_start3A_383 : memref<2048xf32, #tpu.memory_space<hbm>>) target_semaphore(%arg24 : memref<!tpu.dma_semaphore, #tpu.memory_space<semaphore_mem>>)
        %add3A_387 = arith.constant 2 : i32
        %add3A_388 = arith.addi %add3A_344, %add3A_387 : i32
        %lt3A_389 = arith.cmpi slt, %add3A_388, %select_n3A_180 : i32
        %convert_element_type3A_390 = arith.extui %lt3A_389 : i1 to i32
        %cond3A_391 = arith.constant 0 : i32
        %cond3A_392 = arith.cmpi ne, %convert_element_type3A_390, %cond3A_391 : i32
        scf.if %cond3A_392 {
          %add3A_393 = arith.constant 2 : i32
          %add3A_394 = arith.addi %add3A_344, %add3A_393 : i32
          %mul3A_395 = arith.constant 32 : i32
          %mul3A_396 = arith.muli %add3A_394, %mul3A_395 : i32
          %add3A_397 = arith.addi %add3A, %mul3A_396 : i32
          %mul3A_398 = arith.constant 2048 : i32
          %mul3A_399 = arith.muli %add3A_397, %mul3A_398 : i32
          %min3A_400 = arith.constant 997952 : i32
          %min3A_401 = arith.minsi %mul3A_399, %min3A_400 : i32
          %multiple_of3A_402 = tpu.assume_multiple %min3A_401, 64 : i32
          %dma_start3A_403 = arith.constant 1 : i32
          %dma_start3A_404 = arith.constant 0 : i32
          %dma_start3A_405 = tpu.memref_slice %arg13[%dma_start3A_403, %dma_start3A_404] : memref<2x2048xi32, #tpu.memory_space<vmem>> -> memref<1x2048xi32, #tpu.memory_space<vmem>>
          %dma_start3A_406 = tpu.memref_squeeze %dma_start3A_405 : memref<1x2048xi32, #tpu.memory_space<vmem>> -> memref<2048xi32, #tpu.memory_space<vmem>>
          %dma_start3A_407 = tpu.memref_slice %arg3[%multiple_of3A_402] : memref<1000000xi32, #tpu.memory_space<hbm>> -> memref<2048xi32, #tpu.memory_space<hbm>>
          %dma_start3A_408 = arith.constant 0 : i32
          %dma_start3A_409 = tpu.memref_slice %arg13[%dma_start3A_403, %dma_start3A_408] : memref<2x2048xi32, #tpu.memory_space<vmem>> -> memref<1x2048xi32, #tpu.memory_space<vmem>>
          %dma_start3A_410 = tpu.memref_squeeze %dma_start3A_409 : memref<1x2048xi32, #tpu.memory_space<vmem>> -> memref<2048xi32, #tpu.memory_space<vmem>>
          %dma_start3A_411 = tpu.memref_slice %arg3[%multiple_of3A_402] : memref<1000000xi32, #tpu.memory_space<hbm>> -> memref<2048xi32, #tpu.memory_space<hbm>>
          tpu.enqueue_dma source(%dma_start3A_411 : memref<2048xi32, #tpu.memory_space<hbm>>) target(%dma_start3A_410 : memref<2048xi32, #tpu.memory_space<vmem>>) target_semaphore(%arg21 : memref<!tpu.dma_semaphore, #tpu.memory_space<semaphore_mem>>)
          %dma_start3A_412 = arith.constant 1 : i32
          %dma_start3A_413 = arith.constant 0 : i32
          %dma_start3A_414 = tpu.memref_slice %arg14[%dma_start3A_412, %dma_start3A_413] : memref<2x2048xi32, #tpu.memory_space<vmem>> -> memref<1x2048xi32, #tpu.memory_space<vmem>>
          %dma_start3A_415 = tpu.memref_squeeze %dma_start3A_414 : memref<1x2048xi32, #tpu.memory_space<vmem>> -> memref<2048xi32, #tpu.memory_space<vmem>>
          %dma_start3A_416 = tpu.memref_slice %arg4[%multiple_of3A_402] : memref<1000000xi32, #tpu.memory_space<hbm>> -> memref<2048xi32, #tpu.memory_space<hbm>>
          %dma_start3A_417 = arith.constant 0 : i32
          %dma_start3A_418 = tpu.memref_slice %arg14[%dma_start3A_412, %dma_start3A_417] : memref<2x2048xi32, #tpu.memory_space<vmem>> -> memref<1x2048xi32, #tpu.memory_space<vmem>>
          %dma_start3A_419 = tpu.memref_squeeze %dma_start3A_418 : memref<1x2048xi32, #tpu.memory_space<vmem>> -> memref<2048xi32, #tpu.memory_space<vmem>>
          %dma_start3A_420 = tpu.memref_slice %arg4[%multiple_of3A_402] : memref<1000000xi32, #tpu.memory_space<hbm>> -> memref<2048xi32, #tpu.memory_space<hbm>>
          tpu.enqueue_dma source(%dma_start3A_420 : memref<2048xi32, #tpu.memory_space<hbm>>) target(%dma_start3A_419 : memref<2048xi32, #tpu.memory_space<vmem>>) target_semaphore(%arg21 : memref<!tpu.dma_semaphore, #tpu.memory_space<semaphore_mem>>)
          %dma_start3A_421 = arith.constant 1 : i32
          %dma_start3A_422 = arith.constant 0 : i32
          %dma_start3A_423 = tpu.memref_slice %arg15[%dma_start3A_421, %dma_start3A_422] : memref<2x2048xf32, #tpu.memory_space<vmem>> -> memref<1x2048xf32, #tpu.memory_space<vmem>>
          %dma_start3A_424 = tpu.memref_squeeze %dma_start3A_423 : memref<1x2048xf32, #tpu.memory_space<vmem>> -> memref<2048xf32, #tpu.memory_space<vmem>>
          %dma_start3A_425 = tpu.memref_slice %arg2[%multiple_of3A_402] : memref<1000000xf32, #tpu.memory_space<hbm>> -> memref<2048xf32, #tpu.memory_space<hbm>>
          %dma_start3A_426 = arith.constant 0 : i32
          %dma_start3A_427 = tpu.memref_slice %arg15[%dma_start3A_421, %dma_start3A_426] : memref<2x2048xf32, #tpu.memory_space<vmem>> -> memref<1x2048xf32, #tpu.memory_space<vmem>>
          %dma_start3A_428 = tpu.memref_squeeze %dma_start3A_427 : memref<1x2048xf32, #tpu.memory_space<vmem>> -> memref<2048xf32, #tpu.memory_space<vmem>>
          %dma_start3A_429 = tpu.memref_slice %arg2[%multiple_of3A_402] : memref<1000000xf32, #tpu.memory_space<hbm>> -> memref<2048xf32, #tpu.memory_space<hbm>>
          tpu.enqueue_dma source(%dma_start3A_429 : memref<2048xf32, #tpu.memory_space<hbm>>) target(%dma_start3A_428 : memref<2048xf32, #tpu.memory_space<vmem>>) target_semaphore(%arg21 : memref<!tpu.dma_semaphore, #tpu.memory_space<semaphore_mem>>)
        } else {
        }
      } else {
      }
      %while3A_342 = arith.constant 0 : i32
      scf.yield %while3A_342 : i32
    }
    %while3A_301 = arith.constant 1 : i32
    %while3A_302 = scf.for %while3A_329 = %while3A_298 to %while3A_294 step %while3A_301 iter_args(%while3A_330 = %while3A_300) -> (i32)  : i32 {
      %mul3A_331 = arith.constant 2 : i32
      %mul3A_332 = arith.muli %while3A_329, %mul3A_331 : i32
      %lt3A = arith.cmpi slt, %mul3A_332, %select_n3A_180 : i32
      %convert_element_type3A_333 = arith.extui %lt3A : i1 to i32
      %cond3A_334 = arith.constant 0 : i32
      %cond3A_335 = arith.cmpi ne, %convert_element_type3A_333, %cond3A_334 : i32
      scf.if %cond3A_335 {
        %add3A_343 = arith.constant 1 : i32
        %add3A_344 = arith.addi %mul3A_332, %add3A_343 : i32
        %lt3A_345 = arith.cmpi slt, %add3A_344, %select_n3A_180 : i32
        %convert_element_type3A_346 = arith.extui %lt3A_345 : i1 to i32
        %cond3A_347 = arith.constant 0 : i32
        %cond3A_348 = arith.cmpi ne, %convert_element_type3A_346, %cond3A_347 : i32
        scf.if %cond3A_348 {
          %add3A_391 = arith.constant 1 : i32
          %add3A_392 = arith.addi %mul3A_332, %add3A_391 : i32
          %mul3A_393 = arith.constant 32 : i32
          %mul3A_394 = arith.muli %add3A_392, %mul3A_393 : i32
          %add3A_395 = arith.addi %add3A, %mul3A_394 : i32
          %mul3A_396 = arith.constant 2048 : i32
          %mul3A_397 = arith.muli %add3A_395, %mul3A_396 : i32
          %min3A_398 = arith.constant 997952 : i32
          %min3A_399 = arith.minsi %mul3A_397, %min3A_398 : i32
          %multiple_of3A_400 = tpu.assume_multiple %min3A_399, 64 : i32
          %dma_wait3A_401 = arith.constant 1 : i32
          %dma_wait3A_402 = arith.constant 0 : i32
          %dma_wait3A_403 = tpu.memref_slice %arg13[%dma_wait3A_401, %dma_wait3A_402] : memref<2x2048xi32, #tpu.memory_space<vmem>> -> memref<1x2048xi32, #tpu.memory_space<vmem>>
          %dma_wait3A_404 = tpu.memref_squeeze %dma_wait3A_403 : memref<1x2048xi32, #tpu.memory_space<vmem>> -> memref<2048xi32, #tpu.memory_space<vmem>>
          %dma_wait3A_405 = tpu.memref_slice %arg3[%multiple_of3A_400] : memref<1000000xi32, #tpu.memory_space<hbm>> -> memref<2048xi32, #tpu.memory_space<hbm>>
          %dma_wait3A_406 = arith.constant 0 : i32
          %dma_wait3A_407 = tpu.memref_slice %arg13[%dma_wait3A_401, %dma_wait3A_406] : memref<2x2048xi32, #tpu.memory_space<vmem>> -> memref<1x2048xi32, #tpu.memory_space<vmem>>
          %dma_wait3A_408 = tpu.memref_squeeze %dma_wait3A_407 : memref<1x2048xi32, #tpu.memory_space<vmem>> -> memref<2048xi32, #tpu.memory_space<vmem>>
          %dma_wait3A_409 = tpu.memref_slice %arg3[%multiple_of3A_400] : memref<1000000xi32, #tpu.memory_space<hbm>> -> memref<2048xi32, #tpu.memory_space<hbm>>
          tpu.wait_dma2 semaphore(%arg21 : memref<!tpu.dma_semaphore, #tpu.memory_space<semaphore_mem>>) src(%dma_wait3A_409 : memref<2048xi32, #tpu.memory_space<hbm>>) dst(%dma_wait3A_408 : memref<2048xi32, #tpu.memory_space<vmem>>)
          %dma_wait3A_410 = arith.constant 1 : i32
          %dma_wait3A_411 = arith.constant 0 : i32
          %dma_wait3A_412 = tpu.memref_slice %arg14[%dma_wait3A_410, %dma_wait3A_411] : memref<2x2048xi32, #tpu.memory_space<vmem>> -> memref<1x2048xi32, #tpu.memory_space<vmem>>
          %dma_wait3A_413 = tpu.memref_squeeze %dma_wait3A_412 : memref<1x2048xi32, #tpu.memory_space<vmem>> -> memref<2048xi32, #tpu.memory_space<vmem>>
          %dma_wait3A_414 = tpu.memref_slice %arg4[%multiple_of3A_400] : memref<1000000xi32, #tpu.memory_space<hbm>> -> memref<2048xi32, #tpu.memory_space<hbm>>
          %dma_wait3A_415 = arith.constant 0 : i32
          %dma_wait3A_416 = tpu.memref_slice %arg14[%dma_wait3A_410, %dma_wait3A_415] : memref<2x2048xi32, #tpu.memory_space<vmem>> -> memref<1x2048xi32, #tpu.memory_space<vmem>>
          %dma_wait3A_417 = tpu.memref_squeeze %dma_wait3A_416 : memref<1x2048xi32, #tpu.memory_space<vmem>> -> memref<2048xi32, #tpu.memory_space<vmem>>
          %dma_wait3A_418 = tpu.memref_slice %arg4[%multiple_of3A_400] : memref<1000000xi32, #tpu.memory_space<hbm>> -> memref<2048xi32, #tpu.memory_space<hbm>>
          tpu.wait_dma2 semaphore(%arg21 : memref<!tpu.dma_semaphore, #tpu.memory_space<semaphore_mem>>) src(%dma_wait3A_418 : memref<2048xi32, #tpu.memory_space<hbm>>) dst(%dma_wait3A_417 : memref<2048xi32, #tpu.memory_space<vmem>>)
          %dma_wait3A_419 = arith.constant 1 : i32
          %dma_wait3A_420 = arith.constant 0 : i32
          %dma_wait3A_421 = tpu.memref_slice %arg15[%dma_wait3A_419, %dma_wait3A_420] : memref<2x2048xf32, #tpu.memory_space<vmem>> -> memref<1x2048xf32, #tpu.memory_space<vmem>>
          %dma_wait3A_422 = tpu.memref_squeeze %dma_wait3A_421 : memref<1x2048xf32, #tpu.memory_space<vmem>> -> memref<2048xf32, #tpu.memory_space<vmem>>
          %dma_wait3A_423 = tpu.memref_slice %arg2[%multiple_of3A_400] : memref<1000000xf32, #tpu.memory_space<hbm>> -> memref<2048xf32, #tpu.memory_space<hbm>>
          %dma_wait3A_424 = arith.constant 0 : i32
          %dma_wait3A_425 = tpu.memref_slice %arg15[%dma_wait3A_419, %dma_wait3A_424] : memref<2x2048xf32, #tpu.memory_space<vmem>> -> memref<1x2048xf32, #tpu.memory_space<vmem>>
          %dma_wait3A_426 = tpu.memref_squeeze %dma_wait3A_425 : memref<1x2048xf32, #tpu.memory_space<vmem>> -> memref<2048xf32, #tpu.memory_space<vmem>>
          %dma_wait3A_427 = tpu.memref_slice %arg2[%multiple_of3A_400] : memref<1000000xf32, #tpu.memory_space<hbm>> -> memref<2048xf32, #tpu.memory_space<hbm>>
          tpu.wait_dma2 semaphore(%arg21 : memref<!tpu.dma_semaphore, #tpu.memory_space<semaphore_mem>>) src(%dma_wait3A_427 : memref<2048xf32, #tpu.memory_space<hbm>>) dst(%dma_wait3A_426 : memref<2048xf32, #tpu.memory_space<vmem>>)
          %scan3A_428 = arith.constant 0 : i32
          %scan3A_429 = arith.constant 0 : i32
          %scan3A_430 = arith.constant 16 : i32
          %scan3A_431 = arith.addi %scan3A_429, %scan3A_430 : i32
          %scan3A_432 = arith.constant 1 : i32
          %scan3A_433 = scf.for %scan3A_442 = %scan3A_429 to %scan3A_431 step %scan3A_432 iter_args(%scan3A_443 = %scan3A_428) -> (i32)  : i32 {
            %mul3A_444 = arith.constant 8 : i32
            %mul3A_445 = arith.muli %scan3A_442, %mul3A_444 : i32
            %add3A_446 = arith.constant 0 : i32
            %add3A_447 = arith.addi %mul3A_445, %add3A_446 : i32
            %mul3A_448 = arith.constant 16 : i32
            %mul3A_449 = arith.muli %add3A_447, %mul3A_448 : i32
            %get3A = arith.constant 1 : i32
            %get3A_450 = arith.index_cast %get3A : i32 to index
            %get3A_451 = arith.index_cast %mul3A_449 : i32 to index
            %get3A_452 = tpu.vector_load %arg13[%get3A_450, %get3A_451] {strides = array<i32>} : memref<2x2048xi32, #tpu.memory_space<vmem>>, vector<16xi32>,
            %get3A_453 = arith.constant 1 : i32
            %get3A_454 = arith.index_cast %get3A_453 : i32 to index
            %get3A_455 = arith.index_cast %mul3A_449 : i32 to index
            %get3A_456 = tpu.vector_load %arg14[%get3A_454, %get3A_455] {strides = array<i32>} : memref<2x2048xi32, #tpu.memory_space<vmem>>, vector<16xi32>,
            %mul3A_457 = arith.constant 500 : i32
            %mul3A_458 = vector.broadcast %mul3A_457 : i32 to vector<16xi32>
            %mul3A_459 = arith.muli %get3A_452, %mul3A_458 : vector<16xi32>
            %add3A_460 = arith.addi %mul3A_459, %get3A_456 : vector<16xi32>
            %add3A_461 = vector.broadcast %mul3A_2 : i32 to vector<16xi32>
            %add3A_462 = arith.addi %add3A_460, %add3A_461 : vector<16xi32>
            %swap3A = arith.constant 1 : i32
            %swap3A_463 = arith.index_cast %swap3A : i32 to index
            %swap3A_464 = arith.index_cast %mul3A_449 : i32 to index
            %swap3A_465 = tpu.vector_load %arg16[%swap3A_463, %swap3A_464] {strides = array<i32>} : memref<2x2048xi32, #tpu.memory_space<vmem>>, vector<16xi32>,
            tpu.vector_store %arg16[%swap3A_463, %swap3A_464], %add3A_462 {strides = array<i32>} : memref<2x2048xi32, #tpu.memory_space<vmem>>, vector<16xi32>,
            %mul3A_466 = arith.constant 8 : i32
            %mul3A_467 = arith.muli %scan3A_442, %mul3A_466 : i32
            %add3A_468 = arith.constant 1 : i32
            %add3A_469 = arith.addi %mul3A_467, %add3A_468 : i32
            %mul3A_470 = arith.constant 16 : i32
            %mul3A_471 = arith.muli %add3A_469, %mul3A_470 : i32
            %get3A_472 = arith.constant 1 : i32
            %get3A_473 = arith.index_cast %get3A_472 : i32 to index
            %get3A_474 = arith.index_cast %mul3A_471 : i32 to index
            %get3A_475 = tpu.vector_load %arg13[%get3A_473, %get3A_474] {strides = array<i32>} : memref<2x2048xi32, #tpu.memory_space<vmem>>, vector<16xi32>,
            %get3A_476 = arith.constant 1 : i32
            %get3A_477 = arith.index_cast %get3A_476 : i32 to index
            %get3A_478 = arith.index_cast %mul3A_471 : i32 to index
            %get3A_479 = tpu.vector_load %arg14[%get3A_477, %get3A_478] {strides = array<i32>} : memref<2x2048xi32, #tpu.memory_space<vmem>>, vector<16xi32>,
            %mul3A_480 = arith.constant 500 : i32
            %mul3A_481 = vector.broadcast %mul3A_480 : i32 to vector<16xi32>
            %mul3A_482 = arith.muli %get3A_475, %mul3A_481 : vector<16xi32>
            %add3A_483 = arith.addi %mul3A_482, %get3A_479 : vector<16xi32>
            %add3A_484 = vector.broadcast %mul3A_2 : i32 to vector<16xi32>
            %add3A_485 = arith.addi %add3A_483, %add3A_484 : vector<16xi32>
            %swap3A_486 = arith.constant 1 : i32
            %swap3A_487 = arith.index_cast %swap3A_486 : i32 to index
            %swap3A_488 = arith.index_cast %mul3A_471 : i32 to index
            %swap3A_489 = tpu.vector_load %arg16[%swap3A_487, %swap3A_488] {strides = array<i32>} : memref<2x2048xi32, #tpu.memory_space<vmem>>, vector<16xi32>,
            tpu.vector_store %arg16[%swap3A_487, %swap3A_488], %add3A_485 {strides = array<i32>} : memref<2x2048xi32, #tpu.memory_space<vmem>>, vector<16xi32>,
            %mul3A_490 = arith.constant 8 : i32
            %mul3A_491 = arith.muli %scan3A_442, %mul3A_490 : i32
            %add3A_492 = arith.constant 2 : i32
            %add3A_493 = arith.addi %mul3A_491, %add3A_492 : i32
            %mul3A_494 = arith.constant 16 : i32
            %mul3A_495 = arith.muli %add3A_493, %mul3A_494 : i32
            %get3A_496 = arith.constant 1 : i32
            %get3A_497 = arith.index_cast %get3A_496 : i32 to index
            %get3A_498 = arith.index_cast %mul3A_495 : i32 to index
            %get3A_499 = tpu.vector_load %arg13[%get3A_497, %get3A_498] {strides = array<i32>} : memref<2x2048xi32, #tpu.memory_space<vmem>>, vector<16xi32>,
            %get3A_500 = arith.constant 1 : i32
            %get3A_501 = arith.index_cast %get3A_500 : i32 to index
            %get3A_502 = arith.index_cast %mul3A_495 : i32 to index
            %get3A_503 = tpu.vector_load %arg14[%get3A_501, %get3A_502] {strides = array<i32>} : memref<2x2048xi32, #tpu.memory_space<vmem>>, vector<16xi32>,
            %mul3A_504 = arith.constant 500 : i32
            %mul3A_505 = vector.broadcast %mul3A_504 : i32 to vector<16xi32>
            %mul3A_506 = arith.muli %get3A_499, %mul3A_505 : vector<16xi32>
            %add3A_507 = arith.addi %mul3A_506, %get3A_503 : vector<16xi32>
            %add3A_508 = vector.broadcast %mul3A_2 : i32 to vector<16xi32>
            %add3A_509 = arith.addi %add3A_507, %add3A_508 : vector<16xi32>
            %swap3A_510 = arith.constant 1 : i32
            %swap3A_511 = arith.index_cast %swap3A_510 : i32 to index
            %swap3A_512 = arith.index_cast %mul3A_495 : i32 to index
            %swap3A_513 = tpu.vector_load %arg16[%swap3A_511, %swap3A_512] {strides = array<i32>} : memref<2x2048xi32, #tpu.memory_space<vmem>>, vector<16xi32>,
            tpu.vector_store %arg16[%swap3A_511, %swap3A_512], %add3A_509 {strides = array<i32>} : memref<2x2048xi32, #tpu.memory_space<vmem>>, vector<16xi32>,
            %mul3A_514 = arith.constant 8 : i32
            %mul3A_515 = arith.muli %scan3A_442, %mul3A_514 : i32
            %add3A_516 = arith.constant 3 : i32
            %add3A_517 = arith.addi %mul3A_515, %add3A_516 : i32
            %mul3A_518 = arith.constant 16 : i32
            %mul3A_519 = arith.muli %add3A_517, %mul3A_518 : i32
            %get3A_520 = arith.constant 1 : i32
            %get3A_521 = arith.index_cast %get3A_520 : i32 to index
            %get3A_522 = arith.index_cast %mul3A_519 : i32 to index
            %get3A_523 = tpu.vector_load %arg13[%get3A_521, %get3A_522] {strides = array<i32>} : memref<2x2048xi32, #tpu.memory_space<vmem>>, vector<16xi32>,
            %get3A_524 = arith.constant 1 : i32
            %get3A_525 = arith.index_cast %get3A_524 : i32 to index
            %get3A_526 = arith.index_cast %mul3A_519 : i32 to index
            %get3A_527 = tpu.vector_load %arg14[%get3A_525, %get3A_526] {strides = array<i32>} : memref<2x2048xi32, #tpu.memory_space<vmem>>, vector<16xi32>,
            %mul3A_528 = arith.constant 500 : i32
            %mul3A_529 = vector.broadcast %mul3A_528 : i32 to vector<16xi32>
            %mul3A_530 = arith.muli %get3A_523, %mul3A_529 : vector<16xi32>
            %add3A_531 = arith.addi %mul3A_530, %get3A_527 : vector<16xi32>
            %add3A_532 = vector.broadcast %mul3A_2 : i32 to vector<16xi32>
            %add3A_533 = arith.addi %add3A_531, %add3A_532 : vector<16xi32>
            %swap3A_534 = arith.constant 1 : i32
            %swap3A_535 = arith.index_cast %swap3A_534 : i32 to index
            %swap3A_536 = arith.index_cast %mul3A_519 : i32 to index
            %swap3A_537 = tpu.vector_load %arg16[%swap3A_535, %swap3A_536] {strides = array<i32>} : memref<2x2048xi32, #tpu.memory_space<vmem>>, vector<16xi32>,
            tpu.vector_store %arg16[%swap3A_535, %swap3A_536], %add3A_533 {strides = array<i32>} : memref<2x2048xi32, #tpu.memory_space<vmem>>, vector<16xi32>,
            %mul3A_538 = arith.constant 8 : i32
            %mul3A_539 = arith.muli %scan3A_442, %mul3A_538 : i32
            %add3A_540 = arith.constant 4 : i32
            %add3A_541 = arith.addi %mul3A_539, %add3A_540 : i32
            %mul3A_542 = arith.constant 16 : i32
            %mul3A_543 = arith.muli %add3A_541, %mul3A_542 : i32
            %get3A_544 = arith.constant 1 : i32
            %get3A_545 = arith.index_cast %get3A_544 : i32 to index
            %get3A_546 = arith.index_cast %mul3A_543 : i32 to index
            %get3A_547 = tpu.vector_load %arg13[%get3A_545, %get3A_546] {strides = array<i32>} : memref<2x2048xi32, #tpu.memory_space<vmem>>, vector<16xi32>,
            %get3A_548 = arith.constant 1 : i32
            %get3A_549 = arith.index_cast %get3A_548 : i32 to index
            %get3A_550 = arith.index_cast %mul3A_543 : i32 to index
            %get3A_551 = tpu.vector_load %arg14[%get3A_549, %get3A_550] {strides = array<i32>} : memref<2x2048xi32, #tpu.memory_space<vmem>>, vector<16xi32>,
            %mul3A_552 = arith.constant 500 : i32
            %mul3A_553 = vector.broadcast %mul3A_552 : i32 to vector<16xi32>
            %mul3A_554 = arith.muli %get3A_547, %mul3A_553 : vector<16xi32>
            %add3A_555 = arith.addi %mul3A_554, %get3A_551 : vector<16xi32>
            %add3A_556 = vector.broadcast %mul3A_2 : i32 to vector<16xi32>
            %add3A_557 = arith.addi %add3A_555, %add3A_556 : vector<16xi32>
            %swap3A_558 = arith.constant 1 : i32
            %swap3A_559 = arith.index_cast %swap3A_558 : i32 to index
            %swap3A_560 = arith.index_cast %mul3A_543 : i32 to index
            %swap3A_561 = tpu.vector_load %arg16[%swap3A_559, %swap3A_560] {strides = array<i32>} : memref<2x2048xi32, #tpu.memory_space<vmem>>, vector<16xi32>,
            tpu.vector_store %arg16[%swap3A_559, %swap3A_560], %add3A_557 {strides = array<i32>} : memref<2x2048xi32, #tpu.memory_space<vmem>>, vector<16xi32>,
            %mul3A_562 = arith.constant 8 : i32
            %mul3A_563 = arith.muli %scan3A_442, %mul3A_562 : i32
            %add3A_564 = arith.constant 5 : i32
            %add3A_565 = arith.addi %mul3A_563, %add3A_564 : i32
            %mul3A_566 = arith.constant 16 : i32
            %mul3A_567 = arith.muli %add3A_565, %mul3A_566 : i32
            %get3A_568 = arith.constant 1 : i32
            %get3A_569 = arith.index_cast %get3A_568 : i32 to index
            %get3A_570 = arith.index_cast %mul3A_567 : i32 to index
            %get3A_571 = tpu.vector_load %arg13[%get3A_569, %get3A_570] {strides = array<i32>} : memref<2x2048xi32, #tpu.memory_space<vmem>>, vector<16xi32>,
            %get3A_572 = arith.constant 1 : i32
            %get3A_573 = arith.index_cast %get3A_572 : i32 to index
            %get3A_574 = arith.index_cast %mul3A_567 : i32 to index
            %get3A_575 = tpu.vector_load %arg14[%get3A_573, %get3A_574] {strides = array<i32>} : memref<2x2048xi32, #tpu.memory_space<vmem>>, vector<16xi32>,
            %mul3A_576 = arith.constant 500 : i32
            %mul3A_577 = vector.broadcast %mul3A_576 : i32 to vector<16xi32>
            %mul3A_578 = arith.muli %get3A_571, %mul3A_577 : vector<16xi32>
            %add3A_579 = arith.addi %mul3A_578, %get3A_575 : vector<16xi32>
            %add3A_580 = vector.broadcast %mul3A_2 : i32 to vector<16xi32>
            %add3A_581 = arith.addi %add3A_579, %add3A_580 : vector<16xi32>
            %swap3A_582 = arith.constant 1 : i32
            %swap3A_583 = arith.index_cast %swap3A_582 : i32 to index
            %swap3A_584 = arith.index_cast %mul3A_567 : i32 to index
            %swap3A_585 = tpu.vector_load %arg16[%swap3A_583, %swap3A_584] {strides = array<i32>} : memref<2x2048xi32, #tpu.memory_space<vmem>>, vector<16xi32>,
            tpu.vector_store %arg16[%swap3A_583, %swap3A_584], %add3A_581 {strides = array<i32>} : memref<2x2048xi32, #tpu.memory_space<vmem>>, vector<16xi32>,
            %mul3A_586 = arith.constant 8 : i32
            %mul3A_587 = arith.muli %scan3A_442, %mul3A_586 : i32
            %add3A_588 = arith.constant 6 : i32
            %add3A_589 = arith.addi %mul3A_587, %add3A_588 : i32
            %mul3A_590 = arith.constant 16 : i32
            %mul3A_591 = arith.muli %add3A_589, %mul3A_590 : i32
            %get3A_592 = arith.constant 1 : i32
            %get3A_593 = arith.index_cast %get3A_592 : i32 to index
            %get3A_594 = arith.index_cast %mul3A_591 : i32 to index
            %get3A_595 = tpu.vector_load %arg13[%get3A_593, %get3A_594] {strides = array<i32>} : memref<2x2048xi32, #tpu.memory_space<vmem>>, vector<16xi32>,
            %get3A_596 = arith.constant 1 : i32
            %get3A_597 = arith.index_cast %get3A_596 : i32 to index
            %get3A_598 = arith.index_cast %mul3A_591 : i32 to index
            %get3A_599 = tpu.vector_load %arg14[%get3A_597, %get3A_598] {strides = array<i32>} : memref<2x2048xi32, #tpu.memory_space<vmem>>, vector<16xi32>,
            %mul3A_600 = arith.constant 500 : i32
            %mul3A_601 = vector.broadcast %mul3A_600 : i32 to vector<16xi32>
            %mul3A_602 = arith.muli %get3A_595, %mul3A_601 : vector<16xi32>
            %add3A_603 = arith.addi %mul3A_602, %get3A_599 : vector<16xi32>
            %add3A_604 = vector.broadcast %mul3A_2 : i32 to vector<16xi32>
            %add3A_605 = arith.addi %add3A_603, %add3A_604 : vector<16xi32>
            %swap3A_606 = arith.constant 1 : i32
            %swap3A_607 = arith.index_cast %swap3A_606 : i32 to index
            %swap3A_608 = arith.index_cast %mul3A_591 : i32 to index
            %swap3A_609 = tpu.vector_load %arg16[%swap3A_607, %swap3A_608] {strides = array<i32>} : memref<2x2048xi32, #tpu.memory_space<vmem>>, vector<16xi32>,
            tpu.vector_store %arg16[%swap3A_607, %swap3A_608], %add3A_605 {strides = array<i32>} : memref<2x2048xi32, #tpu.memory_space<vmem>>, vector<16xi32>,
            %mul3A_610 = arith.constant 8 : i32
            %mul3A_611 = arith.muli %scan3A_442, %mul3A_610 : i32
            %add3A_612 = arith.constant 7 : i32
            %add3A_613 = arith.addi %mul3A_611, %add3A_612 : i32
            %mul3A_614 = arith.constant 16 : i32
            %mul3A_615 = arith.muli %add3A_613, %mul3A_614 : i32
            %get3A_616 = arith.constant 1 : i32
            %get3A_617 = arith.index_cast %get3A_616 : i32 to index
            %get3A_618 = arith.index_cast %mul3A_615 : i32 to index
            %get3A_619 = tpu.vector_load %arg13[%get3A_617, %get3A_618] {strides = array<i32>} : memref<2x2048xi32, #tpu.memory_space<vmem>>, vector<16xi32>,
            %get3A_620 = arith.constant 1 : i32
            %get3A_621 = arith.index_cast %get3A_620 : i32 to index
            %get3A_622 = arith.index_cast %mul3A_615 : i32 to index
            %get3A_623 = tpu.vector_load %arg14[%get3A_621, %get3A_622] {strides = array<i32>} : memref<2x2048xi32, #tpu.memory_space<vmem>>, vector<16xi32>,
            %mul3A_624 = arith.constant 500 : i32
            %mul3A_625 = vector.broadcast %mul3A_624 : i32 to vector<16xi32>
            %mul3A_626 = arith.muli %get3A_619, %mul3A_625 : vector<16xi32>
            %add3A_627 = arith.addi %mul3A_626, %get3A_623 : vector<16xi32>
            %add3A_628 = vector.broadcast %mul3A_2 : i32 to vector<16xi32>
            %add3A_629 = arith.addi %add3A_627, %add3A_628 : vector<16xi32>
            %swap3A_630 = arith.constant 1 : i32
            %swap3A_631 = arith.index_cast %swap3A_630 : i32 to index
            %swap3A_632 = arith.index_cast %mul3A_615 : i32 to index
            %swap3A_633 = tpu.vector_load %arg16[%swap3A_631, %swap3A_632] {strides = array<i32>} : memref<2x2048xi32, #tpu.memory_space<vmem>>, vector<16xi32>,
            tpu.vector_store %arg16[%swap3A_631, %swap3A_632], %add3A_629 {strides = array<i32>} : memref<2x2048xi32, #tpu.memory_space<vmem>>, vector<16xi32>,
            %scan3A_634 = arith.constant 0 : i32
            scf.yield %scan3A_634 : i32
          }
          %scan3A_434 = arith.constant 16 : i32
          %dma_start3A_435 = arith.constant 1 : i32
          %dma_start3A_436 = arith.constant 0 : i32
          %dma_start3A_437 = tpu.memref_slice %arg16[%dma_start3A_435, %dma_start3A_436] : memref<2x2048xi32, #tpu.memory_space<vmem>> -> memref<1x2048xi32, #tpu.memory_space<vmem>>
          %dma_start3A_438 = tpu.memref_squeeze %dma_start3A_437 : memref<1x2048xi32, #tpu.memory_space<vmem>> -> memref<2048xi32, #tpu.memory_space<vmem>>
          %dma_start3A_439 = arith.constant 0 : i32
          %dma_start3A_440 = arith.constant 0 : i32
          %dma_start3A_441 = tpu.memref_slice %arg12[%dma_start3A_439, %dma_start3A_440] : memref<2000000x8xf32, #tpu.memory_space<hbm>> -> memref<2000000x8xf32, #tpu.memory_space<hbm>>
          tpu.enqueue_indirect_dma source(%dma_start3A_441 : memref<2000000x8xf32, #tpu.memory_space<hbm>>) target(%arg19 : memref<2048x8xf32, #tpu.memory_space<vmem>>) offsets(%dma_start3A_438 : memref<2048xi32, #tpu.memory_space<vmem>>) semaphore(%arg23 : memref<!tpu.dma_semaphore, #tpu.memory_space<semaphore_mem>>)
        } else {
        }
        %dma_wait3A_349 = arith.constant 0 : i32
        %dma_wait3A_350 = arith.constant 0 : i32
        %dma_wait3A_351 = tpu.memref_slice %arg16[%dma_wait3A_349, %dma_wait3A_350] : memref<2x2048xi32, #tpu.memory_space<vmem>> -> memref<1x2048xi32, #tpu.memory_space<vmem>>
        %dma_wait3A_352 = tpu.memref_squeeze %dma_wait3A_351 : memref<1x2048xi32, #tpu.memory_space<vmem>> -> memref<2048xi32, #tpu.memory_space<vmem>>
        %dma_wait3A_353 = arith.constant 0 : i32
        %dma_wait3A_354 = arith.constant 0 : i32
        %dma_wait3A_355 = tpu.memref_slice %arg12[%dma_wait3A_353, %dma_wait3A_354] : memref<2000000x8xf32, #tpu.memory_space<hbm>> -> memref<2000000x8xf32, #tpu.memory_space<hbm>>
        tpu.wait_indirect_dma semaphore(%arg22 : memref<!tpu.dma_semaphore, #tpu.memory_space<semaphore_mem>>) src(%dma_wait3A_355 : memref<2000000x8xf32, #tpu.memory_space<hbm>>) dst(%arg18 : memref<2048x8xf32, #tpu.memory_space<vmem>>)
        %ge3A_356 = arith.constant 2 : i32
        %ge3A_357 = arith.cmpi sge, %mul3A_332, %ge3A_356 : i32
        %convert_element_type3A_358 = arith.extui %ge3A_357 : i1 to i32
        %cond3A_359 = arith.constant 0 : i32
        %cond3A_360 = arith.cmpi ne, %convert_element_type3A_358, %cond3A_359 : i32
        scf.if %cond3A_360 {
          %sub3A_391 = arith.constant 2 : i32
          %sub3A_392 = arith.subi %mul3A_332, %sub3A_391 : i32
          %mul3A_393 = arith.constant 32 : i32
          %mul3A_394 = arith.muli %sub3A_392, %mul3A_393 : i32
          %add3A_395 = arith.addi %add3A, %mul3A_394 : i32
          %mul3A_396 = arith.constant 2048 : i32
          %mul3A_397 = arith.muli %add3A_395, %mul3A_396 : i32
          %min3A_398 = arith.constant 997952 : i32
          %min3A_399 = arith.minsi %mul3A_397, %min3A_398 : i32
          %multiple_of3A_400 = tpu.assume_multiple %min3A_399, 64 : i32
          %dma_wait3A_401 = arith.constant 0 : i32
          %dma_wait3A_402 = arith.constant 0 : i32
          %dma_wait3A_403 = tpu.memref_slice %arg20[%dma_wait3A_401, %dma_wait3A_402] : memref<2x2048xf32, #tpu.memory_space<vmem>> -> memref<1x2048xf32, #tpu.memory_space<vmem>>
          %dma_wait3A_404 = tpu.memref_squeeze %dma_wait3A_403 : memref<1x2048xf32, #tpu.memory_space<vmem>> -> memref<2048xf32, #tpu.memory_space<vmem>>
          %dma_wait3A_405 = tpu.memref_slice %arg11[%multiple_of3A_400] : memref<1000000xf32, #tpu.memory_space<hbm>> -> memref<2048xf32, #tpu.memory_space<hbm>>
          %dma_wait3A_406 = tpu.memref_slice %arg11[%multiple_of3A_400] : memref<1000000xf32, #tpu.memory_space<hbm>> -> memref<2048xf32, #tpu.memory_space<hbm>>
          %dma_wait3A_407 = arith.constant 0 : i32
          %dma_wait3A_408 = tpu.memref_slice %arg20[%dma_wait3A_401, %dma_wait3A_407] : memref<2x2048xf32, #tpu.memory_space<vmem>> -> memref<1x2048xf32, #tpu.memory_space<vmem>>
          %dma_wait3A_409 = tpu.memref_squeeze %dma_wait3A_408 : memref<1x2048xf32, #tpu.memory_space<vmem>> -> memref<2048xf32, #tpu.memory_space<vmem>>
          tpu.wait_dma2 semaphore(%arg24 : memref<!tpu.dma_semaphore, #tpu.memory_space<semaphore_mem>>) src(%dma_wait3A_409 : memref<2048xf32, #tpu.memory_space<vmem>>) dst(%dma_wait3A_406 : memref<2048xf32, #tpu.memory_space<hbm>>)
        } else {
        }
        %scan3A_361 = arith.constant 0 : i32
        %scan3A_362 = arith.constant 0 : i32
        %scan3A_363 = arith.constant 128 : i32
        %scan3A_364 = arith.addi %scan3A_362, %scan3A_363 : i32
        %scan3A_365 = arith.constant 2 : i32
        %scan3A_366 = scf.for %scan3A_391 = %scan3A_362 to %scan3A_364 step %scan3A_365 iter_args(%scan3A_392 = %scan3A_361) -> (i32)  : i32 {
          %mul3A_393 = arith.constant 16 : i32
          %mul3A_394 = arith.muli %scan3A_391, %mul3A_393 : i32
          %add3A_395 = vector.broadcast %mul3A_394 : i32 to vector<16xi32>
          %add3A_396 = arith.addi %iota3A, %add3A_395 : vector<16xi32>
          %get3A = arith.constant 0 : i32
          %get3A_397 = arith.index_cast %get3A : i32 to index
          %get3A_398 = arith.index_cast %mul3A_394 : i32 to index
          %get3A_399 = tpu.vector_load %arg15[%get3A_397, %get3A_398] {strides = array<i32>} : memref<2x2048xf32, #tpu.memory_space<vmem>>, vector<16xf32>,
          %max3A = arith.constant 0.000000e+00 : f32
          %max3A_400 = vector.broadcast %max3A : f32 to vector<16xf32>
          %max3A_401 = arith.maximumf %get3A_399, %max3A_400 : vector<16xf32>
          %min3A_402 = arith.constant 1.000000e+00 : f32
          %min3A_403 = vector.broadcast %min3A_402 : f32 to vector<16xf32>
          %min3A_404 = arith.minimumf %max3A_401, %min3A_403 : vector<16xf32>
          %broadcast_in_dim3A = arith.constant 0 : i32
          %broadcast_in_dim3A_405 = vector.broadcast %broadcast_in_dim3A : i32 to vector<16xi32>
          %gather3A = tpu.vector_load_idx %arg18[%add3A_396, %broadcast_in_dim3A_405] : memref<2048x8xf32, #tpu.memory_space<vmem>>[vector<16xi32>, vector<16xi32>], vector<16xf32>,
          %broadcast_in_dim3A_406 = arith.constant 1 : i32
          %broadcast_in_dim3A_407 = vector.broadcast %broadcast_in_dim3A_406 : i32 to vector<16xi32>
          %gather3A_408 = tpu.vector_load_idx %arg18[%add3A_396, %broadcast_in_dim3A_407] : memref<2048x8xf32, #tpu.memory_space<vmem>>[vector<16xi32>, vector<16xi32>], vector<16xf32>,
          %broadcast_in_dim3A_409 = arith.constant 2 : i32
          %broadcast_in_dim3A_410 = vector.broadcast %broadcast_in_dim3A_409 : i32 to vector<16xi32>
          %gather3A_411 = tpu.vector_load_idx %arg18[%add3A_396, %broadcast_in_dim3A_410] : memref<2048x8xf32, #tpu.memory_space<vmem>>[vector<16xi32>, vector<16xi32>], vector<16xf32>,
          %broadcast_in_dim3A_412 = arith.constant 3 : i32
          %broadcast_in_dim3A_413 = vector.broadcast %broadcast_in_dim3A_412 : i32 to vector<16xi32>
          %gather3A_414 = tpu.vector_load_idx %arg18[%add3A_396, %broadcast_in_dim3A_413] : memref<2048x8xf32, #tpu.memory_space<vmem>>[vector<16xi32>, vector<16xi32>], vector<16xf32>,
          %broadcast_in_dim3A_415 = arith.constant 4 : i32
          %broadcast_in_dim3A_416 = vector.broadcast %broadcast_in_dim3A_415 : i32 to vector<16xi32>
          %gather3A_417 = tpu.vector_load_idx %arg18[%add3A_396, %broadcast_in_dim3A_416] : memref<2048x8xf32, #tpu.memory_space<vmem>>[vector<16xi32>, vector<16xi32>], vector<16xf32>,
          %broadcast_in_dim3A_418 = arith.constant 5 : i32
          %broadcast_in_dim3A_419 = vector.broadcast %broadcast_in_dim3A_418 : i32 to vector<16xi32>
          %gather3A_420 = tpu.vector_load_idx %arg18[%add3A_396, %broadcast_in_dim3A_419] : memref<2048x8xf32, #tpu.memory_space<vmem>>[vector<16xi32>, vector<16xi32>], vector<16xf32>,
          %sub3A_421 = arith.constant 5.000000e-01 : f32
          %sub3A_422 = vector.broadcast %sub3A_421 : f32 to vector<16xf32>
          %sub3A_423 = arith.subf %sub3A_422, %min3A_404 : vector<16xf32>
          %mul3A_424 = arith.mulf %gather3A_408, %sub3A_423 : vector<16xf32>
          %add3A_425 = arith.addf %gather3A, %mul3A_424 : vector<16xf32>
          %sub3A_426 = arith.constant 4.000000e-01 : f32
          %sub3A_427 = vector.broadcast %sub3A_426 : f32 to vector<16xf32>
          %sub3A_428 = arith.subf %sub3A_427, %min3A_404 : vector<16xf32>
          %max3A_429 = arith.constant 0.000000e+00 : f32
          %max3A_430 = vector.broadcast %max3A_429 : f32 to vector<16xf32>
          %max3A_431 = arith.maximumf %sub3A_428, %max3A_430 : vector<16xf32>
          %mul3A_432 = arith.mulf %gather3A_411, %max3A_431 : vector<16xf32>
          %add3A_433 = arith.addf %add3A_425, %mul3A_432 : vector<16xf32>
          %sub3A_434 = arith.constant 5.000000e-01 : f32
          %sub3A_435 = vector.broadcast %sub3A_434 : f32 to vector<16xf32>
          %sub3A_436 = arith.subf %sub3A_435, %min3A_404 : vector<16xf32>
          %max3A_437 = arith.constant 0.000000e+00 : f32
          %max3A_438 = vector.broadcast %max3A_437 : f32 to vector<16xf32>
          %max3A_439 = arith.maximumf %sub3A_436, %max3A_438 : vector<16xf32>
          %mul3A_440 = arith.mulf %gather3A_414, %max3A_439 : vector<16xf32>
          %add3A_441 = arith.addf %add3A_433, %mul3A_440 : vector<16xf32>
          %sub3A_442 = arith.constant 6.000000e-01 : f32
          %sub3A_443 = vector.broadcast %sub3A_442 : f32 to vector<16xf32>
          %sub3A_444 = arith.subf %sub3A_443, %min3A_404 : vector<16xf32>
          %max3A_445 = arith.constant 0.000000e+00 : f32
          %max3A_446 = vector.broadcast %max3A_445 : f32 to vector<16xf32>
          %max3A_447 = arith.maximumf %sub3A_444, %max3A_446 : vector<16xf32>
          %mul3A_448 = arith.mulf %gather3A_417, %max3A_447 : vector<16xf32>
          %add3A_449 = arith.addf %add3A_441, %mul3A_448 : vector<16xf32>
          %sub3A_450 = arith.constant 0.699999988 : f32
          %sub3A_451 = vector.broadcast %sub3A_450 : f32 to vector<16xf32>
          %sub3A_452 = arith.subf %sub3A_451, %min3A_404 : vector<16xf32>
          %max3A_453 = arith.constant 0.000000e+00 : f32
          %max3A_454 = vector.broadcast %max3A_453 : f32 to vector<16xf32>
          %max3A_455 = arith.maximumf %sub3A_452, %max3A_454 : vector<16xf32>
          %mul3A_456 = arith.mulf %gather3A_420, %max3A_455 : vector<16xf32>
          %add3A_457 = arith.addf %add3A_449, %mul3A_456 : vector<16xf32>
          %swap3A = arith.constant 0 : i32
          %swap3A_458 = arith.index_cast %swap3A : i32 to index
          %swap3A_459 = arith.index_cast %mul3A_394 : i32 to index
          %swap3A_460 = tpu.vector_load %arg20[%swap3A_458, %swap3A_459] {strides = array<i32>} : memref<2x2048xf32, #tpu.memory_space<vmem>>, vector<16xf32>,
          tpu.vector_store %arg20[%swap3A_458, %swap3A_459], %add3A_457 {strides = array<i32>} : memref<2x2048xf32, #tpu.memory_space<vmem>>, vector<16xf32>,
          %scan3A_461 = arith.constant 0 : i32
          %scan3A_462 = arith.constant 1 : i32
          %scan3A_463 = arith.addi %scan3A_391, %scan3A_462 : i32
          %mul3A_464 = arith.constant 16 : i32
          %mul3A_465 = arith.muli %scan3A_463, %mul3A_464 : i32
          %add3A_466 = vector.broadcast %mul3A_465 : i32 to vector<16xi32>
          %add3A_467 = arith.addi %iota3A, %add3A_466 : vector<16xi32>
          %get3A_468 = arith.constant 0 : i32
          %get3A_469 = arith.index_cast %get3A_468 : i32 to index
          %get3A_470 = arith.index_cast %mul3A_465 : i32 to index
          %get3A_471 = tpu.vector_load %arg15[%get3A_469, %get3A_470] {strides = array<i32>} : memref<2x2048xf32, #tpu.memory_space<vmem>>, vector<16xf32>,
          %max3A_472 = arith.constant 0.000000e+00 : f32
          %max3A_473 = vector.broadcast %max3A_472 : f32 to vector<16xf32>
          %max3A_474 = arith.maximumf %get3A_471, %max3A_473 : vector<16xf32>
          %min3A_475 = arith.constant 1.000000e+00 : f32
          %min3A_476 = vector.broadcast %min3A_475 : f32 to vector<16xf32>
          %min3A_477 = arith.minimumf %max3A_474, %min3A_476 : vector<16xf32>
          %broadcast_in_dim3A_478 = arith.constant 0 : i32
          %broadcast_in_dim3A_479 = vector.broadcast %broadcast_in_dim3A_478 : i32 to vector<16xi32>
          %gather3A_480 = tpu.vector_load_idx %arg18[%add3A_467, %broadcast_in_dim3A_479] : memref<2048x8xf32, #tpu.memory_space<vmem>>[vector<16xi32>, vector<16xi32>], vector<16xf32>,
          %broadcast_in_dim3A_481 = arith.constant 1 : i32
          %broadcast_in_dim3A_482 = vector.broadcast %broadcast_in_dim3A_481 : i32 to vector<16xi32>
          %gather3A_483 = tpu.vector_load_idx %arg18[%add3A_467, %broadcast_in_dim3A_482] : memref<2048x8xf32, #tpu.memory_space<vmem>>[vector<16xi32>, vector<16xi32>], vector<16xf32>,
          %broadcast_in_dim3A_484 = arith.constant 2 : i32
          %broadcast_in_dim3A_485 = vector.broadcast %broadcast_in_dim3A_484 : i32 to vector<16xi32>
          %gather3A_486 = tpu.vector_load_idx %arg18[%add3A_467, %broadcast_in_dim3A_485] : memref<2048x8xf32, #tpu.memory_space<vmem>>[vector<16xi32>, vector<16xi32>], vector<16xf32>,
          %broadcast_in_dim3A_487 = arith.constant 3 : i32
          %broadcast_in_dim3A_488 = vector.broadcast %broadcast_in_dim3A_487 : i32 to vector<16xi32>
          %gather3A_489 = tpu.vector_load_idx %arg18[%add3A_467, %broadcast_in_dim3A_488] : memref<2048x8xf32, #tpu.memory_space<vmem>>[vector<16xi32>, vector<16xi32>], vector<16xf32>,
          %broadcast_in_dim3A_490 = arith.constant 4 : i32
          %broadcast_in_dim3A_491 = vector.broadcast %broadcast_in_dim3A_490 : i32 to vector<16xi32>
          %gather3A_492 = tpu.vector_load_idx %arg18[%add3A_467, %broadcast_in_dim3A_491] : memref<2048x8xf32, #tpu.memory_space<vmem>>[vector<16xi32>, vector<16xi32>], vector<16xf32>,
          %broadcast_in_dim3A_493 = arith.constant 5 : i32
          %broadcast_in_dim3A_494 = vector.broadcast %broadcast_in_dim3A_493 : i32 to vector<16xi32>
          %gather3A_495 = tpu.vector_load_idx %arg18[%add3A_467, %broadcast_in_dim3A_494] : memref<2048x8xf32, #tpu.memory_space<vmem>>[vector<16xi32>, vector<16xi32>], vector<16xf32>,
          %sub3A_496 = arith.constant 5.000000e-01 : f32
          %sub3A_497 = vector.broadcast %sub3A_496 : f32 to vector<16xf32>
          %sub3A_498 = arith.subf %sub3A_497, %min3A_477 : vector<16xf32>
          %mul3A_499 = arith.mulf %gather3A_483, %sub3A_498 : vector<16xf32>
          %add3A_500 = arith.addf %gather3A_480, %mul3A_499 : vector<16xf32>
          %sub3A_501 = arith.constant 4.000000e-01 : f32
          %sub3A_502 = vector.broadcast %sub3A_501 : f32 to vector<16xf32>
          %sub3A_503 = arith.subf %sub3A_502, %min3A_477 : vector<16xf32>
          %max3A_504 = arith.constant 0.000000e+00 : f32
          %max3A_505 = vector.broadcast %max3A_504 : f32 to vector<16xf32>
          %max3A_506 = arith.maximumf %sub3A_503, %max3A_505 : vector<16xf32>
          %mul3A_507 = arith.mulf %gather3A_486, %max3A_506 : vector<16xf32>
          %add3A_508 = arith.addf %add3A_500, %mul3A_507 : vector<16xf32>
          %sub3A_509 = arith.constant 5.000000e-01 : f32
          %sub3A_510 = vector.broadcast %sub3A_509 : f32 to vector<16xf32>
          %sub3A_511 = arith.subf %sub3A_510, %min3A_477 : vector<16xf32>
          %max3A_512 = arith.constant 0.000000e+00 : f32
          %max3A_513 = vector.broadcast %max3A_512 : f32 to vector<16xf32>
          %max3A_514 = arith.maximumf %sub3A_511, %max3A_513 : vector<16xf32>
          %mul3A_515 = arith.mulf %gather3A_489, %max3A_514 : vector<16xf32>
          %add3A_516 = arith.addf %add3A_508, %mul3A_515 : vector<16xf32>
          %sub3A_517 = arith.constant 6.000000e-01 : f32
          %sub3A_518 = vector.broadcast %sub3A_517 : f32 to vector<16xf32>
          %sub3A_519 = arith.subf %sub3A_518, %min3A_477 : vector<16xf32>
          %max3A_520 = arith.constant 0.000000e+00 : f32
          %max3A_521 = vector.broadcast %max3A_520 : f32 to vector<16xf32>
          %max3A_522 = arith.maximumf %sub3A_519, %max3A_521 : vector<16xf32>
          %mul3A_523 = arith.mulf %gather3A_492, %max3A_522 : vector<16xf32>
          %add3A_524 = arith.addf %add3A_516, %mul3A_523 : vector<16xf32>
          %sub3A_525 = arith.constant 0.699999988 : f32
          %sub3A_526 = vector.broadcast %sub3A_525 : f32 to vector<16xf32>
          %sub3A_527 = arith.subf %sub3A_526, %min3A_477 : vector<16xf32>
          %max3A_528 = arith.constant 0.000000e+00 : f32
          %max3A_529 = vector.broadcast %max3A_528 : f32 to vector<16xf32>
          %max3A_530 = arith.maximumf %sub3A_527, %max3A_529 : vector<16xf32>
          %mul3A_531 = arith.mulf %gather3A_495, %max3A_530 : vector<16xf32>
          %add3A_532 = arith.addf %add3A_524, %mul3A_531 : vector<16xf32>
          %swap3A_533 = arith.constant 0 : i32
          %swap3A_534 = arith.index_cast %swap3A_533 : i32 to index
          %swap3A_535 = arith.index_cast %mul3A_465 : i32 to index
          %swap3A_536 = tpu.vector_load %arg20[%swap3A_534, %swap3A_535] {strides = array<i32>} : memref<2x2048xf32, #tpu.memory_space<vmem>>, vector<16xf32>,
          tpu.vector_store %arg20[%swap3A_534, %swap3A_535], %add3A_532 {strides = array<i32>} : memref<2x2048xf32, #tpu.memory_space<vmem>>, vector<16xf32>,
          %scan3A_537 = arith.constant 0 : i32
          scf.yield %scan3A_537 : i32
        }
        %scan3A_367 = arith.constant 128 : i32
        %mul3A_368 = arith.constant 32 : i32
        %mul3A_369 = arith.muli %mul3A_332, %mul3A_368 : i32
        %add3A_370 = arith.addi %add3A, %mul3A_369 : i32
        %mul3A_371 = arith.constant 2048 : i32
        %mul3A_372 = arith.muli %add3A_370, %mul3A_371 : i32
        %min3A_373 = arith.constant 997952 : i32
        %min3A_374 = arith.minsi %mul3A_372, %min3A_373 : i32
        %multiple_of3A_375 = tpu.assume_multiple %min3A_374, 64 : i32
        %dma_start3A_376 = arith.constant 0 : i32
        %dma_start3A_377 = arith.constant 0 : i32
        %dma_start3A_378 = tpu.memref_slice %arg20[%dma_start3A_376, %dma_start3A_377] : memref<2x2048xf32, #tpu.memory_space<vmem>> -> memref<1x2048xf32, #tpu.memory_space<vmem>>
        %dma_start3A_379 = tpu.memref_squeeze %dma_start3A_378 : memref<1x2048xf32, #tpu.memory_space<vmem>> -> memref<2048xf32, #tpu.memory_space<vmem>>
        %dma_start3A_380 = tpu.memref_slice %arg11[%multiple_of3A_375] : memref<1000000xf32, #tpu.memory_space<hbm>> -> memref<2048xf32, #tpu.memory_space<hbm>>
        %dma_start3A_381 = tpu.memref_slice %arg11[%multiple_of3A_375] : memref<1000000xf32, #tpu.memory_space<hbm>> -> memref<2048xf32, #tpu.memory_space<hbm>>
        %dma_start3A_382 = arith.constant 0 : i32
        %dma_start3A_383 = tpu.memref_slice %arg20[%dma_start3A_376, %dma_start3A_382] : memref<2x2048xf32, #tpu.memory_space<vmem>> -> memref<1x2048xf32, #tpu.memory_space<vmem>>
        %dma_start3A_384 = tpu.memref_squeeze %dma_start3A_383 : memref<1x2048xf32, #tpu.memory_space<vmem>> -> memref<2048xf32, #tpu.memory_space<vmem>>
        tpu.enqueue_dma source(%dma_start3A_384 : memref<2048xf32, #tpu.memory_space<vmem>>) target(%dma_start3A_381 : memref<2048xf32, #tpu.memory_space<hbm>>) target_semaphore(%arg24 : memref<!tpu.dma_semaphore, #tpu.memory_space<semaphore_mem>>)
        %add3A_385 = arith.constant 2 : i32
        %add3A_386 = arith.addi %mul3A_332, %add3A_385 : i32
        %lt3A_387 = arith.cmpi slt, %add3A_386, %select_n3A_180 : i32
        %convert_element_type3A_388 = arith.extui %lt3A_387 : i1 to i32
        %cond3A_389 = arith.constant 0 : i32
        %cond3A_390 = arith.cmpi ne, %convert_element_type3A_388, %cond3A_389 : i32
        scf.if %cond3A_390 {
          %add3A_391 = arith.constant 2 : i32
          %add3A_392 = arith.addi %mul3A_332, %add3A_391 : i32
          %mul3A_393 = arith.constant 32 : i32
          %mul3A_394 = arith.muli %add3A_392, %mul3A_393 : i32
          %add3A_395 = arith.addi %add3A, %mul3A_394 : i32
          %mul3A_396 = arith.constant 2048 : i32
          %mul3A_397 = arith.muli %add3A_395, %mul3A_396 : i32
          %min3A_398 = arith.constant 997952 : i32
          %min3A_399 = arith.minsi %mul3A_397, %min3A_398 : i32
          %multiple_of3A_400 = tpu.assume_multiple %min3A_399, 64 : i32
          %dma_start3A_401 = arith.constant 0 : i32
          %dma_start3A_402 = arith.constant 0 : i32
          %dma_start3A_403 = tpu.memref_slice %arg13[%dma_start3A_401, %dma_start3A_402] : memref<2x2048xi32, #tpu.memory_space<vmem>> -> memref<1x2048xi32, #tpu.memory_space<vmem>>
          %dma_start3A_404 = tpu.memref_squeeze %dma_start3A_403 : memref<1x2048xi32, #tpu.memory_space<vmem>> -> memref<2048xi32, #tpu.memory_space<vmem>>
          %dma_start3A_405 = tpu.memref_slice %arg3[%multiple_of3A_400] : memref<1000000xi32, #tpu.memory_space<hbm>> -> memref<2048xi32, #tpu.memory_space<hbm>>
          %dma_start3A_406 = arith.constant 0 : i32
          %dma_start3A_407 = tpu.memref_slice %arg13[%dma_start3A_401, %dma_start3A_406] : memref<2x2048xi32, #tpu.memory_space<vmem>> -> memref<1x2048xi32, #tpu.memory_space<vmem>>
          %dma_start3A_408 = tpu.memref_squeeze %dma_start3A_407 : memref<1x2048xi32, #tpu.memory_space<vmem>> -> memref<2048xi32, #tpu.memory_space<vmem>>
          %dma_start3A_409 = tpu.memref_slice %arg3[%multiple_of3A_400] : memref<1000000xi32, #tpu.memory_space<hbm>> -> memref<2048xi32, #tpu.memory_space<hbm>>
          tpu.enqueue_dma source(%dma_start3A_409 : memref<2048xi32, #tpu.memory_space<hbm>>) target(%dma_start3A_408 : memref<2048xi32, #tpu.memory_space<vmem>>) target_semaphore(%arg21 : memref<!tpu.dma_semaphore, #tpu.memory_space<semaphore_mem>>)
          %dma_start3A_410 = arith.constant 0 : i32
          %dma_start3A_411 = arith.constant 0 : i32
          %dma_start3A_412 = tpu.memref_slice %arg14[%dma_start3A_410, %dma_start3A_411] : memref<2x2048xi32, #tpu.memory_space<vmem>> -> memref<1x2048xi32, #tpu.memory_space<vmem>>
          %dma_start3A_413 = tpu.memref_squeeze %dma_start3A_412 : memref<1x2048xi32, #tpu.memory_space<vmem>> -> memref<2048xi32, #tpu.memory_space<vmem>>
          %dma_start3A_414 = tpu.memref_slice %arg4[%multiple_of3A_400] : memref<1000000xi32, #tpu.memory_space<hbm>> -> memref<2048xi32, #tpu.memory_space<hbm>>
          %dma_start3A_415 = arith.constant 0 : i32
          %dma_start3A_416 = tpu.memref_slice %arg14[%dma_start3A_410, %dma_start3A_415] : memref<2x2048xi32, #tpu.memory_space<vmem>> -> memref<1x2048xi32, #tpu.memory_space<vmem>>
          %dma_start3A_417 = tpu.memref_squeeze %dma_start3A_416 : memref<1x2048xi32, #tpu.memory_space<vmem>> -> memref<2048xi32, #tpu.memory_space<vmem>>
          %dma_start3A_418 = tpu.memref_slice %arg4[%multiple_of3A_400] : memref<1000000xi32, #tpu.memory_space<hbm>> -> memref<2048xi32, #tpu.memory_space<hbm>>
          tpu.enqueue_dma source(%dma_start3A_418 : memref<2048xi32, #tpu.memory_space<hbm>>) target(%dma_start3A_417 : memref<2048xi32, #tpu.memory_space<vmem>>) target_semaphore(%arg21 : memref<!tpu.dma_semaphore, #tpu.memory_space<semaphore_mem>>)
          %dma_start3A_419 = arith.constant 0 : i32
          %dma_start3A_420 = arith.constant 0 : i32
          %dma_start3A_421 = tpu.memref_slice %arg15[%dma_start3A_419, %dma_start3A_420] : memref<2x2048xf32, #tpu.memory_space<vmem>> -> memref<1x2048xf32, #tpu.memory_space<vmem>>
          %dma_start3A_422 = tpu.memref_squeeze %dma_start3A_421 : memref<1x2048xf32, #tpu.memory_space<vmem>> -> memref<2048xf32, #tpu.memory_space<vmem>>
          %dma_start3A_423 = tpu.memref_slice %arg2[%multiple_of3A_400] : memref<1000000xf32, #tpu.memory_space<hbm>> -> memref<2048xf32, #tpu.memory_space<hbm>>
          %dma_start3A_424 = arith.constant 0 : i32
          %dma_start3A_425 = tpu.memref_slice %arg15[%dma_start3A_419, %dma_start3A_424] : memref<2x2048xf32, #tpu.memory_space<vmem>> -> memref<1x2048xf32, #tpu.memory_space<vmem>>
          %dma_start3A_426 = tpu.memref_squeeze %dma_start3A_425 : memref<1x2048xf32, #tpu.memory_space<vmem>> -> memref<2048xf32, #tpu.memory_space<vmem>>
          %dma_start3A_427 = tpu.memref_slice %arg2[%multiple_of3A_400] : memref<1000000xf32, #tpu.memory_space<hbm>> -> memref<2048xf32, #tpu.memory_space<hbm>>
          tpu.enqueue_dma source(%dma_start3A_427 : memref<2048xf32, #tpu.memory_space<hbm>>) target(%dma_start3A_426 : memref<2048xf32, #tpu.memory_space<vmem>>) target_semaphore(%arg21 : memref<!tpu.dma_semaphore, #tpu.memory_space<semaphore_mem>>)
        } else {
        }
      } else {
      }
      %add3A_336 = arith.constant 1 : i32
      %add3A_337 = arith.addi %mul3A_332, %add3A_336 : i32
      %lt3A_338 = arith.cmpi slt, %add3A_337, %select_n3A_180 : i32
      %convert_element_type3A_339 = arith.extui %lt3A_338 : i1 to i32
      %cond3A_340 = arith.constant 0 : i32
      %cond3A_341 = arith.cmpi ne, %convert_element_type3A_339, %cond3A_340 : i32
      scf.if %cond3A_341 {
        %add3A_343 = arith.constant 1 : i32
        %add3A_344 = arith.addi %mul3A_332, %add3A_343 : i32
        %add3A_345 = arith.constant 1 : i32
        %add3A_346 = arith.addi %add3A_344, %add3A_345 : i32
        %lt3A_347 = arith.cmpi slt, %add3A_346, %select_n3A_180 : i32
        %convert_element_type3A_348 = arith.extui %lt3A_347 : i1 to i32
        %cond3A_349 = arith.constant 0 : i32
        %cond3A_350 = arith.cmpi ne, %convert_element_type3A_348, %cond3A_349 : i32
        scf.if %cond3A_350 {
          %add3A_393 = arith.constant 1 : i32
          %add3A_394 = arith.addi %add3A_344, %add3A_393 : i32
          %mul3A_395 = arith.constant 32 : i32
          %mul3A_396 = arith.muli %add3A_394, %mul3A_395 : i32
          %add3A_397 = arith.addi %add3A, %mul3A_396 : i32
          %mul3A_398 = arith.constant 2048 : i32
          %mul3A_399 = arith.muli %add3A_397, %mul3A_398 : i32
          %min3A_400 = arith.constant 997952 : i32
          %min3A_401 = arith.minsi %mul3A_399, %min3A_400 : i32
          %multiple_of3A_402 = tpu.assume_multiple %min3A_401, 64 : i32
          %dma_wait3A_403 = arith.constant 0 : i32
          %dma_wait3A_404 = arith.constant 0 : i32
          %dma_wait3A_405 = tpu.memref_slice %arg13[%dma_wait3A_403, %dma_wait3A_404] : memref<2x2048xi32, #tpu.memory_space<vmem>> -> memref<1x2048xi32, #tpu.memory_space<vmem>>
          %dma_wait3A_406 = tpu.memref_squeeze %dma_wait3A_405 : memref<1x2048xi32, #tpu.memory_space<vmem>> -> memref<2048xi32, #tpu.memory_space<vmem>>
          %dma_wait3A_407 = tpu.memref_slice %arg3[%multiple_of3A_402] : memref<1000000xi32, #tpu.memory_space<hbm>> -> memref<2048xi32, #tpu.memory_space<hbm>>
          %dma_wait3A_408 = arith.constant 0 : i32
          %dma_wait3A_409 = tpu.memref_slice %arg13[%dma_wait3A_403, %dma_wait3A_408] : memref<2x2048xi32, #tpu.memory_space<vmem>> -> memref<1x2048xi32, #tpu.memory_space<vmem>>
          %dma_wait3A_410 = tpu.memref_squeeze %dma_wait3A_409 : memref<1x2048xi32, #tpu.memory_space<vmem>> -> memref<2048xi32, #tpu.memory_space<vmem>>
          %dma_wait3A_411 = tpu.memref_slice %arg3[%multiple_of3A_402] : memref<1000000xi32, #tpu.memory_space<hbm>> -> memref<2048xi32, #tpu.memory_space<hbm>>
          tpu.wait_dma2 semaphore(%arg21 : memref<!tpu.dma_semaphore, #tpu.memory_space<semaphore_mem>>) src(%dma_wait3A_411 : memref<2048xi32, #tpu.memory_space<hbm>>) dst(%dma_wait3A_410 : memref<2048xi32, #tpu.memory_space<vmem>>)
          %dma_wait3A_412 = arith.constant 0 : i32
          %dma_wait3A_413 = arith.constant 0 : i32
          %dma_wait3A_414 = tpu.memref_slice %arg14[%dma_wait3A_412, %dma_wait3A_413] : memref<2x2048xi32, #tpu.memory_space<vmem>> -> memref<1x2048xi32, #tpu.memory_space<vmem>>
          %dma_wait3A_415 = tpu.memref_squeeze %dma_wait3A_414 : memref<1x2048xi32, #tpu.memory_space<vmem>> -> memref<2048xi32, #tpu.memory_space<vmem>>
          %dma_wait3A_416 = tpu.memref_slice %arg4[%multiple_of3A_402] : memref<1000000xi32, #tpu.memory_space<hbm>> -> memref<2048xi32, #tpu.memory_space<hbm>>
          %dma_wait3A_417 = arith.constant 0 : i32
          %dma_wait3A_418 = tpu.memref_slice %arg14[%dma_wait3A_412, %dma_wait3A_417] : memref<2x2048xi32, #tpu.memory_space<vmem>> -> memref<1x2048xi32, #tpu.memory_space<vmem>>
          %dma_wait3A_419 = tpu.memref_squeeze %dma_wait3A_418 : memref<1x2048xi32, #tpu.memory_space<vmem>> -> memref<2048xi32, #tpu.memory_space<vmem>>
          %dma_wait3A_420 = tpu.memref_slice %arg4[%multiple_of3A_402] : memref<1000000xi32, #tpu.memory_space<hbm>> -> memref<2048xi32, #tpu.memory_space<hbm>>
          tpu.wait_dma2 semaphore(%arg21 : memref<!tpu.dma_semaphore, #tpu.memory_space<semaphore_mem>>) src(%dma_wait3A_420 : memref<2048xi32, #tpu.memory_space<hbm>>) dst(%dma_wait3A_419 : memref<2048xi32, #tpu.memory_space<vmem>>)
          %dma_wait3A_421 = arith.constant 0 : i32
          %dma_wait3A_422 = arith.constant 0 : i32
          %dma_wait3A_423 = tpu.memref_slice %arg15[%dma_wait3A_421, %dma_wait3A_422] : memref<2x2048xf32, #tpu.memory_space<vmem>> -> memref<1x2048xf32, #tpu.memory_space<vmem>>
          %dma_wait3A_424 = tpu.memref_squeeze %dma_wait3A_423 : memref<1x2048xf32, #tpu.memory_space<vmem>> -> memref<2048xf32, #tpu.memory_space<vmem>>
          %dma_wait3A_425 = tpu.memref_slice %arg2[%multiple_of3A_402] : memref<1000000xf32, #tpu.memory_space<hbm>> -> memref<2048xf32, #tpu.memory_space<hbm>>
          %dma_wait3A_426 = arith.constant 0 : i32
          %dma_wait3A_427 = tpu.memref_slice %arg15[%dma_wait3A_421, %dma_wait3A_426] : memref<2x2048xf32, #tpu.memory_space<vmem>> -> memref<1x2048xf32, #tpu.memory_space<vmem>>
          %dma_wait3A_428 = tpu.memref_squeeze %dma_wait3A_427 : memref<1x2048xf32, #tpu.memory_space<vmem>> -> memref<2048xf32, #tpu.memory_space<vmem>>
          %dma_wait3A_429 = tpu.memref_slice %arg2[%multiple_of3A_402] : memref<1000000xf32, #tpu.memory_space<hbm>> -> memref<2048xf32, #tpu.memory_space<hbm>>
          tpu.wait_dma2 semaphore(%arg21 : memref<!tpu.dma_semaphore, #tpu.memory_space<semaphore_mem>>) src(%dma_wait3A_429 : memref<2048xf32, #tpu.memory_space<hbm>>) dst(%dma_wait3A_428 : memref<2048xf32, #tpu.memory_space<vmem>>)
          %scan3A_430 = arith.constant 0 : i32
          %scan3A_431 = arith.constant 0 : i32
          %scan3A_432 = arith.constant 16 : i32
          %scan3A_433 = arith.addi %scan3A_431, %scan3A_432 : i32
          %scan3A_434 = arith.constant 1 : i32
          %scan3A_435 = scf.for %scan3A_444 = %scan3A_431 to %scan3A_433 step %scan3A_434 iter_args(%scan3A_445 = %scan3A_430) -> (i32)  : i32 {
            %mul3A_446 = arith.constant 8 : i32
            %mul3A_447 = arith.muli %scan3A_444, %mul3A_446 : i32
            %add3A_448 = arith.constant 0 : i32
            %add3A_449 = arith.addi %mul3A_447, %add3A_448 : i32
            %mul3A_450 = arith.constant 16 : i32
            %mul3A_451 = arith.muli %add3A_449, %mul3A_450 : i32
            %get3A = arith.constant 0 : i32
            %get3A_452 = arith.index_cast %get3A : i32 to index
            %get3A_453 = arith.index_cast %mul3A_451 : i32 to index
            %get3A_454 = tpu.vector_load %arg13[%get3A_452, %get3A_453] {strides = array<i32>} : memref<2x2048xi32, #tpu.memory_space<vmem>>, vector<16xi32>,
            %get3A_455 = arith.constant 0 : i32
            %get3A_456 = arith.index_cast %get3A_455 : i32 to index
            %get3A_457 = arith.index_cast %mul3A_451 : i32 to index
            %get3A_458 = tpu.vector_load %arg14[%get3A_456, %get3A_457] {strides = array<i32>} : memref<2x2048xi32, #tpu.memory_space<vmem>>, vector<16xi32>,
            %mul3A_459 = arith.constant 500 : i32
            %mul3A_460 = vector.broadcast %mul3A_459 : i32 to vector<16xi32>
            %mul3A_461 = arith.muli %get3A_454, %mul3A_460 : vector<16xi32>
            %add3A_462 = arith.addi %mul3A_461, %get3A_458 : vector<16xi32>
            %add3A_463 = vector.broadcast %mul3A_2 : i32 to vector<16xi32>
            %add3A_464 = arith.addi %add3A_462, %add3A_463 : vector<16xi32>
            %swap3A = arith.constant 0 : i32
            %swap3A_465 = arith.index_cast %swap3A : i32 to index
            %swap3A_466 = arith.index_cast %mul3A_451 : i32 to index
            %swap3A_467 = tpu.vector_load %arg16[%swap3A_465, %swap3A_466] {strides = array<i32>} : memref<2x2048xi32, #tpu.memory_space<vmem>>, vector<16xi32>,
            tpu.vector_store %arg16[%swap3A_465, %swap3A_466], %add3A_464 {strides = array<i32>} : memref<2x2048xi32, #tpu.memory_space<vmem>>, vector<16xi32>,
            %mul3A_468 = arith.constant 8 : i32
            %mul3A_469 = arith.muli %scan3A_444, %mul3A_468 : i32
            %add3A_470 = arith.constant 1 : i32
            %add3A_471 = arith.addi %mul3A_469, %add3A_470 : i32
            %mul3A_472 = arith.constant 16 : i32
            %mul3A_473 = arith.muli %add3A_471, %mul3A_472 : i32
            %get3A_474 = arith.constant 0 : i32
            %get3A_475 = arith.index_cast %get3A_474 : i32 to index
            %get3A_476 = arith.index_cast %mul3A_473 : i32 to index
            %get3A_477 = tpu.vector_load %arg13[%get3A_475, %get3A_476] {strides = array<i32>} : memref<2x2048xi32, #tpu.memory_space<vmem>>, vector<16xi32>,
            %get3A_478 = arith.constant 0 : i32
            %get3A_479 = arith.index_cast %get3A_478 : i32 to index
            %get3A_480 = arith.index_cast %mul3A_473 : i32 to index
            %get3A_481 = tpu.vector_load %arg14[%get3A_479, %get3A_480] {strides = array<i32>} : memref<2x2048xi32, #tpu.memory_space<vmem>>, vector<16xi32>,
            %mul3A_482 = arith.constant 500 : i32
            %mul3A_483 = vector.broadcast %mul3A_482 : i32 to vector<16xi32>
            %mul3A_484 = arith.muli %get3A_477, %mul3A_483 : vector<16xi32>
            %add3A_485 = arith.addi %mul3A_484, %get3A_481 : vector<16xi32>
            %add3A_486 = vector.broadcast %mul3A_2 : i32 to vector<16xi32>
            %add3A_487 = arith.addi %add3A_485, %add3A_486 : vector<16xi32>
            %swap3A_488 = arith.constant 0 : i32
            %swap3A_489 = arith.index_cast %swap3A_488 : i32 to index
            %swap3A_490 = arith.index_cast %mul3A_473 : i32 to index
            %swap3A_491 = tpu.vector_load %arg16[%swap3A_489, %swap3A_490] {strides = array<i32>} : memref<2x2048xi32, #tpu.memory_space<vmem>>, vector<16xi32>,
            tpu.vector_store %arg16[%swap3A_489, %swap3A_490], %add3A_487 {strides = array<i32>} : memref<2x2048xi32, #tpu.memory_space<vmem>>, vector<16xi32>,
            %mul3A_492 = arith.constant 8 : i32
            %mul3A_493 = arith.muli %scan3A_444, %mul3A_492 : i32
            %add3A_494 = arith.constant 2 : i32
            %add3A_495 = arith.addi %mul3A_493, %add3A_494 : i32
            %mul3A_496 = arith.constant 16 : i32
            %mul3A_497 = arith.muli %add3A_495, %mul3A_496 : i32
            %get3A_498 = arith.constant 0 : i32
            %get3A_499 = arith.index_cast %get3A_498 : i32 to index
            %get3A_500 = arith.index_cast %mul3A_497 : i32 to index
            %get3A_501 = tpu.vector_load %arg13[%get3A_499, %get3A_500] {strides = array<i32>} : memref<2x2048xi32, #tpu.memory_space<vmem>>, vector<16xi32>,
            %get3A_502 = arith.constant 0 : i32
            %get3A_503 = arith.index_cast %get3A_502 : i32 to index
            %get3A_504 = arith.index_cast %mul3A_497 : i32 to index
            %get3A_505 = tpu.vector_load %arg14[%get3A_503, %get3A_504] {strides = array<i32>} : memref<2x2048xi32, #tpu.memory_space<vmem>>, vector<16xi32>,
            %mul3A_506 = arith.constant 500 : i32
            %mul3A_507 = vector.broadcast %mul3A_506 : i32 to vector<16xi32>
            %mul3A_508 = arith.muli %get3A_501, %mul3A_507 : vector<16xi32>
            %add3A_509 = arith.addi %mul3A_508, %get3A_505 : vector<16xi32>
            %add3A_510 = vector.broadcast %mul3A_2 : i32 to vector<16xi32>
            %add3A_511 = arith.addi %add3A_509, %add3A_510 : vector<16xi32>
            %swap3A_512 = arith.constant 0 : i32
            %swap3A_513 = arith.index_cast %swap3A_512 : i32 to index
            %swap3A_514 = arith.index_cast %mul3A_497 : i32 to index
            %swap3A_515 = tpu.vector_load %arg16[%swap3A_513, %swap3A_514] {strides = array<i32>} : memref<2x2048xi32, #tpu.memory_space<vmem>>, vector<16xi32>,
            tpu.vector_store %arg16[%swap3A_513, %swap3A_514], %add3A_511 {strides = array<i32>} : memref<2x2048xi32, #tpu.memory_space<vmem>>, vector<16xi32>,
            %mul3A_516 = arith.constant 8 : i32
            %mul3A_517 = arith.muli %scan3A_444, %mul3A_516 : i32
            %add3A_518 = arith.constant 3 : i32
            %add3A_519 = arith.addi %mul3A_517, %add3A_518 : i32
            %mul3A_520 = arith.constant 16 : i32
            %mul3A_521 = arith.muli %add3A_519, %mul3A_520 : i32
            %get3A_522 = arith.constant 0 : i32
            %get3A_523 = arith.index_cast %get3A_522 : i32 to index
            %get3A_524 = arith.index_cast %mul3A_521 : i32 to index
            %get3A_525 = tpu.vector_load %arg13[%get3A_523, %get3A_524] {strides = array<i32>} : memref<2x2048xi32, #tpu.memory_space<vmem>>, vector<16xi32>,
            %get3A_526 = arith.constant 0 : i32
            %get3A_527 = arith.index_cast %get3A_526 : i32 to index
            %get3A_528 = arith.index_cast %mul3A_521 : i32 to index
            %get3A_529 = tpu.vector_load %arg14[%get3A_527, %get3A_528] {strides = array<i32>} : memref<2x2048xi32, #tpu.memory_space<vmem>>, vector<16xi32>,
            %mul3A_530 = arith.constant 500 : i32
            %mul3A_531 = vector.broadcast %mul3A_530 : i32 to vector<16xi32>
            %mul3A_532 = arith.muli %get3A_525, %mul3A_531 : vector<16xi32>
            %add3A_533 = arith.addi %mul3A_532, %get3A_529 : vector<16xi32>
            %add3A_534 = vector.broadcast %mul3A_2 : i32 to vector<16xi32>
            %add3A_535 = arith.addi %add3A_533, %add3A_534 : vector<16xi32>
            %swap3A_536 = arith.constant 0 : i32
            %swap3A_537 = arith.index_cast %swap3A_536 : i32 to index
            %swap3A_538 = arith.index_cast %mul3A_521 : i32 to index
            %swap3A_539 = tpu.vector_load %arg16[%swap3A_537, %swap3A_538] {strides = array<i32>} : memref<2x2048xi32, #tpu.memory_space<vmem>>, vector<16xi32>,
            tpu.vector_store %arg16[%swap3A_537, %swap3A_538], %add3A_535 {strides = array<i32>} : memref<2x2048xi32, #tpu.memory_space<vmem>>, vector<16xi32>,
            %mul3A_540 = arith.constant 8 : i32
            %mul3A_541 = arith.muli %scan3A_444, %mul3A_540 : i32
            %add3A_542 = arith.constant 4 : i32
            %add3A_543 = arith.addi %mul3A_541, %add3A_542 : i32
            %mul3A_544 = arith.constant 16 : i32
            %mul3A_545 = arith.muli %add3A_543, %mul3A_544 : i32
            %get3A_546 = arith.constant 0 : i32
            %get3A_547 = arith.index_cast %get3A_546 : i32 to index
            %get3A_548 = arith.index_cast %mul3A_545 : i32 to index
            %get3A_549 = tpu.vector_load %arg13[%get3A_547, %get3A_548] {strides = array<i32>} : memref<2x2048xi32, #tpu.memory_space<vmem>>, vector<16xi32>,
            %get3A_550 = arith.constant 0 : i32
            %get3A_551 = arith.index_cast %get3A_550 : i32 to index
            %get3A_552 = arith.index_cast %mul3A_545 : i32 to index
            %get3A_553 = tpu.vector_load %arg14[%get3A_551, %get3A_552] {strides = array<i32>} : memref<2x2048xi32, #tpu.memory_space<vmem>>, vector<16xi32>,
            %mul3A_554 = arith.constant 500 : i32
            %mul3A_555 = vector.broadcast %mul3A_554 : i32 to vector<16xi32>
            %mul3A_556 = arith.muli %get3A_549, %mul3A_555 : vector<16xi32>
            %add3A_557 = arith.addi %mul3A_556, %get3A_553 : vector<16xi32>
            %add3A_558 = vector.broadcast %mul3A_2 : i32 to vector<16xi32>
            %add3A_559 = arith.addi %add3A_557, %add3A_558 : vector<16xi32>
            %swap3A_560 = arith.constant 0 : i32
            %swap3A_561 = arith.index_cast %swap3A_560 : i32 to index
            %swap3A_562 = arith.index_cast %mul3A_545 : i32 to index
            %swap3A_563 = tpu.vector_load %arg16[%swap3A_561, %swap3A_562] {strides = array<i32>} : memref<2x2048xi32, #tpu.memory_space<vmem>>, vector<16xi32>,
            tpu.vector_store %arg16[%swap3A_561, %swap3A_562], %add3A_559 {strides = array<i32>} : memref<2x2048xi32, #tpu.memory_space<vmem>>, vector<16xi32>,
            %mul3A_564 = arith.constant 8 : i32
            %mul3A_565 = arith.muli %scan3A_444, %mul3A_564 : i32
            %add3A_566 = arith.constant 5 : i32
            %add3A_567 = arith.addi %mul3A_565, %add3A_566 : i32
            %mul3A_568 = arith.constant 16 : i32
            %mul3A_569 = arith.muli %add3A_567, %mul3A_568 : i32
            %get3A_570 = arith.constant 0 : i32
            %get3A_571 = arith.index_cast %get3A_570 : i32 to index
            %get3A_572 = arith.index_cast %mul3A_569 : i32 to index
            %get3A_573 = tpu.vector_load %arg13[%get3A_571, %get3A_572] {strides = array<i32>} : memref<2x2048xi32, #tpu.memory_space<vmem>>, vector<16xi32>,
            %get3A_574 = arith.constant 0 : i32
            %get3A_575 = arith.index_cast %get3A_574 : i32 to index
            %get3A_576 = arith.index_cast %mul3A_569 : i32 to index
            %get3A_577 = tpu.vector_load %arg14[%get3A_575, %get3A_576] {strides = array<i32>} : memref<2x2048xi32, #tpu.memory_space<vmem>>, vector<16xi32>,
            %mul3A_578 = arith.constant 500 : i32
            %mul3A_579 = vector.broadcast %mul3A_578 : i32 to vector<16xi32>
            %mul3A_580 = arith.muli %get3A_573, %mul3A_579 : vector<16xi32>
            %add3A_581 = arith.addi %mul3A_580, %get3A_577 : vector<16xi32>
            %add3A_582 = vector.broadcast %mul3A_2 : i32 to vector<16xi32>
            %add3A_583 = arith.addi %add3A_581, %add3A_582 : vector<16xi32>
            %swap3A_584 = arith.constant 0 : i32
            %swap3A_585 = arith.index_cast %swap3A_584 : i32 to index
            %swap3A_586 = arith.index_cast %mul3A_569 : i32 to index
            %swap3A_587 = tpu.vector_load %arg16[%swap3A_585, %swap3A_586] {strides = array<i32>} : memref<2x2048xi32, #tpu.memory_space<vmem>>, vector<16xi32>,
            tpu.vector_store %arg16[%swap3A_585, %swap3A_586], %add3A_583 {strides = array<i32>} : memref<2x2048xi32, #tpu.memory_space<vmem>>, vector<16xi32>,
            %mul3A_588 = arith.constant 8 : i32
            %mul3A_589 = arith.muli %scan3A_444, %mul3A_588 : i32
            %add3A_590 = arith.constant 6 : i32
            %add3A_591 = arith.addi %mul3A_589, %add3A_590 : i32
            %mul3A_592 = arith.constant 16 : i32
            %mul3A_593 = arith.muli %add3A_591, %mul3A_592 : i32
            %get3A_594 = arith.constant 0 : i32
            %get3A_595 = arith.index_cast %get3A_594 : i32 to index
            %get3A_596 = arith.index_cast %mul3A_593 : i32 to index
            %get3A_597 = tpu.vector_load %arg13[%get3A_595, %get3A_596] {strides = array<i32>} : memref<2x2048xi32, #tpu.memory_space<vmem>>, vector<16xi32>,
            %get3A_598 = arith.constant 0 : i32
            %get3A_599 = arith.index_cast %get3A_598 : i32 to index
            %get3A_600 = arith.index_cast %mul3A_593 : i32 to index
            %get3A_601 = tpu.vector_load %arg14[%get3A_599, %get3A_600] {strides = array<i32>} : memref<2x2048xi32, #tpu.memory_space<vmem>>, vector<16xi32>,
            %mul3A_602 = arith.constant 500 : i32
            %mul3A_603 = vector.broadcast %mul3A_602 : i32 to vector<16xi32>
            %mul3A_604 = arith.muli %get3A_597, %mul3A_603 : vector<16xi32>
            %add3A_605 = arith.addi %mul3A_604, %get3A_601 : vector<16xi32>
            %add3A_606 = vector.broadcast %mul3A_2 : i32 to vector<16xi32>
            %add3A_607 = arith.addi %add3A_605, %add3A_606 : vector<16xi32>
            %swap3A_608 = arith.constant 0 : i32
            %swap3A_609 = arith.index_cast %swap3A_608 : i32 to index
            %swap3A_610 = arith.index_cast %mul3A_593 : i32 to index
            %swap3A_611 = tpu.vector_load %arg16[%swap3A_609, %swap3A_610] {strides = array<i32>} : memref<2x2048xi32, #tpu.memory_space<vmem>>, vector<16xi32>,
            tpu.vector_store %arg16[%swap3A_609, %swap3A_610], %add3A_607 {strides = array<i32>} : memref<2x2048xi32, #tpu.memory_space<vmem>>, vector<16xi32>,
            %mul3A_612 = arith.constant 8 : i32
            %mul3A_613 = arith.muli %scan3A_444, %mul3A_612 : i32
            %add3A_614 = arith.constant 7 : i32
            %add3A_615 = arith.addi %mul3A_613, %add3A_614 : i32
            %mul3A_616 = arith.constant 16 : i32
            %mul3A_617 = arith.muli %add3A_615, %mul3A_616 : i32
            %get3A_618 = arith.constant 0 : i32
            %get3A_619 = arith.index_cast %get3A_618 : i32 to index
            %get3A_620 = arith.index_cast %mul3A_617 : i32 to index
            %get3A_621 = tpu.vector_load %arg13[%get3A_619, %get3A_620] {strides = array<i32>} : memref<2x2048xi32, #tpu.memory_space<vmem>>, vector<16xi32>,
            %get3A_622 = arith.constant 0 : i32
            %get3A_623 = arith.index_cast %get3A_622 : i32 to index
            %get3A_624 = arith.index_cast %mul3A_617 : i32 to index
            %get3A_625 = tpu.vector_load %arg14[%get3A_623, %get3A_624] {strides = array<i32>} : memref<2x2048xi32, #tpu.memory_space<vmem>>, vector<16xi32>,
            %mul3A_626 = arith.constant 500 : i32
            %mul3A_627 = vector.broadcast %mul3A_626 : i32 to vector<16xi32>
            %mul3A_628 = arith.muli %get3A_621, %mul3A_627 : vector<16xi32>
            %add3A_629 = arith.addi %mul3A_628, %get3A_625 : vector<16xi32>
            %add3A_630 = vector.broadcast %mul3A_2 : i32 to vector<16xi32>
            %add3A_631 = arith.addi %add3A_629, %add3A_630 : vector<16xi32>
            %swap3A_632 = arith.constant 0 : i32
            %swap3A_633 = arith.index_cast %swap3A_632 : i32 to index
            %swap3A_634 = arith.index_cast %mul3A_617 : i32 to index
            %swap3A_635 = tpu.vector_load %arg16[%swap3A_633, %swap3A_634] {strides = array<i32>} : memref<2x2048xi32, #tpu.memory_space<vmem>>, vector<16xi32>,
            tpu.vector_store %arg16[%swap3A_633, %swap3A_634], %add3A_631 {strides = array<i32>} : memref<2x2048xi32, #tpu.memory_space<vmem>>, vector<16xi32>,
            %scan3A_636 = arith.constant 0 : i32
            scf.yield %scan3A_636 : i32
          }
          %scan3A_436 = arith.constant 16 : i32
          %dma_start3A_437 = arith.constant 0 : i32
          %dma_start3A_438 = arith.constant 0 : i32
          %dma_start3A_439 = tpu.memref_slice %arg16[%dma_start3A_437, %dma_start3A_438] : memref<2x2048xi32, #tpu.memory_space<vmem>> -> memref<1x2048xi32, #tpu.memory_space<vmem>>
          %dma_start3A_440 = tpu.memref_squeeze %dma_start3A_439 : memref<1x2048xi32, #tpu.memory_space<vmem>> -> memref<2048xi32, #tpu.memory_space<vmem>>
          %dma_start3A_441 = arith.constant 0 : i32
          %dma_start3A_442 = arith.constant 0 : i32
          %dma_start3A_443 = tpu.memref_slice %arg12[%dma_start3A_441, %dma_start3A_442] : memref<2000000x8xf32, #tpu.memory_space<hbm>> -> memref<2000000x8xf32, #tpu.memory_space<hbm>>
          tpu.enqueue_indirect_dma source(%dma_start3A_443 : memref<2000000x8xf32, #tpu.memory_space<hbm>>) target(%arg18 : memref<2048x8xf32, #tpu.memory_space<vmem>>) offsets(%dma_start3A_440 : memref<2048xi32, #tpu.memory_space<vmem>>) semaphore(%arg22 : memref<!tpu.dma_semaphore, #tpu.memory_space<semaphore_mem>>)
        } else {
        }
        %dma_wait3A_351 = arith.constant 1 : i32
        %dma_wait3A_352 = arith.constant 0 : i32
        %dma_wait3A_353 = tpu.memref_slice %arg16[%dma_wait3A_351, %dma_wait3A_352] : memref<2x2048xi32, #tpu.memory_space<vmem>> -> memref<1x2048xi32, #tpu.memory_space<vmem>>
        %dma_wait3A_354 = tpu.memref_squeeze %dma_wait3A_353 : memref<1x2048xi32, #tpu.memory_space<vmem>> -> memref<2048xi32, #tpu.memory_space<vmem>>
        %dma_wait3A_355 = arith.constant 0 : i32
        %dma_wait3A_356 = arith.constant 0 : i32
        %dma_wait3A_357 = tpu.memref_slice %arg12[%dma_wait3A_355, %dma_wait3A_356] : memref<2000000x8xf32, #tpu.memory_space<hbm>> -> memref<2000000x8xf32, #tpu.memory_space<hbm>>
        tpu.wait_indirect_dma semaphore(%arg23 : memref<!tpu.dma_semaphore, #tpu.memory_space<semaphore_mem>>) src(%dma_wait3A_357 : memref<2000000x8xf32, #tpu.memory_space<hbm>>) dst(%arg19 : memref<2048x8xf32, #tpu.memory_space<vmem>>)
        %ge3A_358 = arith.constant 2 : i32
        %ge3A_359 = arith.cmpi sge, %add3A_344, %ge3A_358 : i32
        %convert_element_type3A_360 = arith.extui %ge3A_359 : i1 to i32
        %cond3A_361 = arith.constant 0 : i32
        %cond3A_362 = arith.cmpi ne, %convert_element_type3A_360, %cond3A_361 : i32
        scf.if %cond3A_362 {
          %sub3A_393 = arith.constant 2 : i32
          %sub3A_394 = arith.subi %add3A_344, %sub3A_393 : i32
          %mul3A_395 = arith.constant 32 : i32
          %mul3A_396 = arith.muli %sub3A_394, %mul3A_395 : i32
          %add3A_397 = arith.addi %add3A, %mul3A_396 : i32
          %mul3A_398 = arith.constant 2048 : i32
          %mul3A_399 = arith.muli %add3A_397, %mul3A_398 : i32
          %min3A_400 = arith.constant 997952 : i32
          %min3A_401 = arith.minsi %mul3A_399, %min3A_400 : i32
          %multiple_of3A_402 = tpu.assume_multiple %min3A_401, 64 : i32
          %dma_wait3A_403 = arith.constant 1 : i32
          %dma_wait3A_404 = arith.constant 0 : i32
          %dma_wait3A_405 = tpu.memref_slice %arg20[%dma_wait3A_403, %dma_wait3A_404] : memref<2x2048xf32, #tpu.memory_space<vmem>> -> memref<1x2048xf32, #tpu.memory_space<vmem>>
          %dma_wait3A_406 = tpu.memref_squeeze %dma_wait3A_405 : memref<1x2048xf32, #tpu.memory_space<vmem>> -> memref<2048xf32, #tpu.memory_space<vmem>>
          %dma_wait3A_407 = tpu.memref_slice %arg11[%multiple_of3A_402] : memref<1000000xf32, #tpu.memory_space<hbm>> -> memref<2048xf32, #tpu.memory_space<hbm>>
          %dma_wait3A_408 = tpu.memref_slice %arg11[%multiple_of3A_402] : memref<1000000xf32, #tpu.memory_space<hbm>> -> memref<2048xf32, #tpu.memory_space<hbm>>
          %dma_wait3A_409 = arith.constant 0 : i32
          %dma_wait3A_410 = tpu.memref_slice %arg20[%dma_wait3A_403, %dma_wait3A_409] : memref<2x2048xf32, #tpu.memory_space<vmem>> -> memref<1x2048xf32, #tpu.memory_space<vmem>>
          %dma_wait3A_411 = tpu.memref_squeeze %dma_wait3A_410 : memref<1x2048xf32, #tpu.memory_space<vmem>> -> memref<2048xf32, #tpu.memory_space<vmem>>
          tpu.wait_dma2 semaphore(%arg24 : memref<!tpu.dma_semaphore, #tpu.memory_space<semaphore_mem>>) src(%dma_wait3A_411 : memref<2048xf32, #tpu.memory_space<vmem>>) dst(%dma_wait3A_408 : memref<2048xf32, #tpu.memory_space<hbm>>)
        } else {
        }
        %scan3A_363 = arith.constant 0 : i32
        %scan3A_364 = arith.constant 0 : i32
        %scan3A_365 = arith.constant 128 : i32
        %scan3A_366 = arith.addi %scan3A_364, %scan3A_365 : i32
        %scan3A_367 = arith.constant 2 : i32
        %scan3A_368 = scf.for %scan3A_393 = %scan3A_364 to %scan3A_366 step %scan3A_367 iter_args(%scan3A_394 = %scan3A_363) -> (i32)  : i32 {
          %mul3A_395 = arith.constant 16 : i32
          %mul3A_396 = arith.muli %scan3A_393, %mul3A_395 : i32
          %add3A_397 = vector.broadcast %mul3A_396 : i32 to vector<16xi32>
          %add3A_398 = arith.addi %iota3A, %add3A_397 : vector<16xi32>
          %get3A = arith.constant 1 : i32
          %get3A_399 = arith.index_cast %get3A : i32 to index
          %get3A_400 = arith.index_cast %mul3A_396 : i32 to index
          %get3A_401 = tpu.vector_load %arg15[%get3A_399, %get3A_400] {strides = array<i32>} : memref<2x2048xf32, #tpu.memory_space<vmem>>, vector<16xf32>,
          %max3A = arith.constant 0.000000e+00 : f32
          %max3A_402 = vector.broadcast %max3A : f32 to vector<16xf32>
          %max3A_403 = arith.maximumf %get3A_401, %max3A_402 : vector<16xf32>
          %min3A_404 = arith.constant 1.000000e+00 : f32
          %min3A_405 = vector.broadcast %min3A_404 : f32 to vector<16xf32>
          %min3A_406 = arith.minimumf %max3A_403, %min3A_405 : vector<16xf32>
          %broadcast_in_dim3A = arith.constant 0 : i32
          %broadcast_in_dim3A_407 = vector.broadcast %broadcast_in_dim3A : i32 to vector<16xi32>
          %gather3A = tpu.vector_load_idx %arg19[%add3A_398, %broadcast_in_dim3A_407] : memref<2048x8xf32, #tpu.memory_space<vmem>>[vector<16xi32>, vector<16xi32>], vector<16xf32>,
          %broadcast_in_dim3A_408 = arith.constant 1 : i32
          %broadcast_in_dim3A_409 = vector.broadcast %broadcast_in_dim3A_408 : i32 to vector<16xi32>
          %gather3A_410 = tpu.vector_load_idx %arg19[%add3A_398, %broadcast_in_dim3A_409] : memref<2048x8xf32, #tpu.memory_space<vmem>>[vector<16xi32>, vector<16xi32>], vector<16xf32>,
          %broadcast_in_dim3A_411 = arith.constant 2 : i32
          %broadcast_in_dim3A_412 = vector.broadcast %broadcast_in_dim3A_411 : i32 to vector<16xi32>
          %gather3A_413 = tpu.vector_load_idx %arg19[%add3A_398, %broadcast_in_dim3A_412] : memref<2048x8xf32, #tpu.memory_space<vmem>>[vector<16xi32>, vector<16xi32>], vector<16xf32>,
          %broadcast_in_dim3A_414 = arith.constant 3 : i32
          %broadcast_in_dim3A_415 = vector.broadcast %broadcast_in_dim3A_414 : i32 to vector<16xi32>
          %gather3A_416 = tpu.vector_load_idx %arg19[%add3A_398, %broadcast_in_dim3A_415] : memref<2048x8xf32, #tpu.memory_space<vmem>>[vector<16xi32>, vector<16xi32>], vector<16xf32>,
          %broadcast_in_dim3A_417 = arith.constant 4 : i32
          %broadcast_in_dim3A_418 = vector.broadcast %broadcast_in_dim3A_417 : i32 to vector<16xi32>
          %gather3A_419 = tpu.vector_load_idx %arg19[%add3A_398, %broadcast_in_dim3A_418] : memref<2048x8xf32, #tpu.memory_space<vmem>>[vector<16xi32>, vector<16xi32>], vector<16xf32>,
          %broadcast_in_dim3A_420 = arith.constant 5 : i32
          %broadcast_in_dim3A_421 = vector.broadcast %broadcast_in_dim3A_420 : i32 to vector<16xi32>
          %gather3A_422 = tpu.vector_load_idx %arg19[%add3A_398, %broadcast_in_dim3A_421] : memref<2048x8xf32, #tpu.memory_space<vmem>>[vector<16xi32>, vector<16xi32>], vector<16xf32>,
          %sub3A_423 = arith.constant 5.000000e-01 : f32
          %sub3A_424 = vector.broadcast %sub3A_423 : f32 to vector<16xf32>
          %sub3A_425 = arith.subf %sub3A_424, %min3A_406 : vector<16xf32>
          %mul3A_426 = arith.mulf %gather3A_410, %sub3A_425 : vector<16xf32>
          %add3A_427 = arith.addf %gather3A, %mul3A_426 : vector<16xf32>
          %sub3A_428 = arith.constant 4.000000e-01 : f32
          %sub3A_429 = vector.broadcast %sub3A_428 : f32 to vector<16xf32>
          %sub3A_430 = arith.subf %sub3A_429, %min3A_406 : vector<16xf32>
          %max3A_431 = arith.constant 0.000000e+00 : f32
          %max3A_432 = vector.broadcast %max3A_431 : f32 to vector<16xf32>
          %max3A_433 = arith.maximumf %sub3A_430, %max3A_432 : vector<16xf32>
          %mul3A_434 = arith.mulf %gather3A_413, %max3A_433 : vector<16xf32>
          %add3A_435 = arith.addf %add3A_427, %mul3A_434 : vector<16xf32>
          %sub3A_436 = arith.constant 5.000000e-01 : f32
          %sub3A_437 = vector.broadcast %sub3A_436 : f32 to vector<16xf32>
          %sub3A_438 = arith.subf %sub3A_437, %min3A_406 : vector<16xf32>
          %max3A_439 = arith.constant 0.000000e+00 : f32
          %max3A_440 = vector.broadcast %max3A_439 : f32 to vector<16xf32>
          %max3A_441 = arith.maximumf %sub3A_438, %max3A_440 : vector<16xf32>
          %mul3A_442 = arith.mulf %gather3A_416, %max3A_441 : vector<16xf32>
          %add3A_443 = arith.addf %add3A_435, %mul3A_442 : vector<16xf32>
          %sub3A_444 = arith.constant 6.000000e-01 : f32
          %sub3A_445 = vector.broadcast %sub3A_444 : f32 to vector<16xf32>
          %sub3A_446 = arith.subf %sub3A_445, %min3A_406 : vector<16xf32>
          %max3A_447 = arith.constant 0.000000e+00 : f32
          %max3A_448 = vector.broadcast %max3A_447 : f32 to vector<16xf32>
          %max3A_449 = arith.maximumf %sub3A_446, %max3A_448 : vector<16xf32>
          %mul3A_450 = arith.mulf %gather3A_419, %max3A_449 : vector<16xf32>
          %add3A_451 = arith.addf %add3A_443, %mul3A_450 : vector<16xf32>
          %sub3A_452 = arith.constant 0.699999988 : f32
          %sub3A_453 = vector.broadcast %sub3A_452 : f32 to vector<16xf32>
          %sub3A_454 = arith.subf %sub3A_453, %min3A_406 : vector<16xf32>
          %max3A_455 = arith.constant 0.000000e+00 : f32
          %max3A_456 = vector.broadcast %max3A_455 : f32 to vector<16xf32>
          %max3A_457 = arith.maximumf %sub3A_454, %max3A_456 : vector<16xf32>
          %mul3A_458 = arith.mulf %gather3A_422, %max3A_457 : vector<16xf32>
          %add3A_459 = arith.addf %add3A_451, %mul3A_458 : vector<16xf32>
          %swap3A = arith.constant 1 : i32
          %swap3A_460 = arith.index_cast %swap3A : i32 to index
          %swap3A_461 = arith.index_cast %mul3A_396 : i32 to index
          %swap3A_462 = tpu.vector_load %arg20[%swap3A_460, %swap3A_461] {strides = array<i32>} : memref<2x2048xf32, #tpu.memory_space<vmem>>, vector<16xf32>,
          tpu.vector_store %arg20[%swap3A_460, %swap3A_461], %add3A_459 {strides = array<i32>} : memref<2x2048xf32, #tpu.memory_space<vmem>>, vector<16xf32>,
          %scan3A_463 = arith.constant 0 : i32
          %scan3A_464 = arith.constant 1 : i32
          %scan3A_465 = arith.addi %scan3A_393, %scan3A_464 : i32
          %mul3A_466 = arith.constant 16 : i32
          %mul3A_467 = arith.muli %scan3A_465, %mul3A_466 : i32
          %add3A_468 = vector.broadcast %mul3A_467 : i32 to vector<16xi32>
          %add3A_469 = arith.addi %iota3A, %add3A_468 : vector<16xi32>
          %get3A_470 = arith.constant 1 : i32
          %get3A_471 = arith.index_cast %get3A_470 : i32 to index
          %get3A_472 = arith.index_cast %mul3A_467 : i32 to index
          %get3A_473 = tpu.vector_load %arg15[%get3A_471, %get3A_472] {strides = array<i32>} : memref<2x2048xf32, #tpu.memory_space<vmem>>, vector<16xf32>,
          %max3A_474 = arith.constant 0.000000e+00 : f32
          %max3A_475 = vector.broadcast %max3A_474 : f32 to vector<16xf32>
          %max3A_476 = arith.maximumf %get3A_473, %max3A_475 : vector<16xf32>
          %min3A_477 = arith.constant 1.000000e+00 : f32
          %min3A_478 = vector.broadcast %min3A_477 : f32 to vector<16xf32>
          %min3A_479 = arith.minimumf %max3A_476, %min3A_478 : vector<16xf32>
          %broadcast_in_dim3A_480 = arith.constant 0 : i32
          %broadcast_in_dim3A_481 = vector.broadcast %broadcast_in_dim3A_480 : i32 to vector<16xi32>
          %gather3A_482 = tpu.vector_load_idx %arg19[%add3A_469, %broadcast_in_dim3A_481] : memref<2048x8xf32, #tpu.memory_space<vmem>>[vector<16xi32>, vector<16xi32>], vector<16xf32>,
          %broadcast_in_dim3A_483 = arith.constant 1 : i32
          %broadcast_in_dim3A_484 = vector.broadcast %broadcast_in_dim3A_483 : i32 to vector<16xi32>
          %gather3A_485 = tpu.vector_load_idx %arg19[%add3A_469, %broadcast_in_dim3A_484] : memref<2048x8xf32, #tpu.memory_space<vmem>>[vector<16xi32>, vector<16xi32>], vector<16xf32>,
          %broadcast_in_dim3A_486 = arith.constant 2 : i32
          %broadcast_in_dim3A_487 = vector.broadcast %broadcast_in_dim3A_486 : i32 to vector<16xi32>
          %gather3A_488 = tpu.vector_load_idx %arg19[%add3A_469, %broadcast_in_dim3A_487] : memref<2048x8xf32, #tpu.memory_space<vmem>>[vector<16xi32>, vector<16xi32>], vector<16xf32>,
          %broadcast_in_dim3A_489 = arith.constant 3 : i32
          %broadcast_in_dim3A_490 = vector.broadcast %broadcast_in_dim3A_489 : i32 to vector<16xi32>
          %gather3A_491 = tpu.vector_load_idx %arg19[%add3A_469, %broadcast_in_dim3A_490] : memref<2048x8xf32, #tpu.memory_space<vmem>>[vector<16xi32>, vector<16xi32>], vector<16xf32>,
          %broadcast_in_dim3A_492 = arith.constant 4 : i32
          %broadcast_in_dim3A_493 = vector.broadcast %broadcast_in_dim3A_492 : i32 to vector<16xi32>
          %gather3A_494 = tpu.vector_load_idx %arg19[%add3A_469, %broadcast_in_dim3A_493] : memref<2048x8xf32, #tpu.memory_space<vmem>>[vector<16xi32>, vector<16xi32>], vector<16xf32>,
          %broadcast_in_dim3A_495 = arith.constant 5 : i32
          %broadcast_in_dim3A_496 = vector.broadcast %broadcast_in_dim3A_495 : i32 to vector<16xi32>
          %gather3A_497 = tpu.vector_load_idx %arg19[%add3A_469, %broadcast_in_dim3A_496] : memref<2048x8xf32, #tpu.memory_space<vmem>>[vector<16xi32>, vector<16xi32>], vector<16xf32>,
          %sub3A_498 = arith.constant 5.000000e-01 : f32
          %sub3A_499 = vector.broadcast %sub3A_498 : f32 to vector<16xf32>
          %sub3A_500 = arith.subf %sub3A_499, %min3A_479 : vector<16xf32>
          %mul3A_501 = arith.mulf %gather3A_485, %sub3A_500 : vector<16xf32>
          %add3A_502 = arith.addf %gather3A_482, %mul3A_501 : vector<16xf32>
          %sub3A_503 = arith.constant 4.000000e-01 : f32
          %sub3A_504 = vector.broadcast %sub3A_503 : f32 to vector<16xf32>
          %sub3A_505 = arith.subf %sub3A_504, %min3A_479 : vector<16xf32>
          %max3A_506 = arith.constant 0.000000e+00 : f32
          %max3A_507 = vector.broadcast %max3A_506 : f32 to vector<16xf32>
          %max3A_508 = arith.maximumf %sub3A_505, %max3A_507 : vector<16xf32>
          %mul3A_509 = arith.mulf %gather3A_488, %max3A_508 : vector<16xf32>
          %add3A_510 = arith.addf %add3A_502, %mul3A_509 : vector<16xf32>
          %sub3A_511 = arith.constant 5.000000e-01 : f32
          %sub3A_512 = vector.broadcast %sub3A_511 : f32 to vector<16xf32>
          %sub3A_513 = arith.subf %sub3A_512, %min3A_479 : vector<16xf32>
          %max3A_514 = arith.constant 0.000000e+00 : f32
          %max3A_515 = vector.broadcast %max3A_514 : f32 to vector<16xf32>
          %max3A_516 = arith.maximumf %sub3A_513, %max3A_515 : vector<16xf32>
          %mul3A_517 = arith.mulf %gather3A_491, %max3A_516 : vector<16xf32>
          %add3A_518 = arith.addf %add3A_510, %mul3A_517 : vector<16xf32>
          %sub3A_519 = arith.constant 6.000000e-01 : f32
          %sub3A_520 = vector.broadcast %sub3A_519 : f32 to vector<16xf32>
          %sub3A_521 = arith.subf %sub3A_520, %min3A_479 : vector<16xf32>
          %max3A_522 = arith.constant 0.000000e+00 : f32
          %max3A_523 = vector.broadcast %max3A_522 : f32 to vector<16xf32>
          %max3A_524 = arith.maximumf %sub3A_521, %max3A_523 : vector<16xf32>
          %mul3A_525 = arith.mulf %gather3A_494, %max3A_524 : vector<16xf32>
          %add3A_526 = arith.addf %add3A_518, %mul3A_525 : vector<16xf32>
          %sub3A_527 = arith.constant 0.699999988 : f32
          %sub3A_528 = vector.broadcast %sub3A_527 : f32 to vector<16xf32>
          %sub3A_529 = arith.subf %sub3A_528, %min3A_479 : vector<16xf32>
          %max3A_530 = arith.constant 0.000000e+00 : f32
          %max3A_531 = vector.broadcast %max3A_530 : f32 to vector<16xf32>
          %max3A_532 = arith.maximumf %sub3A_529, %max3A_531 : vector<16xf32>
          %mul3A_533 = arith.mulf %gather3A_497, %max3A_532 : vector<16xf32>
          %add3A_534 = arith.addf %add3A_526, %mul3A_533 : vector<16xf32>
          %swap3A_535 = arith.constant 1 : i32
          %swap3A_536 = arith.index_cast %swap3A_535 : i32 to index
          %swap3A_537 = arith.index_cast %mul3A_467 : i32 to index
          %swap3A_538 = tpu.vector_load %arg20[%swap3A_536, %swap3A_537] {strides = array<i32>} : memref<2x2048xf32, #tpu.memory_space<vmem>>, vector<16xf32>,
          tpu.vector_store %arg20[%swap3A_536, %swap3A_537], %add3A_534 {strides = array<i32>} : memref<2x2048xf32, #tpu.memory_space<vmem>>, vector<16xf32>,
          %scan3A_539 = arith.constant 0 : i32
          scf.yield %scan3A_539 : i32
        }
        %scan3A_369 = arith.constant 128 : i32
        %mul3A_370 = arith.constant 32 : i32
        %mul3A_371 = arith.muli %add3A_344, %mul3A_370 : i32
        %add3A_372 = arith.addi %add3A, %mul3A_371 : i32
        %mul3A_373 = arith.constant 2048 : i32
        %mul3A_374 = arith.muli %add3A_372, %mul3A_373 : i32
        %min3A_375 = arith.constant 997952 : i32
        %min3A_376 = arith.minsi %mul3A_374, %min3A_375 : i32
        %multiple_of3A_377 = tpu.assume_multiple %min3A_376, 64 : i32
        %dma_start3A_378 = arith.constant 1 : i32
        %dma_start3A_379 = arith.constant 0 : i32
        %dma_start3A_380 = tpu.memref_slice %arg20[%dma_start3A_378, %dma_start3A_379] : memref<2x2048xf32, #tpu.memory_space<vmem>> -> memref<1x2048xf32, #tpu.memory_space<vmem>>
        %dma_start3A_381 = tpu.memref_squeeze %dma_start3A_380 : memref<1x2048xf32, #tpu.memory_space<vmem>> -> memref<2048xf32, #tpu.memory_space<vmem>>
        %dma_start3A_382 = tpu.memref_slice %arg11[%multiple_of3A_377] : memref<1000000xf32, #tpu.memory_space<hbm>> -> memref<2048xf32, #tpu.memory_space<hbm>>
        %dma_start3A_383 = tpu.memref_slice %arg11[%multiple_of3A_377] : memref<1000000xf32, #tpu.memory_space<hbm>> -> memref<2048xf32, #tpu.memory_space<hbm>>
        %dma_start3A_384 = arith.constant 0 : i32
        %dma_start3A_385 = tpu.memref_slice %arg20[%dma_start3A_378, %dma_start3A_384] : memref<2x2048xf32, #tpu.memory_space<vmem>> -> memref<1x2048xf32, #tpu.memory_space<vmem>>
        %dma_start3A_386 = tpu.memref_squeeze %dma_start3A_385 : memref<1x2048xf32, #tpu.memory_space<vmem>> -> memref<2048xf32, #tpu.memory_space<vmem>>
        tpu.enqueue_dma source(%dma_start3A_386 : memref<2048xf32, #tpu.memory_space<vmem>>) target(%dma_start3A_383 : memref<2048xf32, #tpu.memory_space<hbm>>) target_semaphore(%arg24 : memref<!tpu.dma_semaphore, #tpu.memory_space<semaphore_mem>>)
        %add3A_387 = arith.constant 2 : i32
        %add3A_388 = arith.addi %add3A_344, %add3A_387 : i32
        %lt3A_389 = arith.cmpi slt, %add3A_388, %select_n3A_180 : i32
        %convert_element_type3A_390 = arith.extui %lt3A_389 : i1 to i32
        %cond3A_391 = arith.constant 0 : i32
        %cond3A_392 = arith.cmpi ne, %convert_element_type3A_390, %cond3A_391 : i32
        scf.if %cond3A_392 {
          %add3A_393 = arith.constant 2 : i32
          %add3A_394 = arith.addi %add3A_344, %add3A_393 : i32
          %mul3A_395 = arith.constant 32 : i32
          %mul3A_396 = arith.muli %add3A_394, %mul3A_395 : i32
          %add3A_397 = arith.addi %add3A, %mul3A_396 : i32
          %mul3A_398 = arith.constant 2048 : i32
          %mul3A_399 = arith.muli %add3A_397, %mul3A_398 : i32
          %min3A_400 = arith.constant 997952 : i32
          %min3A_401 = arith.minsi %mul3A_399, %min3A_400 : i32
          %multiple_of3A_402 = tpu.assume_multiple %min3A_401, 64 : i32
          %dma_start3A_403 = arith.constant 1 : i32
          %dma_start3A_404 = arith.constant 0 : i32
          %dma_start3A_405 = tpu.memref_slice %arg13[%dma_start3A_403, %dma_start3A_404] : memref<2x2048xi32, #tpu.memory_space<vmem>> -> memref<1x2048xi32, #tpu.memory_space<vmem>>
          %dma_start3A_406 = tpu.memref_squeeze %dma_start3A_405 : memref<1x2048xi32, #tpu.memory_space<vmem>> -> memref<2048xi32, #tpu.memory_space<vmem>>
          %dma_start3A_407 = tpu.memref_slice %arg3[%multiple_of3A_402] : memref<1000000xi32, #tpu.memory_space<hbm>> -> memref<2048xi32, #tpu.memory_space<hbm>>
          %dma_start3A_408 = arith.constant 0 : i32
          %dma_start3A_409 = tpu.memref_slice %arg13[%dma_start3A_403, %dma_start3A_408] : memref<2x2048xi32, #tpu.memory_space<vmem>> -> memref<1x2048xi32, #tpu.memory_space<vmem>>
          %dma_start3A_410 = tpu.memref_squeeze %dma_start3A_409 : memref<1x2048xi32, #tpu.memory_space<vmem>> -> memref<2048xi32, #tpu.memory_space<vmem>>
          %dma_start3A_411 = tpu.memref_slice %arg3[%multiple_of3A_402] : memref<1000000xi32, #tpu.memory_space<hbm>> -> memref<2048xi32, #tpu.memory_space<hbm>>
          tpu.enqueue_dma source(%dma_start3A_411 : memref<2048xi32, #tpu.memory_space<hbm>>) target(%dma_start3A_410 : memref<2048xi32, #tpu.memory_space<vmem>>) target_semaphore(%arg21 : memref<!tpu.dma_semaphore, #tpu.memory_space<semaphore_mem>>)
          %dma_start3A_412 = arith.constant 1 : i32
          %dma_start3A_413 = arith.constant 0 : i32
          %dma_start3A_414 = tpu.memref_slice %arg14[%dma_start3A_412, %dma_start3A_413] : memref<2x2048xi32, #tpu.memory_space<vmem>> -> memref<1x2048xi32, #tpu.memory_space<vmem>>
          %dma_start3A_415 = tpu.memref_squeeze %dma_start3A_414 : memref<1x2048xi32, #tpu.memory_space<vmem>> -> memref<2048xi32, #tpu.memory_space<vmem>>
          %dma_start3A_416 = tpu.memref_slice %arg4[%multiple_of3A_402] : memref<1000000xi32, #tpu.memory_space<hbm>> -> memref<2048xi32, #tpu.memory_space<hbm>>
          %dma_start3A_417 = arith.constant 0 : i32
          %dma_start3A_418 = tpu.memref_slice %arg14[%dma_start3A_412, %dma_start3A_417] : memref<2x2048xi32, #tpu.memory_space<vmem>> -> memref<1x2048xi32, #tpu.memory_space<vmem>>
          %dma_start3A_419 = tpu.memref_squeeze %dma_start3A_418 : memref<1x2048xi32, #tpu.memory_space<vmem>> -> memref<2048xi32, #tpu.memory_space<vmem>>
          %dma_start3A_420 = tpu.memref_slice %arg4[%multiple_of3A_402] : memref<1000000xi32, #tpu.memory_space<hbm>> -> memref<2048xi32, #tpu.memory_space<hbm>>
          tpu.enqueue_dma source(%dma_start3A_420 : memref<2048xi32, #tpu.memory_space<hbm>>) target(%dma_start3A_419 : memref<2048xi32, #tpu.memory_space<vmem>>) target_semaphore(%arg21 : memref<!tpu.dma_semaphore, #tpu.memory_space<semaphore_mem>>)
          %dma_start3A_421 = arith.constant 1 : i32
          %dma_start3A_422 = arith.constant 0 : i32
          %dma_start3A_423 = tpu.memref_slice %arg15[%dma_start3A_421, %dma_start3A_422] : memref<2x2048xf32, #tpu.memory_space<vmem>> -> memref<1x2048xf32, #tpu.memory_space<vmem>>
          %dma_start3A_424 = tpu.memref_squeeze %dma_start3A_423 : memref<1x2048xf32, #tpu.memory_space<vmem>> -> memref<2048xf32, #tpu.memory_space<vmem>>
          %dma_start3A_425 = tpu.memref_slice %arg2[%multiple_of3A_402] : memref<1000000xf32, #tpu.memory_space<hbm>> -> memref<2048xf32, #tpu.memory_space<hbm>>
          %dma_start3A_426 = arith.constant 0 : i32
          %dma_start3A_427 = tpu.memref_slice %arg15[%dma_start3A_421, %dma_start3A_426] : memref<2x2048xf32, #tpu.memory_space<vmem>> -> memref<1x2048xf32, #tpu.memory_space<vmem>>
          %dma_start3A_428 = tpu.memref_squeeze %dma_start3A_427 : memref<1x2048xf32, #tpu.memory_space<vmem>> -> memref<2048xf32, #tpu.memory_space<vmem>>
          %dma_start3A_429 = tpu.memref_slice %arg2[%multiple_of3A_402] : memref<1000000xf32, #tpu.memory_space<hbm>> -> memref<2048xf32, #tpu.memory_space<hbm>>
          tpu.enqueue_dma source(%dma_start3A_429 : memref<2048xf32, #tpu.memory_space<hbm>>) target(%dma_start3A_428 : memref<2048xf32, #tpu.memory_space<vmem>>) target_semaphore(%arg21 : memref<!tpu.dma_semaphore, #tpu.memory_space<semaphore_mem>>)
        } else {
        }
      } else {
      }
      %while3A_342 = arith.constant 0 : i32
      scf.yield %while3A_342 : i32
    }
    %ge3A = arith.constant 2 : i32
    %ge3A_303 = arith.cmpi sge, %select_n3A_180, %ge3A : i32
    %convert_element_type3A_304 = arith.extui %ge3A_303 : i1 to i32
    %cond3A_305 = arith.constant 0 : i32
    %cond3A_306 = arith.cmpi ne, %convert_element_type3A_304, %cond3A_305 : i32
    scf.if %cond3A_306 {
      %sub3A_329 = arith.constant 2 : i32
      %sub3A_330 = arith.subi %select_n3A_180, %sub3A_329 : i32
      %rem3A_331 = arith.constant 2 : i32
      %rem3A_332 = arith.remsi %sub3A_330, %rem3A_331 : i32
      %sub3A_333 = arith.constant 2 : i32
      %sub3A_334 = arith.subi %select_n3A_180, %sub3A_333 : i32
      %mul3A_335 = arith.constant 32 : i32
      %mul3A_336 = arith.muli %sub3A_334, %mul3A_335 : i32
      %add3A_337 = arith.addi %add3A, %mul3A_336 : i32
      %mul3A_338 = arith.constant 2048 : i32
      %mul3A_339 = arith.muli %add3A_337, %mul3A_338 : i32
      %min3A_340 = arith.constant 997952 : i32
      %min3A_341 = arith.minsi %mul3A_339, %min3A_340 : i32
      %multiple_of3A_342 = tpu.assume_multiple %min3A_341, 64 : i32
      %dma_wait3A_343 = arith.constant 0 : i32
      %dma_wait3A_344 = tpu.memref_slice %arg20[%rem3A_332, %dma_wait3A_343] : memref<2x2048xf32, #tpu.memory_space<vmem>> -> memref<1x2048xf32, #tpu.memory_space<vmem>>
      %dma_wait3A_345 = tpu.memref_squeeze %dma_wait3A_344 : memref<1x2048xf32, #tpu.memory_space<vmem>> -> memref<2048xf32, #tpu.memory_space<vmem>>
      %dma_wait3A_346 = tpu.memref_slice %arg11[%multiple_of3A_342] : memref<1000000xf32, #tpu.memory_space<hbm>> -> memref<2048xf32, #tpu.memory_space<hbm>>
      %dma_wait3A_347 = tpu.memref_slice %arg11[%multiple_of3A_342] : memref<1000000xf32, #tpu.memory_space<hbm>> -> memref<2048xf32, #tpu.memory_space<hbm>>
      %dma_wait3A_348 = arith.constant 0 : i32
      %dma_wait3A_349 = tpu.memref_slice %arg20[%rem3A_332, %dma_wait3A_348] : memref<2x2048xf32, #tpu.memory_space<vmem>> -> memref<1x2048xf32, #tpu.memory_space<vmem>>
      %dma_wait3A_350 = tpu.memref_squeeze %dma_wait3A_349 : memref<1x2048xf32, #tpu.memory_space<vmem>> -> memref<2048xf32, #tpu.memory_space<vmem>>
      tpu.wait_dma2 semaphore(%arg24 : memref<!tpu.dma_semaphore, #tpu.memory_space<semaphore_mem>>) src(%dma_wait3A_350 : memref<2048xf32, #tpu.memory_space<vmem>>) dst(%dma_wait3A_347 : memref<2048xf32, #tpu.memory_space<hbm>>)
    } else {
    }
    %sub3A_307 = arith.constant 1 : i32
    %sub3A_308 = arith.subi %select_n3A_180, %sub3A_307 : i32
    %rem3A_309 = arith.constant 2 : i32
    %rem3A_310 = arith.remsi %sub3A_308, %rem3A_309 : i32
    %sub3A_311 = arith.constant 1 : i32
    %sub3A_312 = arith.subi %select_n3A_180, %sub3A_311 : i32
    %mul3A_313 = arith.constant 32 : i32
    %mul3A_314 = arith.muli %sub3A_312, %mul3A_313 : i32
    %add3A_315 = arith.addi %add3A, %mul3A_314 : i32
    %mul3A_316 = arith.constant 2048 : i32
    %mul3A_317 = arith.muli %add3A_315, %mul3A_316 : i32
    %min3A_318 = arith.constant 997952 : i32
    %min3A_319 = arith.minsi %mul3A_317, %min3A_318 : i32
    %multiple_of3A_320 = tpu.assume_multiple %min3A_319, 64 : i32
    %dma_wait3A_321 = arith.constant 0 : i32
    %dma_wait3A_322 = tpu.memref_slice %arg20[%rem3A_310, %dma_wait3A_321] : memref<2x2048xf32, #tpu.memory_space<vmem>> -> memref<1x2048xf32, #tpu.memory_space<vmem>>
    %dma_wait3A_323 = tpu.memref_squeeze %dma_wait3A_322 : memref<1x2048xf32, #tpu.memory_space<vmem>> -> memref<2048xf32, #tpu.memory_space<vmem>>
    %dma_wait3A_324 = tpu.memref_slice %arg11[%multiple_of3A_320] : memref<1000000xf32, #tpu.memory_space<hbm>> -> memref<2048xf32, #tpu.memory_space<hbm>>
    %dma_wait3A_325 = tpu.memref_slice %arg11[%multiple_of3A_320] : memref<1000000xf32, #tpu.memory_space<hbm>> -> memref<2048xf32, #tpu.memory_space<hbm>>
    %dma_wait3A_326 = arith.constant 0 : i32
    %dma_wait3A_327 = tpu.memref_slice %arg20[%rem3A_310, %dma_wait3A_326] : memref<2x2048xf32, #tpu.memory_space<vmem>> -> memref<1x2048xf32, #tpu.memory_space<vmem>>
    %dma_wait3A_328 = tpu.memref_squeeze %dma_wait3A_327 : memref<1x2048xf32, #tpu.memory_space<vmem>> -> memref<2048xf32, #tpu.memory_space<vmem>>
    tpu.wait_dma2 semaphore(%arg24 : memref<!tpu.dma_semaphore, #tpu.memory_space<semaphore_mem>>) src(%dma_wait3A_328 : memref<2048xf32, #tpu.memory_space<vmem>>) dst(%dma_wait3A_325 : memref<2048xf32, #tpu.memory_space<hbm>>)
    return
  }
}

</mosaic_0001>

<sc_bundles>
// kernel: kernel.3.cloned.1.call-start
scs
__scs_entry_jumppad:
0x0: {  	(pc) =	sbr.rel $0x88, $3  }
0x1: {  	(tag) =	ssettag $0x0;
	lr =	simm.s32 $0x1  }
0x2: {  	[smem:$0x3F9D] =	sst lr;
	_ =	strace $0xD0000000  }
0x3: {  	_ = 	snop  }
0x4: {  	_ = 	snop  }
0x5: {  	_ = 	snop  }
0x6: {  	_ = 	snop  }
0x7: {  	_ = 	snop  }
__scs_overlays_trampoline_lowered:
0x8: {  	[smem:$0x3FAC] =	sst s0  }
0x9: {  	[smem:$0x3FAD] =	sst s1  }
0xa: {  	[smem:$0x3FAE] =	sst s2  }
0xb: {  	[smem:$0x3FAF] =	sst s3  }
0xc: {  	[smem:$0x3FB0] =	sst s4  }
0xd: {  	[smem:$0x3FB1] =	sst s5  }
0xe: {  	[smem:$0x3FB2] =	sst s6  }
0xf: {  	[smem:$0x3FB3] =	sst s7  }
0x10: {  	[smem:$0x3FB4] =	sst s8  }
0x11: {  	[smem:$0x3FB5] =	sst s9;
	s0 =	simm.s32 @!p0 $0x0  }
0x12: {  	s1 =	sld [smem:$0x3F9B];
	s0 =	simm.s32 @p0 $0x1  }
0x13: {  	[smem:$0x3FB6] =	sst s0;
	s0 =	simm.s32 @!p1 $0x0  }
0x14: {  	s2 =	sld [smem:$0x3F9A];
	s0 =	simm.s32 @p1 $0x1  }
0x15: {  	[smem:$0x3FB7] =	sst s0;
	s0 =	simm.s32 @!p2 $0x0  }
0x16: {  	s3 =	sld [smem:$0x3FDB];
	s0 =	simm.s32 @p2 $0x1  }
0x17: {  	s4 =	simm.s32 $0x1BF5;
	[smem:$0x3FB9] =	sst s0  }
0x18: {  	s0 =	sld [smem:$0x3F9C];
	_ =	swait.ge [sflag:s4], $0x0  }
0x19: {  	s7 =	sld [smem:$0x3F9D]  }
0x1a: {  	s8 =	sadd.s32 $0xFFFFE003, lr  }
0x1b: {  	s9 =	sadd.s32 $0xFFFFFEF7, lr;
	s5 =	simm.s32 $0xFFFFFFFF;
	p2 =	slt.u32 s8, $0xFFFFF086  }
0x1c: {  	p1 =	slt.u32 s9, $0xF7A;
	s5 =	simm.s32 @!p2 $0x0  }
0x1d: {  	s5 =	simm.s32 @p1 $0x1;
	p0 =	seq.s32 s7, s2  }
0x1e: {  	s7 =	smul.u32 @!p0 $0xF7A, s2;
	p2 =	seq.s32 @!p0 s5, $0x0  }
0x1f: {  	s9 =	smul.u32 $0xF7A, s1;
	s8 =	simm.s32 @!p0 $0x1BF5;
	p2 =	por !p2, p0  }
0x20: {  	[sflag:s8] =	ssyncset.s32 @!p0 $0xFFFFF086;
	s6 =	sadd.s32 @!p0 s3, s7;
	s7 =	simm.s32 @!p0 $0x108  }
0x21: {  	s3 =	sadd.s32 s3, s9;
	s6 =	sadd.s32 @!p0 $0x88, s6;
	s7 =	simm.s32 @p2 $0x1082  }
0x22: {  	[simem:s7], [sflag:s8] =	dma.local @!p0 [hbm:s6], $0xF7A  }
0x23: {  	s9 =	sor.u32 $0xD0000000, s2;
	s6 =	simm.s32 $0x108;
	_ =	swait.ge @!p0 [sflag:s8], $0x0  }
0x24: {  	s3 =	sadd.s32 $0x88, s3;
	s6 =	simm.s32 @!p1 $0x1082;
	[sflag:s4] =	ssyncset.s32 $0xFFFFF086  }
0x25: {  	[simem:s6], [sflag:s4] =	dma.local [hbm:s3], $0xF7A  }
0x26: {  	[smem:$0x3F9D] =	sst s1;
	(tag) =	ssettag s2;
	_ =	strace s9  }
0x27: {  	s1 =	sld [smem:$0x3FAD]  }
0x28: {  	s2 =	sld [smem:$0x3FAE]  }
0x29: {  	s4 =	sld [smem:$0x3FB0]  }
0x2a: {  	p0 =	seq.s32 s5, $0x0;
	s5 =	sld [smem:$0x3FB1]  }
0x2b: {  	s6 =	sld [smem:$0x3FB2]  }
0x2c: {  	s7 =	sld [smem:$0x3FB3]  }
0x2d: {  	s3 =	simm.s32 $0x108;
	s8 =	sld [smem:$0x3FB4]  }
0x2e: {  	s3 =	simm.s32 @!p0 $0x1082;
	s9 =	sld [smem:$0x3FB5]  }
0x2f: {  	lr =	sadd.s32 s0, s3;
	s0 =	sld [smem:$0x3FAC]  }
0x30: {  	s3 =	sld [smem:$0x3FAF]  }
0x31: {  	[smem:$0x3FB8] =	sst s10  }
0x32: {  	s10 =	sld [smem:$0x3FB6];
	_ =	sdelay $0x3  }
0x33: {  	p0 =	seq.s32 s10, $0x1;
	s10 =	sld [smem:$0x3FB8];
	_ =	sdelay $0x3  }
0x34: {  	[smem:$0x3FB8] =	sst s10  }
0x35: {  	s10 =	sld [smem:$0x3FB7];
	_ =	sdelay $0x3  }
0x36: {  	p1 =	seq.s32 s10, $0x1;
	s10 =	sld [smem:$0x3FB8];
	_ =	sdelay $0x3  }
0x37: {  	[smem:$0x3FB8] =	sst s10  }
0x38: {  	s10 =	sld [smem:$0x3FB9]  }
0x39: {  	_ = 	snop;
	(pc) =	sbr.ind lr, $3  }
0x3a: {  	_ = 	snop  }
0x3b: {  	_ = 	snop  }
0x3c: {  	p2 =	seq.s32 s10, $0x1;
	s10 =	sld [smem:$0x3FB8]  }
0x3d: {  	_ =	shalt  }
0x3e: {  	_ =	shalt  }
0x3f: {  	_ =	shalt  }
0x40: {  	_ =	shalt  }
0x41: {  	_ =	shalt  }
0x42: {  	_ =	shalt  }
0x43: {  	_ =	shalt  }
0x44: {  	_ =	shalt  }
0x45: {  	_ =	shalt  }
0x46: {  	_ =	shalt  }
0x47: {  	_ =	shalt  }
0x48: {  	_ =	shalt  }
0x49: {  	_ =	shalt  }
0x4a: {  	_ =	shalt  }
0x4b: {  	_ =	shalt  }
0x4c: {  	_ =	shalt  }
0x4d: {  	_ =	shalt  }
0x4e: {  	_ =	shalt  }
0x4f: {  	_ =	shalt  }
0x50: {  	_ =	shalt  }
0x51: {  	_ =	shalt  }
0x52: {  	_ =	shalt  }
0x53: {  	_ =	shalt  }
0x54: {  	_ =	shalt  }
0x55: {  	_ =	shalt  }
0x56: {  	_ =	shalt  }
0x57: {  	_ =	shalt  }
0x58: {  	_ =	shalt  }
0x59: {  	_ =	shalt  }
0x5a: {  	_ =	shalt  }
0x5b: {  	_ =	shalt  }
0x5c: {  	_ =	shalt  }
0x5d: {  	_ =	shalt  }
0x5e: {  	_ =	shalt  }
0x5f: {  	_ =	shalt  }
0x60: {  	_ =	shalt  }
0x61: {  	_ =	shalt  }
0x62: {  	_ =	shalt  }
0x63: {  	_ =	shalt  }
0x64: {  	_ =	shalt  }
0x65: {  	_ =	shalt  }
0x66: {  	_ =	shalt  }
0x67: {  	_ =	shalt  }
0x68: {  	_ =	shalt  }
0x69: {  	_ =	shalt  }
0x6a: {  	_ =	shalt  }
0x6b: {  	_ =	shalt  }
0x6c: {  	_ =	shalt  }
0x6d: {  	_ =	shalt  }
0x6e: {  	_ =	shalt  }
0x6f: {  	_ =	shalt  }
0x70: {  	_ =	shalt  }
0x71: {  	_ =	shalt  }
0x72: {  	_ =	shalt  }
0x73: {  	_ =	shalt  }
0x74: {  	_ =	shalt  }
0x75: {  	_ =	shalt  }
0x76: {  	_ =	shalt  }
0x77: {  	_ =	shalt  }
0x78: {  	_ =	shalt  }
0x79: {  	_ =	shalt  }
0x7a: {  	_ =	shalt  }
0x7b: {  	_ =	shalt  }
0x7c: {  	_ =	shalt  }
0x7d: {  	_ =	shalt  }
0x7e: {  	_ =	shalt  }
0x7f: {  	_ =	shalt  }
0x80: {  	_ =	shalt  }
0x81: {  	_ =	shalt  }
0x82: {  	_ =	shalt  }
0x83: {  	_ =	shalt  }
0x84: {  	_ =	shalt  }
0x85: {  	_ =	shalt  }
0x86: {  	_ =	shalt  }
0x87: {  	_ =	shalt  }
.Lfunc_end0:
.L_simem_size_0:
called_computation_lowered:
.L_overlay_start_0:
0x88: {  	s2 =	sld [smem:$0x3FD9]  }
0x89: {  	s3 =	sld [smem:$0x3FFE];
	_ =	sdelay $0x1  }
0x8a: {  	s1 =	srdreg.scid  }
0x8b: {  	s0 =	sand.u32 $0x1, s1  }
0x8c: {  	s17 =	sshll.u32 s0, $0xA;
	s2 =	sadd.s32 s3, s2  }
0x8d: {  	s2 =	sadd.s32 s2, s17  }
0x8e: {  	[smem:$0x3FC4] =	sst s2  }
0x8f: {  	_ = 	snop  }
0x90: {  	s2 =	sld [smem:$0x3FC9]  }
0x91: {  	s18 =	sld [smem:$0x3FC8]  }
0x92: {  	s4 =	sld [smem:$0x3FC7];
	(tm) =	ssettm $0x1  }
0x93: {  	s5 =	sld [smem:$0x3FFB];
	_ =	sdelay $0x3  }
0x94: {  	_ =	strace s5  }
0x95: {  	s5 =	sld [smem:$0x3FFC];
	_ =	sdelay $0x3  }
0x96: {  	_ =	strace s5  }
0x97: {  	s5 =	sld [smem:$0x3FFD];
	_ =	sdelay $0x3  }
0x98: {  	_ =	strace s5  }
0x99: {  	_ =	strace $0x8FFFFFFF  }
0x9a: {  	s19 =	sld [smem:$0x3FDB];
	_ =	sdelay $0x1  }
0x9b: {  	s6 =	simm.s32 $_scs_section_size  }
0x9c: {  	s7 =	simm.s32 $_size__tile_overlayer_lowered;
	s8 =	simm.s32 $_tile_overlayer_lowered  }
0x9d: {  	s22 =	simm.s32 $0x1BFF;
	s21 =	sshll.u32 s8, $0x1;
	s5 =	sadd.s32 s6, s19  }
0x9e: {  	s9 =	simm.s32 $0x0;
	s20 =	sshll.u32 s7, $0x1;
	s7 =	sadd.s32 s21, s5  }
0x9f: {  	[timem:s9], [sflag:s22] =	dma.local [hbm:s7], s20  }
0xa0: {  	_ =	swait.ge [sflag:s22], s20  }
0xa1: {  	s6 =	ssub.s32 $0x0, s20;
	[sflag:s22] =	ssyncset.done $0x0  }
0xa2: {  	[sflag:s22] =	ssyncadd.s32 s6;
	_ =	sdelay $0x1  }
0xa3: {  	s23 =	simm.s32 $0x1B8B  }
0xa4: {  	_ =	swait.ge [sflag:s23], $0x1  }
0xa5: {  	[sflag:s23] =	ssyncset.done $0x0  }
0xa6: {  	s25 =	simm.s32 $0x1B8E;
	s24 =	sld [smem:$0x3FFE];
	[sflag:s23] =	ssyncadd.s32 $0xFFFFFFFF  }
0xa7: {  	s26 =	simm.s32 $execute0_lowered;
	[smem:$0x3FD2] =	sst s25  }
0xa8: {  	s7 =	sshll.u32 s26, $0x1;
	_ =	strace $0x80000046;
	[dreg:$0x1] =	wrdreg $0xFFFFFFFF  }
0xa9: {  	s28 =	simm.s32 $_size_execute0_lowered;
	s5 =	sadd.s32 s5, s7;
	[dreg:$0x0] =	wrdreg $0x0  }
0xaa: {  	s7 =	sshll.u32 s28, $0x1;
	[dreg:$0x2] =	wrdreg s5  }
0xab: {  	[dreg:$0x3] =	wrdreg s7  }
0xac: {  	[dreg:$0x4] =	wrdreg $0xC0  }
0xad: {  	_ =	task [dreg:s9], $0x5FFFF  }
0xae: {  	[dreg:$0x1] =	wrdreg $0xFFFFFFFF  }
0xaf: {  	[dreg:$0x0] =	wrdreg $0x60  }
0xb0: {  	[dreg:$0x2] =	wrdreg s2  }
0xb1: {  	[dreg:$0x3] =	wrdreg s18  }
0xb2: {  	[dreg:$0x4] =	wrdreg s4  }
0xb3: {  	[dreg:$0x5] =	wrdreg s24  }
0xb4: {  	[dreg:$0x6] =	wrdreg $0x9  }
0xb5: {  	_ =	task.clear_ibuf [dreg:s9], $0x7FFFF;
	_ =	strace $0x90000046  }
0xb6: {  	s29 =	simm.s32 $0x9;
	_ =	strace $0x80000048  }
0xb7: {  	_ =	swait.ge [sflag:s29], $0x1  }
0xb8: {  	[sflag:s29] =	ssyncadd.s32 $0xFFFFFFFF  }
0xb9: {  	_ =	strace $0x90000048  }
0xba: {  	_ =	sfence  }
0xbb: {  	s30 =	sld [smem:$0x0];
	_ =	sdelay $0x2  }
0xbc: {  	s31 =	sshll.u32 s1, $0xD;
	s1 =	sshrl.u32 s1, $0x2  }
0xbd: {  	s3 =	sand.u32 $0x4000, s31;
	s1 =	sadd.s32 s1, s30  }
0xbe: {  	s0 =	sor.u32 s3, s0;
	s1 =	sshll.u32 s1, $0x11  }
0xbf: {  	s0 =	sor.u32 s1, s0  }
0xc0: {  	s0 =	sadd.s32 $0x8F2B, s0  }
0xc1: {  	[sflag:s0] =	ssyncadd.remote.s32 $0x1  }
0xc2: {  	_ =	sfence.sel $0xFFFF  }
0xc3: {  	[dreg:$0x0] =	wrdreg $0xFFFFFFFF;
	(pc) =	sbr.abs _section_cstart, $3  }
0xc4: {  	[dreg:$0x1] =	wrdreg $0xFFFFFFFF  }
0xc5: {  	_ =	task.clear_ibuf [dreg:s9], $0x2FFFF;
	_ =	strace $0x9FFFFFFF  }
0xc6: {  	(tm) =	ssettm $0x7FFFFFFF  }
0xc7: {  	_ =	shalt  }
tec
execute0_lowered:
.L_overlay_start_1:
0x0: {  	(tag) =	ssettag $0x1  }
0x1: {  	s1 =	rddreg [dreg:$0x0]  }
0x2: {  	s2 =	rddreg [dreg:$0x1]  }
0x3: {  	s3 =	rddreg [dreg:$0x2]  }
0x4: {  	s0 =	rddreg [dreg:$0x3]  }
0x5: {  	s4 =	simm.s32 $0x0;
	s9 =	srdreg.scid;
	s17 =	stileid.u32  }
0x6: {  	s30 =	simm.s32 $0x2;
	s31 =	simm.s32 $0x800;
	[smem:$0x7FF] =	sst s4  }
0x7: {  	s5 =	sadd.s32 $0x99C00, s0;
	s6 =	sadd.s32 $0x7B200, s0;
	s7 =	sadd.s32 $0x5C800, s0  }
0x8: {  	s8 =	sadd.s32 $0x3DE00, s0;
	s9 =	sand.u32 $0x1, s9;
	s10 =	sadd.s32 $0x1F400, s0  }
0x9: {  	s11 =	sadd.s32 $0xA00, s0;
	s18 =	sadd.s32 $0x2A0C00, s0;
	s13 =	sadd.s32 $0xB8600, s0  }
0xa: {  	s26 =	sshll.u32 s17, $0x1;
	s28 =	ssub.s32 $0x1F8, s17;
	s16 =	sshll.u32 s17, $0x8  }
0xb: {  	_ =	strace $0x80000047;
	s29 =	sadd.s32 s5, s16;
	[dreg:$0x5] =	wrdreg s18  }
0xc: {  	s12 =	ssub.s32 $0x2, s9;
	s19 =	sadd.s32 s7, s16;
	[dreg:$0x6] =	wrdreg s29  }
0xd: {  	s0 =	sor.u32 s9, s26;
	s20 =	sadd.s32 s8, s16;
	[dreg:$0x8] =	wrdreg s19  }
0xe: {  	s25 =	smul.u32 $0xF4240, s9;
	s21 =	sadd.s32 s10, s16;
	[dreg:$0x9] =	wrdreg s20  }
0xf: {  	s15 =	sshrl.u32 s28, $0x4;
	s22 =	sadd.s32 s11, s16;
	[dreg:$0xa] =	wrdreg s21  }
0x10: {  	s9 =	simm.s32 $0x3;
	s14 =	sshrl.u32 s12, $0x1;
	[dreg:$0xb] =	wrdreg s22  }
0x11: {  	s23 =	sadd.s32 $0x1, s15;
	s24 =	ssub.s32 $0x208, s0;
	s26 =	sshll.u32 s0, $0x8  }
0x12: {  	s12 =	ssub.s32 s12, s14;
	s14 =	sadd.s32 s6, s16;
	[dreg:$0x15] =	wrdreg s25  }
0x13: {  	s22 =	sshrl.u32 s23, $0x1;
	s19 =	sadd.s32 s2, s26;
	[dreg:$0x7] =	wrdreg s14  }
0x14: {  	s23 =	sshrl.u32 s24, $0x5;
	s20 =	sadd.s32 s3, s26;
	[dreg:$0xf] =	wrdreg s19  }
0x15: {  	s28 =	sor.u32 $0x2000, s26;
	s21 =	sadd.s32 s1, s26;
	[dreg:$0x10] =	wrdreg s20  }
0x16: {  	s24 =	sshll.u32 s0, $0xB;
	s29 =	sadd.s32 s2, s28;
	[dreg:$0x11] =	wrdreg s21  }
0x17: {  	s16 =	sadd.s32 s3, s28;
	s0 =	sadd.s32 s1, s28;
	[dreg:$0xc] =	wrdreg s29  }
.Ltmp0:
0x18: {  	s28 =	sadd.s32 $0xFFFFFFFE, s23;
	[dreg:$0xd] =	wrdreg s16;
	(pc) =	sbr.rel .LBB2_1-.Ltmp0, $4  }
0x19: {  	s19 =	simm.s32 $0x1;
	s20 =	simm.s32 $0xA000;
	[dreg:$0xe] =	wrdreg s0  }
0x1a: {  	s0 =	sadd.s32 s18, s26;
	s26 =	smax.u32 s12, $0x1;
	[dreg:$0x13] =	wrdreg s28  }
0x1b: {  	v1 =	vlaneseq.u32;
	s21 =	simm.s32 $0xE000;
	s29 =	sadd.s32 s13, s25;
	[dreg:$0x12] =	wrdreg s26  }
0x1c: {  	v1 =	vmul.u32 $0x8, v1;
	v0 =	vmov s25;
	s16 =	sshll.u32 s17, $0xB;
	s17 =	simm.s32 $0x0;
	[dreg:$0x14] =	wrdreg s29  }
.LBB2_30:
0x1d: {  	s14 =	simm.s32 $0x4  }
0x1e: {  	_ =	swait.ge [sflag:s14], $0x800  }
0x1f: {  	[sflag:s14] =	ssyncset.done $0x0  }
0x20: {  	[sflag:s14] =	ssyncadd.s32 $0xFFFFF800  }
0x21: {  	_ =	swait.ge [sflag:s14], $0x800  }
0x22: {  	s17 =	rddreg [dreg:$0x16]  }
0x23: {  	s12 =	rddreg [dreg:$0x12];
	s17 =	sadd.s32 $0x1, s17  }
0x24: {  	p0 =	sne.s32 s17, s12  }
.Ltmp1:
0x25: {  	_ = 	snop;
	(pc) =	sbr.rel @!p0 .LBB2_31-.Ltmp1, $3  }
0x26: {  	_ =	sdelay $0x1  }
0x27: {  	[sflag:s14] =	ssyncset.done $0x0  }
0x28: {  	[sflag:s14] =	ssyncadd.s32 $0xFFFFF800  }
.LBB2_1:
0x29: {  	[dreg:$0x16] =	wrdreg s17  }
0x2a: {  	s12 =	rddreg [dreg:$0x6];
	s14 =	simm.s32 $0x4000  }
0x2b: {  	[tilespmem:s14], [sflag:$0x1] =	stream.linear.gather [hbm4b:s12+s4], $0x800, $0x38;
	[tilespmem:$0x13000] =	vst v63  }
0x2c: {  	s25 =	rddreg [dreg:$0x7];
	s26 =	simm.s32 $0x4800  }
0x2d: {  	[tilespmem:s26], [sflag:$0x1] =	stream.linear.gather [hbm4b:s25+s4], $0x800, $0x38;
	[tilespmem:$0x13000] =	vst v63  }
0x2e: {  	s28 =	rddreg [dreg:$0x8];
	s29 =	simm.s32 $0x5000  }
0x2f: {  	[tilespmem:s29], [sflag:$0x1] =	stream.linear.gather [hbm4b:s28+s4], $0x800, $0x38;
	[tilespmem:$0x13000] =	vst v63  }
0x30: {  	s17 =	rddreg [dreg:$0x9];
	s18 =	simm.s32 $0x5800  }
0x31: {  	[tilespmem:s18], [sflag:$0x1] =	stream.linear.gather [hbm4b:s17+s4], $0x800, $0x38;
	[tilespmem:$0x13000] =	vst v63  }
.Ltmp2:
0x32: {  	_ = 	snop;
	(pc) =	sbr.rel .LBB2_2-.Ltmp2, $4  }
0x33: {  	s25 =	rddreg [dreg:$0xa];
	s26 =	simm.s32 $0x6000  }
0x34: {  	[tilespmem:s26], [sflag:$0x1] =	stream.linear.gather [hbm4b:s25+s4], $0x800, $0x38;
	[tilespmem:$0x13000] =	vst v63  }
0x35: {  	s28 =	rddreg [dreg:$0xb];
	s29 =	simm.s32 $0x6800;
	s25 =	simm.s32 $0x0  }
0x36: {  	[tilespmem:s29], [sflag:$0x1] =	stream.linear.gather [hbm4b:s28+s4], $0x800, $0x38;
	[tilespmem:$0x13000] =	vst v63  }
.LBB2_11:
0x37: {  	s25 =	sadd.s32 $0x1, s25  }
0x38: {  	p0 =	sne.s32 s25, s22  }
.Ltmp3:
0x39: {  	_ = 	snop;
	(pc) =	sbr.rel @!p0 .LBB2_12-.Ltmp3, $1  }
0x3a: {  	_ =	sdelay $0x3  }
.LBB2_2:
0x3b: {  	s29 =	sshll.u32 s25, $0x1  }
0x3c: {  	p0 =	slt.u32 s29, s15  }
.Ltmp4:
0x3d: {  	_ = 	snop;
	(pc) =	sbr.rel @!p0 .LBB2_3-.Ltmp4, $1  }
0x3e: {  	_ =	sdelay $0x3  }
0x3f: {  	_ =	swait.ge [sflag:s19], $0x800  }
0x40: {  	[sflag:s19] =	ssyncset.done $0x0  }
0x41: {  	[sflag:s19] =	ssyncadd.s32 $0xFFFFF800  }
0x42: {  	_ =	swait.ge [sflag:s19], $0x800  }
0x43: {  	[sflag:s19] =	ssyncset.done $0x0  }
0x44: {  	[sflag:s19] =	ssyncadd.s32 $0xFFFFF800  }
0x45: {  	_ =	swait.ge [sflag:s19], $0x800  }
0x46: {  	[sflag:s19] =	ssyncset.done $0x0  }
0x47: {  	[sflag:s19] =	ssyncadd.s32 $0xFFFFF800  }
0x48: {  	_ =	swait.ge [sflag:s19], $0x800  }
0x49: {  	[sflag:s19] =	ssyncset.done $0x0  }
0x4a: {  	s28 =	sor.u32 $0x1, s29;
	[sflag:s19] =	ssyncadd.s32 $0xFFFFF800  }
0x4b: {  	p0 =	sge.u32 s28, s15;
	_ =	swait.ge [sflag:s19], $0x800  }
0x4c: {  	s12 =	sshll.u32 @!p0 s28, $0xF;
	[sflag:s19] =	ssyncset.done $0x0  }
0x4d: {  	s12 =	sor.u32 @!p0 s16, s12;
	[sflag:s19] =	ssyncadd.s32 $0xFFFFF800  }
0x4e: {  	s12 =	smin.u32 @!p0 s12, $0xF3A40;
	_ =	swait.ge [sflag:s19], $0x800  }
0x4f: {  	s17 =	simm.s32 @!p0 $0x0;
	s12 =	sshrl.u32 @!p0 s12, $0x3;
	[sflag:s19] =	ssyncset.done $0x0  }
0x50: {  	s26 =	simm.s32 @!p0 $0x7000;
	s14 =	sadd.s32 @!p0 s5, s12;
	[sflag:s19] =	ssyncadd.s32 $0xFFFFF800  }
0x51: {  	[tilespmem:s26], [sflag:$0x1] =	stream.linear.gather @!p0 [hbm4b:s14+s17], $0x800, $0x38;
	[tilespmem:$0x13000] =	vst v63  }
0x52: {  	s14 =	sadd.s32 @!p0 s6, s12;
	s26 =	simm.s32 @!p0 $0x7800  }
0x53: {  	[tilespmem:s26], [sflag:$0x1] =	stream.linear.gather @!p0 [hbm4b:s14+s17], $0x800, $0x38;
	[tilespmem:$0x13000] =	vst v63  }
0x54: {  	s14 =	sadd.s32 @!p0 s7, s12;
	s26 =	simm.s32 @!p0 $0x8000  }
0x55: {  	[tilespmem:s26], [sflag:$0x1] =	stream.linear.gather @!p0 [hbm4b:s14+s17], $0x800, $0x38;
	[tilespmem:$0x13000] =	vst v63  }
0x56: {  	s14 =	sadd.s32 @!p0 s8, s12;
	s26 =	simm.s32 @!p0 $0x8800  }
0x57: {  	[tilespmem:s26], [sflag:$0x1] =	stream.linear.gather @!p0 [hbm4b:s14+s17], $0x800, $0x38;
	[tilespmem:$0x13000] =	vst v63  }
0x58: {  	s14 =	sadd.s32 @!p0 s10, s12;
	s26 =	simm.s32 @!p0 $0x9000  }
0x59: {  	[tilespmem:s26], [sflag:$0x1] =	stream.linear.gather @!p0 [hbm4b:s14+s17], $0x800, $0x38;
	[tilespmem:$0x13000] =	vst v63  }
0x5a: {  	s12 =	sadd.s32 @!p0 s11, s12;
	s14 =	simm.s32 @!p0 $0x9800  }
0x5b: {  	[tilespmem:s14], [sflag:$0x1] =	stream.linear.gather @!p0 [hbm4b:s12+s17], $0x800, $0x38;
	[tilespmem:$0x13000] =	vst v63  }
0x5c: {  	p0 =	seq.s32 s25, $0x0  }
0x5d: {  	s12 =	simm.s32 @!p0 $0x4  }
0x5e: {  	s17 =	simm.s32 $0x0;
	_ =	swait.ge @!p0 [sflag:s12], $0x4000  }
0x5f: {  	v2 =	vmov s17;
	[sflag:s12] =	ssyncset.done @!p0 $0x0  }
0x60: {  	s26 =	simm.s32 $0x5800;
	v2 =	vshll.u32 v2, $0x3;
	[sflag:s12] =	ssyncadd.s32 @!p0 $0xFFFFC000  }
0x61: {  	v2 =	vor.u32 v1, v2;
	v3 =	vld [tilespmem:s26+$0xFFFFE800];
	_ =	sdelay $0x4  }
0x62: {  	[tilespmem:v2+s20+$0x0] =	vst.idx.msk $0xffff, v3  }
0x63: {  	v4 =	vor.u32 $0x1, v2;
	v3 =	vld [tilespmem:s26+$0xFFFFF000];
	_ =	sdelay $0x4  }
0x64: {  	[tilespmem:v4+s20+$0x0] =	vst.idx.msk $0xffff, v3  }
0x65: {  	v4 =	vor.u32 $0x2, v2;
	v3 =	vld [tilespmem:s26+$0xFFFFF800];
	_ =	sdelay $0x4  }
0x66: {  	[tilespmem:v4+s20+$0x0] =	vst.idx.msk $0xffff, v3  }
0x67: {  	v4 =	vor.u32 $0x3, v2;
	v3 =	vld [tilespmem:s26+$0x0];
	_ =	sdelay $0x4  }
0x68: {  	[tilespmem:v4+s20+$0x0] =	vst.idx.msk $0xffff, v3  }
0x69: {  	v4 =	vor.u32 $0x4, v2;
	v3 =	vld [tilespmem:s26+$0x800];
	_ =	sdelay $0x4  }
0x6a: {  	[tilespmem:v4+s20+$0x0] =	vst.idx.msk $0xffff, v3  }
0x6b: {  	v2 =	vor.u32 $0x5, v2;
	v3 =	vld [tilespmem:s26+$0x1000];
	_ =	sdelay $0x2  }
0x6c: {  	s18 =	simm.s32 $0x10  }
0x6d: {  	v4 =	vmov s18  }
0x6e: {  	[tilespmem:v2+s20+$0x0] =	vst.idx.msk $0xffff, v3;
	v2 =	vshll.u32 v4, $0x3  }
0x6f: {  	v3 =	vld [tilespmem:s26+$0xFFFFE810];
	v2 =	vor.u32 v1, v2;
	_ =	sdelay $0x4  }
0x70: {  	[tilespmem:v2+s20+$0x0] =	vst.idx.msk $0xffff, v3  }
0x71: {  	v4 =	vor.u32 $0x1, v2;
	v3 =	vld [tilespmem:s26+$0xFFFFF010];
	_ =	sdelay $0x4  }
0x72: {  	[tilespmem:v4+s20+$0x0] =	vst.idx.msk $0xffff, v3  }
0x73: {  	v4 =	vor.u32 $0x2, v2;
	v3 =	vld [tilespmem:s26+$0xFFFFF810];
	_ =	sdelay $0x4  }
0x74: {  	[tilespmem:v4+s20+$0x0] =	vst.idx.msk $0xffff, v3  }
0x75: {  	v4 =	vor.u32 $0x3, v2;
	v3 =	vld [tilespmem:s26+$0x10];
	_ =	sdelay $0x4  }
0x76: {  	[tilespmem:v4+s20+$0x0] =	vst.idx.msk $0xffff, v3  }
0x77: {  	v4 =	vor.u32 $0x4, v2;
	v3 =	vld [tilespmem:s26+$0x810];
	_ =	sdelay $0x4  }
0x78: {  	[tilespmem:v4+s20+$0x0] =	vst.idx.msk $0xffff, v3  }
0x79: {  	v2 =	vor.u32 $0x5, v2;
	v3 =	vld [tilespmem:s26+$0x1010];
	_ =	sdelay $0x2  }
0x7a: {  	s14 =	simm.s32 $0x20  }
0x7b: {  	v4 =	vmov s14  }
0x7c: {  	[tilespmem:v2+s20+$0x0] =	vst.idx.msk $0xffff, v3;
	v2 =	vshll.u32 v4, $0x3  }
0x7d: {  	v3 =	vld [tilespmem:s26+$0xFFFFE820];
	v2 =	vor.u32 v1, v2;
	_ =	sdelay $0x4  }
0x7e: {  	[tilespmem:v2+s20+$0x0] =	vst.idx.msk $0xffff, v3  }
0x7f: {  	v4 =	vor.u32 $0x1, v2;
	v3 =	vld [tilespmem:s26+$0xFFFFF020];
	_ =	sdelay $0x4  }
0x80: {  	[tilespmem:v4+s20+$0x0] =	vst.idx.msk $0xffff, v3  }
0x81: {  	v4 =	vor.u32 $0x2, v2;
	v3 =	vld [tilespmem:s26+$0xFFFFF820];
	_ =	sdelay $0x4  }
0x82: {  	[tilespmem:v4+s20+$0x0] =	vst.idx.msk $0xffff, v3  }
0x83: {  	v4 =	vor.u32 $0x3, v2;
	v3 =	vld [tilespmem:s26+$0x20];
	_ =	sdelay $0x4  }
0x84: {  	[tilespmem:v4+s20+$0x0] =	vst.idx.msk $0xffff, v3  }
0x85: {  	v4 =	vor.u32 $0x4, v2;
	v3 =	vld [tilespmem:s26+$0x820];
	_ =	sdelay $0x4  }
0x86: {  	[tilespmem:v4+s20+$0x0] =	vst.idx.msk $0xffff, v3  }
0x87: {  	v2 =	vor.u32 $0x5, v2;
	v3 =	vld [tilespmem:s26+$0x1020];
	_ =	sdelay $0x2  }
0x88: {  	s17 =	simm.s32 $0x30  }
0x89: {  	v4 =	vmov s17  }
0x8a: {  	[tilespmem:v2+s20+$0x0] =	vst.idx.msk $0xffff, v3;
	v2 =	vshll.u32 v4, $0x3  }
0x8b: {  	v3 =	vld [tilespmem:s26+$0xFFFFE830];
	v4 =	vor.u32 v1, v2;
	_ =	sdelay $0x4  }
0x8c: {  	[tilespmem:v4+s20+$0x0] =	vst.idx.msk $0xffff, v3  }
0x8d: {  	v3 =	vor.u32 $0x1, v4;
	v2 =	vld [tilespmem:s26+$0xFFFFF030];
	_ =	sdelay $0x4  }
0x8e: {  	[tilespmem:v3+s20+$0x0] =	vst.idx.msk $0xffff, v2  }
0x8f: {  	v3 =	vor.u32 $0x2, v4;
	v2 =	vld [tilespmem:s26+$0xFFFFF830];
	_ =	sdelay $0x4  }
0x90: {  	[tilespmem:v3+s20+$0x0] =	vst.idx.msk $0xffff, v2  }
0x91: {  	v3 =	vor.u32 $0x3, v4;
	v2 =	vld [tilespmem:s26+$0x30];
	_ =	sdelay $0x4  }
0x92: {  	[tilespmem:v3+s20+$0x0] =	vst.idx.msk $0xffff, v2  }
0x93: {  	v3 =	vor.u32 $0x4, v4;
	v2 =	vld [tilespmem:s26+$0x830];
	_ =	sdelay $0x4  }
0x94: {  	[tilespmem:v3+s20+$0x0] =	vst.idx.msk $0xffff, v2  }
0x95: {  	s18 =	sshll.u32 s25, $0x10;
	v3 =	vor.u32 $0x5, v4;
	v2 =	vld [tilespmem:s26+$0x1030]  }
0x96: {  	s12 =	sor.u32 s16, s18  }
0x97: {  	p0 =	slt.s32 s12, $0xF3A40  }
0x98: {  	s12 =	simm.s32 @!p0 $0xF3A40;
	s14 =	simm.s32 $0x0;
	s17 =	simm.s32 $0x40  }
.LBB2_5:
0x99: {  	v4 =	vmov s17;
	s14 =	sadd.s32 $0x4, s14  }
0x9a: {  	s26 =	sadd.s32 $0x40, s26;
	v4 =	vshll.u32 v4, $0x3;
	p0 =	slt.u32 s14, $0x7C;
	[tilespmem:v3+s20+$0x0] =	vst.idx.msk $0xffff, v2  }
0x9b: {  	v2 =	vld [tilespmem:s26+$0xFFFFE800];
	v3 =	vor.u32 v1, v4;
	_ =	sdelay $0x4  }
0x9c: {  	[tilespmem:v3+s20+$0x0] =	vst.idx.msk $0xffff, v2  }
0x9d: {  	v4 =	vor.u32 $0x1, v3;
	v2 =	vld [tilespmem:s26+$0xFFFFF000];
	_ =	sdelay $0x4  }
0x9e: {  	[tilespmem:v4+s20+$0x0] =	vst.idx.msk $0xffff, v2  }
0x9f: {  	v4 =	vor.u32 $0x2, v3;
	v2 =	vld [tilespmem:s26+$0xFFFFF800];
	_ =	sdelay $0x4  }
0xa0: {  	[tilespmem:v4+s20+$0x0] =	vst.idx.msk $0xffff, v2  }
0xa1: {  	v4 =	vor.u32 $0x3, v3;
	v2 =	vld [tilespmem:s26+$0x0];
	_ =	sdelay $0x4  }
0xa2: {  	[tilespmem:v4+s20+$0x0] =	vst.idx.msk $0xffff, v2  }
0xa3: {  	v4 =	vor.u32 $0x4, v3;
	v2 =	vld [tilespmem:s26+$0x800];
	_ =	sdelay $0x4  }
0xa4: {  	[tilespmem:v4+s20+$0x0] =	vst.idx.msk $0xffff, v2  }
0xa5: {  	v3 =	vor.u32 $0x5, v3;
	v2 =	vld [tilespmem:s26+$0x1000];
	_ =	sdelay $0x2  }
0xa6: {  	s18 =	sadd.s32 $0x10, s17  }
0xa7: {  	v4 =	vmov s18  }
0xa8: {  	[tilespmem:v3+s20+$0x0] =	vst.idx.msk $0xffff, v2;
	v2 =	vshll.u32 v4, $0x3  }
0xa9: {  	v3 =	vld [tilespmem:s26+$0xFFFFE810];
	v2 =	vor.u32 v1, v2;
	_ =	sdelay $0x4  }
0xaa: {  	[tilespmem:v2+s20+$0x0] =	vst.idx.msk $0xffff, v3  }
0xab: {  	v4 =	vor.u32 $0x1, v2;
	v3 =	vld [tilespmem:s26+$0xFFFFF010];
	_ =	sdelay $0x4  }
0xac: {  	[tilespmem:v4+s20+$0x0] =	vst.idx.msk $0xffff, v3  }
0xad: {  	v4 =	vor.u32 $0x2, v2;
	v3 =	vld [tilespmem:s26+$0xFFFFF810];
	_ =	sdelay $0x4  }
0xae: {  	[tilespmem:v4+s20+$0x0] =	vst.idx.msk $0xffff, v3  }
0xaf: {  	v4 =	vor.u32 $0x3, v2;
	v3 =	vld [tilespmem:s26+$0x10];
	_ =	sdelay $0x4  }
0xb0: {  	[tilespmem:v4+s20+$0x0] =	vst.idx.msk $0xffff, v3  }
0xb1: {  	v4 =	vor.u32 $0x4, v2;
	v3 =	vld [tilespmem:s26+$0x810];
	_ =	sdelay $0x4  }
0xb2: {  	[tilespmem:v4+s20+$0x0] =	vst.idx.msk $0xffff, v3  }
0xb3: {  	v2 =	vor.u32 $0x5, v2;
	v3 =	vld [tilespmem:s26+$0x1010];
	_ =	sdelay $0x2  }
0xb4: {  	s18 =	sadd.s32 $0x20, s17  }
0xb5: {  	v4 =	vmov s18  }
0xb6: {  	[tilespmem:v2+s20+$0x0] =	vst.idx.msk $0xffff, v3;
	v2 =	vshll.u32 v4, $0x3  }
0xb7: {  	v3 =	vld [tilespmem:s26+$0xFFFFE820];
	v2 =	vor.u32 v1, v2;
	_ =	sdelay $0x4  }
0xb8: {  	[tilespmem:v2+s20+$0x0] =	vst.idx.msk $0xffff, v3  }
0xb9: {  	v4 =	vor.u32 $0x1, v2;
	v3 =	vld [tilespmem:s26+$0xFFFFF020];
	_ =	sdelay $0x4  }
0xba: {  	[tilespmem:v4+s20+$0x0] =	vst.idx.msk $0xffff, v3  }
0xbb: {  	v4 =	vor.u32 $0x2, v2;
	v3 =	vld [tilespmem:s26+$0xFFFFF820];
	_ =	sdelay $0x4  }
0xbc: {  	[tilespmem:v4+s20+$0x0] =	vst.idx.msk $0xffff, v3  }
0xbd: {  	v4 =	vor.u32 $0x3, v2;
	v3 =	vld [tilespmem:s26+$0x20];
	_ =	sdelay $0x4  }
0xbe: {  	[tilespmem:v4+s20+$0x0] =	vst.idx.msk $0xffff, v3  }
0xbf: {  	v4 =	vor.u32 $0x4, v2;
	v3 =	vld [tilespmem:s26+$0x820];
	_ =	sdelay $0x4  }
0xc0: {  	[tilespmem:v4+s20+$0x0] =	vst.idx.msk $0xffff, v3  }
0xc1: {  	v2 =	vor.u32 $0x5, v2;
	v3 =	vld [tilespmem:s26+$0x1020];
	_ =	sdelay $0x2  }
0xc2: {  	s18 =	sadd.s32 $0x30, s17  }
0xc3: {  	v4 =	vmov s18  }
0xc4: {  	[tilespmem:v2+s20+$0x0] =	vst.idx.msk $0xffff, v3;
	v2 =	vshll.u32 v4, $0x3  }
0xc5: {  	v3 =	vld [tilespmem:s26+$0xFFFFE830];
	v4 =	vor.u32 v1, v2;
	_ =	sdelay $0x4  }
0xc6: {  	[tilespmem:v4+s20+$0x0] =	vst.idx.msk $0xffff, v3  }
0xc7: {  	v3 =	vor.u32 $0x1, v4;
	v2 =	vld [tilespmem:s26+$0xFFFFF030];
	_ =	sdelay $0x4  }
0xc8: {  	[tilespmem:v3+s20+$0x0] =	vst.idx.msk $0xffff, v2  }
0xc9: {  	v3 =	vor.u32 $0x2, v4;
	v2 =	vld [tilespmem:s26+$0xFFFFF830];
	_ =	sdelay $0x4  }
0xca: {  	[tilespmem:v3+s20+$0x0] =	vst.idx.msk $0xffff, v2  }
0xcb: {  	v3 =	vor.u32 $0x3, v4;
	v2 =	vld [tilespmem:s26+$0x30];
	_ =	sdelay $0x4  }
0xcc: {  	[tilespmem:v3+s20+$0x0] =	vst.idx.msk $0xffff, v2  }
0xcd: {  	v3 =	vor.u32 $0x4, v4;
	v2 =	vld [tilespmem:s26+$0x830];
	_ =	sdelay $0x4  }
.Ltmp5:
0xce: {  	[tilespmem:v3+s20+$0x0] =	vst.idx.msk $0xffff, v2;
	(pc) =	sbr.rel @p0 .LBB2_5-.Ltmp5, $2  }
0xcf: {  	v3 =	vor.u32 $0x5, v4;
	v2 =	vld [tilespmem:s26+$0x1030];
	_ =	sdelay $0x2  }
0xd0: {  	s17 =	sadd.s32 $0x40, s17  }
0xd1: {  	_ = 	snop  }
.Ltmp6:
0xd2: {  	s14 =	rddreg [dreg:$0x15];
	(pc) =	sbr.rel .LBB2_7-.Ltmp6, $4  }
0xd3: {  	s12 =	sadd.s32 s14, s12  }
0xd4: {  	s12 =	sand.u32 $0x1FFFFFC0, s12  }
0xd5: {  	[tilespmem:v3+s20+$0x0] =	vst.idx.msk $0xffff, v2;
	s12 =	sadd.s32 s13, s12  }
0xd6: {  	[hbm4b:s12+s4] =	stream.linear.scatter [tilespmem:s20], [sflag:$0x4], $0x4000, $0x38;
	[tilespmem:$0x13000] =	vst v63  }
.LBB2_3:
0xd7: {  	s28 =	sor.u32 $0x1, s29  }
.LBB2_7:
0xd8: {  	p0 =	sge.u32 s28, s15  }
.Ltmp7:
0xd9: {  	_ = 	snop;
	(pc) =	sbr.rel @p0 .LBB2_11-.Ltmp7, $1  }
0xda: {  	_ =	sdelay $0x3  }
0xdb: {  	_ =	swait.ge [sflag:s19], $0x800  }
0xdc: {  	[sflag:s19] =	ssyncset.done $0x0  }
0xdd: {  	[sflag:s19] =	ssyncadd.s32 $0xFFFFF800  }
0xde: {  	_ =	swait.ge [sflag:s19], $0x800  }
0xdf: {  	[sflag:s19] =	ssyncset.done $0x0  }
0xe0: {  	[sflag:s19] =	ssyncadd.s32 $0xFFFFF800  }
0xe1: {  	_ =	swait.ge [sflag:s19], $0x800  }
0xe2: {  	[sflag:s19] =	ssyncset.done $0x0  }
0xe3: {  	[sflag:s19] =	ssyncadd.s32 $0xFFFFF800  }
0xe4: {  	_ =	swait.ge [sflag:s19], $0x800  }
0xe5: {  	[sflag:s19] =	ssyncset.done $0x0  }
0xe6: {  	s12 =	sadd.s32 $0x2, s29;
	[sflag:s19] =	ssyncadd.s32 $0xFFFFF800  }
0xe7: {  	p0 =	sge.u32 s12, s15;
	_ =	swait.ge [sflag:s19], $0x800  }
0xe8: {  	s12 =	sshll.u32 @!p0 s12, $0xF;
	[sflag:s19] =	ssyncset.done $0x0  }
0xe9: {  	s12 =	sor.u32 @!p0 s16, s12;
	[sflag:s19] =	ssyncadd.s32 $0xFFFFF800  }
0xea: {  	s12 =	smin.u32 @!p0 s12, $0xF3A40;
	_ =	swait.ge [sflag:s19], $0x800  }
0xeb: {  	s17 =	simm.s32 @!p0 $0x0;
	s12 =	sshrl.u32 @!p0 s12, $0x3;
	[sflag:s19] =	ssyncset.done $0x0  }
0xec: {  	s18 =	simm.s32 @!p0 $0x4000;
	s14 =	sadd.s32 @!p0 s5, s12;
	[sflag:s19] =	ssyncadd.s32 $0xFFFFF800  }
0xed: {  	[tilespmem:s18], [sflag:$0x1] =	stream.linear.gather @!p0 [hbm4b:s14+s17], $0x800, $0x38;
	[tilespmem:$0x13000] =	vst v63  }
0xee: {  	s14 =	sadd.s32 @!p0 s6, s12;
	s18 =	simm.s32 @!p0 $0x4800  }
0xef: {  	[tilespmem:s18], [sflag:$0x1] =	stream.linear.gather @!p0 [hbm4b:s14+s17], $0x800, $0x38;
	[tilespmem:$0x13000] =	vst v63  }
0xf0: {  	s14 =	sadd.s32 @!p0 s7, s12;
	s18 =	simm.s32 @!p0 $0x5000  }
0xf1: {  	[tilespmem:s18], [sflag:$0x1] =	stream.linear.gather @!p0 [hbm4b:s14+s17], $0x800, $0x38;
	[tilespmem:$0x13000] =	vst v63  }
0xf2: {  	s14 =	sadd.s32 @!p0 s8, s12;
	s18 =	simm.s32 @!p0 $0x5800  }
0xf3: {  	[tilespmem:s18], [sflag:$0x1] =	stream.linear.gather @!p0 [hbm4b:s14+s17], $0x800, $0x38;
	[tilespmem:$0x13000] =	vst v63  }
0xf4: {  	s14 =	sadd.s32 @!p0 s10, s12;
	s18 =	simm.s32 @!p0 $0x6000  }
0xf5: {  	[tilespmem:s18], [sflag:$0x1] =	stream.linear.gather @!p0 [hbm4b:s14+s17], $0x800, $0x38;
	[tilespmem:$0x13000] =	vst v63  }
0xf6: {  	s12 =	sadd.s32 @!p0 s11, s12;
	s14 =	simm.s32 @!p0 $0x6800  }
0xf7: {  	[tilespmem:s14], [sflag:$0x1] =	stream.linear.gather @!p0 [hbm4b:s12+s17], $0x800, $0x38;
	[tilespmem:$0x13000] =	vst v63  }
0xf8: {  	p0 =	seq.s32 s25, $0x0  }
0xf9: {  	s12 =	simm.s32 @!p0 $0x4  }
0xfa: {  	s29 =	simm.s32 $0x0;
	_ =	swait.ge @!p0 [sflag:s12], $0x4000  }
0xfb: {  	v2 =	vmov s29;
	[sflag:s12] =	ssyncset.done @!p0 $0x0  }
0xfc: {  	s26 =	simm.s32 $0x9830;
	v2 =	vshll.u32 v2, $0x3;
	[sflag:s12] =	ssyncadd.s32 @!p0 $0xFFFFC000  }
0xfd: {  	v2 =	vor.u32 v1, v2;
	v3 =	vld [tilespmem:s26+$0xFFFFD7D0];
	_ =	sdelay $0x4  }
0xfe: {  	[tilespmem:v2+s21+$0x0] =	vst.idx.msk $0xffff, v3  }
0xff: {  	v4 =	vor.u32 $0x1, v2;
	v3 =	vld [tilespmem:s26+$0xFFFFDFD0];
	_ =	sdelay $0x4  }
0x100: {  	[tilespmem:v4+s21+$0x0] =	vst.idx.msk $0xffff, v3  }
0x101: {  	v4 =	vor.u32 $0x2, v2;
	v3 =	vld [tilespmem:s26+$0xFFFFE7D0];
	_ =	sdelay $0x4  }
0x102: {  	[tilespmem:v4+s21+$0x0] =	vst.idx.msk $0xffff, v3  }
0x103: {  	v4 =	vor.u32 $0x3, v2;
	v3 =	vld [tilespmem:s26+$0xFFFFEFD0];
	_ =	sdelay $0x4  }
0x104: {  	[tilespmem:v4+s21+$0x0] =	vst.idx.msk $0xffff, v3  }
0x105: {  	v4 =	vor.u32 $0x4, v2;
	v3 =	vld [tilespmem:s26+$0xFFFFF7D0];
	_ =	sdelay $0x4  }
0x106: {  	[tilespmem:v4+s21+$0x0] =	vst.idx.msk $0xffff, v3  }
0x107: {  	v2 =	vor.u32 $0x5, v2;
	v3 =	vld [tilespmem:s26+$0xFFFFFFD0];
	_ =	sdelay $0x2  }
0x108: {  	s14 =	simm.s32 $0x10  }
0x109: {  	v4 =	vmov s14  }
0x10a: {  	[tilespmem:v2+s21+$0x0] =	vst.idx.msk $0xffff, v3;
	v2 =	vshll.u32 v4, $0x3  }
0x10b: {  	v3 =	vld [tilespmem:s26+$0xFFFFD7E0];
	v2 =	vor.u32 v1, v2;
	_ =	sdelay $0x4  }
0x10c: {  	[tilespmem:v2+s21+$0x0] =	vst.idx.msk $0xffff, v3  }
0x10d: {  	v4 =	vor.u32 $0x1, v2;
	v3 =	vld [tilespmem:s26+$0xFFFFDFE0];
	_ =	sdelay $0x4  }
0x10e: {  	[tilespmem:v4+s21+$0x0] =	vst.idx.msk $0xffff, v3  }
0x10f: {  	v4 =	vor.u32 $0x2, v2;
	v3 =	vld [tilespmem:s26+$0xFFFFE7E0];
	_ =	sdelay $0x4  }
0x110: {  	[tilespmem:v4+s21+$0x0] =	vst.idx.msk $0xffff, v3  }
0x111: {  	v4 =	vor.u32 $0x3, v2;
	v3 =	vld [tilespmem:s26+$0xFFFFEFE0];
	_ =	sdelay $0x4  }
0x112: {  	[tilespmem:v4+s21+$0x0] =	vst.idx.msk $0xffff, v3  }
0x113: {  	v4 =	vor.u32 $0x4, v2;
	v3 =	vld [tilespmem:s26+$0xFFFFF7E0];
	_ =	sdelay $0x4  }
0x114: {  	[tilespmem:v4+s21+$0x0] =	vst.idx.msk $0xffff, v3  }
0x115: {  	v2 =	vor.u32 $0x5, v2;
	v3 =	vld [tilespmem:s26+$0xFFFFFFE0];
	_ =	sdelay $0x2  }
0x116: {  	s17 =	simm.s32 $0x20  }
0x117: {  	v4 =	vmov s17  }
0x118: {  	[tilespmem:v2+s21+$0x0] =	vst.idx.msk $0xffff, v3;
	v2 =	vshll.u32 v4, $0x3  }
0x119: {  	v3 =	vld [tilespmem:s26+$0xFFFFD7F0];
	v2 =	vor.u32 v1, v2;
	_ =	sdelay $0x4  }
0x11a: {  	[tilespmem:v2+s21+$0x0] =	vst.idx.msk $0xffff, v3  }
0x11b: {  	v4 =	vor.u32 $0x1, v2;
	v3 =	vld [tilespmem:s26+$0xFFFFDFF0];
	_ =	sdelay $0x4  }
0x11c: {  	[tilespmem:v4+s21+$0x0] =	vst.idx.msk $0xffff, v3  }
0x11d: {  	v4 =	vor.u32 $0x2, v2;
	v3 =	vld [tilespmem:s26+$0xFFFFE7F0];
	_ =	sdelay $0x4  }
0x11e: {  	[tilespmem:v4+s21+$0x0] =	vst.idx.msk $0xffff, v3  }
0x11f: {  	v4 =	vor.u32 $0x3, v2;
	v3 =	vld [tilespmem:s26+$0xFFFFEFF0];
	_ =	sdelay $0x4  }
0x120: {  	[tilespmem:v4+s21+$0x0] =	vst.idx.msk $0xffff, v3  }
0x121: {  	v4 =	vor.u32 $0x4, v2;
	v3 =	vld [tilespmem:s26+$0xFFFFF7F0];
	_ =	sdelay $0x4  }
0x122: {  	[tilespmem:v4+s21+$0x0] =	vst.idx.msk $0xffff, v3  }
0x123: {  	v2 =	vor.u32 $0x5, v2;
	v3 =	vld [tilespmem:s26+$0xFFFFFFF0];
	_ =	sdelay $0x2  }
0x124: {  	s18 =	simm.s32 $0x30  }
0x125: {  	v4 =	vmov s18  }
0x126: {  	[tilespmem:v2+s21+$0x0] =	vst.idx.msk $0xffff, v3;
	v2 =	vshll.u32 v4, $0x3  }
0x127: {  	v3 =	vld [tilespmem:s26+$0xFFFFD800];
	v4 =	vor.u32 v1, v2;
	_ =	sdelay $0x4  }
0x128: {  	[tilespmem:v4+s21+$0x0] =	vst.idx.msk $0xffff, v3  }
0x129: {  	v3 =	vor.u32 $0x1, v4;
	v2 =	vld [tilespmem:s26+$0xFFFFE000];
	_ =	sdelay $0x4  }
0x12a: {  	[tilespmem:v3+s21+$0x0] =	vst.idx.msk $0xffff, v2  }
0x12b: {  	v3 =	vor.u32 $0x2, v4;
	v2 =	vld [tilespmem:s26+$0xFFFFE800];
	_ =	sdelay $0x4  }
0x12c: {  	[tilespmem:v3+s21+$0x0] =	vst.idx.msk $0xffff, v2  }
0x12d: {  	v3 =	vor.u32 $0x3, v4;
	v2 =	vld [tilespmem:s26+$0xFFFFF000];
	_ =	sdelay $0x4  }
0x12e: {  	[tilespmem:v3+s21+$0x0] =	vst.idx.msk $0xffff, v2  }
0x12f: {  	v3 =	vor.u32 $0x4, v4;
	v2 =	vld [tilespmem:s26+$0xFFFFF800];
	_ =	sdelay $0x4  }
0x130: {  	[tilespmem:v3+s21+$0x0] =	vst.idx.msk $0xffff, v2  }
0x131: {  	s29 =	sshll.u32 s28, $0xF;
	v3 =	vor.u32 $0x5, v4;
	v2 =	vld [tilespmem:s26+$0x0]  }
0x132: {  	s12 =	sor.u32 s16, s29  }
0x133: {  	s12 =	smin.u32 s12, $0xF3A40;
	s14 =	simm.s32 $0x0;
	s17 =	simm.s32 $0x70  }
.LBB2_9:
0x134: {  	s18 =	sadd.s32 $0xFFFFFFD0, s17;
	s14 =	sadd.s32 $0x4, s14  }
0x135: {  	v4 =	vmov s18;
	p0 =	slt.u32 s14, $0x7C  }
0x136: {  	s26 =	sadd.s32 $0x40, s26;
	v4 =	vshll.u32 v4, $0x3;
	[tilespmem:v3+s21+$0x0] =	vst.idx.msk $0xffff, v2  }
0x137: {  	v2 =	vld [tilespmem:s26+$0xFFFFD7D0];
	v3 =	vor.u32 v1, v4;
	_ =	sdelay $0x4  }
0x138: {  	[tilespmem:v3+s21+$0x0] =	vst.idx.msk $0xffff, v2  }
0x139: {  	v4 =	vor.u32 $0x1, v3;
	v2 =	vld [tilespmem:s26+$0xFFFFDFD0];
	_ =	sdelay $0x4  }
0x13a: {  	[tilespmem:v4+s21+$0x0] =	vst.idx.msk $0xffff, v2  }
0x13b: {  	v4 =	vor.u32 $0x2, v3;
	v2 =	vld [tilespmem:s26+$0xFFFFE7D0];
	_ =	sdelay $0x4  }
0x13c: {  	[tilespmem:v4+s21+$0x0] =	vst.idx.msk $0xffff, v2  }
0x13d: {  	v4 =	vor.u32 $0x3, v3;
	v2 =	vld [tilespmem:s26+$0xFFFFEFD0];
	_ =	sdelay $0x4  }
0x13e: {  	[tilespmem:v4+s21+$0x0] =	vst.idx.msk $0xffff, v2  }
0x13f: {  	v4 =	vor.u32 $0x4, v3;
	v2 =	vld [tilespmem:s26+$0xFFFFF7D0];
	_ =	sdelay $0x4  }
0x140: {  	[tilespmem:v4+s21+$0x0] =	vst.idx.msk $0xffff, v2  }
0x141: {  	v3 =	vor.u32 $0x5, v3;
	v2 =	vld [tilespmem:s26+$0xFFFFFFD0];
	_ =	sdelay $0x2  }
0x142: {  	s18 =	sadd.s32 $0xFFFFFFE0, s17  }
0x143: {  	v4 =	vmov s18  }
0x144: {  	[tilespmem:v3+s21+$0x0] =	vst.idx.msk $0xffff, v2;
	v2 =	vshll.u32 v4, $0x3  }
0x145: {  	v3 =	vld [tilespmem:s26+$0xFFFFD7E0];
	v2 =	vor.u32 v1, v2;
	_ =	sdelay $0x4  }
0x146: {  	[tilespmem:v2+s21+$0x0] =	vst.idx.msk $0xffff, v3  }
0x147: {  	v4 =	vor.u32 $0x1, v2;
	v3 =	vld [tilespmem:s26+$0xFFFFDFE0];
	_ =	sdelay $0x4  }
0x148: {  	[tilespmem:v4+s21+$0x0] =	vst.idx.msk $0xffff, v3  }
0x149: {  	v4 =	vor.u32 $0x2, v2;
	v3 =	vld [tilespmem:s26+$0xFFFFE7E0];
	_ =	sdelay $0x4  }
0x14a: {  	[tilespmem:v4+s21+$0x0] =	vst.idx.msk $0xffff, v3  }
0x14b: {  	v4 =	vor.u32 $0x3, v2;
	v3 =	vld [tilespmem:s26+$0xFFFFEFE0];
	_ =	sdelay $0x4  }
0x14c: {  	[tilespmem:v4+s21+$0x0] =	vst.idx.msk $0xffff, v3  }
0x14d: {  	v4 =	vor.u32 $0x4, v2;
	v3 =	vld [tilespmem:s26+$0xFFFFF7E0];
	_ =	sdelay $0x4  }
0x14e: {  	[tilespmem:v4+s21+$0x0] =	vst.idx.msk $0xffff, v3  }
0x14f: {  	v2 =	vor.u32 $0x5, v2;
	v3 =	vld [tilespmem:s26+$0xFFFFFFE0];
	_ =	sdelay $0x2  }
0x150: {  	s18 =	sadd.s32 $0xFFFFFFF0, s17  }
0x151: {  	v4 =	vmov s18  }
0x152: {  	[tilespmem:v2+s21+$0x0] =	vst.idx.msk $0xffff, v3;
	v2 =	vshll.u32 v4, $0x3  }
0x153: {  	v3 =	vld [tilespmem:s26+$0xFFFFD7F0];
	v2 =	vor.u32 v1, v2;
	_ =	sdelay $0x4  }
0x154: {  	[tilespmem:v2+s21+$0x0] =	vst.idx.msk $0xffff, v3  }
0x155: {  	v4 =	vor.u32 $0x1, v2;
	v3 =	vld [tilespmem:s26+$0xFFFFDFF0];
	_ =	sdelay $0x4  }
0x156: {  	[tilespmem:v4+s21+$0x0] =	vst.idx.msk $0xffff, v3  }
0x157: {  	v4 =	vor.u32 $0x2, v2;
	v3 =	vld [tilespmem:s26+$0xFFFFE7F0];
	_ =	sdelay $0x4  }
0x158: {  	[tilespmem:v4+s21+$0x0] =	vst.idx.msk $0xffff, v3  }
0x159: {  	v4 =	vor.u32 $0x3, v2;
	v3 =	vld [tilespmem:s26+$0xFFFFEFF0];
	_ =	sdelay $0x4  }
0x15a: {  	[tilespmem:v4+s21+$0x0] =	vst.idx.msk $0xffff, v3  }
0x15b: {  	v4 =	vor.u32 $0x4, v2;
	v3 =	vld [tilespmem:s26+$0xFFFFF7F0];
	_ =	sdelay $0x4  }
0x15c: {  	[tilespmem:v4+s21+$0x0] =	vst.idx.msk $0xffff, v3  }
0x15d: {  	v2 =	vor.u32 $0x5, v2;
	v3 =	vld [tilespmem:s26+$0xFFFFFFF0];
	_ =	sdelay $0x3  }
0x15e: {  	v4 =	vmov s17  }
0x15f: {  	[tilespmem:v2+s21+$0x0] =	vst.idx.msk $0xffff, v3;
	v2 =	vshll.u32 v4, $0x3  }
0x160: {  	v3 =	vld [tilespmem:s26+$0xFFFFD800];
	v4 =	vor.u32 v1, v2;
	_ =	sdelay $0x4  }
0x161: {  	[tilespmem:v4+s21+$0x0] =	vst.idx.msk $0xffff, v3  }
0x162: {  	v3 =	vor.u32 $0x1, v4;
	v2 =	vld [tilespmem:s26+$0xFFFFE000];
	_ =	sdelay $0x4  }
0x163: {  	[tilespmem:v3+s21+$0x0] =	vst.idx.msk $0xffff, v2  }
0x164: {  	v3 =	vor.u32 $0x2, v4;
	v2 =	vld [tilespmem:s26+$0xFFFFE800];
	_ =	sdelay $0x4  }
0x165: {  	[tilespmem:v3+s21+$0x0] =	vst.idx.msk $0xffff, v2  }
0x166: {  	v3 =	vor.u32 $0x3, v4;
	v2 =	vld [tilespmem:s26+$0xFFFFF000];
	_ =	sdelay $0x4  }
0x167: {  	[tilespmem:v3+s21+$0x0] =	vst.idx.msk $0xffff, v2  }
0x168: {  	v3 =	vor.u32 $0x4, v4;
	v2 =	vld [tilespmem:s26+$0xFFFFF800];
	_ =	sdelay $0x3  }
.Ltmp8:
0x169: {  	(pc) =	sbr.rel @p0 .LBB2_9-.Ltmp8, $3  }
0x16a: {  	[tilespmem:v3+s21+$0x0] =	vst.idx.msk $0xffff, v2  }
0x16b: {  	v3 =	vor.u32 $0x5, v4;
	v2 =	vld [tilespmem:s26+$0x0];
	_ =	sdelay $0x1  }
0x16c: {  	s17 =	sadd.s32 $0x40, s17  }
0x16d: {  	_ = 	snop  }
.Ltmp9:
0x16e: {  	_ = 	snop;
	(pc) =	sbr.rel .LBB2_11-.Ltmp9, $4  }
0x16f: {  	_ = 	snop  }
0x170: {  	s14 =	rddreg [dreg:$0x14]  }
0x171: {  	s12 =	sadd.s32 s14, s12;
	[tilespmem:v3+s21+$0x0] =	vst.idx.msk $0xffff, v2  }
0x172: {  	[hbm4b:s12+s4] =	stream.linear.scatter [tilespmem:s21], [sflag:$0x4], $0x4000, $0x38;
	[tilespmem:$0x13000] =	vst v63  }
.LBB2_12:
0x173: {  	s12 =	simm.s32 $0x4  }
0x174: {  	_ =	swait.ge [sflag:s12], $0x4000  }
0x175: {  	[sflag:s12] =	ssyncset.done $0x0  }
0x176: {  	[sflag:s12] =	ssyncadd.s32 $0xFFFFC000  }
0x177: {  	_ =	swait.ge [sflag:s12], $0x4000  }
0x178: {  	[sflag:s12] =	ssyncset.done $0x0  }
0x179: {  	[sflag:s12] =	ssyncadd.s32 $0xFFFFC000  }
0x17a: {  	[bflag:$0x0] =	sbarrier.arrive $0xFFFF  }
0x17b: {  	s25 =	simm.s32 $0x0;
	s14 =	rddreg [dreg:$0xf]  }
0x17c: {  	[tilespmem:s25], [sflag:$0x1] =	stream.linear.gather [hbm4b:s14+s25], $0x800, $0x38;
	[tilespmem:$0x13000] =	vst v63  }
0x17d: {  	s17 =	simm.s32 $0x1000;
	s26 =	rddreg [dreg:$0x10]  }
0x17e: {  	[tilespmem:s17], [sflag:$0x1] =	stream.linear.gather [hbm4b:s26+s25], $0x800, $0x38;
	[tilespmem:$0x13000] =	vst v63  }
0x17f: {  	s29 =	simm.s32 $0x2000;
	s28 =	rddreg [dreg:$0x11]  }
0x180: {  	[tilespmem:s29], [sflag:$0x1] =	stream.linear.gather [hbm4b:s28+s25], $0x800, $0x38;
	[tilespmem:$0x13000] =	vst v63  }
0x181: {  	_ =	swait.ge [sflag:s19], $0x800  }
0x182: {  	[sflag:s19] =	ssyncset.done $0x0  }
0x183: {  	[sflag:s19] =	ssyncadd.s32 $0xFFFFF800  }
0x184: {  	_ =	swait.ge [sflag:s19], $0x800  }
0x185: {  	[sflag:s19] =	ssyncset.done $0x0  }
0x186: {  	[sflag:s19] =	ssyncadd.s32 $0xFFFFF800  }
0x187: {  	_ =	swait.ge [sflag:s19], $0x800  }
0x188: {  	[sflag:s19] =	ssyncset.done $0x0  }
0x189: {  	s12 =	simm.s32 $0x0;
	[sflag:s19] =	ssyncadd.s32 $0xFFFFF800  }
0x18a: {  	v2 =	vld [tilespmem:s12+$0x70]  }
0x18b: {  	v3 =	vld [tilespmem:s12+$0x1070]  }
0x18c: {  	v4 =	vld [tilespmem:s12+$0x0]  }
0x18d: {  	v5 =	vld [tilespmem:s12+$0x10]  }
0x18e: {  	v6 =	vld [tilespmem:s12+$0x20]  }
0x18f: {  	v7 =	vld [tilespmem:s12+$0x30]  }
0x190: {  	v11 =	vld [tilespmem:s12+$0x40];
	v2 =	vmul.u32 $0x1F4, v2  }
0x191: {  	v13 =	vld [tilespmem:s12+$0x50];
	v3 =	vadd.s32 v0, v3  }
0x192: {  	v14 =	vld [tilespmem:s12+$0x60];
	v2 =	vadd.s32 v2, v3  }
0x193: {  	[tilespmem:s12+$0x3070] =	vst v2;
	v2 =	vld [tilespmem:s12+$0x1000]  }
0x194: {  	v15 =	vld [tilespmem:s12+$0x1010]  }
0x195: {  	v12 =	vld [tilespmem:s12+$0x1020]  }
0x196: {  	v10 =	vld [tilespmem:s12+$0x1030];
	v16 =	vmul.u32 $0x1F4, v4  }
0x197: {  	v8 =	vld [tilespmem:s12+$0x1040];
	v9 =	vmul.u32 $0x1F4, v5;
	v6 =	vmul.u32 $0x1F4, v6;
	v5 =	vmul.u32 $0x1F4, v7  }
0x198: {  	v4 =	vmul.u32 $0x1F4, v11;
	v7 =	vld [tilespmem:s12+$0x1050];
	v3 =	vmul.u32 $0x1F4, v13;
	v11 =	vadd.s32 v0, v2  }
0x199: {  	s14 =	simm.s32 $0x80;
	s17 =	simm.s32 $0x400;
	v2 =	vmul.u32 $0x1F4, v14;
	v14 =	vadd.s32 v0, v15;
	v13 =	vadd.s32 v16, v11;
	v11 =	vld [tilespmem:s12+$0x1060]  }
.LBB2_13:
0x19a: {  	p0 =	sne.s32 s17, $0x1E00;
	v15 =	vld [tilespmem:s14+$0x70];
	[tilespmem:s12+$0x3000] =	vst v13;
	v9 =	vadd.s32 v9, v14;
	v12 =	vadd.s32 v0, v12  }
0x19b: {  	v13 =	vld [tilespmem:s14+$0x1070];
	[tilespmem:s12+$0x3010] =	vst v9;
	v6 =	vadd.s32 v6, v12;
	v9 =	vadd.s32 v0, v10  }
0x19c: {  	v10 =	vld [tilespmem:s14+$0x0];
	[tilespmem:s12+$0x3020] =	vst v6;
	v5 =	vadd.s32 v5, v9;
	v6 =	vadd.s32 v0, v8  }
0x19d: {  	v8 =	vld [tilespmem:s14+$0x10];
	[tilespmem:s12+$0x3030] =	vst v5;
	v4 =	vadd.s32 v4, v6;
	v5 =	vadd.s32 v0, v7  }
0x19e: {  	v6 =	vld [tilespmem:s14+$0x20];
	[tilespmem:s12+$0x3040] =	vst v4;
	v3 =	vadd.s32 v3, v5;
	v4 =	vadd.s32 v0, v11  }
0x19f: {  	v5 =	vld [tilespmem:s14+$0x30];
	v7 =	vmul.u32 $0x1F4, v15;
	[tilespmem:s12+$0x3050] =	vst v3;
	v2 =	vadd.s32 v2, v4  }
0x1a0: {  	v3 =	vld [tilespmem:s14+$0x40];
	v4 =	vadd.s32 v0, v13;
	[tilespmem:s12+$0x3060] =	vst v2;
	s12 =	smov.u32 s14  }
0x1a1: {  	v11 =	vmul.u32 $0x1F4, v10;
	v2 =	vld [tilespmem:s12+$0x50];
	v4 =	vadd.s32 v7, v4  }
0x1a2: {  	v9 =	vmul.u32 $0x1F4, v8;
	v7 =	vld [tilespmem:s12+$0x60];
	[tilespmem:s12+$0x3070] =	vst v4  }
0x1a3: {  	v13 =	vld [tilespmem:s12+$0x1000];
	v6 =	vmul.u32 $0x1F4, v6  }
0x1a4: {  	v14 =	vld [tilespmem:s12+$0x1010];
	v5 =	vmul.u32 $0x1F4, v5  }
.Ltmp10:
0x1a5: {  	v12 =	vld [tilespmem:s12+$0x1020];
	v4 =	vmul.u32 $0x1F4, v3;
	(pc) =	sbr.rel @p0 .LBB2_13-.Ltmp10, $4  }
0x1a6: {  	v10 =	vld [tilespmem:s12+$0x1030];
	v3 =	vmul.u32 $0x1F4, v2  }
0x1a7: {  	v8 =	vld [tilespmem:s12+$0x1040];
	v2 =	vmul.u32 $0x1F4, v7  }
0x1a8: {  	v13 =	vadd.s32 v0, v13;
	v7 =	vld [tilespmem:s12+$0x1050]  }
0x1a9: {  	s14 =	sshra.s32 s17, $0x2;
	s17 =	sadd.s32 $0x200, s17;
	v13 =	vadd.s32 v11, v13;
	v14 =	vadd.s32 v0, v14;
	v11 =	vld [tilespmem:s12+$0x1060]  }
0x1aa: {  	v15 =	vld [tilespmem:s14+$0x70];
	[tilespmem:s12+$0x3000] =	vst v13;
	v9 =	vadd.s32 v9, v14;
	v12 =	vadd.s32 v0, v12  }
0x1ab: {  	v13 =	vld [tilespmem:s14+$0x1070];
	[tilespmem:s12+$0x3010] =	vst v9;
	v6 =	vadd.s32 v6, v12;
	v10 =	vadd.s32 v0, v10  }
0x1ac: {  	v9 =	vld [tilespmem:s14+$0x0];
	[tilespmem:s12+$0x3020] =	vst v6;
	v5 =	vadd.s32 v5, v10;
	v8 =	vadd.s32 v0, v8  }
0x1ad: {  	v6 =	vld [tilespmem:s14+$0x10];
	[tilespmem:s12+$0x3030] =	vst v5;
	v4 =	vadd.s32 v4, v8;
	v7 =	vadd.s32 v0, v7  }
0x1ae: {  	v5 =	vld [tilespmem:s14+$0x20];
	[tilespmem:s12+$0x3040] =	vst v4;
	v3 =	vadd.s32 v3, v7;
	v48 =	vadd.s32 v0, v11  }
0x1af: {  	v4 =	vld [tilespmem:s14+$0x30];
	[tilespmem:s12+$0x3050] =	vst v3;
	v2 =	vadd.s32 v2, v48  }
0x1b0: {  	v49 =	vmul.u32 $0x1F4, v15;
	v3 =	vld [tilespmem:s14+$0x40];
	[tilespmem:s12+$0x3060] =	vst v2  }
0x1b1: {  	v2 =	vadd.s32 v0, v13;
	v50 =	vld [tilespmem:s14+$0x50]  }
0x1b2: {  	v2 =	vadd.s32 v49, v2;
	v51 =	vld [tilespmem:s14+$0x60]  }
0x1b3: {  	[tilespmem:s14+$0x3070] =	vst v2;
	v2 =	vld [tilespmem:s14+$0x1000]  }
0x1b4: {  	v52 =	vld [tilespmem:s14+$0x1010]  }
0x1b5: {  	v53 =	vld [tilespmem:s14+$0x1020]  }
0x1b6: {  	v54 =	vld [tilespmem:s14+$0x1030]  }
0x1b7: {  	v9 =	vmul.u32 $0x1F4, v9;
	v55 =	vld [tilespmem:s14+$0x1040]  }
0x1b8: {  	v56 =	vld [tilespmem:s14+$0x1050];
	v6 =	vmul.u32 $0x1F4, v6;
	v2 =	vadd.s32 v0, v2  }
0x1b9: {  	v58 =	vld [tilespmem:s14+$0x1060];
	v5 =	vmul.u32 $0x1F4, v5;
	v57 =	vadd.s32 v0, v52;
	v2 =	vadd.s32 v9, v2  }
0x1ba: {  	v4 =	vmul.u32 $0x1F4, v4;
	v59 =	vadd.s32 v0, v53;
	[tilespmem:s14+$0x3000] =	vst v2;
	v2 =	vadd.s32 v6, v57  }
0x1bb: {  	v3 =	vmul.u32 $0x1F4, v3;
	v60 =	vadd.s32 v0, v54;
	[tilespmem:s14+$0x3010] =	vst v2;
	v2 =	vadd.s32 v5, v59  }
0x1bc: {  	v61 =	vmul.u32 $0x1F4, v50;
	v62 =	vadd.s32 v0, v55;
	[tilespmem:s14+$0x3020] =	vst v2;
	v2 =	vadd.s32 v4, v60  }
0x1bd: {  	v63 =	vmul.u32 $0x1F4, v51;
	[tilespmem:s14+$0x3030] =	vst v2;
	v2 =	vadd.s32 v3, v62;
	v3 =	vadd.s32 v0, v56  }
0x1be: {  	[tilespmem:s14+$0x3040] =	vst v2;
	v2 =	vadd.s32 v61, v3;
	v3 =	vadd.s32 v0, v58  }
0x1bf: {  	[tilespmem:s14+$0x3050] =	vst v2;
	v2 =	vadd.s32 v63, v3  }
0x1c0: {  	s28 =	simm.s32 $0x800;
	s29 =	simm.s32 $0x3000;
	[tilespmem:s14+$0x3060] =	vst v2  }
0x1c1: {  	[tilespmem:s20], [sflag:$0x2] =	stream.indirect.gather [hbm4b:s13+s28], $0x8, s29, s28, $0xb8;
	[tilespmem:$0x13000] =	vst v63  }
0x1c2: {  	s25 =	simm.s32 $0x0;
	s17 =	rddreg [dreg:$0xc]  }
0x1c3: {  	[tilespmem:s28], [sflag:$0x1] =	stream.linear.gather [hbm4b:s17+s25], $0x800, $0x38;
	[tilespmem:$0x13000] =	vst v63  }
.Ltmp11:
0x1c4: {  	_ = 	snop;
	(pc) =	sbr.rel .LBB2_15-.Ltmp11, $4  }
0x1c5: {  	s18 =	rddreg [dreg:$0xd];
	s26 =	simm.s32 $0x1800  }
0x1c6: {  	[tilespmem:s26], [sflag:$0x1] =	stream.linear.gather [hbm4b:s18+s25], $0x800, $0x38;
	[tilespmem:$0x13000] =	vst v63  }
0x1c7: {  	s29 =	simm.s32 $0x2800;
	s28 =	rddreg [dreg:$0xe]  }
0x1c8: {  	[tilespmem:s29], [sflag:$0x1] =	stream.linear.gather [hbm4b:s28+s25], $0x800, $0x38;
	[tilespmem:$0x13000] =	vst v63  }
.LBB2_29:
0x1c9: {  	s25 =	sadd.s32 $0x1, s25  }
0x1ca: {  	p0 =	sne.s32 s25, $0x8  }
.Ltmp12:
0x1cb: {  	_ = 	snop;
	(pc) =	sbr.rel @!p0 .LBB2_30-.Ltmp12, $1  }
0x1cc: {  	_ =	sdelay $0x3  }
.LBB2_15:
0x1cd: {  	s29 =	sshllo.u32 s25, $0x1  }
0x1ce: {  	p1 =	sge.u32 s29, s23  }
.Ltmp13:
0x1cf: {  	_ = 	snop;
	(pc) =	sbr.rel @p1 .LBB2_19-.Ltmp13, $1  }
0x1d0: {  	_ =	sdelay $0x3  }
0x1d1: {  	_ =	swait.ge [sflag:s19], $0x800  }
0x1d2: {  	[sflag:s19] =	ssyncset.done $0x0  }
0x1d3: {  	[sflag:s19] =	ssyncadd.s32 $0xFFFFF800  }
0x1d4: {  	_ =	swait.ge [sflag:s19], $0x800  }
0x1d5: {  	[sflag:s19] =	ssyncset.done $0x0  }
0x1d6: {  	[sflag:s19] =	ssyncadd.s32 $0xFFFFF800  }
0x1d7: {  	_ =	swait.ge [sflag:s19], $0x800  }
0x1d8: {  	[sflag:s19] =	ssyncset.done $0x0  }
0x1d9: {  	s12 =	simm.s32 $0x0;
	[sflag:s19] =	ssyncadd.s32 $0xFFFFF800  }
0x1da: {  	v2 =	vld [tilespmem:s12+$0x870]  }
0x1db: {  	v3 =	vld [tilespmem:s12+$0x1870]  }
0x1dc: {  	v4 =	vld [tilespmem:s12+$0x800]  }
0x1dd: {  	v5 =	vld [tilespmem:s12+$0x810]  }
0x1de: {  	v6 =	vld [tilespmem:s12+$0x820]  }
0x1df: {  	v7 =	vld [tilespmem:s12+$0x830]  }
0x1e0: {  	v11 =	vld [tilespmem:s12+$0x840];
	v2 =	vmul.u32 $0x1F4, v2  }
0x1e1: {  	v13 =	vld [tilespmem:s12+$0x850];
	v3 =	vadd.s32 v0, v3  }
0x1e2: {  	v14 =	vld [tilespmem:s12+$0x860];
	v2 =	vadd.s32 v2, v3  }
0x1e3: {  	[tilespmem:s12+$0x3870] =	vst v2;
	v2 =	vld [tilespmem:s12+$0x1800]  }
0x1e4: {  	v15 =	vld [tilespmem:s12+$0x1810]  }
0x1e5: {  	v12 =	vld [tilespmem:s12+$0x1820]  }
0x1e6: {  	v10 =	vld [tilespmem:s12+$0x1830];
	v16 =	vmul.u32 $0x1F4, v4  }
0x1e7: {  	v8 =	vld [tilespmem:s12+$0x1840];
	v9 =	vmul.u32 $0x1F4, v5;
	v6 =	vmul.u32 $0x1F4, v6;
	v5 =	vmul.u32 $0x1F4, v7  }
0x1e8: {  	v4 =	vmul.u32 $0x1F4, v11;
	v7 =	vld [tilespmem:s12+$0x1850];
	v3 =	vmul.u32 $0x1F4, v13;
	v11 =	vadd.s32 v0, v2  }
0x1e9: {  	s14 =	simm.s32 $0x80;
	s17 =	simm.s32 $0x400;
	v2 =	vmul.u32 $0x1F4, v14;
	v14 =	vadd.s32 v0, v15;
	v13 =	vadd.s32 v16, v11;
	v11 =	vld [tilespmem:s12+$0x1860]  }
.LBB2_17:
0x1ea: {  	p0 =	sne.s32 s17, $0x1E00;
	v15 =	vld [tilespmem:s14+$0x870];
	[tilespmem:s12+$0x3800] =	vst v13;
	v9 =	vadd.s32 v9, v14;
	v12 =	vadd.s32 v0, v12  }
0x1eb: {  	v13 =	vld [tilespmem:s14+$0x1870];
	[tilespmem:s12+$0x3810] =	vst v9;
	v6 =	vadd.s32 v6, v12;
	v9 =	vadd.s32 v0, v10  }
0x1ec: {  	v10 =	vld [tilespmem:s14+$0x800];
	[tilespmem:s12+$0x3820] =	vst v6;
	v5 =	vadd.s32 v5, v9;
	v6 =	vadd.s32 v0, v8  }
0x1ed: {  	v8 =	vld [tilespmem:s14+$0x810];
	[tilespmem:s12+$0x3830] =	vst v5;
	v4 =	vadd.s32 v4, v6;
	v5 =	vadd.s32 v0, v7  }
0x1ee: {  	v6 =	vld [tilespmem:s14+$0x820];
	[tilespmem:s12+$0x3840] =	vst v4;
	v3 =	vadd.s32 v3, v5;
	v4 =	vadd.s32 v0, v11  }
0x1ef: {  	v5 =	vld [tilespmem:s14+$0x830];
	v7 =	vmul.u32 $0x1F4, v15;
	[tilespmem:s12+$0x3850] =	vst v3;
	v2 =	vadd.s32 v2, v4  }
0x1f0: {  	v3 =	vld [tilespmem:s14+$0x840];
	v4 =	vadd.s32 v0, v13;
	[tilespmem:s12+$0x3860] =	vst v2;
	s12 =	smov.u32 s14  }
0x1f1: {  	v11 =	vmul.u32 $0x1F4, v10;
	v2 =	vld [tilespmem:s12+$0x850];
	v4 =	vadd.s32 v7, v4  }
0x1f2: {  	v9 =	vmul.u32 $0x1F4, v8;
	v7 =	vld [tilespmem:s12+$0x860];
	[tilespmem:s12+$0x3870] =	vst v4  }
0x1f3: {  	v13 =	vld [tilespmem:s12+$0x1800];
	v6 =	vmul.u32 $0x1F4, v6  }
0x1f4: {  	v14 =	vld [tilespmem:s12+$0x1810];
	v5 =	vmul.u32 $0x1F4, v5  }
.Ltmp14:
0x1f5: {  	v12 =	vld [tilespmem:s12+$0x1820];
	v4 =	vmul.u32 $0x1F4, v3;
	(pc) =	sbr.rel @p0 .LBB2_17-.Ltmp14, $4  }
0x1f6: {  	v10 =	vld [tilespmem:s12+$0x1830];
	v3 =	vmul.u32 $0x1F4, v2  }
0x1f7: {  	v8 =	vld [tilespmem:s12+$0x1840];
	v2 =	vmul.u32 $0x1F4, v7  }
0x1f8: {  	v13 =	vadd.s32 v0, v13;
	v7 =	vld [tilespmem:s12+$0x1850]  }
0x1f9: {  	s14 =	sshra.s32 s17, $0x2;
	s17 =	sadd.s32 $0x200, s17;
	v13 =	vadd.s32 v11, v13;
	v14 =	vadd.s32 v0, v14;
	v11 =	vld [tilespmem:s12+$0x1860]  }
0x1fa: {  	v15 =	vld [tilespmem:s14+$0x870];
	[tilespmem:s12+$0x3800] =	vst v13;
	v9 =	vadd.s32 v9, v14;
	v12 =	vadd.s32 v0, v12  }
0x1fb: {  	v13 =	vld [tilespmem:s14+$0x1870];
	[tilespmem:s12+$0x3810] =	vst v9;
	v6 =	vadd.s32 v6, v12;
	v10 =	vadd.s32 v0, v10  }
0x1fc: {  	v9 =	vld [tilespmem:s14+$0x800];
	[tilespmem:s12+$0x3820] =	vst v6;
	v5 =	vadd.s32 v5, v10;
	v8 =	vadd.s32 v0, v8  }
0x1fd: {  	v6 =	vld [tilespmem:s14+$0x810];
	[tilespmem:s12+$0x3830] =	vst v5;
	v4 =	vadd.s32 v4, v8;
	v7 =	vadd.s32 v0, v7  }
0x1fe: {  	v5 =	vld [tilespmem:s14+$0x820];
	[tilespmem:s12+$0x3840] =	vst v4;
	v3 =	vadd.s32 v3, v7;
	v48 =	vadd.s32 v0, v11  }
0x1ff: {  	v4 =	vld [tilespmem:s14+$0x830];
	[tilespmem:s12+$0x3850] =	vst v3;
	v2 =	vadd.s32 v2, v48  }
0x200: {  	v49 =	vmul.u32 $0x1F4, v15;
	v3 =	vld [tilespmem:s14+$0x840];
	[tilespmem:s12+$0x3860] =	vst v2  }
0x201: {  	v2 =	vadd.s32 v0, v13;
	v50 =	vld [tilespmem:s14+$0x850]  }
0x202: {  	v2 =	vadd.s32 v49, v2;
	v51 =	vld [tilespmem:s14+$0x860]  }
0x203: {  	[tilespmem:s14+$0x3870] =	vst v2;
	v2 =	vld [tilespmem:s14+$0x1800]  }
0x204: {  	v52 =	vld [tilespmem:s14+$0x1810]  }
0x205: {  	v53 =	vld [tilespmem:s14+$0x1820]  }
0x206: {  	v54 =	vld [tilespmem:s14+$0x1830]  }
0x207: {  	v9 =	vmul.u32 $0x1F4, v9;
	v55 =	vld [tilespmem:s14+$0x1840]  }
0x208: {  	v56 =	vld [tilespmem:s14+$0x1850];
	v6 =	vmul.u32 $0x1F4, v6;
	v2 =	vadd.s32 v0, v2  }
0x209: {  	v58 =	vld [tilespmem:s14+$0x1860];
	v5 =	vmul.u32 $0x1F4, v5;
	v57 =	vadd.s32 v0, v52;
	v2 =	vadd.s32 v9, v2  }
0x20a: {  	v4 =	vmul.u32 $0x1F4, v4;
	v59 =	vadd.s32 v0, v53;
	[tilespmem:s14+$0x3800] =	vst v2;
	v2 =	vadd.s32 v6, v57  }
0x20b: {  	v3 =	vmul.u32 $0x1F4, v3;
	v60 =	vadd.s32 v0, v54;
	[tilespmem:s14+$0x3810] =	vst v2;
	v2 =	vadd.s32 v5, v59  }
0x20c: {  	v61 =	vmul.u32 $0x1F4, v50;
	v62 =	vadd.s32 v0, v55;
	[tilespmem:s14+$0x3820] =	vst v2;
	v2 =	vadd.s32 v4, v60  }
0x20d: {  	v63 =	vmul.u32 $0x1F4, v51;
	[tilespmem:s14+$0x3830] =	vst v2;
	v2 =	vadd.s32 v3, v62;
	v3 =	vadd.s32 v0, v56  }
0x20e: {  	[tilespmem:s14+$0x3840] =	vst v2;
	v2 =	vadd.s32 v61, v3;
	v3 =	vadd.s32 v0, v58  }
0x20f: {  	[tilespmem:s14+$0x3850] =	vst v2;
	v2 =	vadd.s32 v63, v3  }
0x210: {  	s28 =	simm.s32 $0x3800;
	[tilespmem:s14+$0x3860] =	vst v2  }
0x211: {  	[tilespmem:s21], [sflag:$0x3] =	stream.indirect.gather [hbm4b:s13+s31], $0x8, s28, s31, $0xb8;
	[tilespmem:$0x13000] =	vst v63  }
.LBB2_19:
0x212: {  	_ =	swait.ge [sflag:s30], $0x4000  }
0x213: {  	p0 =	seq.s32 s25, $0x0;
	s12 =	simm.s32 $0x0;
	[sflag:s30] =	ssyncset.done $0x0  }
0x214: {  	s14 =	simm.s32 @!p0 $0x4;
	v2 =	vmov s12;
	[sflag:s30] =	ssyncadd.s32 $0xFFFFC000  }
0x215: {  	v2 =	vshll.u32 v2, $0x3;
	_ =	swait.ge @!p0 [sflag:s14], $0x800  }
0x216: {  	v2 =	vor.u32 v1, v2;
	[sflag:s14] =	ssyncset.done @!p0 $0x0  }
0x217: {  	s12 =	simm.s32 $0x2010;
	v3 =	vor.u32 $0x1, v2;
	[sflag:s14] =	ssyncadd.s32 @!p0 $0xFFFFF800  }
0x218: {  	v5 =	vld [tilespmem:s12+$0xFFFFFFF0]  }
0x219: {  	v4 =	vor.u32 $0x2, v2;
	_ =	sdelay $0x1  }
0x21a: {  	v6 =	vor.u32 $0x3, v2  }
0x21b: {  	v3 =	vld.idx.msk [tilespmem:v3+s20+$0x0], $0xffff  }
0x21c: {  	v7 =	vor.u32 $0x4, v2;
	v8 =	vld.idx.msk [tilespmem:v2+s20+$0x0], $0xffff;
	v5 =	vmax.f32 v5, $0.0e+00  }
0x21d: {  	v4 =	vld.idx.msk [tilespmem:v4+s20+$0x0], $0xffff;
	v5 =	vmin.f32 v5, $1.000000000e+00  }
0x21e: {  	v2 =	vor.u32 $0x5, v2;
	v9 =	vsub.f32 $5.000000000e-01, v5  }
0x21f: {  	v6 =	vld.idx.msk [tilespmem:v6+s20+$0x0], $0xffff;
	v10 =	vsub.f32 $4.000000060e-01, v5  }
0x220: {  	v3 =	vmul.f32 v9, v3  }
0x221: {  	v7 =	vld.idx.msk [tilespmem:v7+s20+$0x0], $0xffff;
	v10 =	vmax.f32 v10, $0.0e+00  }
0x222: {  	v4 =	vmul.f32 v10, v4;
	v3 =	vadd.f32 v3, v8  }
0x223: {  	v2 =	vld.idx.msk [tilespmem:v2+s20+$0x0], $0xffff;
	v61 =	vsub.f32 $6.000000240e-01, v5;
	v8 =	vmax.f32 v9, $0.0e+00  }
0x224: {  	v3 =	vadd.f32 v4, v3;
	v4 =	vmul.f32 v8, v6  }
0x225: {  	v5 =	vsub.f32 $6.999999880e-01, v5;
	v6 =	vmax.f32 v61, $0.0e+00  }
0x226: {  	v3 =	vadd.f32 v3, v4;
	v4 =	vmul.f32 v7, v6  }
0x227: {  	v5 =	vmax.f32 v5, $0.0e+00  }
0x228: {  	v2 =	vmul.f32 v2, v5;
	v3 =	vadd.f32 v3, v4  }
0x229: {  	s26 =	simm.s32 $0x10  }
0x22a: {  	v4 =	vmov s26;
	v2 =	vadd.f32 v3, v2  }
0x22b: {  	s14 =	simm.s32 $0x12010;
	v4 =	vshll.u32 v4, $0x3  }
0x22c: {  	v4 =	vor.u32 v1, v4;
	[tilespmem:s14+$0xFFFFFFF0] =	vst v2  }
0x22d: {  	v3 =	vor.u32 $0x1, v4;
	v2 =	vld [tilespmem:s12+$0x0]  }
0x22e: {  	v5 =	vor.u32 $0x2, v4;
	_ =	sdelay $0x2  }
0x22f: {  	v6 =	vor.u32 $0x3, v4  }
0x230: {  	v7 =	vld.idx.msk [tilespmem:v3+s20+$0x0], $0xffff;
	v2 =	vmax.f32 v2, $0.0e+00  }
0x231: {  	v5 =	vld.idx.msk [tilespmem:v5+s20+$0x0], $0xffff;
	v3 =	vmin.f32 v2, $1.000000000e+00;
	v2 =	vor.u32 $0x4, v4  }
0x232: {  	v8 =	vld.idx.msk [tilespmem:v4+s20+$0x0], $0xffff  }
0x233: {  	v63 =	vor.u32 $0x5, v4;
	v62 =	vsub.f32 $5.000000000e-01, v3;
	v4 =	vsub.f32 $4.000000060e-01, v3  }
0x234: {  	v6 =	vld.idx.msk [tilespmem:v6+s20+$0x0], $0xffff  }
0x235: {  	v7 =	vmul.f32 v62, v7;
	v4 =	vmax.f32 v4, $0.0e+00  }
0x236: {  	v5 =	vmul.f32 v4, v5;
	v4 =	vld.idx.msk [tilespmem:v2+s20+$0x0], $0xffff  }
0x237: {  	v8 =	vadd.f32 v7, v8  }
0x238: {  	v9 =	vmax.f32 v62, $0.0e+00;
	v2 =	vld.idx.msk [tilespmem:v63+s20+$0x0], $0xffff;
	v7 =	vsub.f32 $6.000000240e-01, v3  }
0x239: {  	s28 =	sshll.u32 s25, $0x1;
	s17 =	simm.s32 $0x0;
	s26 =	simm.s32 $0x30;
	v6 =	vmul.f32 v9, v6;
	v5 =	vadd.f32 v5, v8  }
.LBB2_20:
0x23a: {  	s18 =	sadd.s32 $0xFFFFFFF0, s26;
	v7 =	vmax.f32 v7, $0.0e+00;
	v3 =	vsub.f32 $6.999999880e-01, v3  }
0x23b: {  	v8 =	vmov s18;
	v5 =	vadd.f32 v5, v6;
	v4 =	vmul.f32 v4, v7  }
0x23c: {  	s17 =	sadd.s32 $0x2, s17;
	v6 =	vshll.u32 v8, $0x3;
	v3 =	vmax.f32 v3, $0.0e+00  }
0x23d: {  	p2 =	slt.u32 s17, $0x7E;
	v6 =	vor.u32 v1, v6;
	v4 =	vadd.f32 v5, v4;
	v2 =	vmul.f32 v2, v3  }
0x23e: {  	v3 =	vor.u32 $0x1, v6  }
0x23f: {  	v5 =	vor.u32 $0x2, v6;
	v2 =	vadd.f32 v4, v2;
	_ =	sdelay $0x1  }
0x240: {  	s12 =	sadd.s32 $0x20, s12;
	v4 =	vor.u32 $0x3, v6;
	[tilespmem:s14+$0x0] =	vst v2  }
0x241: {  	v7 =	vor.u32 $0x4, v6;
	v2 =	vld [tilespmem:s12+$0xFFFFFFF0]  }
0x242: {  	v8 =	vor.u32 $0x5, v6;
	v3 =	vld.idx.msk [tilespmem:v3+s20+$0x0], $0xffff  }
0x243: {  	v5 =	vld.idx.msk [tilespmem:v5+s20+$0x0], $0xffff  }
0x244: {  	v6 =	vld.idx.msk [tilespmem:v6+s20+$0x0], $0xffff  }
0x245: {  	v4 =	vld.idx.msk [tilespmem:v4+s20+$0x0], $0xffff  }
0x246: {  	v2 =	vmax.f32 v2, $0.0e+00;
	v7 =	vld.idx.msk [tilespmem:v7+s20+$0x0], $0xffff  }
0x247: {  	v2 =	vmin.f32 v2, $1.000000000e+00;
	v8 =	vld.idx.msk [tilespmem:v8+s20+$0x0], $0xffff  }
0x248: {  	v9 =	vsub.f32 $5.000000000e-01, v2  }
0x249: {  	v10 =	vsub.f32 $4.000000060e-01, v2  }
0x24a: {  	v3 =	vmul.f32 v9, v3  }
0x24b: {  	v10 =	vmax.f32 v10, $0.0e+00  }
0x24c: {  	v5 =	vmul.f32 v10, v5;
	v3 =	vadd.f32 v3, v6  }
0x24d: {  	v6 =	vmax.f32 v9, $0.0e+00;
	v9 =	vsub.f32 $6.000000240e-01, v2  }
0x24e: {  	v4 =	vmul.f32 v6, v4;
	v3 =	vadd.f32 v5, v3  }
0x24f: {  	v2 =	vsub.f32 $6.999999880e-01, v2;
	v5 =	vmax.f32 v9, $0.0e+00  }
0x250: {  	v3 =	vadd.f32 v3, v4;
	v4 =	vmul.f32 v7, v5;
	v5 =	vmov s26  }
0x251: {  	v2 =	vmax.f32 v2, $0.0e+00;
	v5 =	vshll.u32 v5, $0x3  }
0x252: {  	v2 =	vmul.f32 v8, v2;
	v3 =	vadd.f32 v3, v4;
	v4 =	vor.u32 v1, v5  }
0x253: {  	v5 =	vor.u32 $0x1, v4  }
0x254: {  	v2 =	vadd.f32 v3, v2  }
0x255: {  	s14 =	sadd.s32 $0x20, s14;
	v3 =	vor.u32 $0x2, v4  }
0x256: {  	[tilespmem:s14+$0xFFFFFFF0] =	vst v2;
	v2 =	vor.u32 $0x3, v4  }
0x257: {  	v7 =	vor.u32 $0x4, v4;
	v6 =	vld [tilespmem:s12+$0x0]  }
0x258: {  	v8 =	vor.u32 $0x5, v4;
	v5 =	vld.idx.msk [tilespmem:v5+s20+$0x0], $0xffff  }
0x259: {  	v9 =	vld.idx.msk [tilespmem:v4+s20+$0x0], $0xffff  }
0x25a: {  	v10 =	vld.idx.msk [tilespmem:v3+s20+$0x0], $0xffff  }
0x25b: {  	v11 =	vld.idx.msk [tilespmem:v2+s20+$0x0], $0xffff  }
0x25c: {  	v2 =	vmax.f32 v6, $0.0e+00;
	v4 =	vld.idx.msk [tilespmem:v7+s20+$0x0], $0xffff  }
0x25d: {  	v3 =	vmin.f32 v2, $1.000000000e+00;
	v2 =	vld.idx.msk [tilespmem:v8+s20+$0x0], $0xffff  }
0x25e: {  	v6 =	vsub.f32 $5.000000000e-01, v3  }
0x25f: {  	v7 =	vsub.f32 $4.000000060e-01, v3  }
.Ltmp15:
0x260: {  	v5 =	vmul.f32 v6, v5;
	(pc) =	sbr.rel @p2 .LBB2_20-.Ltmp15, $4  }
0x261: {  	v7 =	vmax.f32 v7, $0.0e+00  }
0x262: {  	v8 =	vmul.f32 v7, v10;
	v5 =	vadd.f32 v5, v9  }
0x263: {  	v6 =	vmax.f32 v6, $0.0e+00;
	v7 =	vsub.f32 $6.000000240e-01, v3  }
0x264: {  	s26 =	sadd.s32 $0x20, s26;
	v6 =	vmul.f32 v6, v11;
	v5 =	vadd.f32 v8, v5  }
0x265: {  	v7 =	vmax.f32 v7, $0.0e+00;
	v3 =	vsub.f32 $6.999999880e-01, v3  }
0x266: {  	v5 =	vadd.f32 v5, v6;
	v4 =	vmul.f32 v4, v7  }
0x267: {  	v3 =	vmax.f32 v3, $0.0e+00  }
0x268: {  	v4 =	vadd.f32 v5, v4;
	v2 =	vmul.f32 v2, v3;
	_ =	sdelay $0x1  }
0x269: {  	v2 =	vadd.f32 v4, v2  }
0x26a: {  	s12 =	sshll.u32 s25, $0xE  }
0x26b: {  	s26 =	simm.s32 $0x12000;
	s12 =	sadd.s32 s12, s0;
	[tilespmem:s14+$0x0] =	vst v2  }
0x26c: {  	[hbm4b:s12+s4] =	stream.linear.scatter [tilespmem:s26], [sflag:$0x4], $0x800, $0x38;
	[tilespmem:$0x13000] =	vst v63  }
0x26d: {  	s12 =	sadd.s32 $0x2, s28  }
0x26e: {  	p2 =	sge.u32 s12, s23  }
0x26f: {  	s12 =	sshll.u32 @!p2 s12, $0x10  }
0x270: {  	s12 =	sor.u32 @!p2 s24, s12  }
0x271: {  	s12 =	smin.u32 @!p2 s12, $0xF3A40  }
0x272: {  	s12 =	sshrl.u32 @!p2 s12, $0x3  }
0x273: {  	s17 =	simm.s32 @!p2 $0x0;
	s14 =	sadd.s32 @!p2 s2, s12  }
0x274: {  	[tilespmem:s17], [sflag:$0x1] =	stream.linear.gather @!p2 [hbm4b:s14+s17], $0x800, $0x38;
	[tilespmem:$0x13000] =	vst v63  }
.Ltmp16:
0x275: {  	_ = 	snop;
	(pc) =	sbr.rel @p1 .LBB2_29-.Ltmp16, $4  }
0x276: {  	s18 =	simm.s32 @!p2 $0x1000;
	s14 =	sadd.s32 @!p2 s3, s12  }
0x277: {  	[tilespmem:s18], [sflag:$0x1] =	stream.linear.gather @!p2 [hbm4b:s14+s17], $0x800, $0x38;
	[tilespmem:$0x13000] =	vst v63  }
0x278: {  	s12 =	sadd.s32 @!p2 s1, s12;
	s14 =	simm.s32 @!p2 $0x2000  }
0x279: {  	[tilespmem:s14], [sflag:$0x1] =	stream.linear.gather @!p2 [hbm4b:s12+s17], $0x800, $0x38;
	[tilespmem:$0x13000] =	vst v63  }
0x27a: {  	s12 =	rddreg [dreg:$0x13]  }
0x27b: {  	p1 =	sge.u32 s28, s12  }
.Ltmp17:
0x27c: {  	_ = 	snop;
	(pc) =	sbr.rel @p1 .LBB2_26-.Ltmp17, $1  }
0x27d: {  	_ =	sdelay $0x3  }
0x27e: {  	_ =	swait.ge [sflag:s19], $0x800  }
0x27f: {  	[sflag:s19] =	ssyncset.done $0x0  }
0x280: {  	[sflag:s19] =	ssyncadd.s32 $0xFFFFF800  }
0x281: {  	_ =	swait.ge [sflag:s19], $0x800  }
0x282: {  	[sflag:s19] =	ssyncset.done $0x0  }
0x283: {  	[sflag:s19] =	ssyncadd.s32 $0xFFFFF800  }
0x284: {  	_ =	swait.ge [sflag:s19], $0x800  }
0x285: {  	[sflag:s19] =	ssyncset.done $0x0  }
0x286: {  	s12 =	simm.s32 $0x0;
	[sflag:s19] =	ssyncadd.s32 $0xFFFFF800  }
0x287: {  	v2 =	vld [tilespmem:s12+$0x70]  }
0x288: {  	v3 =	vld [tilespmem:s12+$0x1070]  }
0x289: {  	v4 =	vld [tilespmem:s12+$0x0]  }
0x28a: {  	v5 =	vld [tilespmem:s12+$0x10]  }
0x28b: {  	v6 =	vld [tilespmem:s12+$0x20]  }
0x28c: {  	v7 =	vld [tilespmem:s12+$0x30]  }
0x28d: {  	v11 =	vld [tilespmem:s12+$0x40];
	v2 =	vmul.u32 $0x1F4, v2  }
0x28e: {  	v13 =	vld [tilespmem:s12+$0x50];
	v3 =	vadd.s32 v0, v3  }
0x28f: {  	v14 =	vld [tilespmem:s12+$0x60];
	v2 =	vadd.s32 v2, v3  }
0x290: {  	[tilespmem:s12+$0x3070] =	vst v2;
	v2 =	vld [tilespmem:s12+$0x1000]  }
0x291: {  	v15 =	vld [tilespmem:s12+$0x1010]  }
0x292: {  	v12 =	vld [tilespmem:s12+$0x1020]  }
0x293: {  	v10 =	vld [tilespmem:s12+$0x1030];
	v16 =	vmul.u32 $0x1F4, v4  }
0x294: {  	v8 =	vld [tilespmem:s12+$0x1040];
	v9 =	vmul.u32 $0x1F4, v5;
	v6 =	vmul.u32 $0x1F4, v6;
	v5 =	vmul.u32 $0x1F4, v7  }
0x295: {  	v4 =	vmul.u32 $0x1F4, v11;
	v7 =	vld [tilespmem:s12+$0x1050];
	v3 =	vmul.u32 $0x1F4, v13;
	v11 =	vadd.s32 v0, v2  }
0x296: {  	s14 =	simm.s32 $0x80;
	s17 =	simm.s32 $0x400;
	v2 =	vmul.u32 $0x1F4, v14;
	v14 =	vadd.s32 v0, v15;
	v13 =	vadd.s32 v16, v11;
	v11 =	vld [tilespmem:s12+$0x1060]  }
.LBB2_24:
0x297: {  	p1 =	sne.s32 s17, $0x1E00;
	v15 =	vld [tilespmem:s14+$0x70];
	[tilespmem:s12+$0x3000] =	vst v13;
	v9 =	vadd.s32 v9, v14;
	v12 =	vadd.s32 v0, v12  }
0x298: {  	v13 =	vld [tilespmem:s14+$0x1070];
	[tilespmem:s12+$0x3010] =	vst v9;
	v6 =	vadd.s32 v6, v12;
	v9 =	vadd.s32 v0, v10  }
0x299: {  	v10 =	vld [tilespmem:s14+$0x0];
	[tilespmem:s12+$0x3020] =	vst v6;
	v5 =	vadd.s32 v5, v9;
	v6 =	vadd.s32 v0, v8  }
0x29a: {  	v8 =	vld [tilespmem:s14+$0x10];
	[tilespmem:s12+$0x3030] =	vst v5;
	v4 =	vadd.s32 v4, v6;
	v5 =	vadd.s32 v0, v7  }
0x29b: {  	v6 =	vld [tilespmem:s14+$0x20];
	[tilespmem:s12+$0x3040] =	vst v4;
	v3 =	vadd.s32 v3, v5;
	v4 =	vadd.s32 v0, v11  }
0x29c: {  	v5 =	vld [tilespmem:s14+$0x30];
	v7 =	vmul.u32 $0x1F4, v15;
	[tilespmem:s12+$0x3050] =	vst v3;
	v2 =	vadd.s32 v2, v4  }
0x29d: {  	v3 =	vld [tilespmem:s14+$0x40];
	v4 =	vadd.s32 v0, v13;
	[tilespmem:s12+$0x3060] =	vst v2;
	s12 =	smov.u32 s14  }
0x29e: {  	v11 =	vmul.u32 $0x1F4, v10;
	v2 =	vld [tilespmem:s12+$0x50];
	v4 =	vadd.s32 v7, v4  }
0x29f: {  	v9 =	vmul.u32 $0x1F4, v8;
	v7 =	vld [tilespmem:s12+$0x60];
	[tilespmem:s12+$0x3070] =	vst v4  }
0x2a0: {  	v13 =	vld [tilespmem:s12+$0x1000];
	v6 =	vmul.u32 $0x1F4, v6  }
0x2a1: {  	v14 =	vld [tilespmem:s12+$0x1010];
	v5 =	vmul.u32 $0x1F4, v5  }
.Ltmp18:
0x2a2: {  	v12 =	vld [tilespmem:s12+$0x1020];
	v4 =	vmul.u32 $0x1F4, v3;
	(pc) =	sbr.rel @p1 .LBB2_24-.Ltmp18, $4  }
0x2a3: {  	v10 =	vld [tilespmem:s12+$0x1030];
	v3 =	vmul.u32 $0x1F4, v2  }
0x2a4: {  	v8 =	vld [tilespmem:s12+$0x1040];
	v2 =	vmul.u32 $0x1F4, v7  }
0x2a5: {  	v13 =	vadd.s32 v0, v13;
	v7 =	vld [tilespmem:s12+$0x1050]  }
0x2a6: {  	s14 =	sshra.s32 s17, $0x2;
	s17 =	sadd.s32 $0x200, s17;
	v13 =	vadd.s32 v11, v13;
	v14 =	vadd.s32 v0, v14;
	v11 =	vld [tilespmem:s12+$0x1060]  }
0x2a7: {  	v15 =	vld [tilespmem:s14+$0x70];
	[tilespmem:s12+$0x3000] =	vst v13;
	v9 =	vadd.s32 v9, v14;
	v12 =	vadd.s32 v0, v12  }
0x2a8: {  	v13 =	vld [tilespmem:s14+$0x1070];
	[tilespmem:s12+$0x3010] =	vst v9;
	v6 =	vadd.s32 v6, v12;
	v10 =	vadd.s32 v0, v10  }
0x2a9: {  	v9 =	vld [tilespmem:s14+$0x0];
	[tilespmem:s12+$0x3020] =	vst v6;
	v5 =	vadd.s32 v5, v10;
	v8 =	vadd.s32 v0, v8  }
0x2aa: {  	v6 =	vld [tilespmem:s14+$0x10];
	[tilespmem:s12+$0x3030] =	vst v5;
	v4 =	vadd.s32 v4, v8;
	v7 =	vadd.s32 v0, v7  }
0x2ab: {  	v5 =	vld [tilespmem:s14+$0x20];
	[tilespmem:s12+$0x3040] =	vst v4;
	v3 =	vadd.s32 v3, v7;
	v48 =	vadd.s32 v0, v11  }
0x2ac: {  	v4 =	vld [tilespmem:s14+$0x30];
	[tilespmem:s12+$0x3050] =	vst v3;
	v2 =	vadd.s32 v2, v48  }
0x2ad: {  	v49 =	vmul.u32 $0x1F4, v15;
	v3 =	vld [tilespmem:s14+$0x40];
	[tilespmem:s12+$0x3060] =	vst v2  }
0x2ae: {  	v2 =	vadd.s32 v0, v13;
	v50 =	vld [tilespmem:s14+$0x50]  }
0x2af: {  	v2 =	vadd.s32 v49, v2;
	v51 =	vld [tilespmem:s14+$0x60]  }
0x2b0: {  	[tilespmem:s14+$0x3070] =	vst v2;
	v2 =	vld [tilespmem:s14+$0x1000]  }
0x2b1: {  	v52 =	vld [tilespmem:s14+$0x1010]  }
0x2b2: {  	v53 =	vld [tilespmem:s14+$0x1020]  }
0x2b3: {  	v54 =	vld [tilespmem:s14+$0x1030]  }
0x2b4: {  	v9 =	vmul.u32 $0x1F4, v9;
	v55 =	vld [tilespmem:s14+$0x1040]  }
0x2b5: {  	v56 =	vld [tilespmem:s14+$0x1050];
	v6 =	vmul.u32 $0x1F4, v6;
	v2 =	vadd.s32 v0, v2  }
0x2b6: {  	v58 =	vld [tilespmem:s14+$0x1060];
	v5 =	vmul.u32 $0x1F4, v5;
	v57 =	vadd.s32 v0, v52;
	v2 =	vadd.s32 v9, v2  }
0x2b7: {  	v4 =	vmul.u32 $0x1F4, v4;
	v59 =	vadd.s32 v0, v53;
	[tilespmem:s14+$0x3000] =	vst v2;
	v2 =	vadd.s32 v6, v57  }
0x2b8: {  	v3 =	vmul.u32 $0x1F4, v3;
	v60 =	vadd.s32 v0, v54;
	[tilespmem:s14+$0x3010] =	vst v2;
	v2 =	vadd.s32 v5, v59  }
0x2b9: {  	v61 =	vmul.u32 $0x1F4, v50;
	v62 =	vadd.s32 v0, v55;
	[tilespmem:s14+$0x3020] =	vst v2;
	v2 =	vadd.s32 v4, v60  }
0x2ba: {  	v63 =	vmul.u32 $0x1F4, v51;
	[tilespmem:s14+$0x3030] =	vst v2;
	v2 =	vadd.s32 v3, v62;
	v3 =	vadd.s32 v0, v56  }
0x2bb: {  	[tilespmem:s14+$0x3040] =	vst v2;
	v2 =	vadd.s32 v61, v3;
	v3 =	vadd.s32 v0, v58  }
0x2bc: {  	[tilespmem:s14+$0x3050] =	vst v2;
	v2 =	vadd.s32 v63, v3  }
0x2bd: {  	s26 =	simm.s32 $0x3000;
	[tilespmem:s14+$0x3060] =	vst v2  }
0x2be: {  	[tilespmem:s20], [sflag:$0x2] =	stream.indirect.gather [hbm4b:s13+s31], $0x8, s26, s31, $0xb8;
	[tilespmem:$0x13000] =	vst v63  }
.LBB2_26:
0x2bf: {  	_ =	swait.ge [sflag:s9], $0x4000  }
0x2c0: {  	s12 =	simm.s32 $0x0;
	[sflag:s9] =	ssyncset.done $0x0  }
0x2c1: {  	s14 =	simm.s32 @!p0 $0x4;
	v2 =	vmov s12;
	[sflag:s9] =	ssyncadd.s32 $0xFFFFC000  }
0x2c2: {  	v2 =	vshll.u32 v2, $0x3;
	_ =	swait.ge @!p0 [sflag:s14], $0x800  }
0x2c3: {  	v2 =	vor.u32 v1, v2;
	[sflag:s14] =	ssyncset.done @!p0 $0x0  }
0x2c4: {  	s12 =	simm.s32 $0x2810;
	v3 =	vor.u32 $0x1, v2;
	[sflag:s14] =	ssyncadd.s32 @!p0 $0xFFFFF800  }
0x2c5: {  	v5 =	vld [tilespmem:s12+$0xFFFFFFF0]  }
0x2c6: {  	v4 =	vor.u32 $0x2, v2;
	_ =	sdelay $0x1  }
0x2c7: {  	v6 =	vor.u32 $0x3, v2  }
0x2c8: {  	v3 =	vld.idx.msk [tilespmem:v3+s21+$0x0], $0xffff  }
0x2c9: {  	v7 =	vor.u32 $0x4, v2;
	v8 =	vld.idx.msk [tilespmem:v2+s21+$0x0], $0xffff;
	v5 =	vmax.f32 v5, $0.0e+00  }
0x2ca: {  	v4 =	vld.idx.msk [tilespmem:v4+s21+$0x0], $0xffff;
	v5 =	vmin.f32 v5, $1.000000000e+00  }
0x2cb: {  	v2 =	vor.u32 $0x5, v2;
	v9 =	vsub.f32 $5.000000000e-01, v5  }
0x2cc: {  	v6 =	vld.idx.msk [tilespmem:v6+s21+$0x0], $0xffff;
	v10 =	vsub.f32 $4.000000060e-01, v5  }
0x2cd: {  	v3 =	vmul.f32 v9, v3  }
0x2ce: {  	v7 =	vld.idx.msk [tilespmem:v7+s21+$0x0], $0xffff;
	v10 =	vmax.f32 v10, $0.0e+00  }
0x2cf: {  	v4 =	vmul.f32 v10, v4;
	v3 =	vadd.f32 v3, v8  }
0x2d0: {  	v2 =	vld.idx.msk [tilespmem:v2+s21+$0x0], $0xffff;
	v61 =	vsub.f32 $6.000000240e-01, v5;
	v8 =	vmax.f32 v9, $0.0e+00  }
0x2d1: {  	v3 =	vadd.f32 v4, v3;
	v4 =	vmul.f32 v8, v6  }
0x2d2: {  	v5 =	vsub.f32 $6.999999880e-01, v5;
	v6 =	vmax.f32 v61, $0.0e+00  }
0x2d3: {  	v3 =	vadd.f32 v3, v4;
	v4 =	vmul.f32 v7, v6  }
0x2d4: {  	v5 =	vmax.f32 v5, $0.0e+00  }
0x2d5: {  	v2 =	vmul.f32 v2, v5;
	v3 =	vadd.f32 v3, v4  }
0x2d6: {  	s26 =	simm.s32 $0x10  }
0x2d7: {  	v4 =	vmov s26;
	v2 =	vadd.f32 v3, v2  }
0x2d8: {  	s14 =	simm.s32 $0x12810;
	v4 =	vshll.u32 v4, $0x3  }
0x2d9: {  	v4 =	vor.u32 v1, v4;
	[tilespmem:s14+$0xFFFFFFF0] =	vst v2  }
0x2da: {  	v3 =	vor.u32 $0x1, v4;
	v2 =	vld [tilespmem:s12+$0x0]  }
0x2db: {  	v5 =	vor.u32 $0x2, v4;
	_ =	sdelay $0x2  }
0x2dc: {  	v6 =	vor.u32 $0x3, v4  }
0x2dd: {  	v7 =	vld.idx.msk [tilespmem:v3+s21+$0x0], $0xffff;
	v2 =	vmax.f32 v2, $0.0e+00  }
0x2de: {  	v5 =	vld.idx.msk [tilespmem:v5+s21+$0x0], $0xffff;
	v3 =	vmin.f32 v2, $1.000000000e+00;
	v2 =	vor.u32 $0x4, v4  }
0x2df: {  	v8 =	vld.idx.msk [tilespmem:v4+s21+$0x0], $0xffff  }
0x2e0: {  	v63 =	vor.u32 $0x5, v4;
	v62 =	vsub.f32 $5.000000000e-01, v3;
	v4 =	vsub.f32 $4.000000060e-01, v3  }
0x2e1: {  	v6 =	vld.idx.msk [tilespmem:v6+s21+$0x0], $0xffff  }
0x2e2: {  	v7 =	vmul.f32 v62, v7;
	v4 =	vmax.f32 v4, $0.0e+00  }
0x2e3: {  	v5 =	vmul.f32 v4, v5;
	v4 =	vld.idx.msk [tilespmem:v2+s21+$0x0], $0xffff  }
0x2e4: {  	v8 =	vadd.f32 v7, v8  }
0x2e5: {  	v9 =	vmax.f32 v62, $0.0e+00;
	v2 =	vld.idx.msk [tilespmem:v63+s21+$0x0], $0xffff;
	v7 =	vsub.f32 $6.000000240e-01, v3  }
0x2e6: {  	s17 =	simm.s32 $0x0;
	s26 =	simm.s32 $0x30;
	v6 =	vmul.f32 v9, v6;
	v5 =	vadd.f32 v5, v8  }
.LBB2_27:
0x2e7: {  	s18 =	sadd.s32 $0xFFFFFFF0, s26;
	v7 =	vmax.f32 v7, $0.0e+00;
	v3 =	vsub.f32 $6.999999880e-01, v3  }
0x2e8: {  	v8 =	vmov s18;
	v5 =	vadd.f32 v5, v6;
	v4 =	vmul.f32 v4, v7  }
0x2e9: {  	s17 =	sadd.s32 $0x2, s17;
	v6 =	vshll.u32 v8, $0x3;
	v3 =	vmax.f32 v3, $0.0e+00  }
0x2ea: {  	p0 =	slt.u32 s17, $0x7E;
	v6 =	vor.u32 v1, v6;
	v4 =	vadd.f32 v5, v4;
	v2 =	vmul.f32 v2, v3  }
0x2eb: {  	v3 =	vor.u32 $0x1, v6  }
0x2ec: {  	v5 =	vor.u32 $0x2, v6;
	v2 =	vadd.f32 v4, v2;
	_ =	sdelay $0x1  }
0x2ed: {  	s12 =	sadd.s32 $0x20, s12;
	v4 =	vor.u32 $0x3, v6;
	[tilespmem:s14+$0x0] =	vst v2  }
0x2ee: {  	v7 =	vor.u32 $0x4, v6;
	v2 =	vld [tilespmem:s12+$0xFFFFFFF0]  }
0x2ef: {  	v8 =	vor.u32 $0x5, v6;
	v3 =	vld.idx.msk [tilespmem:v3+s21+$0x0], $0xffff  }
0x2f0: {  	v5 =	vld.idx.msk [tilespmem:v5+s21+$0x0], $0xffff  }
0x2f1: {  	v6 =	vld.idx.msk [tilespmem:v6+s21+$0x0], $0xffff  }
0x2f2: {  	v4 =	vld.idx.msk [tilespmem:v4+s21+$0x0], $0xffff  }
0x2f3: {  	v2 =	vmax.f32 v2, $0.0e+00;
	v7 =	vld.idx.msk [tilespmem:v7+s21+$0x0], $0xffff  }
0x2f4: {  	v2 =	vmin.f32 v2, $1.000000000e+00;
	v8 =	vld.idx.msk [tilespmem:v8+s21+$0x0], $0xffff  }
0x2f5: {  	v9 =	vsub.f32 $5.000000000e-01, v2  }
0x2f6: {  	v10 =	vsub.f32 $4.000000060e-01, v2  }
0x2f7: {  	v3 =	vmul.f32 v9, v3  }
0x2f8: {  	v10 =	vmax.f32 v10, $0.0e+00  }
0x2f9: {  	v5 =	vmul.f32 v10, v5;
	v3 =	vadd.f32 v3, v6  }
0x2fa: {  	v6 =	vmax.f32 v9, $0.0e+00;
	v9 =	vsub.f32 $6.000000240e-01, v2  }
0x2fb: {  	v4 =	vmul.f32 v6, v4;
	v3 =	vadd.f32 v5, v3  }
0x2fc: {  	v2 =	vsub.f32 $6.999999880e-01, v2;
	v5 =	vmax.f32 v9, $0.0e+00  }
0x2fd: {  	v3 =	vadd.f32 v3, v4;
	v4 =	vmul.f32 v7, v5;
	v5 =	vmov s26  }
0x2fe: {  	v2 =	vmax.f32 v2, $0.0e+00;
	v5 =	vshll.u32 v5, $0x3  }
0x2ff: {  	v2 =	vmul.f32 v8, v2;
	v3 =	vadd.f32 v3, v4;
	v4 =	vor.u32 v1, v5  }
0x300: {  	v5 =	vor.u32 $0x1, v4  }
0x301: {  	v2 =	vadd.f32 v3, v2  }
0x302: {  	s14 =	sadd.s32 $0x20, s14;
	v3 =	vor.u32 $0x2, v4  }
0x303: {  	[tilespmem:s14+$0xFFFFFFF0] =	vst v2;
	v2 =	vor.u32 $0x3, v4  }
0x304: {  	v7 =	vor.u32 $0x4, v4;
	v6 =	vld [tilespmem:s12+$0x0]  }
0x305: {  	v8 =	vor.u32 $0x5, v4;
	v5 =	vld.idx.msk [tilespmem:v5+s21+$0x0], $0xffff  }
0x306: {  	v9 =	vld.idx.msk [tilespmem:v4+s21+$0x0], $0xffff  }
0x307: {  	v10 =	vld.idx.msk [tilespmem:v3+s21+$0x0], $0xffff  }
0x308: {  	v11 =	vld.idx.msk [tilespmem:v2+s21+$0x0], $0xffff  }
0x309: {  	v2 =	vmax.f32 v6, $0.0e+00;
	v4 =	vld.idx.msk [tilespmem:v7+s21+$0x0], $0xffff  }
0x30a: {  	v3 =	vmin.f32 v2, $1.000000000e+00;
	v2 =	vld.idx.msk [tilespmem:v8+s21+$0x0], $0xffff  }
0x30b: {  	v6 =	vsub.f32 $5.000000000e-01, v3  }
0x30c: {  	v7 =	vsub.f32 $4.000000060e-01, v3  }
.Ltmp19:
0x30d: {  	v5 =	vmul.f32 v6, v5;
	(pc) =	sbr.rel @p0 .LBB2_27-.Ltmp19, $4  }
0x30e: {  	v7 =	vmax.f32 v7, $0.0e+00  }
0x30f: {  	v8 =	vmul.f32 v7, v10;
	v5 =	vadd.f32 v5, v9  }
0x310: {  	v6 =	vmax.f32 v6, $0.0e+00;
	v7 =	vsub.f32 $6.000000240e-01, v3  }
0x311: {  	s26 =	sadd.s32 $0x20, s26;
	v6 =	vmul.f32 v6, v11;
	v5 =	vadd.f32 v8, v5  }
0x312: {  	v7 =	vmax.f32 v7, $0.0e+00;
	v3 =	vsub.f32 $6.999999880e-01, v3  }
0x313: {  	v5 =	vadd.f32 v5, v6;
	v4 =	vmul.f32 v4, v7  }
0x314: {  	v3 =	vmax.f32 v3, $0.0e+00  }
0x315: {  	s12 =	sshll.u32 s29, $0x10;
	v4 =	vadd.f32 v5, v4;
	v2 =	vmul.f32 v2, v3  }
0x316: {  	s12 =	sor.u32 s24, s12  }
0x317: {  	s12 =	smin.u32 s12, $0xF3A40;
	v2 =	vadd.f32 v4, v2  }
0x318: {  	s26 =	rddreg [dreg:$0x5];
	s12 =	sshrl.u32 s12, $0x3  }
0x319: {  	s29 =	simm.s32 $0x12800;
	s12 =	sadd.s32 s26, s12;
	[tilespmem:s14+$0x0] =	vst v2  }
0x31a: {  	[hbm4b:s12+s4] =	stream.linear.scatter [tilespmem:s29], [sflag:$0x4], $0x800, $0x38;
	[tilespmem:$0x13000] =	vst v63  }
0x31b: {  	s12 =	sadd.s32 $0x3, s28  }
0x31c: {  	p0 =	sge.u32 s12, s23  }
0x31d: {  	s12 =	sshll.u32 @!p0 s12, $0x10  }
0x31e: {  	s12 =	sor.u32 @!p0 s24, s12  }
0x31f: {  	s12 =	smin.u32 @!p0 s12, $0xF3A40  }
0x320: {  	s12 =	sshrl.u32 @!p0 s12, $0x3  }
0x321: {  	s17 =	simm.s32 @!p0 $0x0;
	s18 =	simm.s32 @!p0 $0x800;
	s14 =	sadd.s32 @!p0 s2, s12  }
0x322: {  	[tilespmem:s18], [sflag:$0x1] =	stream.linear.gather @!p0 [hbm4b:s14+s17], $0x800, $0x38;
	[tilespmem:$0x13000] =	vst v63  }
.Ltmp20:
0x323: {  	_ = 	snop;
	(pc) =	sbr.rel .LBB2_29-.Ltmp20, $4  }
0x324: {  	s14 =	sadd.s32 @!p0 s3, s12;
	s18 =	simm.s32 @!p0 $0x1800  }
0x325: {  	[tilespmem:s18], [sflag:$0x1] =	stream.linear.gather @!p0 [hbm4b:s14+s17], $0x800, $0x38;
	[tilespmem:$0x13000] =	vst v63  }
0x326: {  	s12 =	sadd.s32 @!p0 s1, s12;
	s14 =	simm.s32 @!p0 $0x2800  }
0x327: {  	[tilespmem:s14], [sflag:$0x1] =	stream.linear.gather @!p0 [hbm4b:s12+s17], $0x800, $0x38;
	[tilespmem:$0x13000] =	vst v63  }
.LBB2_31:
0x328: {  	_ =	sfence.sel $0x180000  }
0x329: {  	[bflag:$0x0] =	sbarrier.arrive $0xFFFF  }
0x32a: {  	_ =	strace $0x90000047  }
0x32b: {  	s0 =	stileid.u32;
	[bflag:$0x2] =	sbarrier.arrive $0xFFFF  }
0x32c: {  	p0 =	sne.s32 s0, $0x0;
	s0 =	rddreg [dreg:$0x4]  }
0x32d: {  	s0 =	sadd.s32 @!p0 $0x100000, s0  }
0x32e: {  	[sflag:s0] =	ssyncadd.tile.s32 @!p0 $0x1;
	_ =	shalt  }
.Lfunc_end2:
_tile_overlayer_lowered:
.L_overlay_start_2:
0x32f: {  	(tag) =	ssettag $0x2  }
0x330: {  	s0 =	rddreg [dreg:$0x0];
	s2 =	stileid.u32  }
0x331: {  	s1 =	rddreg [dreg:$0x1];
	p0 =	sne.s32 s2, $0x0  }
0x332: {  	s3 =	rddreg [dreg:$0x2];
	[bflag:$0x3] =	sbarrier.arrive $0xFFFF;
	s2 =	simm.s32 @!p0 $0x1C05  }
0x333: {  	[timem:s3], [sflag:s2] =	dma.local @!p0 [hbm:s0], s1  }
0x334: {  	s0 =	simm.s32 @!p0 $0x5  }
0x335: {  	_ =	swait.ge @!p0 [sflag:s0], s1  }
0x336: {  	s1 =	ssub.s32 @!p0 $0x0, s1;
	[sflag:s0] =	ssyncset.done @!p0 $0x0  }
0x337: {  	[sflag:s0] =	ssyncadd.s32 @!p0 s1  }
0x338: {  	[bflag:$0x3] =	sbarrier.arrive $0xFFFF  }
0x339: {  	_ =	shalt  }

</sc_bundles>
